<compile_context>
chip_gen: v7x
topology: tpu7x:2x2x1
jax: 0.10.2.dev20260603
libtpu: 0.0.44.dev20260713+nightly
codegen_flags: <defaults>
</compile_context>

<pallas_src>
import functools

import jax
import jax.numpy as jnp
from jax import lax
from jax.experimental import pallas as pl
from jax.experimental.pallas import tpu as pltpu
from jax.experimental.pallas import tpu_sc as plsc

N = 10000
E = 320000
D = 128

NC = 2
NS = 16
NW = NC * NS

EPW = E // NW
B = 80
NB = EPW // B
CH = 80
NCH = N // CH
ZCH = 16
NZCH = N // ZCH

_mesh = plsc.VectorSubcoreMesh(core_axis_name="c", subcore_axis_name="s")
_params = pltpu.CompilerParams(needs_layout_passes=False)
_params_untiled = pltpu.CompilerParams(needs_layout_passes=False,
                                       use_tc_tiling_on_sc=False)


@functools.partial(
    pl.kernel,
    out_type=[
        jax.ShapeDtypeStruct((NC * N, D), jnp.float32),
        jax.ShapeDtypeStruct((NW * N,), jnp.float32),
    ],
    mesh=_mesh,
    compiler_params=_params,
    scratch_types=[
        pltpu.VMEM((B,), jnp.int32),
        pltpu.VMEM((B,), jnp.int32),
        pltpu.VMEM((NB, B), jnp.int32),
        pltpu.VMEM((B, D), jnp.float32),
        pltpu.VMEM((B, D), jnp.float32),
        pltpu.VMEM((N,), jnp.float32),
        pltpu.VMEM((ZCH, D), jnp.float32),
        pltpu.VMEM_SHARED((N, D), jnp.float32),
        pltpu.SemaphoreType.DMA,
        pltpu.SemaphoreType.DMA,
        pltpu.SemaphoreType.DMA,
        pltpu.SemaphoreType.DMA,
        pltpu.SemaphoreType.DMA,
        pltpu.SemaphoreType.DMA,
    ],
)
def _phase1(x_hbm, src_hbm, dst3_hbm, agg_out, deg_out,
            sib0, sib1, dstall, rowb0, rowb1, degb, zbuf, agg_sh,
            g0, g1, i0, i1, sc0, sc1):
    cid = lax.axis_index("c")
    sid = lax.axis_index("s")
    wid = sid * NC + cid

    zeros16 = jnp.zeros((16,), jnp.float32)
    ones16 = jnp.full((16,), 1.0, jnp.float32)

    pltpu.sync_copy(dst3_hbm.at[wid], dstall)

    def zrow(r, carry):
        for c8 in range(D // 16):
            zbuf[r, pl.ds(c8 * 16, 16)] = zeros16
        return carry
    lax.fori_loop(0, ZCH, zrow, 0)

    def zdeg(i, carry):
        degb[pl.ds(i * 16, 16)] = zeros16
        return carry
    lax.fori_loop(0, N // 16, zdeg, 0)

    def zchunk(k, carry):
        c = sid + k * NS

        @pl.when(c < NZCH)
        def _():
            pltpu.sync_copy(zbuf, agg_sh.at[pl.ds(c * ZCH, ZCH)])
        return carry
    lax.fori_loop(0, pl.cdiv(NZCH, NS), zchunk, 0)
    plsc.subcore_barrier()

    base0 = wid * EPW

    def idx_issue(g, buf, sem):
        pltpu.async_copy(src_hbm.at[pl.ds(base0 + g * B, B)], buf, sem)

    def idx_wait(g, buf, sem):
        pltpu.make_async_copy(src_hbm.at[pl.ds(base0 + g * B, B)], buf, sem).wait()

    def gather(buf, ibuf, sem):
        pltpu.async_copy(x_hbm.at[ibuf], buf, sem)

    def gather_wait(buf, ibuf, sem):
        pltpu.make_async_copy(x_hbm.at[ibuf], buf, sem).wait()

    pltpu.sync_copy(src_hbm.at[pl.ds(base0, B)], sib0)
    gather(rowb0, sib0, g0)
    idx_issue(1, sib1, i1)

    def scatter_wait(g, buf, sem):
        pltpu.make_async_copy(buf, agg_sh.at[dstall.at[g]], sem).wait()

    def body(g, carry):
        even = lax.rem(g, 2) == 0
        odd = lax.rem(g, 2) == 1

        @pl.when(g + 1 < NB)
        def _():
            @pl.when(even)
            def _():
                idx_wait(g + 1, sib1, i1)

                @pl.when(g >= 1)
                def _():
                    scatter_wait(g - 1, rowb1, sc1)
                gather(rowb1, sib1, g1)

            @pl.when(odd)
            def _():
                idx_wait(g + 1, sib0, i0)
                scatter_wait(g - 1, rowb0, sc0)
                gather(rowb0, sib0, g0)

        @pl.when(even)
        def _():
            gather_wait(rowb0, sib0, g0)

        @pl.when(odd)
        def _():
            gather_wait(rowb1, sib1, g1)

        @pl.when(g + 2 < NB)
        def _():
            @pl.when(even)
            def _():
                idx_issue(g + 2, sib0, i0)

            @pl.when(odd)
            def _():
                idx_issue(g + 2, sib1, i1)

        @pl.when(even)
        def _():
            pltpu.async_copy(rowb0, agg_sh.at[dstall.at[g]], sc0, add=True)

        @pl.when(odd)
        def _():
            pltpu.async_copy(rowb1, agg_sh.at[dstall.at[g]], sc1, add=True)

        for t in range(B // 16):
            dv = dstall[g, pl.ds(t * 16, 16)]
            plsc.addupdate_scatter(degb, [dv], ones16)
        return carry
    lax.fori_loop(0, NB, body, 0)

    scatter_wait(NB - 2, rowb1, sc1)
    scatter_wait(NB - 1, rowb0, sc0)
    plsc.subcore_barrier()

    def wchunk(k, carry):
        c = sid + k * NS

        @pl.when(c < NCH)
        def _():
            pltpu.sync_copy(agg_sh.at[pl.ds(c * CH, CH)],
                            agg_out.at[pl.ds(cid * N + c * CH, CH)])
        return carry
    lax.fori_loop(0, pl.cdiv(NCH, NS), wchunk, 0)
    pltpu.sync_copy(degb, deg_out.at[pl.ds(wid * N, N)])


@functools.partial(
    pl.kernel,
    out_type=jax.ShapeDtypeStruct((E,), jnp.float32),
    mesh=_mesh,
    compiler_params=_params_untiled,
    scratch_types=[
        pltpu.VMEM((EPW,), jnp.int32),
        pltpu.VMEM((EPW,), jnp.int32),
        pltpu.VMEM((B, D // 2), jnp.int32),
        pltpu.VMEM((B, D // 2), jnp.int32),
        pltpu.VMEM((B, D // 2), jnp.int32),
        pltpu.VMEM((B, D // 2), jnp.int32),
        pltpu.VMEM((16, 17), jnp.float32),
        pltpu.VMEM((EPW,), jnp.float32),
        pltpu.SemaphoreType.DMA,
        pltpu.SemaphoreType.DMA,
        pltpu.SemaphoreType.DMA,
        pltpu.SemaphoreType.DMA,
    ],
)
def _phase3(ne_hbm, src_hbm, dst_hbm, pred_out,
            srcall, dstall, sr0, dr0, sr1, dr1, trans, dots, s0, d0, s1, d1):
    cid = lax.axis_index("c")
    sid = lax.axis_index("s")
    wid = sid * NC + cid

    row_iota = lax.iota(jnp.int32, 16)

    pltpu.sync_copy(src_hbm.at[pl.ds(wid * EPW, EPW)], srcall)
    pltpu.sync_copy(dst_hbm.at[pl.ds(wid * EPW, EPW)], dstall)

    def issue(g, sbuf, dbuf, ssem, dsem):
        pltpu.async_copy(ne_hbm.at[srcall.at[pl.ds(g * B, B)]], sbuf, ssem)
        pltpu.async_copy(ne_hbm.at[dstall.at[pl.ds(g * B, B)]], dbuf, dsem)

    def wait(g, sbuf, dbuf, ssem, dsem):
        pltpu.make_async_copy(ne_hbm.at[srcall.at[pl.ds(g * B, B)]], sbuf, ssem).wait()
        pltpu.make_async_copy(ne_hbm.at[dstall.at[pl.ds(g * B, B)]], dbuf, dsem).wait()

    def compute(g, sbuf, dbuf):
        for e0 in range(0, B, 16):
            def edot(i, carry2):
                for u in range(2):
                    e = e0 + i * 2 + u
                    acc32 = (plsc.bitcast(sbuf[e, pl.ds(0, 16)], jnp.bfloat16)
                             * plsc.bitcast(dbuf[e, pl.ds(0, 16)], jnp.bfloat16))
                    for c in range(1, D // 32):
                        acc32 = acc32 + (
                            plsc.bitcast(sbuf[e, pl.ds(c * 16, 16)], jnp.bfloat16)
                            * plsc.bitcast(dbuf[e, pl.ds(c * 16, 16)], jnp.bfloat16))
                    a0, a1 = plsc.unpack(acc32, format=plsc.PackFormat.INTERLEAVED)
                    trans[i * 2 + u, pl.ds(0, 16)] = a0 + a1
                return carry2
            lax.fori_loop(0, 8, edot, 0)
            tot = jnp.zeros((16,), jnp.float32)
            for j in range(16):
                col = plsc.load_gather(trans, [row_iota, jnp.full((16,), j, jnp.int32)])
                tot = tot + col
            dots[pl.ds(g * B + e0, 16)] = tot

    issue(0, sr0, dr0, s0, d0)

    def body(g, carry):
        even = lax.rem(g, 2) == 0
        odd = lax.rem(g, 2) == 1

        @pl.when(g + 1 < NB)
        def _():
            @pl.when(even)
            def _():
                issue(g + 1, sr1, dr1, s1, d1)

            @pl.when(odd)
            def _():
                issue(g + 1, sr0, dr0, s0, d0)

        @pl.when(even)
        def _():
            wait(g, sr0, dr0, s0, d0)
            compute(g, sr0, dr0)

        @pl.when(odd)
        def _():
            wait(g, sr1, dr1, s1, d1)
            compute(g, sr1, dr1)
        return carry
    lax.fori_loop(0, NB, body, 0)

    pltpu.sync_copy(dots, pred_out.at[pl.ds(wid * EPW, EPW)])


def _phase2_body(aggp_ref, degp_ref, w1_ref, b1_ref, w2_ref, b2_ref,
                 sel_lo_ref, sel_hi_ref, out_ref):
    agg = aggp_ref[0] + aggp_ref[1]
    deg = jnp.sum(degp_ref[...], axis=0)
    deg = jnp.maximum(deg, 1.0)
    h = agg / deg[:, None]
    h = jnp.maximum(jnp.dot(h, w1_ref[...], preferred_element_type=jnp.float32)
                    + b1_ref[...], 0.0)
    ne = (jnp.dot(h, w2_ref[...], preferred_element_type=jnp.float32)
          + b2_ref[...])
    lo = jnp.dot(ne, sel_lo_ref[...], preferred_element_type=jnp.float32)
    hi = jnp.dot(ne, sel_hi_ref[...], preferred_element_type=jnp.float32)
    lo32 = jax.lax.bitcast_convert_type(
        lo.astype(jnp.bfloat16), jnp.uint16).astype(jnp.uint32)
    hi32 = jax.lax.bitcast_convert_type(
        hi.astype(jnp.bfloat16), jnp.uint16).astype(jnp.uint32)
    packed = (hi32 << 16) | lo32
    out_ref[...] = jax.lax.bitcast_convert_type(packed, jnp.int32)


def _phase4_body(pred_ref, y_ref, out_ref):
    p = pred_ref[...]
    y = y_ref[...]
    bce = jnp.maximum(p, 0.0) - p * y + jnp.log1p(jnp.exp(-jnp.abs(p)))
    out_ref[0, 0] = jnp.sum(bce) * (1.0 / E)


def kernel(x, edge_index, edge_label, W_gnn, b_gnn, W_pred, b_pred):
    src = edge_index[0]
    dst = edge_index[1]

    agg_p, deg_p = _phase1(x, src, dst.reshape(NW, NB, B))

    agg_p = agg_p.reshape(NC, N, D)
    deg_p = deg_p.reshape(NW, N)
    sel_lo = jnp.eye(D, dtype=jnp.float32)[:, 0::2]
    sel_hi = jnp.eye(D, dtype=jnp.float32)[:, 1::2]
    ne_packed = pl.pallas_call(
        _phase2_body,
        out_shape=jax.ShapeDtypeStruct((N, D // 2), jnp.int32),
    )(agg_p, deg_p, W_gnn, b_gnn.reshape(1, D), W_pred, b_pred.reshape(1, D),
      sel_lo, sel_hi)

    pred = _phase3(ne_packed, src, dst)

    loss2d = pl.pallas_call(
        _phase4_body,
        in_specs=[
            pl.BlockSpec((E // D, D), lambda: (0, 0)),
            pl.BlockSpec((E // D, D), lambda: (0, 0)),
        ],
        out_specs=pl.BlockSpec((1, 1), lambda: (0, 0), memory_space=pltpu.SMEM),
        out_shape=jax.ShapeDtypeStruct((1, 1), jnp.float32),
    )(pred.reshape(E // D, D), edge_label.astype(jnp.float32).reshape(E // D, D))

    return loss2d[0, 0]

# --- scband reference (transcript-rebuilt; emitter-appended) ---
"""Pipeline reference for scband-edge-pred-gppt-326417514915 (READ-ONLY COPY).

The authoritative reference and input builder live on the scoring server;
editing this copy changes nothing except your own understanding.
"""

import jax, jax.numpy as jnp
import numpy as np

N = 10000
E = 320000
D_IN = 128
D_HID = 128
D_OUT = 128


def setup_inputs(seed: int = 0) -> dict:
    key = jax.random.key(seed)
    k1, k2, k3, k4, k5 = jax.random.split(key, 5)
    x = jax.random.normal(k1, (N, D_IN), dtype=jnp.float32)
    edge_index = jax.random.randint(k2, (2, E), 0, N, dtype=jnp.int32)
    edge_label = jax.random.randint(k3, (E,), 0, 2, dtype=jnp.int32)
    W_gnn = jax.random.normal(k4, (D_IN, D_HID), dtype=jnp.float32) * 0.05
    b_gnn = jnp.zeros((D_HID,), dtype=jnp.float32)
    W_pred = jax.random.normal(k5, (D_HID, D_OUT), dtype=jnp.float32) * 0.05
    b_pred = jnp.zeros((D_OUT,), dtype=jnp.float32)
    return {"x": x, "edge_index": edge_index, "edge_label": edge_label,
            "W_gnn": W_gnn, "b_gnn": b_gnn, "W_pred": W_pred, "b_pred": b_pred}


def _gnn_encoder(x, edge_index, W_gnn, b_gnn):
    # One-layer mean-aggregation GCN: aggregate neighbor features then linear + relu
    src = edge_index[0]
    dst = edge_index[1]
    ones = jnp.ones((edge_index.shape[1],), dtype=jnp.float32)
    deg = jax.ops.segment_sum(ones, dst, num_segments=N)
    deg = jnp.clip(deg, 1.0, None)
    msgs = jnp.take(x, src, axis=0)
    agg = jax.ops.segment_sum(msgs, dst, num_segments=N)
    agg = agg / deg[:, None]
    h = jax.nn.relu(agg @ W_gnn + b_gnn)
    return h


def reference(x, edge_index, edge_label, W_gnn, b_gnn, W_pred, b_pred):
    out = _gnn_encoder(x, edge_index, W_gnn, b_gnn)
    node_emb = out @ W_pred + b_pred
    src_emb = jnp.take(node_emb, edge_index[0], axis=0)
    dst_emb = jnp.take(node_emb, edge_index[1], axis=0)
    pred_log = jnp.sum(src_emb * dst_emb, axis=1).reshape(-1)
    y = edge_label.astype(jnp.float32)
    # BCEWithLogitsLoss (mean reduction), numerically stable form
    loss = jnp.mean(jnp.maximum(pred_log, 0.0) - pred_log * y
                    + jnp.log1p(jnp.exp(-jnp.abs(pred_log))))
    return loss

if __name__ == "__main__":
    import jax
    _d = setup_inputs()
    print(jax.jit(kernel)(*tuple(_d.values())))

</pallas_src>

<mosaic_0001>
#map = affine_map<(d0, d1) -> (0, 0)>
#map1 = affine_map<(d0, d1) -> (0)>
module attributes {stable_mosaic.version = 14 : i64} {
  func.func @_phase3(%arg0: i32, %arg1: i32, %arg2: memref<10000x64xi32, #tpu.memory_space<hbm>>, %arg3: memref<320000xi32, #tpu.memory_space<hbm>>, %arg4: memref<320000xi32, #tpu.memory_space<hbm>>, %arg5: memref<320000xf32, #tpu.memory_space<hbm>>, %arg6: memref<10000xi32, #tpu.memory_space<vmem>>, %arg7: memref<10000xi32, #tpu.memory_space<vmem>>, %arg8: memref<80x64xi32, #tpu.memory_space<vmem>>, %arg9: memref<80x64xi32, #tpu.memory_space<vmem>>, %arg10: memref<80x64xi32, #tpu.memory_space<vmem>>, %arg11: memref<80x64xi32, #tpu.memory_space<vmem>>, %arg12: memref<16x17xf32, #tpu.memory_space<vmem>>, %arg13: memref<10000xf32, #tpu.memory_space<vmem>>, %arg14: memref<!tpu.dma_semaphore, #tpu.memory_space<semaphore_mem>>, %arg15: memref<!tpu.dma_semaphore, #tpu.memory_space<semaphore_mem>>, %arg16: memref<!tpu.dma_semaphore, #tpu.memory_space<semaphore_mem>>, %arg17: memref<!tpu.dma_semaphore, #tpu.memory_space<semaphore_mem>>) attributes {dimension_semantics = [#tpu.dimension_semantics<core_parallel>, #tpu.dimension_semantics<subcore_parallel>], iteration_bounds = array<i64: 2, 16>, scalar_prefetch = 0 : i64, scratch_operands = 12 : i64, tpu.core_type = #tpu.core_type<sc_vector_subcore>, window_params = [{transform_indices = #map}, {transform_indices = #map1}, {transform_indices = #map1}, {transform_indices = #map1}]} {
    %mul3A = arith.constant 2 : i32
    %mul3A_0 = arith.muli %arg1, %mul3A : i32
    %add3A = arith.addi %mul3A_0, %arg0 : i32
    %iota3A = tpu.iota {dimensions = array<i32: 0>} : vector<16xi32>
    %mul3A_1 = arith.constant 10000 : i32
    %mul3A_2 = arith.muli %add3A, %mul3A_1 : i32
    "tpu.region"() ({
      %run_scoped3A = tpu.sem_alloc : memref<!tpu.dma_semaphore, #tpu.memory_space<semaphore_mem>>
      %dma_start3A_21 = tpu.memref_slice %arg3[%mul3A_2] : memref<320000xi32, #tpu.memory_space<hbm>> -> memref<10000xi32, #tpu.memory_space<hbm>>
      %dma_start3A_22 = tpu.memref_slice %arg3[%mul3A_2] : memref<320000xi32, #tpu.memory_space<hbm>> -> memref<10000xi32, #tpu.memory_space<hbm>>
      tpu.enqueue_dma source(%dma_start3A_22 : memref<10000xi32, #tpu.memory_space<hbm>>) target(%arg6 : memref<10000xi32, #tpu.memory_space<vmem>>) target_semaphore(%run_scoped3A : memref<!tpu.dma_semaphore, #tpu.memory_space<semaphore_mem>>)
      %dma_wait3A = tpu.memref_slice %arg3[%mul3A_2] : memref<320000xi32, #tpu.memory_space<hbm>> -> memref<10000xi32, #tpu.memory_space<hbm>>
      %dma_wait3A_23 = tpu.memref_slice %arg3[%mul3A_2] : memref<320000xi32, #tpu.memory_space<hbm>> -> memref<10000xi32, #tpu.memory_space<hbm>>
      tpu.wait_dma2 semaphore(%run_scoped3A : memref<!tpu.dma_semaphore, #tpu.memory_space<semaphore_mem>>) src(%dma_wait3A_23 : memref<10000xi32, #tpu.memory_space<hbm>>) dst(%arg6 : memref<10000xi32, #tpu.memory_space<vmem>>)
      tpu.yield
    }) : () -> ()
    %mul3A_3 = arith.constant 10000 : i32
    %mul3A_4 = arith.muli %add3A, %mul3A_3 : i32
    "tpu.region"() ({
      %run_scoped3A = tpu.sem_alloc : memref<!tpu.dma_semaphore, #tpu.memory_space<semaphore_mem>>
      %dma_start3A_21 = tpu.memref_slice %arg4[%mul3A_4] : memref<320000xi32, #tpu.memory_space<hbm>> -> memref<10000xi32, #tpu.memory_space<hbm>>
      %dma_start3A_22 = tpu.memref_slice %arg4[%mul3A_4] : memref<320000xi32, #tpu.memory_space<hbm>> -> memref<10000xi32, #tpu.memory_space<hbm>>
      tpu.enqueue_dma source(%dma_start3A_22 : memref<10000xi32, #tpu.memory_space<hbm>>) target(%arg7 : memref<10000xi32, #tpu.memory_space<vmem>>) target_semaphore(%run_scoped3A : memref<!tpu.dma_semaphore, #tpu.memory_space<semaphore_mem>>)
      %dma_wait3A = tpu.memref_slice %arg4[%mul3A_4] : memref<320000xi32, #tpu.memory_space<hbm>> -> memref<10000xi32, #tpu.memory_space<hbm>>
      %dma_wait3A_23 = tpu.memref_slice %arg4[%mul3A_4] : memref<320000xi32, #tpu.memory_space<hbm>> -> memref<10000xi32, #tpu.memory_space<hbm>>
      tpu.wait_dma2 semaphore(%run_scoped3A : memref<!tpu.dma_semaphore, #tpu.memory_space<semaphore_mem>>) src(%dma_wait3A_23 : memref<10000xi32, #tpu.memory_space<hbm>>) dst(%arg7 : memref<10000xi32, #tpu.memory_space<vmem>>)
      tpu.yield
    }) : () -> ()
    %dma_start3A = arith.constant 0 : i32
    %dma_start3A_5 = tpu.memref_slice %arg6[%dma_start3A] : memref<10000xi32, #tpu.memory_space<vmem>> -> memref<80xi32, #tpu.memory_space<vmem>>
    %dma_start3A_6 = arith.constant 0 : i32
    %dma_start3A_7 = arith.constant 0 : i32
    %dma_start3A_8 = tpu.memref_slice %arg2[%dma_start3A_6, %dma_start3A_7] : memref<10000x64xi32, #tpu.memory_space<hbm>> -> memref<10000x64xi32, #tpu.memory_space<hbm>>
    tpu.enqueue_indirect_dma source(%dma_start3A_8 : memref<10000x64xi32, #tpu.memory_space<hbm>>) target(%arg8 : memref<80x64xi32, #tpu.memory_space<vmem>>) offsets(%dma_start3A_5 : memref<80xi32, #tpu.memory_space<vmem>>) semaphore(%arg14 : memref<!tpu.dma_semaphore, #tpu.memory_space<semaphore_mem>>)
    %dma_start3A_9 = arith.constant 0 : i32
    %dma_start3A_10 = tpu.memref_slice %arg7[%dma_start3A_9] : memref<10000xi32, #tpu.memory_space<vmem>> -> memref<80xi32, #tpu.memory_space<vmem>>
    %dma_start3A_11 = arith.constant 0 : i32
    %dma_start3A_12 = arith.constant 0 : i32
    %dma_start3A_13 = tpu.memref_slice %arg2[%dma_start3A_11, %dma_start3A_12] : memref<10000x64xi32, #tpu.memory_space<hbm>> -> memref<10000x64xi32, #tpu.memory_space<hbm>>
    tpu.enqueue_indirect_dma source(%dma_start3A_13 : memref<10000x64xi32, #tpu.memory_space<hbm>>) target(%arg9 : memref<80x64xi32, #tpu.memory_space<vmem>>) offsets(%dma_start3A_10 : memref<80xi32, #tpu.memory_space<vmem>>) semaphore(%arg15 : memref<!tpu.dma_semaphore, #tpu.memory_space<semaphore_mem>>)
    %scan3A = arith.constant 0 : i32
    %scan3A_14 = arith.constant 0 : i32
    %scan3A_15 = arith.constant 125 : i32
    %scan3A_16 = arith.addi %scan3A_14, %scan3A_15 : i32
    %scan3A_17 = arith.constant 1 : i32
    scf.for %scan3A_21 = %scan3A_14 to %scan3A_16 step %scan3A_17  : i32 {
      %rem3A = arith.constant 2 : i32
      %rem3A_22 = arith.remsi %scan3A_21, %rem3A : i32
      %eq3A = arith.constant 0 : i32
      %eq3A_23 = arith.cmpi eq, %rem3A_22, %eq3A : i32
      %rem3A_24 = arith.constant 2 : i32
      %rem3A_25 = arith.remsi %scan3A_21, %rem3A_24 : i32
      %eq3A_26 = arith.constant 1 : i32
      %eq3A_27 = arith.cmpi eq, %rem3A_25, %eq3A_26 : i32
      %add3A_28 = arith.constant 1 : i32
      %add3A_29 = arith.addi %scan3A_21, %add3A_28 : i32
      %lt3A = arith.constant 125 : i32
      %lt3A_30 = arith.cmpi slt, %add3A_29, %lt3A : i32
      %convert_element_type3A = arith.extui %lt3A_30 : i1 to i32
      %cond3A = arith.constant 0 : i32
      %cond3A_31 = arith.cmpi ne, %convert_element_type3A, %cond3A : i32
      scf.if %cond3A_31 {
        %convert_element_type3A_38 = arith.extui %eq3A_23 : i1 to i32
        %cond3A_39 = arith.constant 0 : i32
        %cond3A_40 = arith.cmpi ne, %convert_element_type3A_38, %cond3A_39 : i32
        scf.if %cond3A_40 {
          %add3A_44 = arith.constant 1 : i32
          %add3A_45 = arith.addi %scan3A_21, %add3A_44 : i32
          %mul3A_46 = arith.constant 80 : i32
          %mul3A_47 = arith.muli %add3A_45, %mul3A_46 : i32
          %dma_start3A_48 = tpu.memref_slice %arg6[%mul3A_47] : memref<10000xi32, #tpu.memory_space<vmem>> -> memref<80xi32, #tpu.memory_space<vmem>>
          %dma_start3A_49 = arith.constant 0 : i32
          %dma_start3A_50 = arith.constant 0 : i32
          %dma_start3A_51 = tpu.memref_slice %arg2[%dma_start3A_49, %dma_start3A_50] : memref<10000x64xi32, #tpu.memory_space<hbm>> -> memref<10000x64xi32, #tpu.memory_space<hbm>>
          tpu.enqueue_indirect_dma source(%dma_start3A_51 : memref<10000x64xi32, #tpu.memory_space<hbm>>) target(%arg10 : memref<80x64xi32, #tpu.memory_space<vmem>>) offsets(%dma_start3A_48 : memref<80xi32, #tpu.memory_space<vmem>>) semaphore(%arg16 : memref<!tpu.dma_semaphore, #tpu.memory_space<semaphore_mem>>)
          %mul3A_52 = arith.constant 80 : i32
          %mul3A_53 = arith.muli %add3A_45, %mul3A_52 : i32
          %dma_start3A_54 = tpu.memref_slice %arg7[%mul3A_53] : memref<10000xi32, #tpu.memory_space<vmem>> -> memref<80xi32, #tpu.memory_space<vmem>>
          %dma_start3A_55 = arith.constant 0 : i32
          %dma_start3A_56 = arith.constant 0 : i32
          %dma_start3A_57 = tpu.memref_slice %arg2[%dma_start3A_55, %dma_start3A_56] : memref<10000x64xi32, #tpu.memory_space<hbm>> -> memref<10000x64xi32, #tpu.memory_space<hbm>>
          tpu.enqueue_indirect_dma source(%dma_start3A_57 : memref<10000x64xi32, #tpu.memory_space<hbm>>) target(%arg11 : memref<80x64xi32, #tpu.memory_space<vmem>>) offsets(%dma_start3A_54 : memref<80xi32, #tpu.memory_space<vmem>>) semaphore(%arg17 : memref<!tpu.dma_semaphore, #tpu.memory_space<semaphore_mem>>)
        } else {
        }
        %convert_element_type3A_41 = arith.extui %eq3A_27 : i1 to i32
        %cond3A_42 = arith.constant 0 : i32
        %cond3A_43 = arith.cmpi ne, %convert_element_type3A_41, %cond3A_42 : i32
        scf.if %cond3A_43 {
          %add3A_44 = arith.constant 1 : i32
          %add3A_45 = arith.addi %scan3A_21, %add3A_44 : i32
          %mul3A_46 = arith.constant 80 : i32
          %mul3A_47 = arith.muli %add3A_45, %mul3A_46 : i32
          %dma_start3A_48 = tpu.memref_slice %arg6[%mul3A_47] : memref<10000xi32, #tpu.memory_space<vmem>> -> memref<80xi32, #tpu.memory_space<vmem>>
          %dma_start3A_49 = arith.constant 0 : i32
          %dma_start3A_50 = arith.constant 0 : i32
          %dma_start3A_51 = tpu.memref_slice %arg2[%dma_start3A_49, %dma_start3A_50] : memref<10000x64xi32, #tpu.memory_space<hbm>> -> memref<10000x64xi32, #tpu.memory_space<hbm>>
          tpu.enqueue_indirect_dma source(%dma_start3A_51 : memref<10000x64xi32, #tpu.memory_space<hbm>>) target(%arg8 : memref<80x64xi32, #tpu.memory_space<vmem>>) offsets(%dma_start3A_48 : memref<80xi32, #tpu.memory_space<vmem>>) semaphore(%arg14 : memref<!tpu.dma_semaphore, #tpu.memory_space<semaphore_mem>>)
          %mul3A_52 = arith.constant 80 : i32
          %mul3A_53 = arith.muli %add3A_45, %mul3A_52 : i32
          %dma_start3A_54 = tpu.memref_slice %arg7[%mul3A_53] : memref<10000xi32, #tpu.memory_space<vmem>> -> memref<80xi32, #tpu.memory_space<vmem>>
          %dma_start3A_55 = arith.constant 0 : i32
          %dma_start3A_56 = arith.constant 0 : i32
          %dma_start3A_57 = tpu.memref_slice %arg2[%dma_start3A_55, %dma_start3A_56] : memref<10000x64xi32, #tpu.memory_space<hbm>> -> memref<10000x64xi32, #tpu.memory_space<hbm>>
          tpu.enqueue_indirect_dma source(%dma_start3A_57 : memref<10000x64xi32, #tpu.memory_space<hbm>>) target(%arg9 : memref<80x64xi32, #tpu.memory_space<vmem>>) offsets(%dma_start3A_54 : memref<80xi32, #tpu.memory_space<vmem>>) semaphore(%arg15 : memref<!tpu.dma_semaphore, #tpu.memory_space<semaphore_mem>>)
        } else {
        }
      } else {
      }
      %convert_element_type3A_32 = arith.extui %eq3A_23 : i1 to i32
      %cond3A_33 = arith.constant 0 : i32
      %cond3A_34 = arith.cmpi ne, %convert_element_type3A_32, %cond3A_33 : i32
      scf.if %cond3A_34 {
        %mul3A_38 = arith.constant 80 : i32
        %mul3A_39 = arith.muli %scan3A_21, %mul3A_38 : i32
        %dma_wait3A = tpu.memref_slice %arg6[%mul3A_39] : memref<10000xi32, #tpu.memory_space<vmem>> -> memref<80xi32, #tpu.memory_space<vmem>>
        %dma_wait3A_40 = arith.constant 0 : i32
        %dma_wait3A_41 = arith.constant 0 : i32
        %dma_wait3A_42 = tpu.memref_slice %arg2[%dma_wait3A_40, %dma_wait3A_41] : memref<10000x64xi32, #tpu.memory_space<hbm>> -> memref<10000x64xi32, #tpu.memory_space<hbm>>
        tpu.wait_indirect_dma semaphore(%arg14 : memref<!tpu.dma_semaphore, #tpu.memory_space<semaphore_mem>>) src(%dma_wait3A_42 : memref<10000x64xi32, #tpu.memory_space<hbm>>) dst(%arg8 : memref<80x64xi32, #tpu.memory_space<vmem>>)
        %mul3A_43 = arith.constant 80 : i32
        %mul3A_44 = arith.muli %scan3A_21, %mul3A_43 : i32
        %dma_wait3A_45 = tpu.memref_slice %arg7[%mul3A_44] : memref<10000xi32, #tpu.memory_space<vmem>> -> memref<80xi32, #tpu.memory_space<vmem>>
        %dma_wait3A_46 = arith.constant 0 : i32
        %dma_wait3A_47 = arith.constant 0 : i32
        %dma_wait3A_48 = tpu.memref_slice %arg2[%dma_wait3A_46, %dma_wait3A_47] : memref<10000x64xi32, #tpu.memory_space<hbm>> -> memref<10000x64xi32, #tpu.memory_space<hbm>>
        tpu.wait_indirect_dma semaphore(%arg15 : memref<!tpu.dma_semaphore, #tpu.memory_space<semaphore_mem>>) src(%dma_wait3A_48 : memref<10000x64xi32, #tpu.memory_space<hbm>>) dst(%arg9 : memref<80x64xi32, #tpu.memory_space<vmem>>)
        %scan3A_49 = arith.constant 0 : i32
        %scan3A_50 = arith.constant 0 : i32
        %scan3A_51 = arith.constant 8 : i32
        %scan3A_52 = arith.addi %scan3A_50, %scan3A_51 : i32
        %scan3A_53 = arith.constant 1 : i32
        scf.for %scan3A_436 = %scan3A_50 to %scan3A_52 step %scan3A_53  : i32 {
          %mul3A_437 = arith.constant 2 : i32
          %mul3A_438 = arith.muli %scan3A_436, %mul3A_437 : i32
          %add3A_439 = arith.constant 0 : i32
          %add3A_440 = arith.addi %add3A_439, %mul3A_438 : i32
          %add3A_441 = arith.constant 0 : i32
          %add3A_442 = arith.addi %add3A_440, %add3A_441 : i32
          %get3A = arith.index_cast %add3A_442 : i32 to index
          %get3A_443 = arith.constant 0 : index
          %get3A_444 = tpu.vector_load %arg8[%get3A, %get3A_443] {strides = array<i32>} : memref<80x64xi32, #tpu.memory_space<vmem>>, vector<16xi32>,
          %bitcast3A = vector.bitcast %get3A_444 : vector<16xi32> to vector<32xbf16>
          %get3A_445 = arith.index_cast %add3A_442 : i32 to index
          %get3A_446 = arith.constant 0 : index
          %get3A_447 = tpu.vector_load %arg9[%get3A_445, %get3A_446] {strides = array<i32>} : memref<80x64xi32, #tpu.memory_space<vmem>>, vector<16xi32>,
          %bitcast3A_448 = vector.bitcast %get3A_447 : vector<16xi32> to vector<32xbf16>
          %mul3A_449 = arith.mulf %bitcast3A, %bitcast3A_448 : vector<32xbf16>
          %get3A_450 = arith.index_cast %add3A_442 : i32 to index
          %get3A_451 = arith.constant 16 : index
          %get3A_452 = tpu.vector_load %arg8[%get3A_450, %get3A_451] {strides = array<i32>} : memref<80x64xi32, #tpu.memory_space<vmem>>, vector<16xi32>,
          %bitcast3A_453 = vector.bitcast %get3A_452 : vector<16xi32> to vector<32xbf16>
          %get3A_454 = arith.index_cast %add3A_442 : i32 to index
          %get3A_455 = arith.constant 16 : index
          %get3A_456 = tpu.vector_load %arg9[%get3A_454, %get3A_455] {strides = array<i32>} : memref<80x64xi32, #tpu.memory_space<vmem>>, vector<16xi32>,
          %bitcast3A_457 = vector.bitcast %get3A_456 : vector<16xi32> to vector<32xbf16>
          %mul3A_458 = arith.mulf %bitcast3A_453, %bitcast3A_457 : vector<32xbf16>
          %add3A_459 = arith.addf %mul3A_449, %mul3A_458 : vector<32xbf16>
          %get3A_460 = arith.index_cast %add3A_442 : i32 to index
          %get3A_461 = arith.constant 32 : index
          %get3A_462 = tpu.vector_load %arg8[%get3A_460, %get3A_461] {strides = array<i32>} : memref<80x64xi32, #tpu.memory_space<vmem>>, vector<16xi32>,
          %bitcast3A_463 = vector.bitcast %get3A_462 : vector<16xi32> to vector<32xbf16>
          %get3A_464 = arith.index_cast %add3A_442 : i32 to index
          %get3A_465 = arith.constant 32 : index
          %get3A_466 = tpu.vector_load %arg9[%get3A_464, %get3A_465] {strides = array<i32>} : memref<80x64xi32, #tpu.memory_space<vmem>>, vector<16xi32>,
          %bitcast3A_467 = vector.bitcast %get3A_466 : vector<16xi32> to vector<32xbf16>
          %mul3A_468 = arith.mulf %bitcast3A_463, %bitcast3A_467 : vector<32xbf16>
          %add3A_469 = arith.addf %add3A_459, %mul3A_468 : vector<32xbf16>
          %get3A_470 = arith.index_cast %add3A_442 : i32 to index
          %get3A_471 = arith.constant 48 : index
          %get3A_472 = tpu.vector_load %arg8[%get3A_470, %get3A_471] {strides = array<i32>} : memref<80x64xi32, #tpu.memory_space<vmem>>, vector<16xi32>,
          %bitcast3A_473 = vector.bitcast %get3A_472 : vector<16xi32> to vector<32xbf16>
          %get3A_474 = arith.index_cast %add3A_442 : i32 to index
          %get3A_475 = arith.constant 48 : index
          %get3A_476 = tpu.vector_load %arg9[%get3A_474, %get3A_475] {strides = array<i32>} : memref<80x64xi32, #tpu.memory_space<vmem>>, vector<16xi32>,
          %bitcast3A_477 = vector.bitcast %get3A_476 : vector<16xi32> to vector<32xbf16>
          %mul3A_478 = arith.mulf %bitcast3A_473, %bitcast3A_477 : vector<32xbf16>
          %add3A_479 = arith.addf %add3A_469, %mul3A_478 : vector<32xbf16>
          %unpack3A = tpu.unpack_subelements %add3A_479, 0 {pack_format = #tpu.pack_format<interleaved>} : vector<32xbf16> -> vector<16xf32>
          %unpack3A_480 = tpu.unpack_subelements %add3A_479, 1 {pack_format = #tpu.pack_format<interleaved>} : vector<32xbf16> -> vector<16xf32>
          %add3A_481 = arith.addf %unpack3A, %unpack3A_480 : vector<16xf32>
          %mul3A_482 = arith.constant 2 : i32
          %mul3A_483 = arith.muli %scan3A_436, %mul3A_482 : i32
          %add3A_484 = arith.constant 0 : i32
          %add3A_485 = arith.addi %mul3A_483, %add3A_484 : i32
          %swap3A_486 = arith.index_cast %add3A_485 : i32 to index
          %swap3A_487 = arith.constant 0 : index
          %swap3A_488 = tpu.vector_load %arg12[%swap3A_486, %swap3A_487] {strides = array<i32>} : memref<16x17xf32, #tpu.memory_space<vmem>>, vector<16xf32>,
          tpu.vector_store %arg12[%swap3A_486, %swap3A_487], %add3A_481 {strides = array<i32>} : memref<16x17xf32, #tpu.memory_space<vmem>>, vector<16xf32>,
          %mul3A_489 = arith.constant 2 : i32
          %mul3A_490 = arith.muli %scan3A_436, %mul3A_489 : i32
          %add3A_491 = arith.constant 0 : i32
          %add3A_492 = arith.addi %add3A_491, %mul3A_490 : i32
          %add3A_493 = arith.constant 1 : i32
          %add3A_494 = arith.addi %add3A_492, %add3A_493 : i32
          %get3A_495 = arith.index_cast %add3A_494 : i32 to index
          %get3A_496 = arith.constant 0 : index
          %get3A_497 = tpu.vector_load %arg8[%get3A_495, %get3A_496] {strides = array<i32>} : memref<80x64xi32, #tpu.memory_space<vmem>>, vector<16xi32>,
          %bitcast3A_498 = vector.bitcast %get3A_497 : vector<16xi32> to vector<32xbf16>
          %get3A_499 = arith.index_cast %add3A_494 : i32 to index
          %get3A_500 = arith.constant 0 : index
          %get3A_501 = tpu.vector_load %arg9[%get3A_499, %get3A_500] {strides = array<i32>} : memref<80x64xi32, #tpu.memory_space<vmem>>, vector<16xi32>,
          %bitcast3A_502 = vector.bitcast %get3A_501 : vector<16xi32> to vector<32xbf16>
          %mul3A_503 = arith.mulf %bitcast3A_498, %bitcast3A_502 : vector<32xbf16>
          %get3A_504 = arith.index_cast %add3A_494 : i32 to index
          %get3A_505 = arith.constant 16 : index
          %get3A_506 = tpu.vector_load %arg8[%get3A_504, %get3A_505] {strides = array<i32>} : memref<80x64xi32, #tpu.memory_space<vmem>>, vector<16xi32>,
          %bitcast3A_507 = vector.bitcast %get3A_506 : vector<16xi32> to vector<32xbf16>
          %get3A_508 = arith.index_cast %add3A_494 : i32 to index
          %get3A_509 = arith.constant 16 : index
          %get3A_510 = tpu.vector_load %arg9[%get3A_508, %get3A_509] {strides = array<i32>} : memref<80x64xi32, #tpu.memory_space<vmem>>, vector<16xi32>,
          %bitcast3A_511 = vector.bitcast %get3A_510 : vector<16xi32> to vector<32xbf16>
          %mul3A_512 = arith.mulf %bitcast3A_507, %bitcast3A_511 : vector<32xbf16>
          %add3A_513 = arith.addf %mul3A_503, %mul3A_512 : vector<32xbf16>
          %get3A_514 = arith.index_cast %add3A_494 : i32 to index
          %get3A_515 = arith.constant 32 : index
          %get3A_516 = tpu.vector_load %arg8[%get3A_514, %get3A_515] {strides = array<i32>} : memref<80x64xi32, #tpu.memory_space<vmem>>, vector<16xi32>,
          %bitcast3A_517 = vector.bitcast %get3A_516 : vector<16xi32> to vector<32xbf16>
          %get3A_518 = arith.index_cast %add3A_494 : i32 to index
          %get3A_519 = arith.constant 32 : index
          %get3A_520 = tpu.vector_load %arg9[%get3A_518, %get3A_519] {strides = array<i32>} : memref<80x64xi32, #tpu.memory_space<vmem>>, vector<16xi32>,
          %bitcast3A_521 = vector.bitcast %get3A_520 : vector<16xi32> to vector<32xbf16>
          %mul3A_522 = arith.mulf %bitcast3A_517, %bitcast3A_521 : vector<32xbf16>
          %add3A_523 = arith.addf %add3A_513, %mul3A_522 : vector<32xbf16>
          %get3A_524 = arith.index_cast %add3A_494 : i32 to index
          %get3A_525 = arith.constant 48 : index
          %get3A_526 = tpu.vector_load %arg8[%get3A_524, %get3A_525] {strides = array<i32>} : memref<80x64xi32, #tpu.memory_space<vmem>>, vector<16xi32>,
          %bitcast3A_527 = vector.bitcast %get3A_526 : vector<16xi32> to vector<32xbf16>
          %get3A_528 = arith.index_cast %add3A_494 : i32 to index
          %get3A_529 = arith.constant 48 : index
          %get3A_530 = tpu.vector_load %arg9[%get3A_528, %get3A_529] {strides = array<i32>} : memref<80x64xi32, #tpu.memory_space<vmem>>, vector<16xi32>,
          %bitcast3A_531 = vector.bitcast %get3A_530 : vector<16xi32> to vector<32xbf16>
          %mul3A_532 = arith.mulf %bitcast3A_527, %bitcast3A_531 : vector<32xbf16>
          %add3A_533 = arith.addf %add3A_523, %mul3A_532 : vector<32xbf16>
          %unpack3A_534 = tpu.unpack_subelements %add3A_533, 0 {pack_format = #tpu.pack_format<interleaved>} : vector<32xbf16> -> vector<16xf32>
          %unpack3A_535 = tpu.unpack_subelements %add3A_533, 1 {pack_format = #tpu.pack_format<interleaved>} : vector<32xbf16> -> vector<16xf32>
          %add3A_536 = arith.addf %unpack3A_534, %unpack3A_535 : vector<16xf32>
          %mul3A_537 = arith.constant 2 : i32
          %mul3A_538 = arith.muli %scan3A_436, %mul3A_537 : i32
          %add3A_539 = arith.constant 1 : i32
          %add3A_540 = arith.addi %mul3A_538, %add3A_539 : i32
          %swap3A_541 = arith.index_cast %add3A_540 : i32 to index
          %swap3A_542 = arith.constant 0 : index
          %swap3A_543 = tpu.vector_load %arg12[%swap3A_541, %swap3A_542] {strides = array<i32>} : memref<16x17xf32, #tpu.memory_space<vmem>>, vector<16xf32>,
          tpu.vector_store %arg12[%swap3A_541, %swap3A_542], %add3A_536 {strides = array<i32>} : memref<16x17xf32, #tpu.memory_space<vmem>>, vector<16xf32>,
        }
        %scan3A_54 = arith.constant 8 : i32
        %broadcast_in_dim3A = arith.constant 0.000000e+00 : f32
        %broadcast_in_dim3A_55 = vector.broadcast %broadcast_in_dim3A : f32 to vector<16xf32>
        %broadcast_in_dim3A_56 = arith.constant 0 : i32
        %broadcast_in_dim3A_57 = vector.broadcast %broadcast_in_dim3A_56 : i32 to vector<16xi32>
        %gather3A = tpu.vector_load_idx %arg12[%iota3A, %broadcast_in_dim3A_57] : memref<16x17xf32, #tpu.memory_space<vmem>>[vector<16xi32>, vector<16xi32>], vector<16xf32>,
        %add3A_58 = arith.addf %broadcast_in_dim3A_55, %gather3A : vector<16xf32>
        %broadcast_in_dim3A_59 = arith.constant 1 : i32
        %broadcast_in_dim3A_60 = vector.broadcast %broadcast_in_dim3A_59 : i32 to vector<16xi32>
        %gather3A_61 = tpu.vector_load_idx %arg12[%iota3A, %broadcast_in_dim3A_60] : memref<16x17xf32, #tpu.memory_space<vmem>>[vector<16xi32>, vector<16xi32>], vector<16xf32>,
        %add3A_62 = arith.addf %add3A_58, %gather3A_61 : vector<16xf32>
        %broadcast_in_dim3A_63 = arith.constant 2 : i32
        %broadcast_in_dim3A_64 = vector.broadcast %broadcast_in_dim3A_63 : i32 to vector<16xi32>
        %gather3A_65 = tpu.vector_load_idx %arg12[%iota3A, %broadcast_in_dim3A_64] : memref<16x17xf32, #tpu.memory_space<vmem>>[vector<16xi32>, vector<16xi32>], vector<16xf32>,
        %add3A_66 = arith.addf %add3A_62, %gather3A_65 : vector<16xf32>
        %broadcast_in_dim3A_67 = arith.constant 3 : i32
        %broadcast_in_dim3A_68 = vector.broadcast %broadcast_in_dim3A_67 : i32 to vector<16xi32>
        %gather3A_69 = tpu.vector_load_idx %arg12[%iota3A, %broadcast_in_dim3A_68] : memref<16x17xf32, #tpu.memory_space<vmem>>[vector<16xi32>, vector<16xi32>], vector<16xf32>,
        %add3A_70 = arith.addf %add3A_66, %gather3A_69 : vector<16xf32>
        %broadcast_in_dim3A_71 = arith.constant 4 : i32
        %broadcast_in_dim3A_72 = vector.broadcast %broadcast_in_dim3A_71 : i32 to vector<16xi32>
        %gather3A_73 = tpu.vector_load_idx %arg12[%iota3A, %broadcast_in_dim3A_72] : memref<16x17xf32, #tpu.memory_space<vmem>>[vector<16xi32>, vector<16xi32>], vector<16xf32>,
        %add3A_74 = arith.addf %add3A_70, %gather3A_73 : vector<16xf32>
        %broadcast_in_dim3A_75 = arith.constant 5 : i32
        %broadcast_in_dim3A_76 = vector.broadcast %broadcast_in_dim3A_75 : i32 to vector<16xi32>
        %gather3A_77 = tpu.vector_load_idx %arg12[%iota3A, %broadcast_in_dim3A_76] : memref<16x17xf32, #tpu.memory_space<vmem>>[vector<16xi32>, vector<16xi32>], vector<16xf32>,
        %add3A_78 = arith.addf %add3A_74, %gather3A_77 : vector<16xf32>
        %broadcast_in_dim3A_79 = arith.constant 6 : i32
        %broadcast_in_dim3A_80 = vector.broadcast %broadcast_in_dim3A_79 : i32 to vector<16xi32>
        %gather3A_81 = tpu.vector_load_idx %arg12[%iota3A, %broadcast_in_dim3A_80] : memref<16x17xf32, #tpu.memory_space<vmem>>[vector<16xi32>, vector<16xi32>], vector<16xf32>,
        %add3A_82 = arith.addf %add3A_78, %gather3A_81 : vector<16xf32>
        %broadcast_in_dim3A_83 = arith.constant 7 : i32
        %broadcast_in_dim3A_84 = vector.broadcast %broadcast_in_dim3A_83 : i32 to vector<16xi32>
        %gather3A_85 = tpu.vector_load_idx %arg12[%iota3A, %broadcast_in_dim3A_84] : memref<16x17xf32, #tpu.memory_space<vmem>>[vector<16xi32>, vector<16xi32>], vector<16xf32>,
        %add3A_86 = arith.addf %add3A_82, %gather3A_85 : vector<16xf32>
        %broadcast_in_dim3A_87 = arith.constant 8 : i32
        %broadcast_in_dim3A_88 = vector.broadcast %broadcast_in_dim3A_87 : i32 to vector<16xi32>
        %gather3A_89 = tpu.vector_load_idx %arg12[%iota3A, %broadcast_in_dim3A_88] : memref<16x17xf32, #tpu.memory_space<vmem>>[vector<16xi32>, vector<16xi32>], vector<16xf32>,
        %add3A_90 = arith.addf %add3A_86, %gather3A_89 : vector<16xf32>
        %broadcast_in_dim3A_91 = arith.constant 9 : i32
        %broadcast_in_dim3A_92 = vector.broadcast %broadcast_in_dim3A_91 : i32 to vector<16xi32>
        %gather3A_93 = tpu.vector_load_idx %arg12[%iota3A, %broadcast_in_dim3A_92] : memref<16x17xf32, #tpu.memory_space<vmem>>[vector<16xi32>, vector<16xi32>], vector<16xf32>,
        %add3A_94 = arith.addf %add3A_90, %gather3A_93 : vector<16xf32>
        %broadcast_in_dim3A_95 = arith.constant 10 : i32
        %broadcast_in_dim3A_96 = vector.broadcast %broadcast_in_dim3A_95 : i32 to vector<16xi32>
        %gather3A_97 = tpu.vector_load_idx %arg12[%iota3A, %broadcast_in_dim3A_96] : memref<16x17xf32, #tpu.memory_space<vmem>>[vector<16xi32>, vector<16xi32>], vector<16xf32>,
        %add3A_98 = arith.addf %add3A_94, %gather3A_97 : vector<16xf32>
        %broadcast_in_dim3A_99 = arith.constant 11 : i32
        %broadcast_in_dim3A_100 = vector.broadcast %broadcast_in_dim3A_99 : i32 to vector<16xi32>
        %gather3A_101 = tpu.vector_load_idx %arg12[%iota3A, %broadcast_in_dim3A_100] : memref<16x17xf32, #tpu.memory_space<vmem>>[vector<16xi32>, vector<16xi32>], vector<16xf32>,
        %add3A_102 = arith.addf %add3A_98, %gather3A_101 : vector<16xf32>
        %broadcast_in_dim3A_103 = arith.constant 12 : i32
        %broadcast_in_dim3A_104 = vector.broadcast %broadcast_in_dim3A_103 : i32 to vector<16xi32>
        %gather3A_105 = tpu.vector_load_idx %arg12[%iota3A, %broadcast_in_dim3A_104] : memref<16x17xf32, #tpu.memory_space<vmem>>[vector<16xi32>, vector<16xi32>], vector<16xf32>,
        %add3A_106 = arith.addf %add3A_102, %gather3A_105 : vector<16xf32>
        %broadcast_in_dim3A_107 = arith.constant 13 : i32
        %broadcast_in_dim3A_108 = vector.broadcast %broadcast_in_dim3A_107 : i32 to vector<16xi32>
        %gather3A_109 = tpu.vector_load_idx %arg12[%iota3A, %broadcast_in_dim3A_108] : memref<16x17xf32, #tpu.memory_space<vmem>>[vector<16xi32>, vector<16xi32>], vector<16xf32>,
        %add3A_110 = arith.addf %add3A_106, %gather3A_109 : vector<16xf32>
        %broadcast_in_dim3A_111 = arith.constant 14 : i32
        %broadcast_in_dim3A_112 = vector.broadcast %broadcast_in_dim3A_111 : i32 to vector<16xi32>
        %gather3A_113 = tpu.vector_load_idx %arg12[%iota3A, %broadcast_in_dim3A_112] : memref<16x17xf32, #tpu.memory_space<vmem>>[vector<16xi32>, vector<16xi32>], vector<16xf32>,
        %add3A_114 = arith.addf %add3A_110, %gather3A_113 : vector<16xf32>
        %broadcast_in_dim3A_115 = arith.constant 15 : i32
        %broadcast_in_dim3A_116 = vector.broadcast %broadcast_in_dim3A_115 : i32 to vector<16xi32>
        %gather3A_117 = tpu.vector_load_idx %arg12[%iota3A, %broadcast_in_dim3A_116] : memref<16x17xf32, #tpu.memory_space<vmem>>[vector<16xi32>, vector<16xi32>], vector<16xf32>,
        %add3A_118 = arith.addf %add3A_114, %gather3A_117 : vector<16xf32>
        %mul3A_119 = arith.constant 80 : i32
        %mul3A_120 = arith.muli %scan3A_21, %mul3A_119 : i32
        %add3A_121 = arith.constant 0 : i32
        %add3A_122 = arith.addi %mul3A_120, %add3A_121 : i32
        %swap3A = arith.index_cast %add3A_122 : i32 to index
        %swap3A_123 = tpu.vector_load %arg13[%swap3A] {strides = array<i32>} : memref<10000xf32, #tpu.memory_space<vmem>>, vector<16xf32>,
        tpu.vector_store %arg13[%swap3A], %add3A_118 {strides = array<i32>} : memref<10000xf32, #tpu.memory_space<vmem>>, vector<16xf32>,
        %scan3A_124 = arith.constant 0 : i32
        %scan3A_125 = arith.constant 0 : i32
        %scan3A_126 = arith.constant 8 : i32
        %scan3A_127 = arith.addi %scan3A_125, %scan3A_126 : i32
        %scan3A_128 = arith.constant 1 : i32
        scf.for %scan3A_436 = %scan3A_125 to %scan3A_127 step %scan3A_128  : i32 {
          %mul3A_437 = arith.constant 2 : i32
          %mul3A_438 = arith.muli %scan3A_436, %mul3A_437 : i32
          %add3A_439 = arith.constant 16 : i32
          %add3A_440 = arith.addi %add3A_439, %mul3A_438 : i32
          %add3A_441 = arith.constant 0 : i32
          %add3A_442 = arith.addi %add3A_440, %add3A_441 : i32
          %get3A = arith.index_cast %add3A_442 : i32 to index
          %get3A_443 = arith.constant 0 : index
          %get3A_444 = tpu.vector_load %arg8[%get3A, %get3A_443] {strides = array<i32>} : memref<80x64xi32, #tpu.memory_space<vmem>>, vector<16xi32>,
          %bitcast3A = vector.bitcast %get3A_444 : vector<16xi32> to vector<32xbf16>
          %get3A_445 = arith.index_cast %add3A_442 : i32 to index
          %get3A_446 = arith.constant 0 : index
          %get3A_447 = tpu.vector_load %arg9[%get3A_445, %get3A_446] {strides = array<i32>} : memref<80x64xi32, #tpu.memory_space<vmem>>, vector<16xi32>,
          %bitcast3A_448 = vector.bitcast %get3A_447 : vector<16xi32> to vector<32xbf16>
          %mul3A_449 = arith.mulf %bitcast3A, %bitcast3A_448 : vector<32xbf16>
          %get3A_450 = arith.index_cast %add3A_442 : i32 to index
          %get3A_451 = arith.constant 16 : index
          %get3A_452 = tpu.vector_load %arg8[%get3A_450, %get3A_451] {strides = array<i32>} : memref<80x64xi32, #tpu.memory_space<vmem>>, vector<16xi32>,
          %bitcast3A_453 = vector.bitcast %get3A_452 : vector<16xi32> to vector<32xbf16>
          %get3A_454 = arith.index_cast %add3A_442 : i32 to index
          %get3A_455 = arith.constant 16 : index
          %get3A_456 = tpu.vector_load %arg9[%get3A_454, %get3A_455] {strides = array<i32>} : memref<80x64xi32, #tpu.memory_space<vmem>>, vector<16xi32>,
          %bitcast3A_457 = vector.bitcast %get3A_456 : vector<16xi32> to vector<32xbf16>
          %mul3A_458 = arith.mulf %bitcast3A_453, %bitcast3A_457 : vector<32xbf16>
          %add3A_459 = arith.addf %mul3A_449, %mul3A_458 : vector<32xbf16>
          %get3A_460 = arith.index_cast %add3A_442 : i32 to index
          %get3A_461 = arith.constant 32 : index
          %get3A_462 = tpu.vector_load %arg8[%get3A_460, %get3A_461] {strides = array<i32>} : memref<80x64xi32, #tpu.memory_space<vmem>>, vector<16xi32>,
          %bitcast3A_463 = vector.bitcast %get3A_462 : vector<16xi32> to vector<32xbf16>
          %get3A_464 = arith.index_cast %add3A_442 : i32 to index
          %get3A_465 = arith.constant 32 : index
          %get3A_466 = tpu.vector_load %arg9[%get3A_464, %get3A_465] {strides = array<i32>} : memref<80x64xi32, #tpu.memory_space<vmem>>, vector<16xi32>,
          %bitcast3A_467 = vector.bitcast %get3A_466 : vector<16xi32> to vector<32xbf16>
          %mul3A_468 = arith.mulf %bitcast3A_463, %bitcast3A_467 : vector<32xbf16>
          %add3A_469 = arith.addf %add3A_459, %mul3A_468 : vector<32xbf16>
          %get3A_470 = arith.index_cast %add3A_442 : i32 to index
          %get3A_471 = arith.constant 48 : index
          %get3A_472 = tpu.vector_load %arg8[%get3A_470, %get3A_471] {strides = array<i32>} : memref<80x64xi32, #tpu.memory_space<vmem>>, vector<16xi32>,
          %bitcast3A_473 = vector.bitcast %get3A_472 : vector<16xi32> to vector<32xbf16>
          %get3A_474 = arith.index_cast %add3A_442 : i32 to index
          %get3A_475 = arith.constant 48 : index
          %get3A_476 = tpu.vector_load %arg9[%get3A_474, %get3A_475] {strides = array<i32>} : memref<80x64xi32, #tpu.memory_space<vmem>>, vector<16xi32>,
          %bitcast3A_477 = vector.bitcast %get3A_476 : vector<16xi32> to vector<32xbf16>
          %mul3A_478 = arith.mulf %bitcast3A_473, %bitcast3A_477 : vector<32xbf16>
          %add3A_479 = arith.addf %add3A_469, %mul3A_478 : vector<32xbf16>
          %unpack3A = tpu.unpack_subelements %add3A_479, 0 {pack_format = #tpu.pack_format<interleaved>} : vector<32xbf16> -> vector<16xf32>
          %unpack3A_480 = tpu.unpack_subelements %add3A_479, 1 {pack_format = #tpu.pack_format<interleaved>} : vector<32xbf16> -> vector<16xf32>
          %add3A_481 = arith.addf %unpack3A, %unpack3A_480 : vector<16xf32>
          %mul3A_482 = arith.constant 2 : i32
          %mul3A_483 = arith.muli %scan3A_436, %mul3A_482 : i32
          %add3A_484 = arith.constant 0 : i32
          %add3A_485 = arith.addi %mul3A_483, %add3A_484 : i32
          %swap3A_486 = arith.index_cast %add3A_485 : i32 to index
          %swap3A_487 = arith.constant 0 : index
          %swap3A_488 = tpu.vector_load %arg12[%swap3A_486, %swap3A_487] {strides = array<i32>} : memref<16x17xf32, #tpu.memory_space<vmem>>, vector<16xf32>,
          tpu.vector_store %arg12[%swap3A_486, %swap3A_487], %add3A_481 {strides = array<i32>} : memref<16x17xf32, #tpu.memory_space<vmem>>, vector<16xf32>,
          %mul3A_489 = arith.constant 2 : i32
          %mul3A_490 = arith.muli %scan3A_436, %mul3A_489 : i32
          %add3A_491 = arith.constant 16 : i32
          %add3A_492 = arith.addi %add3A_491, %mul3A_490 : i32
          %add3A_493 = arith.constant 1 : i32
          %add3A_494 = arith.addi %add3A_492, %add3A_493 : i32
          %get3A_495 = arith.index_cast %add3A_494 : i32 to index
          %get3A_496 = arith.constant 0 : index
          %get3A_497 = tpu.vector_load %arg8[%get3A_495, %get3A_496] {strides = array<i32>} : memref<80x64xi32, #tpu.memory_space<vmem>>, vector<16xi32>,
          %bitcast3A_498 = vector.bitcast %get3A_497 : vector<16xi32> to vector<32xbf16>
          %get3A_499 = arith.index_cast %add3A_494 : i32 to index
          %get3A_500 = arith.constant 0 : index
          %get3A_501 = tpu.vector_load %arg9[%get3A_499, %get3A_500] {strides = array<i32>} : memref<80x64xi32, #tpu.memory_space<vmem>>, vector<16xi32>,
          %bitcast3A_502 = vector.bitcast %get3A_501 : vector<16xi32> to vector<32xbf16>
          %mul3A_503 = arith.mulf %bitcast3A_498, %bitcast3A_502 : vector<32xbf16>
          %get3A_504 = arith.index_cast %add3A_494 : i32 to index
          %get3A_505 = arith.constant 16 : index
          %get3A_506 = tpu.vector_load %arg8[%get3A_504, %get3A_505] {strides = array<i32>} : memref<80x64xi32, #tpu.memory_space<vmem>>, vector<16xi32>,
          %bitcast3A_507 = vector.bitcast %get3A_506 : vector<16xi32> to vector<32xbf16>
          %get3A_508 = arith.index_cast %add3A_494 : i32 to index
          %get3A_509 = arith.constant 16 : index
          %get3A_510 = tpu.vector_load %arg9[%get3A_508, %get3A_509] {strides = array<i32>} : memref<80x64xi32, #tpu.memory_space<vmem>>, vector<16xi32>,
          %bitcast3A_511 = vector.bitcast %get3A_510 : vector<16xi32> to vector<32xbf16>
          %mul3A_512 = arith.mulf %bitcast3A_507, %bitcast3A_511 : vector<32xbf16>
          %add3A_513 = arith.addf %mul3A_503, %mul3A_512 : vector<32xbf16>
          %get3A_514 = arith.index_cast %add3A_494 : i32 to index
          %get3A_515 = arith.constant 32 : index
          %get3A_516 = tpu.vector_load %arg8[%get3A_514, %get3A_515] {strides = array<i32>} : memref<80x64xi32, #tpu.memory_space<vmem>>, vector<16xi32>,
          %bitcast3A_517 = vector.bitcast %get3A_516 : vector<16xi32> to vector<32xbf16>
          %get3A_518 = arith.index_cast %add3A_494 : i32 to index
          %get3A_519 = arith.constant 32 : index
          %get3A_520 = tpu.vector_load %arg9[%get3A_518, %get3A_519] {strides = array<i32>} : memref<80x64xi32, #tpu.memory_space<vmem>>, vector<16xi32>,
          %bitcast3A_521 = vector.bitcast %get3A_520 : vector<16xi32> to vector<32xbf16>
          %mul3A_522 = arith.mulf %bitcast3A_517, %bitcast3A_521 : vector<32xbf16>
          %add3A_523 = arith.addf %add3A_513, %mul3A_522 : vector<32xbf16>
          %get3A_524 = arith.index_cast %add3A_494 : i32 to index
          %get3A_525 = arith.constant 48 : index
          %get3A_526 = tpu.vector_load %arg8[%get3A_524, %get3A_525] {strides = array<i32>} : memref<80x64xi32, #tpu.memory_space<vmem>>, vector<16xi32>,
          %bitcast3A_527 = vector.bitcast %get3A_526 : vector<16xi32> to vector<32xbf16>
          %get3A_528 = arith.index_cast %add3A_494 : i32 to index
          %get3A_529 = arith.constant 48 : index
          %get3A_530 = tpu.vector_load %arg9[%get3A_528, %get3A_529] {strides = array<i32>} : memref<80x64xi32, #tpu.memory_space<vmem>>, vector<16xi32>,
          %bitcast3A_531 = vector.bitcast %get3A_530 : vector<16xi32> to vector<32xbf16>
          %mul3A_532 = arith.mulf %bitcast3A_527, %bitcast3A_531 : vector<32xbf16>
          %add3A_533 = arith.addf %add3A_523, %mul3A_532 : vector<32xbf16>
          %unpack3A_534 = tpu.unpack_subelements %add3A_533, 0 {pack_format = #tpu.pack_format<interleaved>} : vector<32xbf16> -> vector<16xf32>
          %unpack3A_535 = tpu.unpack_subelements %add3A_533, 1 {pack_format = #tpu.pack_format<interleaved>} : vector<32xbf16> -> vector<16xf32>
          %add3A_536 = arith.addf %unpack3A_534, %unpack3A_535 : vector<16xf32>
          %mul3A_537 = arith.constant 2 : i32
          %mul3A_538 = arith.muli %scan3A_436, %mul3A_537 : i32
          %add3A_539 = arith.constant 1 : i32
          %add3A_540 = arith.addi %mul3A_538, %add3A_539 : i32
          %swap3A_541 = arith.index_cast %add3A_540 : i32 to index
          %swap3A_542 = arith.constant 0 : index
          %swap3A_543 = tpu.vector_load %arg12[%swap3A_541, %swap3A_542] {strides = array<i32>} : memref<16x17xf32, #tpu.memory_space<vmem>>, vector<16xf32>,
          tpu.vector_store %arg12[%swap3A_541, %swap3A_542], %add3A_536 {strides = array<i32>} : memref<16x17xf32, #tpu.memory_space<vmem>>, vector<16xf32>,
        }
        %scan3A_129 = arith.constant 8 : i32
        %broadcast_in_dim3A_130 = arith.constant 0.000000e+00 : f32
        %broadcast_in_dim3A_131 = vector.broadcast %broadcast_in_dim3A_130 : f32 to vector<16xf32>
        %broadcast_in_dim3A_132 = arith.constant 0 : i32
        %broadcast_in_dim3A_133 = vector.broadcast %broadcast_in_dim3A_132 : i32 to vector<16xi32>
        %gather3A_134 = tpu.vector_load_idx %arg12[%iota3A, %broadcast_in_dim3A_133] : memref<16x17xf32, #tpu.memory_space<vmem>>[vector<16xi32>, vector<16xi32>], vector<16xf32>,
        %add3A_135 = arith.addf %broadcast_in_dim3A_131, %gather3A_134 : vector<16xf32>
        %broadcast_in_dim3A_136 = arith.constant 1 : i32
        %broadcast_in_dim3A_137 = vector.broadcast %broadcast_in_dim3A_136 : i32 to vector<16xi32>
        %gather3A_138 = tpu.vector_load_idx %arg12[%iota3A, %broadcast_in_dim3A_137] : memref<16x17xf32, #tpu.memory_space<vmem>>[vector<16xi32>, vector<16xi32>], vector<16xf32>,
        %add3A_139 = arith.addf %add3A_135, %gather3A_138 : vector<16xf32>
        %broadcast_in_dim3A_140 = arith.constant 2 : i32
        %broadcast_in_dim3A_141 = vector.broadcast %broadcast_in_dim3A_140 : i32 to vector<16xi32>
        %gather3A_142 = tpu.vector_load_idx %arg12[%iota3A, %broadcast_in_dim3A_141] : memref<16x17xf32, #tpu.memory_space<vmem>>[vector<16xi32>, vector<16xi32>], vector<16xf32>,
        %add3A_143 = arith.addf %add3A_139, %gather3A_142 : vector<16xf32>
        %broadcast_in_dim3A_144 = arith.constant 3 : i32
        %broadcast_in_dim3A_145 = vector.broadcast %broadcast_in_dim3A_144 : i32 to vector<16xi32>
        %gather3A_146 = tpu.vector_load_idx %arg12[%iota3A, %broadcast_in_dim3A_145] : memref<16x17xf32, #tpu.memory_space<vmem>>[vector<16xi32>, vector<16xi32>], vector<16xf32>,
        %add3A_147 = arith.addf %add3A_143, %gather3A_146 : vector<16xf32>
        %broadcast_in_dim3A_148 = arith.constant 4 : i32
        %broadcast_in_dim3A_149 = vector.broadcast %broadcast_in_dim3A_148 : i32 to vector<16xi32>
        %gather3A_150 = tpu.vector_load_idx %arg12[%iota3A, %broadcast_in_dim3A_149] : memref<16x17xf32, #tpu.memory_space<vmem>>[vector<16xi32>, vector<16xi32>], vector<16xf32>,
        %add3A_151 = arith.addf %add3A_147, %gather3A_150 : vector<16xf32>
        %broadcast_in_dim3A_152 = arith.constant 5 : i32
        %broadcast_in_dim3A_153 = vector.broadcast %broadcast_in_dim3A_152 : i32 to vector<16xi32>
        %gather3A_154 = tpu.vector_load_idx %arg12[%iota3A, %broadcast_in_dim3A_153] : memref<16x17xf32, #tpu.memory_space<vmem>>[vector<16xi32>, vector<16xi32>], vector<16xf32>,
        %add3A_155 = arith.addf %add3A_151, %gather3A_154 : vector<16xf32>
        %broadcast_in_dim3A_156 = arith.constant 6 : i32
        %broadcast_in_dim3A_157 = vector.broadcast %broadcast_in_dim3A_156 : i32 to vector<16xi32>
        %gather3A_158 = tpu.vector_load_idx %arg12[%iota3A, %broadcast_in_dim3A_157] : memref<16x17xf32, #tpu.memory_space<vmem>>[vector<16xi32>, vector<16xi32>], vector<16xf32>,
        %add3A_159 = arith.addf %add3A_155, %gather3A_158 : vector<16xf32>
        %broadcast_in_dim3A_160 = arith.constant 7 : i32
        %broadcast_in_dim3A_161 = vector.broadcast %broadcast_in_dim3A_160 : i32 to vector<16xi32>
        %gather3A_162 = tpu.vector_load_idx %arg12[%iota3A, %broadcast_in_dim3A_161] : memref<16x17xf32, #tpu.memory_space<vmem>>[vector<16xi32>, vector<16xi32>], vector<16xf32>,
        %add3A_163 = arith.addf %add3A_159, %gather3A_162 : vector<16xf32>
        %broadcast_in_dim3A_164 = arith.constant 8 : i32
        %broadcast_in_dim3A_165 = vector.broadcast %broadcast_in_dim3A_164 : i32 to vector<16xi32>
        %gather3A_166 = tpu.vector_load_idx %arg12[%iota3A, %broadcast_in_dim3A_165] : memref<16x17xf32, #tpu.memory_space<vmem>>[vector<16xi32>, vector<16xi32>], vector<16xf32>,
        %add3A_167 = arith.addf %add3A_163, %gather3A_166 : vector<16xf32>
        %broadcast_in_dim3A_168 = arith.constant 9 : i32
        %broadcast_in_dim3A_169 = vector.broadcast %broadcast_in_dim3A_168 : i32 to vector<16xi32>
        %gather3A_170 = tpu.vector_load_idx %arg12[%iota3A, %broadcast_in_dim3A_169] : memref<16x17xf32, #tpu.memory_space<vmem>>[vector<16xi32>, vector<16xi32>], vector<16xf32>,
        %add3A_171 = arith.addf %add3A_167, %gather3A_170 : vector<16xf32>
        %broadcast_in_dim3A_172 = arith.constant 10 : i32
        %broadcast_in_dim3A_173 = vector.broadcast %broadcast_in_dim3A_172 : i32 to vector<16xi32>
        %gather3A_174 = tpu.vector_load_idx %arg12[%iota3A, %broadcast_in_dim3A_173] : memref<16x17xf32, #tpu.memory_space<vmem>>[vector<16xi32>, vector<16xi32>], vector<16xf32>,
        %add3A_175 = arith.addf %add3A_171, %gather3A_174 : vector<16xf32>
        %broadcast_in_dim3A_176 = arith.constant 11 : i32
        %broadcast_in_dim3A_177 = vector.broadcast %broadcast_in_dim3A_176 : i32 to vector<16xi32>
        %gather3A_178 = tpu.vector_load_idx %arg12[%iota3A, %broadcast_in_dim3A_177] : memref<16x17xf32, #tpu.memory_space<vmem>>[vector<16xi32>, vector<16xi32>], vector<16xf32>,
        %add3A_179 = arith.addf %add3A_175, %gather3A_178 : vector<16xf32>
        %broadcast_in_dim3A_180 = arith.constant 12 : i32
        %broadcast_in_dim3A_181 = vector.broadcast %broadcast_in_dim3A_180 : i32 to vector<16xi32>
        %gather3A_182 = tpu.vector_load_idx %arg12[%iota3A, %broadcast_in_dim3A_181] : memref<16x17xf32, #tpu.memory_space<vmem>>[vector<16xi32>, vector<16xi32>], vector<16xf32>,
        %add3A_183 = arith.addf %add3A_179, %gather3A_182 : vector<16xf32>
        %broadcast_in_dim3A_184 = arith.constant 13 : i32
        %broadcast_in_dim3A_185 = vector.broadcast %broadcast_in_dim3A_184 : i32 to vector<16xi32>
        %gather3A_186 = tpu.vector_load_idx %arg12[%iota3A, %broadcast_in_dim3A_185] : memref<16x17xf32, #tpu.memory_space<vmem>>[vector<16xi32>, vector<16xi32>], vector<16xf32>,
        %add3A_187 = arith.addf %add3A_183, %gather3A_186 : vector<16xf32>
        %broadcast_in_dim3A_188 = arith.constant 14 : i32
        %broadcast_in_dim3A_189 = vector.broadcast %broadcast_in_dim3A_188 : i32 to vector<16xi32>
        %gather3A_190 = tpu.vector_load_idx %arg12[%iota3A, %broadcast_in_dim3A_189] : memref<16x17xf32, #tpu.memory_space<vmem>>[vector<16xi32>, vector<16xi32>], vector<16xf32>,
        %add3A_191 = arith.addf %add3A_187, %gather3A_190 : vector<16xf32>
        %broadcast_in_dim3A_192 = arith.constant 15 : i32
        %broadcast_in_dim3A_193 = vector.broadcast %broadcast_in_dim3A_192 : i32 to vector<16xi32>
        %gather3A_194 = tpu.vector_load_idx %arg12[%iota3A, %broadcast_in_dim3A_193] : memref<16x17xf32, #tpu.memory_space<vmem>>[vector<16xi32>, vector<16xi32>], vector<16xf32>,
        %add3A_195 = arith.addf %add3A_191, %gather3A_194 : vector<16xf32>
        %mul3A_196 = arith.constant 80 : i32
        %mul3A_197 = arith.muli %scan3A_21, %mul3A_196 : i32
        %add3A_198 = arith.constant 16 : i32
        %add3A_199 = arith.addi %mul3A_197, %add3A_198 : i32
        %swap3A_200 = arith.index_cast %add3A_199 : i32 to index
        %swap3A_201 = tpu.vector_load %arg13[%swap3A_200] {strides = array<i32>} : memref<10000xf32, #tpu.memory_space<vmem>>, vector<16xf32>,
        tpu.vector_store %arg13[%swap3A_200], %add3A_195 {strides = array<i32>} : memref<10000xf32, #tpu.memory_space<vmem>>, vector<16xf32>,
        %scan3A_202 = arith.constant 0 : i32
        %scan3A_203 = arith.constant 0 : i32
        %scan3A_204 = arith.constant 8 : i32
        %scan3A_205 = arith.addi %scan3A_203, %scan3A_204 : i32
        %scan3A_206 = arith.constant 1 : i32
        scf.for %scan3A_436 = %scan3A_203 to %scan3A_205 step %scan3A_206  : i32 {
          %mul3A_437 = arith.constant 2 : i32
          %mul3A_438 = arith.muli %scan3A_436, %mul3A_437 : i32
          %add3A_439 = arith.constant 32 : i32
          %add3A_440 = arith.addi %add3A_439, %mul3A_438 : i32
          %add3A_441 = arith.constant 0 : i32
          %add3A_442 = arith.addi %add3A_440, %add3A_441 : i32
          %get3A = arith.index_cast %add3A_442 : i32 to index
          %get3A_443 = arith.constant 0 : index
          %get3A_444 = tpu.vector_load %arg8[%get3A, %get3A_443] {strides = array<i32>} : memref<80x64xi32, #tpu.memory_space<vmem>>, vector<16xi32>,
          %bitcast3A = vector.bitcast %get3A_444 : vector<16xi32> to vector<32xbf16>
          %get3A_445 = arith.index_cast %add3A_442 : i32 to index
          %get3A_446 = arith.constant 0 : index
          %get3A_447 = tpu.vector_load %arg9[%get3A_445, %get3A_446] {strides = array<i32>} : memref<80x64xi32, #tpu.memory_space<vmem>>, vector<16xi32>,
          %bitcast3A_448 = vector.bitcast %get3A_447 : vector<16xi32> to vector<32xbf16>
          %mul3A_449 = arith.mulf %bitcast3A, %bitcast3A_448 : vector<32xbf16>
          %get3A_450 = arith.index_cast %add3A_442 : i32 to index
          %get3A_451 = arith.constant 16 : index
          %get3A_452 = tpu.vector_load %arg8[%get3A_450, %get3A_451] {strides = array<i32>} : memref<80x64xi32, #tpu.memory_space<vmem>>, vector<16xi32>,
          %bitcast3A_453 = vector.bitcast %get3A_452 : vector<16xi32> to vector<32xbf16>
          %get3A_454 = arith.index_cast %add3A_442 : i32 to index
          %get3A_455 = arith.constant 16 : index
          %get3A_456 = tpu.vector_load %arg9[%get3A_454, %get3A_455] {strides = array<i32>} : memref<80x64xi32, #tpu.memory_space<vmem>>, vector<16xi32>,
          %bitcast3A_457 = vector.bitcast %get3A_456 : vector<16xi32> to vector<32xbf16>
          %mul3A_458 = arith.mulf %bitcast3A_453, %bitcast3A_457 : vector<32xbf16>
          %add3A_459 = arith.addf %mul3A_449, %mul3A_458 : vector<32xbf16>
          %get3A_460 = arith.index_cast %add3A_442 : i32 to index
          %get3A_461 = arith.constant 32 : index
          %get3A_462 = tpu.vector_load %arg8[%get3A_460, %get3A_461] {strides = array<i32>} : memref<80x64xi32, #tpu.memory_space<vmem>>, vector<16xi32>,
          %bitcast3A_463 = vector.bitcast %get3A_462 : vector<16xi32> to vector<32xbf16>
          %get3A_464 = arith.index_cast %add3A_442 : i32 to index
          %get3A_465 = arith.constant 32 : index
          %get3A_466 = tpu.vector_load %arg9[%get3A_464, %get3A_465] {strides = array<i32>} : memref<80x64xi32, #tpu.memory_space<vmem>>, vector<16xi32>,
          %bitcast3A_467 = vector.bitcast %get3A_466 : vector<16xi32> to vector<32xbf16>
          %mul3A_468 = arith.mulf %bitcast3A_463, %bitcast3A_467 : vector<32xbf16>
          %add3A_469 = arith.addf %add3A_459, %mul3A_468 : vector<32xbf16>
          %get3A_470 = arith.index_cast %add3A_442 : i32 to index
          %get3A_471 = arith.constant 48 : index
          %get3A_472 = tpu.vector_load %arg8[%get3A_470, %get3A_471] {strides = array<i32>} : memref<80x64xi32, #tpu.memory_space<vmem>>, vector<16xi32>,
          %bitcast3A_473 = vector.bitcast %get3A_472 : vector<16xi32> to vector<32xbf16>
          %get3A_474 = arith.index_cast %add3A_442 : i32 to index
          %get3A_475 = arith.constant 48 : index
          %get3A_476 = tpu.vector_load %arg9[%get3A_474, %get3A_475] {strides = array<i32>} : memref<80x64xi32, #tpu.memory_space<vmem>>, vector<16xi32>,
          %bitcast3A_477 = vector.bitcast %get3A_476 : vector<16xi32> to vector<32xbf16>
          %mul3A_478 = arith.mulf %bitcast3A_473, %bitcast3A_477 : vector<32xbf16>
          %add3A_479 = arith.addf %add3A_469, %mul3A_478 : vector<32xbf16>
          %unpack3A = tpu.unpack_subelements %add3A_479, 0 {pack_format = #tpu.pack_format<interleaved>} : vector<32xbf16> -> vector<16xf32>
          %unpack3A_480 = tpu.unpack_subelements %add3A_479, 1 {pack_format = #tpu.pack_format<interleaved>} : vector<32xbf16> -> vector<16xf32>
          %add3A_481 = arith.addf %unpack3A, %unpack3A_480 : vector<16xf32>
          %mul3A_482 = arith.constant 2 : i32
          %mul3A_483 = arith.muli %scan3A_436, %mul3A_482 : i32
          %add3A_484 = arith.constant 0 : i32
          %add3A_485 = arith.addi %mul3A_483, %add3A_484 : i32
          %swap3A_486 = arith.index_cast %add3A_485 : i32 to index
          %swap3A_487 = arith.constant 0 : index
          %swap3A_488 = tpu.vector_load %arg12[%swap3A_486, %swap3A_487] {strides = array<i32>} : memref<16x17xf32, #tpu.memory_space<vmem>>, vector<16xf32>,
          tpu.vector_store %arg12[%swap3A_486, %swap3A_487], %add3A_481 {strides = array<i32>} : memref<16x17xf32, #tpu.memory_space<vmem>>, vector<16xf32>,
          %mul3A_489 = arith.constant 2 : i32
          %mul3A_490 = arith.muli %scan3A_436, %mul3A_489 : i32
          %add3A_491 = arith.constant 32 : i32
          %add3A_492 = arith.addi %add3A_491, %mul3A_490 : i32
          %add3A_493 = arith.constant 1 : i32
          %add3A_494 = arith.addi %add3A_492, %add3A_493 : i32
          %get3A_495 = arith.index_cast %add3A_494 : i32 to index
          %get3A_496 = arith.constant 0 : index
          %get3A_497 = tpu.vector_load %arg8[%get3A_495, %get3A_496] {strides = array<i32>} : memref<80x64xi32, #tpu.memory_space<vmem>>, vector<16xi32>,
          %bitcast3A_498 = vector.bitcast %get3A_497 : vector<16xi32> to vector<32xbf16>
          %get3A_499 = arith.index_cast %add3A_494 : i32 to index
          %get3A_500 = arith.constant 0 : index
          %get3A_501 = tpu.vector_load %arg9[%get3A_499, %get3A_500] {strides = array<i32>} : memref<80x64xi32, #tpu.memory_space<vmem>>, vector<16xi32>,
          %bitcast3A_502 = vector.bitcast %get3A_501 : vector<16xi32> to vector<32xbf16>
          %mul3A_503 = arith.mulf %bitcast3A_498, %bitcast3A_502 : vector<32xbf16>
          %get3A_504 = arith.index_cast %add3A_494 : i32 to index
          %get3A_505 = arith.constant 16 : index
          %get3A_506 = tpu.vector_load %arg8[%get3A_504, %get3A_505] {strides = array<i32>} : memref<80x64xi32, #tpu.memory_space<vmem>>, vector<16xi32>,
          %bitcast3A_507 = vector.bitcast %get3A_506 : vector<16xi32> to vector<32xbf16>
          %get3A_508 = arith.index_cast %add3A_494 : i32 to index
          %get3A_509 = arith.constant 16 : index
          %get3A_510 = tpu.vector_load %arg9[%get3A_508, %get3A_509] {strides = array<i32>} : memref<80x64xi32, #tpu.memory_space<vmem>>, vector<16xi32>,
          %bitcast3A_511 = vector.bitcast %get3A_510 : vector<16xi32> to vector<32xbf16>
          %mul3A_512 = arith.mulf %bitcast3A_507, %bitcast3A_511 : vector<32xbf16>
          %add3A_513 = arith.addf %mul3A_503, %mul3A_512 : vector<32xbf16>
          %get3A_514 = arith.index_cast %add3A_494 : i32 to index
          %get3A_515 = arith.constant 32 : index
          %get3A_516 = tpu.vector_load %arg8[%get3A_514, %get3A_515] {strides = array<i32>} : memref<80x64xi32, #tpu.memory_space<vmem>>, vector<16xi32>,
          %bitcast3A_517 = vector.bitcast %get3A_516 : vector<16xi32> to vector<32xbf16>
          %get3A_518 = arith.index_cast %add3A_494 : i32 to index
          %get3A_519 = arith.constant 32 : index
          %get3A_520 = tpu.vector_load %arg9[%get3A_518, %get3A_519] {strides = array<i32>} : memref<80x64xi32, #tpu.memory_space<vmem>>, vector<16xi32>,
          %bitcast3A_521 = vector.bitcast %get3A_520 : vector<16xi32> to vector<32xbf16>
          %mul3A_522 = arith.mulf %bitcast3A_517, %bitcast3A_521 : vector<32xbf16>
          %add3A_523 = arith.addf %add3A_513, %mul3A_522 : vector<32xbf16>
          %get3A_524 = arith.index_cast %add3A_494 : i32 to index
          %get3A_525 = arith.constant 48 : index
          %get3A_526 = tpu.vector_load %arg8[%get3A_524, %get3A_525] {strides = array<i32>} : memref<80x64xi32, #tpu.memory_space<vmem>>, vector<16xi32>,
          %bitcast3A_527 = vector.bitcast %get3A_526 : vector<16xi32> to vector<32xbf16>
          %get3A_528 = arith.index_cast %add3A_494 : i32 to index
          %get3A_529 = arith.constant 48 : index
          %get3A_530 = tpu.vector_load %arg9[%get3A_528, %get3A_529] {strides = array<i32>} : memref<80x64xi32, #tpu.memory_space<vmem>>, vector<16xi32>,
          %bitcast3A_531 = vector.bitcast %get3A_530 : vector<16xi32> to vector<32xbf16>
          %mul3A_532 = arith.mulf %bitcast3A_527, %bitcast3A_531 : vector<32xbf16>
          %add3A_533 = arith.addf %add3A_523, %mul3A_532 : vector<32xbf16>
          %unpack3A_534 = tpu.unpack_subelements %add3A_533, 0 {pack_format = #tpu.pack_format<interleaved>} : vector<32xbf16> -> vector<16xf32>
          %unpack3A_535 = tpu.unpack_subelements %add3A_533, 1 {pack_format = #tpu.pack_format<interleaved>} : vector<32xbf16> -> vector<16xf32>
          %add3A_536 = arith.addf %unpack3A_534, %unpack3A_535 : vector<16xf32>
          %mul3A_537 = arith.constant 2 : i32
          %mul3A_538 = arith.muli %scan3A_436, %mul3A_537 : i32
          %add3A_539 = arith.constant 1 : i32
          %add3A_540 = arith.addi %mul3A_538, %add3A_539 : i32
          %swap3A_541 = arith.index_cast %add3A_540 : i32 to index
          %swap3A_542 = arith.constant 0 : index
          %swap3A_543 = tpu.vector_load %arg12[%swap3A_541, %swap3A_542] {strides = array<i32>} : memref<16x17xf32, #tpu.memory_space<vmem>>, vector<16xf32>,
          tpu.vector_store %arg12[%swap3A_541, %swap3A_542], %add3A_536 {strides = array<i32>} : memref<16x17xf32, #tpu.memory_space<vmem>>, vector<16xf32>,
        }
        %scan3A_207 = arith.constant 8 : i32
        %broadcast_in_dim3A_208 = arith.constant 0.000000e+00 : f32
        %broadcast_in_dim3A_209 = vector.broadcast %broadcast_in_dim3A_208 : f32 to vector<16xf32>
        %broadcast_in_dim3A_210 = arith.constant 0 : i32
        %broadcast_in_dim3A_211 = vector.broadcast %broadcast_in_dim3A_210 : i32 to vector<16xi32>
        %gather3A_212 = tpu.vector_load_idx %arg12[%iota3A, %broadcast_in_dim3A_211] : memref<16x17xf32, #tpu.memory_space<vmem>>[vector<16xi32>, vector<16xi32>], vector<16xf32>,
        %add3A_213 = arith.addf %broadcast_in_dim3A_209, %gather3A_212 : vector<16xf32>
        %broadcast_in_dim3A_214 = arith.constant 1 : i32
        %broadcast_in_dim3A_215 = vector.broadcast %broadcast_in_dim3A_214 : i32 to vector<16xi32>
        %gather3A_216 = tpu.vector_load_idx %arg12[%iota3A, %broadcast_in_dim3A_215] : memref<16x17xf32, #tpu.memory_space<vmem>>[vector<16xi32>, vector<16xi32>], vector<16xf32>,
        %add3A_217 = arith.addf %add3A_213, %gather3A_216 : vector<16xf32>
        %broadcast_in_dim3A_218 = arith.constant 2 : i32
        %broadcast_in_dim3A_219 = vector.broadcast %broadcast_in_dim3A_218 : i32 to vector<16xi32>
        %gather3A_220 = tpu.vector_load_idx %arg12[%iota3A, %broadcast_in_dim3A_219] : memref<16x17xf32, #tpu.memory_space<vmem>>[vector<16xi32>, vector<16xi32>], vector<16xf32>,
        %add3A_221 = arith.addf %add3A_217, %gather3A_220 : vector<16xf32>
        %broadcast_in_dim3A_222 = arith.constant 3 : i32
        %broadcast_in_dim3A_223 = vector.broadcast %broadcast_in_dim3A_222 : i32 to vector<16xi32>
        %gather3A_224 = tpu.vector_load_idx %arg12[%iota3A, %broadcast_in_dim3A_223] : memref<16x17xf32, #tpu.memory_space<vmem>>[vector<16xi32>, vector<16xi32>], vector<16xf32>,
        %add3A_225 = arith.addf %add3A_221, %gather3A_224 : vector<16xf32>
        %broadcast_in_dim3A_226 = arith.constant 4 : i32
        %broadcast_in_dim3A_227 = vector.broadcast %broadcast_in_dim3A_226 : i32 to vector<16xi32>
        %gather3A_228 = tpu.vector_load_idx %arg12[%iota3A, %broadcast_in_dim3A_227] : memref<16x17xf32, #tpu.memory_space<vmem>>[vector<16xi32>, vector<16xi32>], vector<16xf32>,
        %add3A_229 = arith.addf %add3A_225, %gather3A_228 : vector<16xf32>
        %broadcast_in_dim3A_230 = arith.constant 5 : i32
        %broadcast_in_dim3A_231 = vector.broadcast %broadcast_in_dim3A_230 : i32 to vector<16xi32>
        %gather3A_232 = tpu.vector_load_idx %arg12[%iota3A, %broadcast_in_dim3A_231] : memref<16x17xf32, #tpu.memory_space<vmem>>[vector<16xi32>, vector<16xi32>], vector<16xf32>,
        %add3A_233 = arith.addf %add3A_229, %gather3A_232 : vector<16xf32>
        %broadcast_in_dim3A_234 = arith.constant 6 : i32
        %broadcast_in_dim3A_235 = vector.broadcast %broadcast_in_dim3A_234 : i32 to vector<16xi32>
        %gather3A_236 = tpu.vector_load_idx %arg12[%iota3A, %broadcast_in_dim3A_235] : memref<16x17xf32, #tpu.memory_space<vmem>>[vector<16xi32>, vector<16xi32>], vector<16xf32>,
        %add3A_237 = arith.addf %add3A_233, %gather3A_236 : vector<16xf32>
        %broadcast_in_dim3A_238 = arith.constant 7 : i32
        %broadcast_in_dim3A_239 = vector.broadcast %broadcast_in_dim3A_238 : i32 to vector<16xi32>
        %gather3A_240 = tpu.vector_load_idx %arg12[%iota3A, %broadcast_in_dim3A_239] : memref<16x17xf32, #tpu.memory_space<vmem>>[vector<16xi32>, vector<16xi32>], vector<16xf32>,
        %add3A_241 = arith.addf %add3A_237, %gather3A_240 : vector<16xf32>
        %broadcast_in_dim3A_242 = arith.constant 8 : i32
        %broadcast_in_dim3A_243 = vector.broadcast %broadcast_in_dim3A_242 : i32 to vector<16xi32>
        %gather3A_244 = tpu.vector_load_idx %arg12[%iota3A, %broadcast_in_dim3A_243] : memref<16x17xf32, #tpu.memory_space<vmem>>[vector<16xi32>, vector<16xi32>], vector<16xf32>,
        %add3A_245 = arith.addf %add3A_241, %gather3A_244 : vector<16xf32>
        %broadcast_in_dim3A_246 = arith.constant 9 : i32
        %broadcast_in_dim3A_247 = vector.broadcast %broadcast_in_dim3A_246 : i32 to vector<16xi32>
        %gather3A_248 = tpu.vector_load_idx %arg12[%iota3A, %broadcast_in_dim3A_247] : memref<16x17xf32, #tpu.memory_space<vmem>>[vector<16xi32>, vector<16xi32>], vector<16xf32>,
        %add3A_249 = arith.addf %add3A_245, %gather3A_248 : vector<16xf32>
        %broadcast_in_dim3A_250 = arith.constant 10 : i32
        %broadcast_in_dim3A_251 = vector.broadcast %broadcast_in_dim3A_250 : i32 to vector<16xi32>
        %gather3A_252 = tpu.vector_load_idx %arg12[%iota3A, %broadcast_in_dim3A_251] : memref<16x17xf32, #tpu.memory_space<vmem>>[vector<16xi32>, vector<16xi32>], vector<16xf32>,
        %add3A_253 = arith.addf %add3A_249, %gather3A_252 : vector<16xf32>
        %broadcast_in_dim3A_254 = arith.constant 11 : i32
        %broadcast_in_dim3A_255 = vector.broadcast %broadcast_in_dim3A_254 : i32 to vector<16xi32>
        %gather3A_256 = tpu.vector_load_idx %arg12[%iota3A, %broadcast_in_dim3A_255] : memref<16x17xf32, #tpu.memory_space<vmem>>[vector<16xi32>, vector<16xi32>], vector<16xf32>,
        %add3A_257 = arith.addf %add3A_253, %gather3A_256 : vector<16xf32>
        %broadcast_in_dim3A_258 = arith.constant 12 : i32
        %broadcast_in_dim3A_259 = vector.broadcast %broadcast_in_dim3A_258 : i32 to vector<16xi32>
        %gather3A_260 = tpu.vector_load_idx %arg12[%iota3A, %broadcast_in_dim3A_259] : memref<16x17xf32, #tpu.memory_space<vmem>>[vector<16xi32>, vector<16xi32>], vector<16xf32>,
        %add3A_261 = arith.addf %add3A_257, %gather3A_260 : vector<16xf32>
        %broadcast_in_dim3A_262 = arith.constant 13 : i32
        %broadcast_in_dim3A_263 = vector.broadcast %broadcast_in_dim3A_262 : i32 to vector<16xi32>
        %gather3A_264 = tpu.vector_load_idx %arg12[%iota3A, %broadcast_in_dim3A_263] : memref<16x17xf32, #tpu.memory_space<vmem>>[vector<16xi32>, vector<16xi32>], vector<16xf32>,
        %add3A_265 = arith.addf %add3A_261, %gather3A_264 : vector<16xf32>
        %broadcast_in_dim3A_266 = arith.constant 14 : i32
        %broadcast_in_dim3A_267 = vector.broadcast %broadcast_in_dim3A_266 : i32 to vector<16xi32>
        %gather3A_268 = tpu.vector_load_idx %arg12[%iota3A, %broadcast_in_dim3A_267] : memref<16x17xf32, #tpu.memory_space<vmem>>[vector<16xi32>, vector<16xi32>], vector<16xf32>,
        %add3A_269 = arith.addf %add3A_265, %gather3A_268 : vector<16xf32>
        %broadcast_in_dim3A_270 = arith.constant 15 : i32
        %broadcast_in_dim3A_271 = vector.broadcast %broadcast_in_dim3A_270 : i32 to vector<16xi32>
        %gather3A_272 = tpu.vector_load_idx %arg12[%iota3A, %broadcast_in_dim3A_271] : memref<16x17xf32, #tpu.memory_space<vmem>>[vector<16xi32>, vector<16xi32>], vector<16xf32>,
        %add3A_273 = arith.addf %add3A_269, %gather3A_272 : vector<16xf32>
        %mul3A_274 = arith.constant 80 : i32
        %mul3A_275 = arith.muli %scan3A_21, %mul3A_274 : i32
        %add3A_276 = arith.constant 32 : i32
        %add3A_277 = arith.addi %mul3A_275, %add3A_276 : i32
        %swap3A_278 = arith.index_cast %add3A_277 : i32 to index
        %swap3A_279 = tpu.vector_load %arg13[%swap3A_278] {strides = array<i32>} : memref<10000xf32, #tpu.memory_space<vmem>>, vector<16xf32>,
        tpu.vector_store %arg13[%swap3A_278], %add3A_273 {strides = array<i32>} : memref<10000xf32, #tpu.memory_space<vmem>>, vector<16xf32>,
        %scan3A_280 = arith.constant 0 : i32
        %scan3A_281 = arith.constant 0 : i32
        %scan3A_282 = arith.constant 8 : i32
        %scan3A_283 = arith.addi %scan3A_281, %scan3A_282 : i32
        %scan3A_284 = arith.constant 1 : i32
        scf.for %scan3A_436 = %scan3A_281 to %scan3A_283 step %scan3A_284  : i32 {
          %mul3A_437 = arith.constant 2 : i32
          %mul3A_438 = arith.muli %scan3A_436, %mul3A_437 : i32
          %add3A_439 = arith.constant 48 : i32
          %add3A_440 = arith.addi %add3A_439, %mul3A_438 : i32
          %add3A_441 = arith.constant 0 : i32
          %add3A_442 = arith.addi %add3A_440, %add3A_441 : i32
          %get3A = arith.index_cast %add3A_442 : i32 to index
          %get3A_443 = arith.constant 0 : index
          %get3A_444 = tpu.vector_load %arg8[%get3A, %get3A_443] {strides = array<i32>} : memref<80x64xi32, #tpu.memory_space<vmem>>, vector<16xi32>,
          %bitcast3A = vector.bitcast %get3A_444 : vector<16xi32> to vector<32xbf16>
          %get3A_445 = arith.index_cast %add3A_442 : i32 to index
          %get3A_446 = arith.constant 0 : index
          %get3A_447 = tpu.vector_load %arg9[%get3A_445, %get3A_446] {strides = array<i32>} : memref<80x64xi32, #tpu.memory_space<vmem>>, vector<16xi32>,
          %bitcast3A_448 = vector.bitcast %get3A_447 : vector<16xi32> to vector<32xbf16>
          %mul3A_449 = arith.mulf %bitcast3A, %bitcast3A_448 : vector<32xbf16>
          %get3A_450 = arith.index_cast %add3A_442 : i32 to index
          %get3A_451 = arith.constant 16 : index
          %get3A_452 = tpu.vector_load %arg8[%get3A_450, %get3A_451] {strides = array<i32>} : memref<80x64xi32, #tpu.memory_space<vmem>>, vector<16xi32>,
          %bitcast3A_453 = vector.bitcast %get3A_452 : vector<16xi32> to vector<32xbf16>
          %get3A_454 = arith.index_cast %add3A_442 : i32 to index
          %get3A_455 = arith.constant 16 : index
          %get3A_456 = tpu.vector_load %arg9[%get3A_454, %get3A_455] {strides = array<i32>} : memref<80x64xi32, #tpu.memory_space<vmem>>, vector<16xi32>,
          %bitcast3A_457 = vector.bitcast %get3A_456 : vector<16xi32> to vector<32xbf16>
          %mul3A_458 = arith.mulf %bitcast3A_453, %bitcast3A_457 : vector<32xbf16>
          %add3A_459 = arith.addf %mul3A_449, %mul3A_458 : vector<32xbf16>
          %get3A_460 = arith.index_cast %add3A_442 : i32 to index
          %get3A_461 = arith.constant 32 : index
          %get3A_462 = tpu.vector_load %arg8[%get3A_460, %get3A_461] {strides = array<i32>} : memref<80x64xi32, #tpu.memory_space<vmem>>, vector<16xi32>,
          %bitcast3A_463 = vector.bitcast %get3A_462 : vector<16xi32> to vector<32xbf16>
          %get3A_464 = arith.index_cast %add3A_442 : i32 to index
          %get3A_465 = arith.constant 32 : index
          %get3A_466 = tpu.vector_load %arg9[%get3A_464, %get3A_465] {strides = array<i32>} : memref<80x64xi32, #tpu.memory_space<vmem>>, vector<16xi32>,
          %bitcast3A_467 = vector.bitcast %get3A_466 : vector<16xi32> to vector<32xbf16>
          %mul3A_468 = arith.mulf %bitcast3A_463, %bitcast3A_467 : vector<32xbf16>
          %add3A_469 = arith.addf %add3A_459, %mul3A_468 : vector<32xbf16>
          %get3A_470 = arith.index_cast %add3A_442 : i32 to index
          %get3A_471 = arith.constant 48 : index
          %get3A_472 = tpu.vector_load %arg8[%get3A_470, %get3A_471] {strides = array<i32>} : memref<80x64xi32, #tpu.memory_space<vmem>>, vector<16xi32>,
          %bitcast3A_473 = vector.bitcast %get3A_472 : vector<16xi32> to vector<32xbf16>
          %get3A_474 = arith.index_cast %add3A_442 : i32 to index
          %get3A_475 = arith.constant 48 : index
          %get3A_476 = tpu.vector_load %arg9[%get3A_474, %get3A_475] {strides = array<i32>} : memref<80x64xi32, #tpu.memory_space<vmem>>, vector<16xi32>,
          %bitcast3A_477 = vector.bitcast %get3A_476 : vector<16xi32> to vector<32xbf16>
          %mul3A_478 = arith.mulf %bitcast3A_473, %bitcast3A_477 : vector<32xbf16>
          %add3A_479 = arith.addf %add3A_469, %mul3A_478 : vector<32xbf16>
          %unpack3A = tpu.unpack_subelements %add3A_479, 0 {pack_format = #tpu.pack_format<interleaved>} : vector<32xbf16> -> vector<16xf32>
          %unpack3A_480 = tpu.unpack_subelements %add3A_479, 1 {pack_format = #tpu.pack_format<interleaved>} : vector<32xbf16> -> vector<16xf32>
          %add3A_481 = arith.addf %unpack3A, %unpack3A_480 : vector<16xf32>
          %mul3A_482 = arith.constant 2 : i32
          %mul3A_483 = arith.muli %scan3A_436, %mul3A_482 : i32
          %add3A_484 = arith.constant 0 : i32
          %add3A_485 = arith.addi %mul3A_483, %add3A_484 : i32
          %swap3A_486 = arith.index_cast %add3A_485 : i32 to index
          %swap3A_487 = arith.constant 0 : index
          %swap3A_488 = tpu.vector_load %arg12[%swap3A_486, %swap3A_487] {strides = array<i32>} : memref<16x17xf32, #tpu.memory_space<vmem>>, vector<16xf32>,
          tpu.vector_store %arg12[%swap3A_486, %swap3A_487], %add3A_481 {strides = array<i32>} : memref<16x17xf32, #tpu.memory_space<vmem>>, vector<16xf32>,
          %mul3A_489 = arith.constant 2 : i32
          %mul3A_490 = arith.muli %scan3A_436, %mul3A_489 : i32
          %add3A_491 = arith.constant 48 : i32
          %add3A_492 = arith.addi %add3A_491, %mul3A_490 : i32
          %add3A_493 = arith.constant 1 : i32
          %add3A_494 = arith.addi %add3A_492, %add3A_493 : i32
          %get3A_495 = arith.index_cast %add3A_494 : i32 to index
          %get3A_496 = arith.constant 0 : index
          %get3A_497 = tpu.vector_load %arg8[%get3A_495, %get3A_496] {strides = array<i32>} : memref<80x64xi32, #tpu.memory_space<vmem>>, vector<16xi32>,
          %bitcast3A_498 = vector.bitcast %get3A_497 : vector<16xi32> to vector<32xbf16>
          %get3A_499 = arith.index_cast %add3A_494 : i32 to index
          %get3A_500 = arith.constant 0 : index
          %get3A_501 = tpu.vector_load %arg9[%get3A_499, %get3A_500] {strides = array<i32>} : memref<80x64xi32, #tpu.memory_space<vmem>>, vector<16xi32>,
          %bitcast3A_502 = vector.bitcast %get3A_501 : vector<16xi32> to vector<32xbf16>
          %mul3A_503 = arith.mulf %bitcast3A_498, %bitcast3A_502 : vector<32xbf16>
          %get3A_504 = arith.index_cast %add3A_494 : i32 to index
          %get3A_505 = arith.constant 16 : index
          %get3A_506 = tpu.vector_load %arg8[%get3A_504, %get3A_505] {strides = array<i32>} : memref<80x64xi32, #tpu.memory_space<vmem>>, vector<16xi32>,
          %bitcast3A_507 = vector.bitcast %get3A_506 : vector<16xi32> to vector<32xbf16>
          %get3A_508 = arith.index_cast %add3A_494 : i32 to index
          %get3A_509 = arith.constant 16 : index
          %get3A_510 = tpu.vector_load %arg9[%get3A_508, %get3A_509] {strides = array<i32>} : memref<80x64xi32, #tpu.memory_space<vmem>>, vector<16xi32>,
          %bitcast3A_511 = vector.bitcast %get3A_510 : vector<16xi32> to vector<32xbf16>
          %mul3A_512 = arith.mulf %bitcast3A_507, %bitcast3A_511 : vector<32xbf16>
          %add3A_513 = arith.addf %mul3A_503, %mul3A_512 : vector<32xbf16>
          %get3A_514 = arith.index_cast %add3A_494 : i32 to index
          %get3A_515 = arith.constant 32 : index
          %get3A_516 = tpu.vector_load %arg8[%get3A_514, %get3A_515] {strides = array<i32>} : memref<80x64xi32, #tpu.memory_space<vmem>>, vector<16xi32>,
          %bitcast3A_517 = vector.bitcast %get3A_516 : vector<16xi32> to vector<32xbf16>
          %get3A_518 = arith.index_cast %add3A_494 : i32 to index
          %get3A_519 = arith.constant 32 : index
          %get3A_520 = tpu.vector_load %arg9[%get3A_518, %get3A_519] {strides = array<i32>} : memref<80x64xi32, #tpu.memory_space<vmem>>, vector<16xi32>,
          %bitcast3A_521 = vector.bitcast %get3A_520 : vector<16xi32> to vector<32xbf16>
          %mul3A_522 = arith.mulf %bitcast3A_517, %bitcast3A_521 : vector<32xbf16>
          %add3A_523 = arith.addf %add3A_513, %mul3A_522 : vector<32xbf16>
          %get3A_524 = arith.index_cast %add3A_494 : i32 to index
          %get3A_525 = arith.constant 48 : index
          %get3A_526 = tpu.vector_load %arg8[%get3A_524, %get3A_525] {strides = array<i32>} : memref<80x64xi32, #tpu.memory_space<vmem>>, vector<16xi32>,
          %bitcast3A_527 = vector.bitcast %get3A_526 : vector<16xi32> to vector<32xbf16>
          %get3A_528 = arith.index_cast %add3A_494 : i32 to index
          %get3A_529 = arith.constant 48 : index
          %get3A_530 = tpu.vector_load %arg9[%get3A_528, %get3A_529] {strides = array<i32>} : memref<80x64xi32, #tpu.memory_space<vmem>>, vector<16xi32>,
          %bitcast3A_531 = vector.bitcast %get3A_530 : vector<16xi32> to vector<32xbf16>
          %mul3A_532 = arith.mulf %bitcast3A_527, %bitcast3A_531 : vector<32xbf16>
          %add3A_533 = arith.addf %add3A_523, %mul3A_532 : vector<32xbf16>
          %unpack3A_534 = tpu.unpack_subelements %add3A_533, 0 {pack_format = #tpu.pack_format<interleaved>} : vector<32xbf16> -> vector<16xf32>
          %unpack3A_535 = tpu.unpack_subelements %add3A_533, 1 {pack_format = #tpu.pack_format<interleaved>} : vector<32xbf16> -> vector<16xf32>
          %add3A_536 = arith.addf %unpack3A_534, %unpack3A_535 : vector<16xf32>
          %mul3A_537 = arith.constant 2 : i32
          %mul3A_538 = arith.muli %scan3A_436, %mul3A_537 : i32
          %add3A_539 = arith.constant 1 : i32
          %add3A_540 = arith.addi %mul3A_538, %add3A_539 : i32
          %swap3A_541 = arith.index_cast %add3A_540 : i32 to index
          %swap3A_542 = arith.constant 0 : index
          %swap3A_543 = tpu.vector_load %arg12[%swap3A_541, %swap3A_542] {strides = array<i32>} : memref<16x17xf32, #tpu.memory_space<vmem>>, vector<16xf32>,
          tpu.vector_store %arg12[%swap3A_541, %swap3A_542], %add3A_536 {strides = array<i32>} : memref<16x17xf32, #tpu.memory_space<vmem>>, vector<16xf32>,
        }
        %scan3A_285 = arith.constant 8 : i32
        %broadcast_in_dim3A_286 = arith.constant 0.000000e+00 : f32
        %broadcast_in_dim3A_287 = vector.broadcast %broadcast_in_dim3A_286 : f32 to vector<16xf32>
        %broadcast_in_dim3A_288 = arith.constant 0 : i32
        %broadcast_in_dim3A_289 = vector.broadcast %broadcast_in_dim3A_288 : i32 to vector<16xi32>
        %gather3A_290 = tpu.vector_load_idx %arg12[%iota3A, %broadcast_in_dim3A_289] : memref<16x17xf32, #tpu.memory_space<vmem>>[vector<16xi32>, vector<16xi32>], vector<16xf32>,
        %add3A_291 = arith.addf %broadcast_in_dim3A_287, %gather3A_290 : vector<16xf32>
        %broadcast_in_dim3A_292 = arith.constant 1 : i32
        %broadcast_in_dim3A_293 = vector.broadcast %broadcast_in_dim3A_292 : i32 to vector<16xi32>
        %gather3A_294 = tpu.vector_load_idx %arg12[%iota3A, %broadcast_in_dim3A_293] : memref<16x17xf32, #tpu.memory_space<vmem>>[vector<16xi32>, vector<16xi32>], vector<16xf32>,
        %add3A_295 = arith.addf %add3A_291, %gather3A_294 : vector<16xf32>
        %broadcast_in_dim3A_296 = arith.constant 2 : i32
        %broadcast_in_dim3A_297 = vector.broadcast %broadcast_in_dim3A_296 : i32 to vector<16xi32>
        %gather3A_298 = tpu.vector_load_idx %arg12[%iota3A, %broadcast_in_dim3A_297] : memref<16x17xf32, #tpu.memory_space<vmem>>[vector<16xi32>, vector<16xi32>], vector<16xf32>,
        %add3A_299 = arith.addf %add3A_295, %gather3A_298 : vector<16xf32>
        %broadcast_in_dim3A_300 = arith.constant 3 : i32
        %broadcast_in_dim3A_301 = vector.broadcast %broadcast_in_dim3A_300 : i32 to vector<16xi32>
        %gather3A_302 = tpu.vector_load_idx %arg12[%iota3A, %broadcast_in_dim3A_301] : memref<16x17xf32, #tpu.memory_space<vmem>>[vector<16xi32>, vector<16xi32>], vector<16xf32>,
        %add3A_303 = arith.addf %add3A_299, %gather3A_302 : vector<16xf32>
        %broadcast_in_dim3A_304 = arith.constant 4 : i32
        %broadcast_in_dim3A_305 = vector.broadcast %broadcast_in_dim3A_304 : i32 to vector<16xi32>
        %gather3A_306 = tpu.vector_load_idx %arg12[%iota3A, %broadcast_in_dim3A_305] : memref<16x17xf32, #tpu.memory_space<vmem>>[vector<16xi32>, vector<16xi32>], vector<16xf32>,
        %add3A_307 = arith.addf %add3A_303, %gather3A_306 : vector<16xf32>
        %broadcast_in_dim3A_308 = arith.constant 5 : i32
        %broadcast_in_dim3A_309 = vector.broadcast %broadcast_in_dim3A_308 : i32 to vector<16xi32>
        %gather3A_310 = tpu.vector_load_idx %arg12[%iota3A, %broadcast_in_dim3A_309] : memref<16x17xf32, #tpu.memory_space<vmem>>[vector<16xi32>, vector<16xi32>], vector<16xf32>,
        %add3A_311 = arith.addf %add3A_307, %gather3A_310 : vector<16xf32>
        %broadcast_in_dim3A_312 = arith.constant 6 : i32
        %broadcast_in_dim3A_313 = vector.broadcast %broadcast_in_dim3A_312 : i32 to vector<16xi32>
        %gather3A_314 = tpu.vector_load_idx %arg12[%iota3A, %broadcast_in_dim3A_313] : memref<16x17xf32, #tpu.memory_space<vmem>>[vector<16xi32>, vector<16xi32>], vector<16xf32>,
        %add3A_315 = arith.addf %add3A_311, %gather3A_314 : vector<16xf32>
        %broadcast_in_dim3A_316 = arith.constant 7 : i32
        %broadcast_in_dim3A_317 = vector.broadcast %broadcast_in_dim3A_316 : i32 to vector<16xi32>
        %gather3A_318 = tpu.vector_load_idx %arg12[%iota3A, %broadcast_in_dim3A_317] : memref<16x17xf32, #tpu.memory_space<vmem>>[vector<16xi32>, vector<16xi32>], vector<16xf32>,
        %add3A_319 = arith.addf %add3A_315, %gather3A_318 : vector<16xf32>
        %broadcast_in_dim3A_320 = arith.constant 8 : i32
        %broadcast_in_dim3A_321 = vector.broadcast %broadcast_in_dim3A_320 : i32 to vector<16xi32>
        %gather3A_322 = tpu.vector_load_idx %arg12[%iota3A, %broadcast_in_dim3A_321] : memref<16x17xf32, #tpu.memory_space<vmem>>[vector<16xi32>, vector<16xi32>], vector<16xf32>,
        %add3A_323 = arith.addf %add3A_319, %gather3A_322 : vector<16xf32>
        %broadcast_in_dim3A_324 = arith.constant 9 : i32
        %broadcast_in_dim3A_325 = vector.broadcast %broadcast_in_dim3A_324 : i32 to vector<16xi32>
        %gather3A_326 = tpu.vector_load_idx %arg12[%iota3A, %broadcast_in_dim3A_325] : memref<16x17xf32, #tpu.memory_space<vmem>>[vector<16xi32>, vector<16xi32>], vector<16xf32>,
        %add3A_327 = arith.addf %add3A_323, %gather3A_326 : vector<16xf32>
        %broadcast_in_dim3A_328 = arith.constant 10 : i32
        %broadcast_in_dim3A_329 = vector.broadcast %broadcast_in_dim3A_328 : i32 to vector<16xi32>
        %gather3A_330 = tpu.vector_load_idx %arg12[%iota3A, %broadcast_in_dim3A_329] : memref<16x17xf32, #tpu.memory_space<vmem>>[vector<16xi32>, vector<16xi32>], vector<16xf32>,
        %add3A_331 = arith.addf %add3A_327, %gather3A_330 : vector<16xf32>
        %broadcast_in_dim3A_332 = arith.constant 11 : i32
        %broadcast_in_dim3A_333 = vector.broadcast %broadcast_in_dim3A_332 : i32 to vector<16xi32>
        %gather3A_334 = tpu.vector_load_idx %arg12[%iota3A, %broadcast_in_dim3A_333] : memref<16x17xf32, #tpu.memory_space<vmem>>[vector<16xi32>, vector<16xi32>], vector<16xf32>,
        %add3A_335 = arith.addf %add3A_331, %gather3A_334 : vector<16xf32>
        %broadcast_in_dim3A_336 = arith.constant 12 : i32
        %broadcast_in_dim3A_337 = vector.broadcast %broadcast_in_dim3A_336 : i32 to vector<16xi32>
        %gather3A_338 = tpu.vector_load_idx %arg12[%iota3A, %broadcast_in_dim3A_337] : memref<16x17xf32, #tpu.memory_space<vmem>>[vector<16xi32>, vector<16xi32>], vector<16xf32>,
        %add3A_339 = arith.addf %add3A_335, %gather3A_338 : vector<16xf32>
        %broadcast_in_dim3A_340 = arith.constant 13 : i32
        %broadcast_in_dim3A_341 = vector.broadcast %broadcast_in_dim3A_340 : i32 to vector<16xi32>
        %gather3A_342 = tpu.vector_load_idx %arg12[%iota3A, %broadcast_in_dim3A_341] : memref<16x17xf32, #tpu.memory_space<vmem>>[vector<16xi32>, vector<16xi32>], vector<16xf32>,
        %add3A_343 = arith.addf %add3A_339, %gather3A_342 : vector<16xf32>
        %broadcast_in_dim3A_344 = arith.constant 14 : i32
        %broadcast_in_dim3A_345 = vector.broadcast %broadcast_in_dim3A_344 : i32 to vector<16xi32>
        %gather3A_346 = tpu.vector_load_idx %arg12[%iota3A, %broadcast_in_dim3A_345] : memref<16x17xf32, #tpu.memory_space<vmem>>[vector<16xi32>, vector<16xi32>], vector<16xf32>,
        %add3A_347 = arith.addf %add3A_343, %gather3A_346 : vector<16xf32>
        %broadcast_in_dim3A_348 = arith.constant 15 : i32
        %broadcast_in_dim3A_349 = vector.broadcast %broadcast_in_dim3A_348 : i32 to vector<16xi32>
        %gather3A_350 = tpu.vector_load_idx %arg12[%iota3A, %broadcast_in_dim3A_349] : memref<16x17xf32, #tpu.memory_space<vmem>>[vector<16xi32>, vector<16xi32>], vector<16xf32>,
        %add3A_351 = arith.addf %add3A_347, %gather3A_350 : vector<16xf32>
        %mul3A_352 = arith.constant 80 : i32
        %mul3A_353 = arith.muli %scan3A_21, %mul3A_352 : i32
        %add3A_354 = arith.constant 48 : i32
        %add3A_355 = arith.addi %mul3A_353, %add3A_354 : i32
        %swap3A_356 = arith.index_cast %add3A_355 : i32 to index
        %swap3A_357 = tpu.vector_load %arg13[%swap3A_356] {strides = array<i32>} : memref<10000xf32, #tpu.memory_space<vmem>>, vector<16xf32>,
        tpu.vector_store %arg13[%swap3A_356], %add3A_351 {strides = array<i32>} : memref<10000xf32, #tpu.memory_space<vmem>>, vector<16xf32>,
        %scan3A_358 = arith.constant 0 : i32
        %scan3A_359 = arith.constant 0 : i32
        %scan3A_360 = arith.constant 8 : i32
        %scan3A_361 = arith.addi %scan3A_359, %scan3A_360 : i32
        %scan3A_362 = arith.constant 1 : i32
        scf.for %scan3A_436 = %scan3A_359 to %scan3A_361 step %scan3A_362  : i32 {
          %mul3A_437 = arith.constant 2 : i32
          %mul3A_438 = arith.muli %scan3A_436, %mul3A_437 : i32
          %add3A_439 = arith.constant 64 : i32
          %add3A_440 = arith.addi %add3A_439, %mul3A_438 : i32
          %add3A_441 = arith.constant 0 : i32
          %add3A_442 = arith.addi %add3A_440, %add3A_441 : i32
          %get3A = arith.index_cast %add3A_442 : i32 to index
          %get3A_443 = arith.constant 0 : index
          %get3A_444 = tpu.vector_load %arg8[%get3A, %get3A_443] {strides = array<i32>} : memref<80x64xi32, #tpu.memory_space<vmem>>, vector<16xi32>,
          %bitcast3A = vector.bitcast %get3A_444 : vector<16xi32> to vector<32xbf16>
          %get3A_445 = arith.index_cast %add3A_442 : i32 to index
          %get3A_446 = arith.constant 0 : index
          %get3A_447 = tpu.vector_load %arg9[%get3A_445, %get3A_446] {strides = array<i32>} : memref<80x64xi32, #tpu.memory_space<vmem>>, vector<16xi32>,
          %bitcast3A_448 = vector.bitcast %get3A_447 : vector<16xi32> to vector<32xbf16>
          %mul3A_449 = arith.mulf %bitcast3A, %bitcast3A_448 : vector<32xbf16>
          %get3A_450 = arith.index_cast %add3A_442 : i32 to index
          %get3A_451 = arith.constant 16 : index
          %get3A_452 = tpu.vector_load %arg8[%get3A_450, %get3A_451] {strides = array<i32>} : memref<80x64xi32, #tpu.memory_space<vmem>>, vector<16xi32>,
          %bitcast3A_453 = vector.bitcast %get3A_452 : vector<16xi32> to vector<32xbf16>
          %get3A_454 = arith.index_cast %add3A_442 : i32 to index
          %get3A_455 = arith.constant 16 : index
          %get3A_456 = tpu.vector_load %arg9[%get3A_454, %get3A_455] {strides = array<i32>} : memref<80x64xi32, #tpu.memory_space<vmem>>, vector<16xi32>,
          %bitcast3A_457 = vector.bitcast %get3A_456 : vector<16xi32> to vector<32xbf16>
          %mul3A_458 = arith.mulf %bitcast3A_453, %bitcast3A_457 : vector<32xbf16>
          %add3A_459 = arith.addf %mul3A_449, %mul3A_458 : vector<32xbf16>
          %get3A_460 = arith.index_cast %add3A_442 : i32 to index
          %get3A_461 = arith.constant 32 : index
          %get3A_462 = tpu.vector_load %arg8[%get3A_460, %get3A_461] {strides = array<i32>} : memref<80x64xi32, #tpu.memory_space<vmem>>, vector<16xi32>,
          %bitcast3A_463 = vector.bitcast %get3A_462 : vector<16xi32> to vector<32xbf16>
          %get3A_464 = arith.index_cast %add3A_442 : i32 to index
          %get3A_465 = arith.constant 32 : index
          %get3A_466 = tpu.vector_load %arg9[%get3A_464, %get3A_465] {strides = array<i32>} : memref<80x64xi32, #tpu.memory_space<vmem>>, vector<16xi32>,
          %bitcast3A_467 = vector.bitcast %get3A_466 : vector<16xi32> to vector<32xbf16>
          %mul3A_468 = arith.mulf %bitcast3A_463, %bitcast3A_467 : vector<32xbf16>
          %add3A_469 = arith.addf %add3A_459, %mul3A_468 : vector<32xbf16>
          %get3A_470 = arith.index_cast %add3A_442 : i32 to index
          %get3A_471 = arith.constant 48 : index
          %get3A_472 = tpu.vector_load %arg8[%get3A_470, %get3A_471] {strides = array<i32>} : memref<80x64xi32, #tpu.memory_space<vmem>>, vector<16xi32>,
          %bitcast3A_473 = vector.bitcast %get3A_472 : vector<16xi32> to vector<32xbf16>
          %get3A_474 = arith.index_cast %add3A_442 : i32 to index
          %get3A_475 = arith.constant 48 : index
          %get3A_476 = tpu.vector_load %arg9[%get3A_474, %get3A_475] {strides = array<i32>} : memref<80x64xi32, #tpu.memory_space<vmem>>, vector<16xi32>,
          %bitcast3A_477 = vector.bitcast %get3A_476 : vector<16xi32> to vector<32xbf16>
          %mul3A_478 = arith.mulf %bitcast3A_473, %bitcast3A_477 : vector<32xbf16>
          %add3A_479 = arith.addf %add3A_469, %mul3A_478 : vector<32xbf16>
          %unpack3A = tpu.unpack_subelements %add3A_479, 0 {pack_format = #tpu.pack_format<interleaved>} : vector<32xbf16> -> vector<16xf32>
          %unpack3A_480 = tpu.unpack_subelements %add3A_479, 1 {pack_format = #tpu.pack_format<interleaved>} : vector<32xbf16> -> vector<16xf32>
          %add3A_481 = arith.addf %unpack3A, %unpack3A_480 : vector<16xf32>
          %mul3A_482 = arith.constant 2 : i32
          %mul3A_483 = arith.muli %scan3A_436, %mul3A_482 : i32
          %add3A_484 = arith.constant 0 : i32
          %add3A_485 = arith.addi %mul3A_483, %add3A_484 : i32
          %swap3A_486 = arith.index_cast %add3A_485 : i32 to index
          %swap3A_487 = arith.constant 0 : index
          %swap3A_488 = tpu.vector_load %arg12[%swap3A_486, %swap3A_487] {strides = array<i32>} : memref<16x17xf32, #tpu.memory_space<vmem>>, vector<16xf32>,
          tpu.vector_store %arg12[%swap3A_486, %swap3A_487], %add3A_481 {strides = array<i32>} : memref<16x17xf32, #tpu.memory_space<vmem>>, vector<16xf32>,
          %mul3A_489 = arith.constant 2 : i32
          %mul3A_490 = arith.muli %scan3A_436, %mul3A_489 : i32
          %add3A_491 = arith.constant 64 : i32
          %add3A_492 = arith.addi %add3A_491, %mul3A_490 : i32
          %add3A_493 = arith.constant 1 : i32
          %add3A_494 = arith.addi %add3A_492, %add3A_493 : i32
          %get3A_495 = arith.index_cast %add3A_494 : i32 to index
          %get3A_496 = arith.constant 0 : index
          %get3A_497 = tpu.vector_load %arg8[%get3A_495, %get3A_496] {strides = array<i32>} : memref<80x64xi32, #tpu.memory_space<vmem>>, vector<16xi32>,
          %bitcast3A_498 = vector.bitcast %get3A_497 : vector<16xi32> to vector<32xbf16>
          %get3A_499 = arith.index_cast %add3A_494 : i32 to index
          %get3A_500 = arith.constant 0 : index
          %get3A_501 = tpu.vector_load %arg9[%get3A_499, %get3A_500] {strides = array<i32>} : memref<80x64xi32, #tpu.memory_space<vmem>>, vector<16xi32>,
          %bitcast3A_502 = vector.bitcast %get3A_501 : vector<16xi32> to vector<32xbf16>
          %mul3A_503 = arith.mulf %bitcast3A_498, %bitcast3A_502 : vector<32xbf16>
          %get3A_504 = arith.index_cast %add3A_494 : i32 to index
          %get3A_505 = arith.constant 16 : index
          %get3A_506 = tpu.vector_load %arg8[%get3A_504, %get3A_505] {strides = array<i32>} : memref<80x64xi32, #tpu.memory_space<vmem>>, vector<16xi32>,
          %bitcast3A_507 = vector.bitcast %get3A_506 : vector<16xi32> to vector<32xbf16>
          %get3A_508 = arith.index_cast %add3A_494 : i32 to index
          %get3A_509 = arith.constant 16 : index
          %get3A_510 = tpu.vector_load %arg9[%get3A_508, %get3A_509] {strides = array<i32>} : memref<80x64xi32, #tpu.memory_space<vmem>>, vector<16xi32>,
          %bitcast3A_511 = vector.bitcast %get3A_510 : vector<16xi32> to vector<32xbf16>
          %mul3A_512 = arith.mulf %bitcast3A_507, %bitcast3A_511 : vector<32xbf16>
          %add3A_513 = arith.addf %mul3A_503, %mul3A_512 : vector<32xbf16>
          %get3A_514 = arith.index_cast %add3A_494 : i32 to index
          %get3A_515 = arith.constant 32 : index
          %get3A_516 = tpu.vector_load %arg8[%get3A_514, %get3A_515] {strides = array<i32>} : memref<80x64xi32, #tpu.memory_space<vmem>>, vector<16xi32>,
          %bitcast3A_517 = vector.bitcast %get3A_516 : vector<16xi32> to vector<32xbf16>
          %get3A_518 = arith.index_cast %add3A_494 : i32 to index
          %get3A_519 = arith.constant 32 : index
          %get3A_520 = tpu.vector_load %arg9[%get3A_518, %get3A_519] {strides = array<i32>} : memref<80x64xi32, #tpu.memory_space<vmem>>, vector<16xi32>,
          %bitcast3A_521 = vector.bitcast %get3A_520 : vector<16xi32> to vector<32xbf16>
          %mul3A_522 = arith.mulf %bitcast3A_517, %bitcast3A_521 : vector<32xbf16>
          %add3A_523 = arith.addf %add3A_513, %mul3A_522 : vector<32xbf16>
          %get3A_524 = arith.index_cast %add3A_494 : i32 to index
          %get3A_525 = arith.constant 48 : index
          %get3A_526 = tpu.vector_load %arg8[%get3A_524, %get3A_525] {strides = array<i32>} : memref<80x64xi32, #tpu.memory_space<vmem>>, vector<16xi32>,
          %bitcast3A_527 = vector.bitcast %get3A_526 : vector<16xi32> to vector<32xbf16>
          %get3A_528 = arith.index_cast %add3A_494 : i32 to index
          %get3A_529 = arith.constant 48 : index
          %get3A_530 = tpu.vector_load %arg9[%get3A_528, %get3A_529] {strides = array<i32>} : memref<80x64xi32, #tpu.memory_space<vmem>>, vector<16xi32>,
          %bitcast3A_531 = vector.bitcast %get3A_530 : vector<16xi32> to vector<32xbf16>
          %mul3A_532 = arith.mulf %bitcast3A_527, %bitcast3A_531 : vector<32xbf16>
          %add3A_533 = arith.addf %add3A_523, %mul3A_532 : vector<32xbf16>
          %unpack3A_534 = tpu.unpack_subelements %add3A_533, 0 {pack_format = #tpu.pack_format<interleaved>} : vector<32xbf16> -> vector<16xf32>
          %unpack3A_535 = tpu.unpack_subelements %add3A_533, 1 {pack_format = #tpu.pack_format<interleaved>} : vector<32xbf16> -> vector<16xf32>
          %add3A_536 = arith.addf %unpack3A_534, %unpack3A_535 : vector<16xf32>
          %mul3A_537 = arith.constant 2 : i32
          %mul3A_538 = arith.muli %scan3A_436, %mul3A_537 : i32
          %add3A_539 = arith.constant 1 : i32
          %add3A_540 = arith.addi %mul3A_538, %add3A_539 : i32
          %swap3A_541 = arith.index_cast %add3A_540 : i32 to index
          %swap3A_542 = arith.constant 0 : index
          %swap3A_543 = tpu.vector_load %arg12[%swap3A_541, %swap3A_542] {strides = array<i32>} : memref<16x17xf32, #tpu.memory_space<vmem>>, vector<16xf32>,
          tpu.vector_store %arg12[%swap3A_541, %swap3A_542], %add3A_536 {strides = array<i32>} : memref<16x17xf32, #tpu.memory_space<vmem>>, vector<16xf32>,
        }
        %scan3A_363 = arith.constant 8 : i32
        %broadcast_in_dim3A_364 = arith.constant 0.000000e+00 : f32
        %broadcast_in_dim3A_365 = vector.broadcast %broadcast_in_dim3A_364 : f32 to vector<16xf32>
        %broadcast_in_dim3A_366 = arith.constant 0 : i32
        %broadcast_in_dim3A_367 = vector.broadcast %broadcast_in_dim3A_366 : i32 to vector<16xi32>
        %gather3A_368 = tpu.vector_load_idx %arg12[%iota3A, %broadcast_in_dim3A_367] : memref<16x17xf32, #tpu.memory_space<vmem>>[vector<16xi32>, vector<16xi32>], vector<16xf32>,
        %add3A_369 = arith.addf %broadcast_in_dim3A_365, %gather3A_368 : vector<16xf32>
        %broadcast_in_dim3A_370 = arith.constant 1 : i32
        %broadcast_in_dim3A_371 = vector.broadcast %broadcast_in_dim3A_370 : i32 to vector<16xi32>
        %gather3A_372 = tpu.vector_load_idx %arg12[%iota3A, %broadcast_in_dim3A_371] : memref<16x17xf32, #tpu.memory_space<vmem>>[vector<16xi32>, vector<16xi32>], vector<16xf32>,
        %add3A_373 = arith.addf %add3A_369, %gather3A_372 : vector<16xf32>
        %broadcast_in_dim3A_374 = arith.constant 2 : i32
        %broadcast_in_dim3A_375 = vector.broadcast %broadcast_in_dim3A_374 : i32 to vector<16xi32>
        %gather3A_376 = tpu.vector_load_idx %arg12[%iota3A, %broadcast_in_dim3A_375] : memref<16x17xf32, #tpu.memory_space<vmem>>[vector<16xi32>, vector<16xi32>], vector<16xf32>,
        %add3A_377 = arith.addf %add3A_373, %gather3A_376 : vector<16xf32>
        %broadcast_in_dim3A_378 = arith.constant 3 : i32
        %broadcast_in_dim3A_379 = vector.broadcast %broadcast_in_dim3A_378 : i32 to vector<16xi32>
        %gather3A_380 = tpu.vector_load_idx %arg12[%iota3A, %broadcast_in_dim3A_379] : memref<16x17xf32, #tpu.memory_space<vmem>>[vector<16xi32>, vector<16xi32>], vector<16xf32>,
        %add3A_381 = arith.addf %add3A_377, %gather3A_380 : vector<16xf32>
        %broadcast_in_dim3A_382 = arith.constant 4 : i32
        %broadcast_in_dim3A_383 = vector.broadcast %broadcast_in_dim3A_382 : i32 to vector<16xi32>
        %gather3A_384 = tpu.vector_load_idx %arg12[%iota3A, %broadcast_in_dim3A_383] : memref<16x17xf32, #tpu.memory_space<vmem>>[vector<16xi32>, vector<16xi32>], vector<16xf32>,
        %add3A_385 = arith.addf %add3A_381, %gather3A_384 : vector<16xf32>
        %broadcast_in_dim3A_386 = arith.constant 5 : i32
        %broadcast_in_dim3A_387 = vector.broadcast %broadcast_in_dim3A_386 : i32 to vector<16xi32>
        %gather3A_388 = tpu.vector_load_idx %arg12[%iota3A, %broadcast_in_dim3A_387] : memref<16x17xf32, #tpu.memory_space<vmem>>[vector<16xi32>, vector<16xi32>], vector<16xf32>,
        %add3A_389 = arith.addf %add3A_385, %gather3A_388 : vector<16xf32>
        %broadcast_in_dim3A_390 = arith.constant 6 : i32
        %broadcast_in_dim3A_391 = vector.broadcast %broadcast_in_dim3A_390 : i32 to vector<16xi32>
        %gather3A_392 = tpu.vector_load_idx %arg12[%iota3A, %broadcast_in_dim3A_391] : memref<16x17xf32, #tpu.memory_space<vmem>>[vector<16xi32>, vector<16xi32>], vector<16xf32>,
        %add3A_393 = arith.addf %add3A_389, %gather3A_392 : vector<16xf32>
        %broadcast_in_dim3A_394 = arith.constant 7 : i32
        %broadcast_in_dim3A_395 = vector.broadcast %broadcast_in_dim3A_394 : i32 to vector<16xi32>
        %gather3A_396 = tpu.vector_load_idx %arg12[%iota3A, %broadcast_in_dim3A_395] : memref<16x17xf32, #tpu.memory_space<vmem>>[vector<16xi32>, vector<16xi32>], vector<16xf32>,
        %add3A_397 = arith.addf %add3A_393, %gather3A_396 : vector<16xf32>
        %broadcast_in_dim3A_398 = arith.constant 8 : i32
        %broadcast_in_dim3A_399 = vector.broadcast %broadcast_in_dim3A_398 : i32 to vector<16xi32>
        %gather3A_400 = tpu.vector_load_idx %arg12[%iota3A, %broadcast_in_dim3A_399] : memref<16x17xf32, #tpu.memory_space<vmem>>[vector<16xi32>, vector<16xi32>], vector<16xf32>,
        %add3A_401 = arith.addf %add3A_397, %gather3A_400 : vector<16xf32>
        %broadcast_in_dim3A_402 = arith.constant 9 : i32
        %broadcast_in_dim3A_403 = vector.broadcast %broadcast_in_dim3A_402 : i32 to vector<16xi32>
        %gather3A_404 = tpu.vector_load_idx %arg12[%iota3A, %broadcast_in_dim3A_403] : memref<16x17xf32, #tpu.memory_space<vmem>>[vector<16xi32>, vector<16xi32>], vector<16xf32>,
        %add3A_405 = arith.addf %add3A_401, %gather3A_404 : vector<16xf32>
        %broadcast_in_dim3A_406 = arith.constant 10 : i32
        %broadcast_in_dim3A_407 = vector.broadcast %broadcast_in_dim3A_406 : i32 to vector<16xi32>
        %gather3A_408 = tpu.vector_load_idx %arg12[%iota3A, %broadcast_in_dim3A_407] : memref<16x17xf32, #tpu.memory_space<vmem>>[vector<16xi32>, vector<16xi32>], vector<16xf32>,
        %add3A_409 = arith.addf %add3A_405, %gather3A_408 : vector<16xf32>
        %broadcast_in_dim3A_410 = arith.constant 11 : i32
        %broadcast_in_dim3A_411 = vector.broadcast %broadcast_in_dim3A_410 : i32 to vector<16xi32>
        %gather3A_412 = tpu.vector_load_idx %arg12[%iota3A, %broadcast_in_dim3A_411] : memref<16x17xf32, #tpu.memory_space<vmem>>[vector<16xi32>, vector<16xi32>], vector<16xf32>,
        %add3A_413 = arith.addf %add3A_409, %gather3A_412 : vector<16xf32>
        %broadcast_in_dim3A_414 = arith.constant 12 : i32
        %broadcast_in_dim3A_415 = vector.broadcast %broadcast_in_dim3A_414 : i32 to vector<16xi32>
        %gather3A_416 = tpu.vector_load_idx %arg12[%iota3A, %broadcast_in_dim3A_415] : memref<16x17xf32, #tpu.memory_space<vmem>>[vector<16xi32>, vector<16xi32>], vector<16xf32>,
        %add3A_417 = arith.addf %add3A_413, %gather3A_416 : vector<16xf32>
        %broadcast_in_dim3A_418 = arith.constant 13 : i32
        %broadcast_in_dim3A_419 = vector.broadcast %broadcast_in_dim3A_418 : i32 to vector<16xi32>
        %gather3A_420 = tpu.vector_load_idx %arg12[%iota3A, %broadcast_in_dim3A_419] : memref<16x17xf32, #tpu.memory_space<vmem>>[vector<16xi32>, vector<16xi32>], vector<16xf32>,
        %add3A_421 = arith.addf %add3A_417, %gather3A_420 : vector<16xf32>
        %broadcast_in_dim3A_422 = arith.constant 14 : i32
        %broadcast_in_dim3A_423 = vector.broadcast %broadcast_in_dim3A_422 : i32 to vector<16xi32>
        %gather3A_424 = tpu.vector_load_idx %arg12[%iota3A, %broadcast_in_dim3A_423] : memref<16x17xf32, #tpu.memory_space<vmem>>[vector<16xi32>, vector<16xi32>], vector<16xf32>,
        %add3A_425 = arith.addf %add3A_421, %gather3A_424 : vector<16xf32>
        %broadcast_in_dim3A_426 = arith.constant 15 : i32
        %broadcast_in_dim3A_427 = vector.broadcast %broadcast_in_dim3A_426 : i32 to vector<16xi32>
        %gather3A_428 = tpu.vector_load_idx %arg12[%iota3A, %broadcast_in_dim3A_427] : memref<16x17xf32, #tpu.memory_space<vmem>>[vector<16xi32>, vector<16xi32>], vector<16xf32>,
        %add3A_429 = arith.addf %add3A_425, %gather3A_428 : vector<16xf32>
        %mul3A_430 = arith.constant 80 : i32
        %mul3A_431 = arith.muli %scan3A_21, %mul3A_430 : i32
        %add3A_432 = arith.constant 64 : i32
        %add3A_433 = arith.addi %mul3A_431, %add3A_432 : i32
        %swap3A_434 = arith.index_cast %add3A_433 : i32 to index
        %swap3A_435 = tpu.vector_load %arg13[%swap3A_434] {strides = array<i32>} : memref<10000xf32, #tpu.memory_space<vmem>>, vector<16xf32>,
        tpu.vector_store %arg13[%swap3A_434], %add3A_429 {strides = array<i32>} : memref<10000xf32, #tpu.memory_space<vmem>>, vector<16xf32>,
      } else {
      }
      %convert_element_type3A_35 = arith.extui %eq3A_27 : i1 to i32
      %cond3A_36 = arith.constant 0 : i32
      %cond3A_37 = arith.cmpi ne, %convert_element_type3A_35, %cond3A_36 : i32
      scf.if %cond3A_37 {
        %mul3A_38 = arith.constant 80 : i32
        %mul3A_39 = arith.muli %scan3A_21, %mul3A_38 : i32
        %dma_wait3A = tpu.memref_slice %arg6[%mul3A_39] : memref<10000xi32, #tpu.memory_space<vmem>> -> memref<80xi32, #tpu.memory_space<vmem>>
        %dma_wait3A_40 = arith.constant 0 : i32
        %dma_wait3A_41 = arith.constant 0 : i32
        %dma_wait3A_42 = tpu.memref_slice %arg2[%dma_wait3A_40, %dma_wait3A_41] : memref<10000x64xi32, #tpu.memory_space<hbm>> -> memref<10000x64xi32, #tpu.memory_space<hbm>>
        tpu.wait_indirect_dma semaphore(%arg16 : memref<!tpu.dma_semaphore, #tpu.memory_space<semaphore_mem>>) src(%dma_wait3A_42 : memref<10000x64xi32, #tpu.memory_space<hbm>>) dst(%arg10 : memref<80x64xi32, #tpu.memory_space<vmem>>)
        %mul3A_43 = arith.constant 80 : i32
        %mul3A_44 = arith.muli %scan3A_21, %mul3A_43 : i32
        %dma_wait3A_45 = tpu.memref_slice %arg7[%mul3A_44] : memref<10000xi32, #tpu.memory_space<vmem>> -> memref<80xi32, #tpu.memory_space<vmem>>
        %dma_wait3A_46 = arith.constant 0 : i32
        %dma_wait3A_47 = arith.constant 0 : i32
        %dma_wait3A_48 = tpu.memref_slice %arg2[%dma_wait3A_46, %dma_wait3A_47] : memref<10000x64xi32, #tpu.memory_space<hbm>> -> memref<10000x64xi32, #tpu.memory_space<hbm>>
        tpu.wait_indirect_dma semaphore(%arg17 : memref<!tpu.dma_semaphore, #tpu.memory_space<semaphore_mem>>) src(%dma_wait3A_48 : memref<10000x64xi32, #tpu.memory_space<hbm>>) dst(%arg11 : memref<80x64xi32, #tpu.memory_space<vmem>>)
        %scan3A_49 = arith.constant 0 : i32
        %scan3A_50 = arith.constant 0 : i32
        %scan3A_51 = arith.constant 8 : i32
        %scan3A_52 = arith.addi %scan3A_50, %scan3A_51 : i32
        %scan3A_53 = arith.constant 1 : i32
        scf.for %scan3A_436 = %scan3A_50 to %scan3A_52 step %scan3A_53  : i32 {
          %mul3A_437 = arith.constant 2 : i32
          %mul3A_438 = arith.muli %scan3A_436, %mul3A_437 : i32
          %add3A_439 = arith.constant 0 : i32
          %add3A_440 = arith.addi %add3A_439, %mul3A_438 : i32
          %add3A_441 = arith.constant 0 : i32
          %add3A_442 = arith.addi %add3A_440, %add3A_441 : i32
          %get3A = arith.index_cast %add3A_442 : i32 to index
          %get3A_443 = arith.constant 0 : index
          %get3A_444 = tpu.vector_load %arg10[%get3A, %get3A_443] {strides = array<i32>} : memref<80x64xi32, #tpu.memory_space<vmem>>, vector<16xi32>,
          %bitcast3A = vector.bitcast %get3A_444 : vector<16xi32> to vector<32xbf16>
          %get3A_445 = arith.index_cast %add3A_442 : i32 to index
          %get3A_446 = arith.constant 0 : index
          %get3A_447 = tpu.vector_load %arg11[%get3A_445, %get3A_446] {strides = array<i32>} : memref<80x64xi32, #tpu.memory_space<vmem>>, vector<16xi32>,
          %bitcast3A_448 = vector.bitcast %get3A_447 : vector<16xi32> to vector<32xbf16>
          %mul3A_449 = arith.mulf %bitcast3A, %bitcast3A_448 : vector<32xbf16>
          %get3A_450 = arith.index_cast %add3A_442 : i32 to index
          %get3A_451 = arith.constant 16 : index
          %get3A_452 = tpu.vector_load %arg10[%get3A_450, %get3A_451] {strides = array<i32>} : memref<80x64xi32, #tpu.memory_space<vmem>>, vector<16xi32>,
          %bitcast3A_453 = vector.bitcast %get3A_452 : vector<16xi32> to vector<32xbf16>
          %get3A_454 = arith.index_cast %add3A_442 : i32 to index
          %get3A_455 = arith.constant 16 : index
          %get3A_456 = tpu.vector_load %arg11[%get3A_454, %get3A_455] {strides = array<i32>} : memref<80x64xi32, #tpu.memory_space<vmem>>, vector<16xi32>,
          %bitcast3A_457 = vector.bitcast %get3A_456 : vector<16xi32> to vector<32xbf16>
          %mul3A_458 = arith.mulf %bitcast3A_453, %bitcast3A_457 : vector<32xbf16>
          %add3A_459 = arith.addf %mul3A_449, %mul3A_458 : vector<32xbf16>
          %get3A_460 = arith.index_cast %add3A_442 : i32 to index
          %get3A_461 = arith.constant 32 : index
          %get3A_462 = tpu.vector_load %arg10[%get3A_460, %get3A_461] {strides = array<i32>} : memref<80x64xi32, #tpu.memory_space<vmem>>, vector<16xi32>,
          %bitcast3A_463 = vector.bitcast %get3A_462 : vector<16xi32> to vector<32xbf16>
          %get3A_464 = arith.index_cast %add3A_442 : i32 to index
          %get3A_465 = arith.constant 32 : index
          %get3A_466 = tpu.vector_load %arg11[%get3A_464, %get3A_465] {strides = array<i32>} : memref<80x64xi32, #tpu.memory_space<vmem>>, vector<16xi32>,
          %bitcast3A_467 = vector.bitcast %get3A_466 : vector<16xi32> to vector<32xbf16>
          %mul3A_468 = arith.mulf %bitcast3A_463, %bitcast3A_467 : vector<32xbf16>
          %add3A_469 = arith.addf %add3A_459, %mul3A_468 : vector<32xbf16>
          %get3A_470 = arith.index_cast %add3A_442 : i32 to index
          %get3A_471 = arith.constant 48 : index
          %get3A_472 = tpu.vector_load %arg10[%get3A_470, %get3A_471] {strides = array<i32>} : memref<80x64xi32, #tpu.memory_space<vmem>>, vector<16xi32>,
          %bitcast3A_473 = vector.bitcast %get3A_472 : vector<16xi32> to vector<32xbf16>
          %get3A_474 = arith.index_cast %add3A_442 : i32 to index
          %get3A_475 = arith.constant 48 : index
          %get3A_476 = tpu.vector_load %arg11[%get3A_474, %get3A_475] {strides = array<i32>} : memref<80x64xi32, #tpu.memory_space<vmem>>, vector<16xi32>,
          %bitcast3A_477 = vector.bitcast %get3A_476 : vector<16xi32> to vector<32xbf16>
          %mul3A_478 = arith.mulf %bitcast3A_473, %bitcast3A_477 : vector<32xbf16>
          %add3A_479 = arith.addf %add3A_469, %mul3A_478 : vector<32xbf16>
          %unpack3A = tpu.unpack_subelements %add3A_479, 0 {pack_format = #tpu.pack_format<interleaved>} : vector<32xbf16> -> vector<16xf32>
          %unpack3A_480 = tpu.unpack_subelements %add3A_479, 1 {pack_format = #tpu.pack_format<interleaved>} : vector<32xbf16> -> vector<16xf32>
          %add3A_481 = arith.addf %unpack3A, %unpack3A_480 : vector<16xf32>
          %mul3A_482 = arith.constant 2 : i32
          %mul3A_483 = arith.muli %scan3A_436, %mul3A_482 : i32
          %add3A_484 = arith.constant 0 : i32
          %add3A_485 = arith.addi %mul3A_483, %add3A_484 : i32
          %swap3A_486 = arith.index_cast %add3A_485 : i32 to index
          %swap3A_487 = arith.constant 0 : index
          %swap3A_488 = tpu.vector_load %arg12[%swap3A_486, %swap3A_487] {strides = array<i32>} : memref<16x17xf32, #tpu.memory_space<vmem>>, vector<16xf32>,
          tpu.vector_store %arg12[%swap3A_486, %swap3A_487], %add3A_481 {strides = array<i32>} : memref<16x17xf32, #tpu.memory_space<vmem>>, vector<16xf32>,
          %mul3A_489 = arith.constant 2 : i32
          %mul3A_490 = arith.muli %scan3A_436, %mul3A_489 : i32
          %add3A_491 = arith.constant 0 : i32
          %add3A_492 = arith.addi %add3A_491, %mul3A_490 : i32
          %add3A_493 = arith.constant 1 : i32
          %add3A_494 = arith.addi %add3A_492, %add3A_493 : i32
          %get3A_495 = arith.index_cast %add3A_494 : i32 to index
          %get3A_496 = arith.constant 0 : index
          %get3A_497 = tpu.vector_load %arg10[%get3A_495, %get3A_496] {strides = array<i32>} : memref<80x64xi32, #tpu.memory_space<vmem>>, vector<16xi32>,
          %bitcast3A_498 = vector.bitcast %get3A_497 : vector<16xi32> to vector<32xbf16>
          %get3A_499 = arith.index_cast %add3A_494 : i32 to index
          %get3A_500 = arith.constant 0 : index
          %get3A_501 = tpu.vector_load %arg11[%get3A_499, %get3A_500] {strides = array<i32>} : memref<80x64xi32, #tpu.memory_space<vmem>>, vector<16xi32>,
          %bitcast3A_502 = vector.bitcast %get3A_501 : vector<16xi32> to vector<32xbf16>
          %mul3A_503 = arith.mulf %bitcast3A_498, %bitcast3A_502 : vector<32xbf16>
          %get3A_504 = arith.index_cast %add3A_494 : i32 to index
          %get3A_505 = arith.constant 16 : index
          %get3A_506 = tpu.vector_load %arg10[%get3A_504, %get3A_505] {strides = array<i32>} : memref<80x64xi32, #tpu.memory_space<vmem>>, vector<16xi32>,
          %bitcast3A_507 = vector.bitcast %get3A_506 : vector<16xi32> to vector<32xbf16>
          %get3A_508 = arith.index_cast %add3A_494 : i32 to index
          %get3A_509 = arith.constant 16 : index
          %get3A_510 = tpu.vector_load %arg11[%get3A_508, %get3A_509] {strides = array<i32>} : memref<80x64xi32, #tpu.memory_space<vmem>>, vector<16xi32>,
          %bitcast3A_511 = vector.bitcast %get3A_510 : vector<16xi32> to vector<32xbf16>
          %mul3A_512 = arith.mulf %bitcast3A_507, %bitcast3A_511 : vector<32xbf16>
          %add3A_513 = arith.addf %mul3A_503, %mul3A_512 : vector<32xbf16>
          %get3A_514 = arith.index_cast %add3A_494 : i32 to index
          %get3A_515 = arith.constant 32 : index
          %get3A_516 = tpu.vector_load %arg10[%get3A_514, %get3A_515] {strides = array<i32>} : memref<80x64xi32, #tpu.memory_space<vmem>>, vector<16xi32>,
          %bitcast3A_517 = vector.bitcast %get3A_516 : vector<16xi32> to vector<32xbf16>
          %get3A_518 = arith.index_cast %add3A_494 : i32 to index
          %get3A_519 = arith.constant 32 : index
          %get3A_520 = tpu.vector_load %arg11[%get3A_518, %get3A_519] {strides = array<i32>} : memref<80x64xi32, #tpu.memory_space<vmem>>, vector<16xi32>,
          %bitcast3A_521 = vector.bitcast %get3A_520 : vector<16xi32> to vector<32xbf16>
          %mul3A_522 = arith.mulf %bitcast3A_517, %bitcast3A_521 : vector<32xbf16>
          %add3A_523 = arith.addf %add3A_513, %mul3A_522 : vector<32xbf16>
          %get3A_524 = arith.index_cast %add3A_494 : i32 to index
          %get3A_525 = arith.constant 48 : index
          %get3A_526 = tpu.vector_load %arg10[%get3A_524, %get3A_525] {strides = array<i32>} : memref<80x64xi32, #tpu.memory_space<vmem>>, vector<16xi32>,
          %bitcast3A_527 = vector.bitcast %get3A_526 : vector<16xi32> to vector<32xbf16>
          %get3A_528 = arith.index_cast %add3A_494 : i32 to index
          %get3A_529 = arith.constant 48 : index
          %get3A_530 = tpu.vector_load %arg11[%get3A_528, %get3A_529] {strides = array<i32>} : memref<80x64xi32, #tpu.memory_space<vmem>>, vector<16xi32>,
          %bitcast3A_531 = vector.bitcast %get3A_530 : vector<16xi32> to vector<32xbf16>
          %mul3A_532 = arith.mulf %bitcast3A_527, %bitcast3A_531 : vector<32xbf16>
          %add3A_533 = arith.addf %add3A_523, %mul3A_532 : vector<32xbf16>
          %unpack3A_534 = tpu.unpack_subelements %add3A_533, 0 {pack_format = #tpu.pack_format<interleaved>} : vector<32xbf16> -> vector<16xf32>
          %unpack3A_535 = tpu.unpack_subelements %add3A_533, 1 {pack_format = #tpu.pack_format<interleaved>} : vector<32xbf16> -> vector<16xf32>
          %add3A_536 = arith.addf %unpack3A_534, %unpack3A_535 : vector<16xf32>
          %mul3A_537 = arith.constant 2 : i32
          %mul3A_538 = arith.muli %scan3A_436, %mul3A_537 : i32
          %add3A_539 = arith.constant 1 : i32
          %add3A_540 = arith.addi %mul3A_538, %add3A_539 : i32
          %swap3A_541 = arith.index_cast %add3A_540 : i32 to index
          %swap3A_542 = arith.constant 0 : index
          %swap3A_543 = tpu.vector_load %arg12[%swap3A_541, %swap3A_542] {strides = array<i32>} : memref<16x17xf32, #tpu.memory_space<vmem>>, vector<16xf32>,
          tpu.vector_store %arg12[%swap3A_541, %swap3A_542], %add3A_536 {strides = array<i32>} : memref<16x17xf32, #tpu.memory_space<vmem>>, vector<16xf32>,
        }
        %scan3A_54 = arith.constant 8 : i32
        %broadcast_in_dim3A = arith.constant 0.000000e+00 : f32
        %broadcast_in_dim3A_55 = vector.broadcast %broadcast_in_dim3A : f32 to vector<16xf32>
        %broadcast_in_dim3A_56 = arith.constant 0 : i32
        %broadcast_in_dim3A_57 = vector.broadcast %broadcast_in_dim3A_56 : i32 to vector<16xi32>
        %gather3A = tpu.vector_load_idx %arg12[%iota3A, %broadcast_in_dim3A_57] : memref<16x17xf32, #tpu.memory_space<vmem>>[vector<16xi32>, vector<16xi32>], vector<16xf32>,
        %add3A_58 = arith.addf %broadcast_in_dim3A_55, %gather3A : vector<16xf32>
        %broadcast_in_dim3A_59 = arith.constant 1 : i32
        %broadcast_in_dim3A_60 = vector.broadcast %broadcast_in_dim3A_59 : i32 to vector<16xi32>
        %gather3A_61 = tpu.vector_load_idx %arg12[%iota3A, %broadcast_in_dim3A_60] : memref<16x17xf32, #tpu.memory_space<vmem>>[vector<16xi32>, vector<16xi32>], vector<16xf32>,
        %add3A_62 = arith.addf %add3A_58, %gather3A_61 : vector<16xf32>
        %broadcast_in_dim3A_63 = arith.constant 2 : i32
        %broadcast_in_dim3A_64 = vector.broadcast %broadcast_in_dim3A_63 : i32 to vector<16xi32>
        %gather3A_65 = tpu.vector_load_idx %arg12[%iota3A, %broadcast_in_dim3A_64] : memref<16x17xf32, #tpu.memory_space<vmem>>[vector<16xi32>, vector<16xi32>], vector<16xf32>,
        %add3A_66 = arith.addf %add3A_62, %gather3A_65 : vector<16xf32>
        %broadcast_in_dim3A_67 = arith.constant 3 : i32
        %broadcast_in_dim3A_68 = vector.broadcast %broadcast_in_dim3A_67 : i32 to vector<16xi32>
        %gather3A_69 = tpu.vector_load_idx %arg12[%iota3A, %broadcast_in_dim3A_68] : memref<16x17xf32, #tpu.memory_space<vmem>>[vector<16xi32>, vector<16xi32>], vector<16xf32>,
        %add3A_70 = arith.addf %add3A_66, %gather3A_69 : vector<16xf32>
        %broadcast_in_dim3A_71 = arith.constant 4 : i32
        %broadcast_in_dim3A_72 = vector.broadcast %broadcast_in_dim3A_71 : i32 to vector<16xi32>
        %gather3A_73 = tpu.vector_load_idx %arg12[%iota3A, %broadcast_in_dim3A_72] : memref<16x17xf32, #tpu.memory_space<vmem>>[vector<16xi32>, vector<16xi32>], vector<16xf32>,
        %add3A_74 = arith.addf %add3A_70, %gather3A_73 : vector<16xf32>
        %broadcast_in_dim3A_75 = arith.constant 5 : i32
        %broadcast_in_dim3A_76 = vector.broadcast %broadcast_in_dim3A_75 : i32 to vector<16xi32>
        %gather3A_77 = tpu.vector_load_idx %arg12[%iota3A, %broadcast_in_dim3A_76] : memref<16x17xf32, #tpu.memory_space<vmem>>[vector<16xi32>, vector<16xi32>], vector<16xf32>,
        %add3A_78 = arith.addf %add3A_74, %gather3A_77 : vector<16xf32>
        %broadcast_in_dim3A_79 = arith.constant 6 : i32
        %broadcast_in_dim3A_80 = vector.broadcast %broadcast_in_dim3A_79 : i32 to vector<16xi32>
        %gather3A_81 = tpu.vector_load_idx %arg12[%iota3A, %broadcast_in_dim3A_80] : memref<16x17xf32, #tpu.memory_space<vmem>>[vector<16xi32>, vector<16xi32>], vector<16xf32>,
        %add3A_82 = arith.addf %add3A_78, %gather3A_81 : vector<16xf32>
        %broadcast_in_dim3A_83 = arith.constant 7 : i32
        %broadcast_in_dim3A_84 = vector.broadcast %broadcast_in_dim3A_83 : i32 to vector<16xi32>
        %gather3A_85 = tpu.vector_load_idx %arg12[%iota3A, %broadcast_in_dim3A_84] : memref<16x17xf32, #tpu.memory_space<vmem>>[vector<16xi32>, vector<16xi32>], vector<16xf32>,
        %add3A_86 = arith.addf %add3A_82, %gather3A_85 : vector<16xf32>
        %broadcast_in_dim3A_87 = arith.constant 8 : i32
        %broadcast_in_dim3A_88 = vector.broadcast %broadcast_in_dim3A_87 : i32 to vector<16xi32>
        %gather3A_89 = tpu.vector_load_idx %arg12[%iota3A, %broadcast_in_dim3A_88] : memref<16x17xf32, #tpu.memory_space<vmem>>[vector<16xi32>, vector<16xi32>], vector<16xf32>,
        %add3A_90 = arith.addf %add3A_86, %gather3A_89 : vector<16xf32>
        %broadcast_in_dim3A_91 = arith.constant 9 : i32
        %broadcast_in_dim3A_92 = vector.broadcast %broadcast_in_dim3A_91 : i32 to vector<16xi32>
        %gather3A_93 = tpu.vector_load_idx %arg12[%iota3A, %broadcast_in_dim3A_92] : memref<16x17xf32, #tpu.memory_space<vmem>>[vector<16xi32>, vector<16xi32>], vector<16xf32>,
        %add3A_94 = arith.addf %add3A_90, %gather3A_93 : vector<16xf32>
        %broadcast_in_dim3A_95 = arith.constant 10 : i32
        %broadcast_in_dim3A_96 = vector.broadcast %broadcast_in_dim3A_95 : i32 to vector<16xi32>
        %gather3A_97 = tpu.vector_load_idx %arg12[%iota3A, %broadcast_in_dim3A_96] : memref<16x17xf32, #tpu.memory_space<vmem>>[vector<16xi32>, vector<16xi32>], vector<16xf32>,
        %add3A_98 = arith.addf %add3A_94, %gather3A_97 : vector<16xf32>
        %broadcast_in_dim3A_99 = arith.constant 11 : i32
        %broadcast_in_dim3A_100 = vector.broadcast %broadcast_in_dim3A_99 : i32 to vector<16xi32>
        %gather3A_101 = tpu.vector_load_idx %arg12[%iota3A, %broadcast_in_dim3A_100] : memref<16x17xf32, #tpu.memory_space<vmem>>[vector<16xi32>, vector<16xi32>], vector<16xf32>,
        %add3A_102 = arith.addf %add3A_98, %gather3A_101 : vector<16xf32>
        %broadcast_in_dim3A_103 = arith.constant 12 : i32
        %broadcast_in_dim3A_104 = vector.broadcast %broadcast_in_dim3A_103 : i32 to vector<16xi32>
        %gather3A_105 = tpu.vector_load_idx %arg12[%iota3A, %broadcast_in_dim3A_104] : memref<16x17xf32, #tpu.memory_space<vmem>>[vector<16xi32>, vector<16xi32>], vector<16xf32>,
        %add3A_106 = arith.addf %add3A_102, %gather3A_105 : vector<16xf32>
        %broadcast_in_dim3A_107 = arith.constant 13 : i32
        %broadcast_in_dim3A_108 = vector.broadcast %broadcast_in_dim3A_107 : i32 to vector<16xi32>
        %gather3A_109 = tpu.vector_load_idx %arg12[%iota3A, %broadcast_in_dim3A_108] : memref<16x17xf32, #tpu.memory_space<vmem>>[vector<16xi32>, vector<16xi32>], vector<16xf32>,
        %add3A_110 = arith.addf %add3A_106, %gather3A_109 : vector<16xf32>
        %broadcast_in_dim3A_111 = arith.constant 14 : i32
        %broadcast_in_dim3A_112 = vector.broadcast %broadcast_in_dim3A_111 : i32 to vector<16xi32>
        %gather3A_113 = tpu.vector_load_idx %arg12[%iota3A, %broadcast_in_dim3A_112] : memref<16x17xf32, #tpu.memory_space<vmem>>[vector<16xi32>, vector<16xi32>], vector<16xf32>,
        %add3A_114 = arith.addf %add3A_110, %gather3A_113 : vector<16xf32>
        %broadcast_in_dim3A_115 = arith.constant 15 : i32
        %broadcast_in_dim3A_116 = vector.broadcast %broadcast_in_dim3A_115 : i32 to vector<16xi32>
        %gather3A_117 = tpu.vector_load_idx %arg12[%iota3A, %broadcast_in_dim3A_116] : memref<16x17xf32, #tpu.memory_space<vmem>>[vector<16xi32>, vector<16xi32>], vector<16xf32>,
        %add3A_118 = arith.addf %add3A_114, %gather3A_117 : vector<16xf32>
        %mul3A_119 = arith.constant 80 : i32
        %mul3A_120 = arith.muli %scan3A_21, %mul3A_119 : i32
        %add3A_121 = arith.constant 0 : i32
        %add3A_122 = arith.addi %mul3A_120, %add3A_121 : i32
        %swap3A = arith.index_cast %add3A_122 : i32 to index
        %swap3A_123 = tpu.vector_load %arg13[%swap3A] {strides = array<i32>} : memref<10000xf32, #tpu.memory_space<vmem>>, vector<16xf32>,
        tpu.vector_store %arg13[%swap3A], %add3A_118 {strides = array<i32>} : memref<10000xf32, #tpu.memory_space<vmem>>, vector<16xf32>,
        %scan3A_124 = arith.constant 0 : i32
        %scan3A_125 = arith.constant 0 : i32
        %scan3A_126 = arith.constant 8 : i32
        %scan3A_127 = arith.addi %scan3A_125, %scan3A_126 : i32
        %scan3A_128 = arith.constant 1 : i32
        scf.for %scan3A_436 = %scan3A_125 to %scan3A_127 step %scan3A_128  : i32 {
          %mul3A_437 = arith.constant 2 : i32
          %mul3A_438 = arith.muli %scan3A_436, %mul3A_437 : i32
          %add3A_439 = arith.constant 16 : i32
          %add3A_440 = arith.addi %add3A_439, %mul3A_438 : i32
          %add3A_441 = arith.constant 0 : i32
          %add3A_442 = arith.addi %add3A_440, %add3A_441 : i32
          %get3A = arith.index_cast %add3A_442 : i32 to index
          %get3A_443 = arith.constant 0 : index
          %get3A_444 = tpu.vector_load %arg10[%get3A, %get3A_443] {strides = array<i32>} : memref<80x64xi32, #tpu.memory_space<vmem>>, vector<16xi32>,
          %bitcast3A = vector.bitcast %get3A_444 : vector<16xi32> to vector<32xbf16>
          %get3A_445 = arith.index_cast %add3A_442 : i32 to index
          %get3A_446 = arith.constant 0 : index
          %get3A_447 = tpu.vector_load %arg11[%get3A_445, %get3A_446] {strides = array<i32>} : memref<80x64xi32, #tpu.memory_space<vmem>>, vector<16xi32>,
          %bitcast3A_448 = vector.bitcast %get3A_447 : vector<16xi32> to vector<32xbf16>
          %mul3A_449 = arith.mulf %bitcast3A, %bitcast3A_448 : vector<32xbf16>
          %get3A_450 = arith.index_cast %add3A_442 : i32 to index
          %get3A_451 = arith.constant 16 : index
          %get3A_452 = tpu.vector_load %arg10[%get3A_450, %get3A_451] {strides = array<i32>} : memref<80x64xi32, #tpu.memory_space<vmem>>, vector<16xi32>,
          %bitcast3A_453 = vector.bitcast %get3A_452 : vector<16xi32> to vector<32xbf16>
          %get3A_454 = arith.index_cast %add3A_442 : i32 to index
          %get3A_455 = arith.constant 16 : index
          %get3A_456 = tpu.vector_load %arg11[%get3A_454, %get3A_455] {strides = array<i32>} : memref<80x64xi32, #tpu.memory_space<vmem>>, vector<16xi32>,
          %bitcast3A_457 = vector.bitcast %get3A_456 : vector<16xi32> to vector<32xbf16>
          %mul3A_458 = arith.mulf %bitcast3A_453, %bitcast3A_457 : vector<32xbf16>
          %add3A_459 = arith.addf %mul3A_449, %mul3A_458 : vector<32xbf16>
          %get3A_460 = arith.index_cast %add3A_442 : i32 to index
          %get3A_461 = arith.constant 32 : index
          %get3A_462 = tpu.vector_load %arg10[%get3A_460, %get3A_461] {strides = array<i32>} : memref<80x64xi32, #tpu.memory_space<vmem>>, vector<16xi32>,
          %bitcast3A_463 = vector.bitcast %get3A_462 : vector<16xi32> to vector<32xbf16>
          %get3A_464 = arith.index_cast %add3A_442 : i32 to index
          %get3A_465 = arith.constant 32 : index
          %get3A_466 = tpu.vector_load %arg11[%get3A_464, %get3A_465] {strides = array<i32>} : memref<80x64xi32, #tpu.memory_space<vmem>>, vector<16xi32>,
          %bitcast3A_467 = vector.bitcast %get3A_466 : vector<16xi32> to vector<32xbf16>
          %mul3A_468 = arith.mulf %bitcast3A_463, %bitcast3A_467 : vector<32xbf16>
          %add3A_469 = arith.addf %add3A_459, %mul3A_468 : vector<32xbf16>
          %get3A_470 = arith.index_cast %add3A_442 : i32 to index
          %get3A_471 = arith.constant 48 : index
          %get3A_472 = tpu.vector_load %arg10[%get3A_470, %get3A_471] {strides = array<i32>} : memref<80x64xi32, #tpu.memory_space<vmem>>, vector<16xi32>,
          %bitcast3A_473 = vector.bitcast %get3A_472 : vector<16xi32> to vector<32xbf16>
          %get3A_474 = arith.index_cast %add3A_442 : i32 to index
          %get3A_475 = arith.constant 48 : index
          %get3A_476 = tpu.vector_load %arg11[%get3A_474, %get3A_475] {strides = array<i32>} : memref<80x64xi32, #tpu.memory_space<vmem>>, vector<16xi32>,
          %bitcast3A_477 = vector.bitcast %get3A_476 : vector<16xi32> to vector<32xbf16>
          %mul3A_478 = arith.mulf %bitcast3A_473, %bitcast3A_477 : vector<32xbf16>
          %add3A_479 = arith.addf %add3A_469, %mul3A_478 : vector<32xbf16>
          %unpack3A = tpu.unpack_subelements %add3A_479, 0 {pack_format = #tpu.pack_format<interleaved>} : vector<32xbf16> -> vector<16xf32>
          %unpack3A_480 = tpu.unpack_subelements %add3A_479, 1 {pack_format = #tpu.pack_format<interleaved>} : vector<32xbf16> -> vector<16xf32>
          %add3A_481 = arith.addf %unpack3A, %unpack3A_480 : vector<16xf32>
          %mul3A_482 = arith.constant 2 : i32
          %mul3A_483 = arith.muli %scan3A_436, %mul3A_482 : i32
          %add3A_484 = arith.constant 0 : i32
          %add3A_485 = arith.addi %mul3A_483, %add3A_484 : i32
          %swap3A_486 = arith.index_cast %add3A_485 : i32 to index
          %swap3A_487 = arith.constant 0 : index
          %swap3A_488 = tpu.vector_load %arg12[%swap3A_486, %swap3A_487] {strides = array<i32>} : memref<16x17xf32, #tpu.memory_space<vmem>>, vector<16xf32>,
          tpu.vector_store %arg12[%swap3A_486, %swap3A_487], %add3A_481 {strides = array<i32>} : memref<16x17xf32, #tpu.memory_space<vmem>>, vector<16xf32>,
          %mul3A_489 = arith.constant 2 : i32
          %mul3A_490 = arith.muli %scan3A_436, %mul3A_489 : i32
          %add3A_491 = arith.constant 16 : i32
          %add3A_492 = arith.addi %add3A_491, %mul3A_490 : i32
          %add3A_493 = arith.constant 1 : i32
          %add3A_494 = arith.addi %add3A_492, %add3A_493 : i32
          %get3A_495 = arith.index_cast %add3A_494 : i32 to index
          %get3A_496 = arith.constant 0 : index
          %get3A_497 = tpu.vector_load %arg10[%get3A_495, %get3A_496] {strides = array<i32>} : memref<80x64xi32, #tpu.memory_space<vmem>>, vector<16xi32>,
          %bitcast3A_498 = vector.bitcast %get3A_497 : vector<16xi32> to vector<32xbf16>
          %get3A_499 = arith.index_cast %add3A_494 : i32 to index
          %get3A_500 = arith.constant 0 : index
          %get3A_501 = tpu.vector_load %arg11[%get3A_499, %get3A_500] {strides = array<i32>} : memref<80x64xi32, #tpu.memory_space<vmem>>, vector<16xi32>,
          %bitcast3A_502 = vector.bitcast %get3A_501 : vector<16xi32> to vector<32xbf16>
          %mul3A_503 = arith.mulf %bitcast3A_498, %bitcast3A_502 : vector<32xbf16>
          %get3A_504 = arith.index_cast %add3A_494 : i32 to index
          %get3A_505 = arith.constant 16 : index
          %get3A_506 = tpu.vector_load %arg10[%get3A_504, %get3A_505] {strides = array<i32>} : memref<80x64xi32, #tpu.memory_space<vmem>>, vector<16xi32>,
          %bitcast3A_507 = vector.bitcast %get3A_506 : vector<16xi32> to vector<32xbf16>
          %get3A_508 = arith.index_cast %add3A_494 : i32 to index
          %get3A_509 = arith.constant 16 : index
          %get3A_510 = tpu.vector_load %arg11[%get3A_508, %get3A_509] {strides = array<i32>} : memref<80x64xi32, #tpu.memory_space<vmem>>, vector<16xi32>,
          %bitcast3A_511 = vector.bitcast %get3A_510 : vector<16xi32> to vector<32xbf16>
          %mul3A_512 = arith.mulf %bitcast3A_507, %bitcast3A_511 : vector<32xbf16>
          %add3A_513 = arith.addf %mul3A_503, %mul3A_512 : vector<32xbf16>
          %get3A_514 = arith.index_cast %add3A_494 : i32 to index
          %get3A_515 = arith.constant 32 : index
          %get3A_516 = tpu.vector_load %arg10[%get3A_514, %get3A_515] {strides = array<i32>} : memref<80x64xi32, #tpu.memory_space<vmem>>, vector<16xi32>,
          %bitcast3A_517 = vector.bitcast %get3A_516 : vector<16xi32> to vector<32xbf16>
          %get3A_518 = arith.index_cast %add3A_494 : i32 to index
          %get3A_519 = arith.constant 32 : index
          %get3A_520 = tpu.vector_load %arg11[%get3A_518, %get3A_519] {strides = array<i32>} : memref<80x64xi32, #tpu.memory_space<vmem>>, vector<16xi32>,
          %bitcast3A_521 = vector.bitcast %get3A_520 : vector<16xi32> to vector<32xbf16>
          %mul3A_522 = arith.mulf %bitcast3A_517, %bitcast3A_521 : vector<32xbf16>
          %add3A_523 = arith.addf %add3A_513, %mul3A_522 : vector<32xbf16>
          %get3A_524 = arith.index_cast %add3A_494 : i32 to index
          %get3A_525 = arith.constant 48 : index
          %get3A_526 = tpu.vector_load %arg10[%get3A_524, %get3A_525] {strides = array<i32>} : memref<80x64xi32, #tpu.memory_space<vmem>>, vector<16xi32>,
          %bitcast3A_527 = vector.bitcast %get3A_526 : vector<16xi32> to vector<32xbf16>
          %get3A_528 = arith.index_cast %add3A_494 : i32 to index
          %get3A_529 = arith.constant 48 : index
          %get3A_530 = tpu.vector_load %arg11[%get3A_528, %get3A_529] {strides = array<i32>} : memref<80x64xi32, #tpu.memory_space<vmem>>, vector<16xi32>,
          %bitcast3A_531 = vector.bitcast %get3A_530 : vector<16xi32> to vector<32xbf16>
          %mul3A_532 = arith.mulf %bitcast3A_527, %bitcast3A_531 : vector<32xbf16>
          %add3A_533 = arith.addf %add3A_523, %mul3A_532 : vector<32xbf16>
          %unpack3A_534 = tpu.unpack_subelements %add3A_533, 0 {pack_format = #tpu.pack_format<interleaved>} : vector<32xbf16> -> vector<16xf32>
          %unpack3A_535 = tpu.unpack_subelements %add3A_533, 1 {pack_format = #tpu.pack_format<interleaved>} : vector<32xbf16> -> vector<16xf32>
          %add3A_536 = arith.addf %unpack3A_534, %unpack3A_535 : vector<16xf32>
          %mul3A_537 = arith.constant 2 : i32
          %mul3A_538 = arith.muli %scan3A_436, %mul3A_537 : i32
          %add3A_539 = arith.constant 1 : i32
          %add3A_540 = arith.addi %mul3A_538, %add3A_539 : i32
          %swap3A_541 = arith.index_cast %add3A_540 : i32 to index
          %swap3A_542 = arith.constant 0 : index
          %swap3A_543 = tpu.vector_load %arg12[%swap3A_541, %swap3A_542] {strides = array<i32>} : memref<16x17xf32, #tpu.memory_space<vmem>>, vector<16xf32>,
          tpu.vector_store %arg12[%swap3A_541, %swap3A_542], %add3A_536 {strides = array<i32>} : memref<16x17xf32, #tpu.memory_space<vmem>>, vector<16xf32>,
        }
        %scan3A_129 = arith.constant 8 : i32
        %broadcast_in_dim3A_130 = arith.constant 0.000000e+00 : f32
        %broadcast_in_dim3A_131 = vector.broadcast %broadcast_in_dim3A_130 : f32 to vector<16xf32>
        %broadcast_in_dim3A_132 = arith.constant 0 : i32
        %broadcast_in_dim3A_133 = vector.broadcast %broadcast_in_dim3A_132 : i32 to vector<16xi32>
        %gather3A_134 = tpu.vector_load_idx %arg12[%iota3A, %broadcast_in_dim3A_133] : memref<16x17xf32, #tpu.memory_space<vmem>>[vector<16xi32>, vector<16xi32>], vector<16xf32>,
        %add3A_135 = arith.addf %broadcast_in_dim3A_131, %gather3A_134 : vector<16xf32>
        %broadcast_in_dim3A_136 = arith.constant 1 : i32
        %broadcast_in_dim3A_137 = vector.broadcast %broadcast_in_dim3A_136 : i32 to vector<16xi32>
        %gather3A_138 = tpu.vector_load_idx %arg12[%iota3A, %broadcast_in_dim3A_137] : memref<16x17xf32, #tpu.memory_space<vmem>>[vector<16xi32>, vector<16xi32>], vector<16xf32>,
        %add3A_139 = arith.addf %add3A_135, %gather3A_138 : vector<16xf32>
        %broadcast_in_dim3A_140 = arith.constant 2 : i32
        %broadcast_in_dim3A_141 = vector.broadcast %broadcast_in_dim3A_140 : i32 to vector<16xi32>
        %gather3A_142 = tpu.vector_load_idx %arg12[%iota3A, %broadcast_in_dim3A_141] : memref<16x17xf32, #tpu.memory_space<vmem>>[vector<16xi32>, vector<16xi32>], vector<16xf32>,
        %add3A_143 = arith.addf %add3A_139, %gather3A_142 : vector<16xf32>
        %broadcast_in_dim3A_144 = arith.constant 3 : i32
        %broadcast_in_dim3A_145 = vector.broadcast %broadcast_in_dim3A_144 : i32 to vector<16xi32>
        %gather3A_146 = tpu.vector_load_idx %arg12[%iota3A, %broadcast_in_dim3A_145] : memref<16x17xf32, #tpu.memory_space<vmem>>[vector<16xi32>, vector<16xi32>], vector<16xf32>,
        %add3A_147 = arith.addf %add3A_143, %gather3A_146 : vector<16xf32>
        %broadcast_in_dim3A_148 = arith.constant 4 : i32
        %broadcast_in_dim3A_149 = vector.broadcast %broadcast_in_dim3A_148 : i32 to vector<16xi32>
        %gather3A_150 = tpu.vector_load_idx %arg12[%iota3A, %broadcast_in_dim3A_149] : memref<16x17xf32, #tpu.memory_space<vmem>>[vector<16xi32>, vector<16xi32>], vector<16xf32>,
        %add3A_151 = arith.addf %add3A_147, %gather3A_150 : vector<16xf32>
        %broadcast_in_dim3A_152 = arith.constant 5 : i32
        %broadcast_in_dim3A_153 = vector.broadcast %broadcast_in_dim3A_152 : i32 to vector<16xi32>
        %gather3A_154 = tpu.vector_load_idx %arg12[%iota3A, %broadcast_in_dim3A_153] : memref<16x17xf32, #tpu.memory_space<vmem>>[vector<16xi32>, vector<16xi32>], vector<16xf32>,
        %add3A_155 = arith.addf %add3A_151, %gather3A_154 : vector<16xf32>
        %broadcast_in_dim3A_156 = arith.constant 6 : i32
        %broadcast_in_dim3A_157 = vector.broadcast %broadcast_in_dim3A_156 : i32 to vector<16xi32>
        %gather3A_158 = tpu.vector_load_idx %arg12[%iota3A, %broadcast_in_dim3A_157] : memref<16x17xf32, #tpu.memory_space<vmem>>[vector<16xi32>, vector<16xi32>], vector<16xf32>,
        %add3A_159 = arith.addf %add3A_155, %gather3A_158 : vector<16xf32>
        %broadcast_in_dim3A_160 = arith.constant 7 : i32
        %broadcast_in_dim3A_161 = vector.broadcast %broadcast_in_dim3A_160 : i32 to vector<16xi32>
        %gather3A_162 = tpu.vector_load_idx %arg12[%iota3A, %broadcast_in_dim3A_161] : memref<16x17xf32, #tpu.memory_space<vmem>>[vector<16xi32>, vector<16xi32>], vector<16xf32>,
        %add3A_163 = arith.addf %add3A_159, %gather3A_162 : vector<16xf32>
        %broadcast_in_dim3A_164 = arith.constant 8 : i32
        %broadcast_in_dim3A_165 = vector.broadcast %broadcast_in_dim3A_164 : i32 to vector<16xi32>
        %gather3A_166 = tpu.vector_load_idx %arg12[%iota3A, %broadcast_in_dim3A_165] : memref<16x17xf32, #tpu.memory_space<vmem>>[vector<16xi32>, vector<16xi32>], vector<16xf32>,
        %add3A_167 = arith.addf %add3A_163, %gather3A_166 : vector<16xf32>
        %broadcast_in_dim3A_168 = arith.constant 9 : i32
        %broadcast_in_dim3A_169 = vector.broadcast %broadcast_in_dim3A_168 : i32 to vector<16xi32>
        %gather3A_170 = tpu.vector_load_idx %arg12[%iota3A, %broadcast_in_dim3A_169] : memref<16x17xf32, #tpu.memory_space<vmem>>[vector<16xi32>, vector<16xi32>], vector<16xf32>,
        %add3A_171 = arith.addf %add3A_167, %gather3A_170 : vector<16xf32>
        %broadcast_in_dim3A_172 = arith.constant 10 : i32
        %broadcast_in_dim3A_173 = vector.broadcast %broadcast_in_dim3A_172 : i32 to vector<16xi32>
        %gather3A_174 = tpu.vector_load_idx %arg12[%iota3A, %broadcast_in_dim3A_173] : memref<16x17xf32, #tpu.memory_space<vmem>>[vector<16xi32>, vector<16xi32>], vector<16xf32>,
        %add3A_175 = arith.addf %add3A_171, %gather3A_174 : vector<16xf32>
        %broadcast_in_dim3A_176 = arith.constant 11 : i32
        %broadcast_in_dim3A_177 = vector.broadcast %broadcast_in_dim3A_176 : i32 to vector<16xi32>
        %gather3A_178 = tpu.vector_load_idx %arg12[%iota3A, %broadcast_in_dim3A_177] : memref<16x17xf32, #tpu.memory_space<vmem>>[vector<16xi32>, vector<16xi32>], vector<16xf32>,
        %add3A_179 = arith.addf %add3A_175, %gather3A_178 : vector<16xf32>
        %broadcast_in_dim3A_180 = arith.constant 12 : i32
        %broadcast_in_dim3A_181 = vector.broadcast %broadcast_in_dim3A_180 : i32 to vector<16xi32>
        %gather3A_182 = tpu.vector_load_idx %arg12[%iota3A, %broadcast_in_dim3A_181] : memref<16x17xf32, #tpu.memory_space<vmem>>[vector<16xi32>, vector<16xi32>], vector<16xf32>,
        %add3A_183 = arith.addf %add3A_179, %gather3A_182 : vector<16xf32>
        %broadcast_in_dim3A_184 = arith.constant 13 : i32
        %broadcast_in_dim3A_185 = vector.broadcast %broadcast_in_dim3A_184 : i32 to vector<16xi32>
        %gather3A_186 = tpu.vector_load_idx %arg12[%iota3A, %broadcast_in_dim3A_185] : memref<16x17xf32, #tpu.memory_space<vmem>>[vector<16xi32>, vector<16xi32>], vector<16xf32>,
        %add3A_187 = arith.addf %add3A_183, %gather3A_186 : vector<16xf32>
        %broadcast_in_dim3A_188 = arith.constant 14 : i32
        %broadcast_in_dim3A_189 = vector.broadcast %broadcast_in_dim3A_188 : i32 to vector<16xi32>
        %gather3A_190 = tpu.vector_load_idx %arg12[%iota3A, %broadcast_in_dim3A_189] : memref<16x17xf32, #tpu.memory_space<vmem>>[vector<16xi32>, vector<16xi32>], vector<16xf32>,
        %add3A_191 = arith.addf %add3A_187, %gather3A_190 : vector<16xf32>
        %broadcast_in_dim3A_192 = arith.constant 15 : i32
        %broadcast_in_dim3A_193 = vector.broadcast %broadcast_in_dim3A_192 : i32 to vector<16xi32>
        %gather3A_194 = tpu.vector_load_idx %arg12[%iota3A, %broadcast_in_dim3A_193] : memref<16x17xf32, #tpu.memory_space<vmem>>[vector<16xi32>, vector<16xi32>], vector<16xf32>,
        %add3A_195 = arith.addf %add3A_191, %gather3A_194 : vector<16xf32>
        %mul3A_196 = arith.constant 80 : i32
        %mul3A_197 = arith.muli %scan3A_21, %mul3A_196 : i32
        %add3A_198 = arith.constant 16 : i32
        %add3A_199 = arith.addi %mul3A_197, %add3A_198 : i32
        %swap3A_200 = arith.index_cast %add3A_199 : i32 to index
        %swap3A_201 = tpu.vector_load %arg13[%swap3A_200] {strides = array<i32>} : memref<10000xf32, #tpu.memory_space<vmem>>, vector<16xf32>,
        tpu.vector_store %arg13[%swap3A_200], %add3A_195 {strides = array<i32>} : memref<10000xf32, #tpu.memory_space<vmem>>, vector<16xf32>,
        %scan3A_202 = arith.constant 0 : i32
        %scan3A_203 = arith.constant 0 : i32
        %scan3A_204 = arith.constant 8 : i32
        %scan3A_205 = arith.addi %scan3A_203, %scan3A_204 : i32
        %scan3A_206 = arith.constant 1 : i32
        scf.for %scan3A_436 = %scan3A_203 to %scan3A_205 step %scan3A_206  : i32 {
          %mul3A_437 = arith.constant 2 : i32
          %mul3A_438 = arith.muli %scan3A_436, %mul3A_437 : i32
          %add3A_439 = arith.constant 32 : i32
          %add3A_440 = arith.addi %add3A_439, %mul3A_438 : i32
          %add3A_441 = arith.constant 0 : i32
          %add3A_442 = arith.addi %add3A_440, %add3A_441 : i32
          %get3A = arith.index_cast %add3A_442 : i32 to index
          %get3A_443 = arith.constant 0 : index
          %get3A_444 = tpu.vector_load %arg10[%get3A, %get3A_443] {strides = array<i32>} : memref<80x64xi32, #tpu.memory_space<vmem>>, vector<16xi32>,
          %bitcast3A = vector.bitcast %get3A_444 : vector<16xi32> to vector<32xbf16>
          %get3A_445 = arith.index_cast %add3A_442 : i32 to index
          %get3A_446 = arith.constant 0 : index
          %get3A_447 = tpu.vector_load %arg11[%get3A_445, %get3A_446] {strides = array<i32>} : memref<80x64xi32, #tpu.memory_space<vmem>>, vector<16xi32>,
          %bitcast3A_448 = vector.bitcast %get3A_447 : vector<16xi32> to vector<32xbf16>
          %mul3A_449 = arith.mulf %bitcast3A, %bitcast3A_448 : vector<32xbf16>
          %get3A_450 = arith.index_cast %add3A_442 : i32 to index
          %get3A_451 = arith.constant 16 : index
          %get3A_452 = tpu.vector_load %arg10[%get3A_450, %get3A_451] {strides = array<i32>} : memref<80x64xi32, #tpu.memory_space<vmem>>, vector<16xi32>,
          %bitcast3A_453 = vector.bitcast %get3A_452 : vector<16xi32> to vector<32xbf16>
          %get3A_454 = arith.index_cast %add3A_442 : i32 to index
          %get3A_455 = arith.constant 16 : index
          %get3A_456 = tpu.vector_load %arg11[%get3A_454, %get3A_455] {strides = array<i32>} : memref<80x64xi32, #tpu.memory_space<vmem>>, vector<16xi32>,
          %bitcast3A_457 = vector.bitcast %get3A_456 : vector<16xi32> to vector<32xbf16>
          %mul3A_458 = arith.mulf %bitcast3A_453, %bitcast3A_457 : vector<32xbf16>
          %add3A_459 = arith.addf %mul3A_449, %mul3A_458 : vector<32xbf16>
          %get3A_460 = arith.index_cast %add3A_442 : i32 to index
          %get3A_461 = arith.constant 32 : index
          %get3A_462 = tpu.vector_load %arg10[%get3A_460, %get3A_461] {strides = array<i32>} : memref<80x64xi32, #tpu.memory_space<vmem>>, vector<16xi32>,
          %bitcast3A_463 = vector.bitcast %get3A_462 : vector<16xi32> to vector<32xbf16>
          %get3A_464 = arith.index_cast %add3A_442 : i32 to index
          %get3A_465 = arith.constant 32 : index
          %get3A_466 = tpu.vector_load %arg11[%get3A_464, %get3A_465] {strides = array<i32>} : memref<80x64xi32, #tpu.memory_space<vmem>>, vector<16xi32>,
          %bitcast3A_467 = vector.bitcast %get3A_466 : vector<16xi32> to vector<32xbf16>
          %mul3A_468 = arith.mulf %bitcast3A_463, %bitcast3A_467 : vector<32xbf16>
          %add3A_469 = arith.addf %add3A_459, %mul3A_468 : vector<32xbf16>
          %get3A_470 = arith.index_cast %add3A_442 : i32 to index
          %get3A_471 = arith.constant 48 : index
          %get3A_472 = tpu.vector_load %arg10[%get3A_470, %get3A_471] {strides = array<i32>} : memref<80x64xi32, #tpu.memory_space<vmem>>, vector<16xi32>,
          %bitcast3A_473 = vector.bitcast %get3A_472 : vector<16xi32> to vector<32xbf16>
          %get3A_474 = arith.index_cast %add3A_442 : i32 to index
          %get3A_475 = arith.constant 48 : index
          %get3A_476 = tpu.vector_load %arg11[%get3A_474, %get3A_475] {strides = array<i32>} : memref<80x64xi32, #tpu.memory_space<vmem>>, vector<16xi32>,
          %bitcast3A_477 = vector.bitcast %get3A_476 : vector<16xi32> to vector<32xbf16>
          %mul3A_478 = arith.mulf %bitcast3A_473, %bitcast3A_477 : vector<32xbf16>
          %add3A_479 = arith.addf %add3A_469, %mul3A_478 : vector<32xbf16>
          %unpack3A = tpu.unpack_subelements %add3A_479, 0 {pack_format = #tpu.pack_format<interleaved>} : vector<32xbf16> -> vector<16xf32>
          %unpack3A_480 = tpu.unpack_subelements %add3A_479, 1 {pack_format = #tpu.pack_format<interleaved>} : vector<32xbf16> -> vector<16xf32>
          %add3A_481 = arith.addf %unpack3A, %unpack3A_480 : vector<16xf32>
          %mul3A_482 = arith.constant 2 : i32
          %mul3A_483 = arith.muli %scan3A_436, %mul3A_482 : i32
          %add3A_484 = arith.constant 0 : i32
          %add3A_485 = arith.addi %mul3A_483, %add3A_484 : i32
          %swap3A_486 = arith.index_cast %add3A_485 : i32 to index
          %swap3A_487 = arith.constant 0 : index
          %swap3A_488 = tpu.vector_load %arg12[%swap3A_486, %swap3A_487] {strides = array<i32>} : memref<16x17xf32, #tpu.memory_space<vmem>>, vector<16xf32>,
          tpu.vector_store %arg12[%swap3A_486, %swap3A_487], %add3A_481 {strides = array<i32>} : memref<16x17xf32, #tpu.memory_space<vmem>>, vector<16xf32>,
          %mul3A_489 = arith.constant 2 : i32
          %mul3A_490 = arith.muli %scan3A_436, %mul3A_489 : i32
          %add3A_491 = arith.constant 32 : i32
          %add3A_492 = arith.addi %add3A_491, %mul3A_490 : i32
          %add3A_493 = arith.constant 1 : i32
          %add3A_494 = arith.addi %add3A_492, %add3A_493 : i32
          %get3A_495 = arith.index_cast %add3A_494 : i32 to index
          %get3A_496 = arith.constant 0 : index
          %get3A_497 = tpu.vector_load %arg10[%get3A_495, %get3A_496] {strides = array<i32>} : memref<80x64xi32, #tpu.memory_space<vmem>>, vector<16xi32>,
          %bitcast3A_498 = vector.bitcast %get3A_497 : vector<16xi32> to vector<32xbf16>
          %get3A_499 = arith.index_cast %add3A_494 : i32 to index
          %get3A_500 = arith.constant 0 : index
          %get3A_501 = tpu.vector_load %arg11[%get3A_499, %get3A_500] {strides = array<i32>} : memref<80x64xi32, #tpu.memory_space<vmem>>, vector<16xi32>,
          %bitcast3A_502 = vector.bitcast %get3A_501 : vector<16xi32> to vector<32xbf16>
          %mul3A_503 = arith.mulf %bitcast3A_498, %bitcast3A_502 : vector<32xbf16>
          %get3A_504 = arith.index_cast %add3A_494 : i32 to index
          %get3A_505 = arith.constant 16 : index
          %get3A_506 = tpu.vector_load %arg10[%get3A_504, %get3A_505] {strides = array<i32>} : memref<80x64xi32, #tpu.memory_space<vmem>>, vector<16xi32>,
          %bitcast3A_507 = vector.bitcast %get3A_506 : vector<16xi32> to vector<32xbf16>
          %get3A_508 = arith.index_cast %add3A_494 : i32 to index
          %get3A_509 = arith.constant 16 : index
          %get3A_510 = tpu.vector_load %arg11[%get3A_508, %get3A_509] {strides = array<i32>} : memref<80x64xi32, #tpu.memory_space<vmem>>, vector<16xi32>,
          %bitcast3A_511 = vector.bitcast %get3A_510 : vector<16xi32> to vector<32xbf16>
          %mul3A_512 = arith.mulf %bitcast3A_507, %bitcast3A_511 : vector<32xbf16>
          %add3A_513 = arith.addf %mul3A_503, %mul3A_512 : vector<32xbf16>
          %get3A_514 = arith.index_cast %add3A_494 : i32 to index
          %get3A_515 = arith.constant 32 : index
          %get3A_516 = tpu.vector_load %arg10[%get3A_514, %get3A_515] {strides = array<i32>} : memref<80x64xi32, #tpu.memory_space<vmem>>, vector<16xi32>,
          %bitcast3A_517 = vector.bitcast %get3A_516 : vector<16xi32> to vector<32xbf16>
          %get3A_518 = arith.index_cast %add3A_494 : i32 to index
          %get3A_519 = arith.constant 32 : index
          %get3A_520 = tpu.vector_load %arg11[%get3A_518, %get3A_519] {strides = array<i32>} : memref<80x64xi32, #tpu.memory_space<vmem>>, vector<16xi32>,
          %bitcast3A_521 = vector.bitcast %get3A_520 : vector<16xi32> to vector<32xbf16>
          %mul3A_522 = arith.mulf %bitcast3A_517, %bitcast3A_521 : vector<32xbf16>
          %add3A_523 = arith.addf %add3A_513, %mul3A_522 : vector<32xbf16>
          %get3A_524 = arith.index_cast %add3A_494 : i32 to index
          %get3A_525 = arith.constant 48 : index
          %get3A_526 = tpu.vector_load %arg10[%get3A_524, %get3A_525] {strides = array<i32>} : memref<80x64xi32, #tpu.memory_space<vmem>>, vector<16xi32>,
          %bitcast3A_527 = vector.bitcast %get3A_526 : vector<16xi32> to vector<32xbf16>
          %get3A_528 = arith.index_cast %add3A_494 : i32 to index
          %get3A_529 = arith.constant 48 : index
          %get3A_530 = tpu.vector_load %arg11[%get3A_528, %get3A_529] {strides = array<i32>} : memref<80x64xi32, #tpu.memory_space<vmem>>, vector<16xi32>,
          %bitcast3A_531 = vector.bitcast %get3A_530 : vector<16xi32> to vector<32xbf16>
          %mul3A_532 = arith.mulf %bitcast3A_527, %bitcast3A_531 : vector<32xbf16>
          %add3A_533 = arith.addf %add3A_523, %mul3A_532 : vector<32xbf16>
          %unpack3A_534 = tpu.unpack_subelements %add3A_533, 0 {pack_format = #tpu.pack_format<interleaved>} : vector<32xbf16> -> vector<16xf32>
          %unpack3A_535 = tpu.unpack_subelements %add3A_533, 1 {pack_format = #tpu.pack_format<interleaved>} : vector<32xbf16> -> vector<16xf32>
          %add3A_536 = arith.addf %unpack3A_534, %unpack3A_535 : vector<16xf32>
          %mul3A_537 = arith.constant 2 : i32
          %mul3A_538 = arith.muli %scan3A_436, %mul3A_537 : i32
          %add3A_539 = arith.constant 1 : i32
          %add3A_540 = arith.addi %mul3A_538, %add3A_539 : i32
          %swap3A_541 = arith.index_cast %add3A_540 : i32 to index
          %swap3A_542 = arith.constant 0 : index
          %swap3A_543 = tpu.vector_load %arg12[%swap3A_541, %swap3A_542] {strides = array<i32>} : memref<16x17xf32, #tpu.memory_space<vmem>>, vector<16xf32>,
          tpu.vector_store %arg12[%swap3A_541, %swap3A_542], %add3A_536 {strides = array<i32>} : memref<16x17xf32, #tpu.memory_space<vmem>>, vector<16xf32>,
        }
        %scan3A_207 = arith.constant 8 : i32
        %broadcast_in_dim3A_208 = arith.constant 0.000000e+00 : f32
        %broadcast_in_dim3A_209 = vector.broadcast %broadcast_in_dim3A_208 : f32 to vector<16xf32>
        %broadcast_in_dim3A_210 = arith.constant 0 : i32
        %broadcast_in_dim3A_211 = vector.broadcast %broadcast_in_dim3A_210 : i32 to vector<16xi32>
        %gather3A_212 = tpu.vector_load_idx %arg12[%iota3A, %broadcast_in_dim3A_211] : memref<16x17xf32, #tpu.memory_space<vmem>>[vector<16xi32>, vector<16xi32>], vector<16xf32>,
        %add3A_213 = arith.addf %broadcast_in_dim3A_209, %gather3A_212 : vector<16xf32>
        %broadcast_in_dim3A_214 = arith.constant 1 : i32
        %broadcast_in_dim3A_215 = vector.broadcast %broadcast_in_dim3A_214 : i32 to vector<16xi32>
        %gather3A_216 = tpu.vector_load_idx %arg12[%iota3A, %broadcast_in_dim3A_215] : memref<16x17xf32, #tpu.memory_space<vmem>>[vector<16xi32>, vector<16xi32>], vector<16xf32>,
        %add3A_217 = arith.addf %add3A_213, %gather3A_216 : vector<16xf32>
        %broadcast_in_dim3A_218 = arith.constant 2 : i32
        %broadcast_in_dim3A_219 = vector.broadcast %broadcast_in_dim3A_218 : i32 to vector<16xi32>
        %gather3A_220 = tpu.vector_load_idx %arg12[%iota3A, %broadcast_in_dim3A_219] : memref<16x17xf32, #tpu.memory_space<vmem>>[vector<16xi32>, vector<16xi32>], vector<16xf32>,
        %add3A_221 = arith.addf %add3A_217, %gather3A_220 : vector<16xf32>
        %broadcast_in_dim3A_222 = arith.constant 3 : i32
        %broadcast_in_dim3A_223 = vector.broadcast %broadcast_in_dim3A_222 : i32 to vector<16xi32>
        %gather3A_224 = tpu.vector_load_idx %arg12[%iota3A, %broadcast_in_dim3A_223] : memref<16x17xf32, #tpu.memory_space<vmem>>[vector<16xi32>, vector<16xi32>], vector<16xf32>,
        %add3A_225 = arith.addf %add3A_221, %gather3A_224 : vector<16xf32>
        %broadcast_in_dim3A_226 = arith.constant 4 : i32
        %broadcast_in_dim3A_227 = vector.broadcast %broadcast_in_dim3A_226 : i32 to vector<16xi32>
        %gather3A_228 = tpu.vector_load_idx %arg12[%iota3A, %broadcast_in_dim3A_227] : memref<16x17xf32, #tpu.memory_space<vmem>>[vector<16xi32>, vector<16xi32>], vector<16xf32>,
        %add3A_229 = arith.addf %add3A_225, %gather3A_228 : vector<16xf32>
        %broadcast_in_dim3A_230 = arith.constant 5 : i32
        %broadcast_in_dim3A_231 = vector.broadcast %broadcast_in_dim3A_230 : i32 to vector<16xi32>
        %gather3A_232 = tpu.vector_load_idx %arg12[%iota3A, %broadcast_in_dim3A_231] : memref<16x17xf32, #tpu.memory_space<vmem>>[vector<16xi32>, vector<16xi32>], vector<16xf32>,
        %add3A_233 = arith.addf %add3A_229, %gather3A_232 : vector<16xf32>
        %broadcast_in_dim3A_234 = arith.constant 6 : i32
        %broadcast_in_dim3A_235 = vector.broadcast %broadcast_in_dim3A_234 : i32 to vector<16xi32>
        %gather3A_236 = tpu.vector_load_idx %arg12[%iota3A, %broadcast_in_dim3A_235] : memref<16x17xf32, #tpu.memory_space<vmem>>[vector<16xi32>, vector<16xi32>], vector<16xf32>,
        %add3A_237 = arith.addf %add3A_233, %gather3A_236 : vector<16xf32>
        %broadcast_in_dim3A_238 = arith.constant 7 : i32
        %broadcast_in_dim3A_239 = vector.broadcast %broadcast_in_dim3A_238 : i32 to vector<16xi32>
        %gather3A_240 = tpu.vector_load_idx %arg12[%iota3A, %broadcast_in_dim3A_239] : memref<16x17xf32, #tpu.memory_space<vmem>>[vector<16xi32>, vector<16xi32>], vector<16xf32>,
        %add3A_241 = arith.addf %add3A_237, %gather3A_240 : vector<16xf32>
        %broadcast_in_dim3A_242 = arith.constant 8 : i32
        %broadcast_in_dim3A_243 = vector.broadcast %broadcast_in_dim3A_242 : i32 to vector<16xi32>
        %gather3A_244 = tpu.vector_load_idx %arg12[%iota3A, %broadcast_in_dim3A_243] : memref<16x17xf32, #tpu.memory_space<vmem>>[vector<16xi32>, vector<16xi32>], vector<16xf32>,
        %add3A_245 = arith.addf %add3A_241, %gather3A_244 : vector<16xf32>
        %broadcast_in_dim3A_246 = arith.constant 9 : i32
        %broadcast_in_dim3A_247 = vector.broadcast %broadcast_in_dim3A_246 : i32 to vector<16xi32>
        %gather3A_248 = tpu.vector_load_idx %arg12[%iota3A, %broadcast_in_dim3A_247] : memref<16x17xf32, #tpu.memory_space<vmem>>[vector<16xi32>, vector<16xi32>], vector<16xf32>,
        %add3A_249 = arith.addf %add3A_245, %gather3A_248 : vector<16xf32>
        %broadcast_in_dim3A_250 = arith.constant 10 : i32
        %broadcast_in_dim3A_251 = vector.broadcast %broadcast_in_dim3A_250 : i32 to vector<16xi32>
        %gather3A_252 = tpu.vector_load_idx %arg12[%iota3A, %broadcast_in_dim3A_251] : memref<16x17xf32, #tpu.memory_space<vmem>>[vector<16xi32>, vector<16xi32>], vector<16xf32>,
        %add3A_253 = arith.addf %add3A_249, %gather3A_252 : vector<16xf32>
        %broadcast_in_dim3A_254 = arith.constant 11 : i32
        %broadcast_in_dim3A_255 = vector.broadcast %broadcast_in_dim3A_254 : i32 to vector<16xi32>
        %gather3A_256 = tpu.vector_load_idx %arg12[%iota3A, %broadcast_in_dim3A_255] : memref<16x17xf32, #tpu.memory_space<vmem>>[vector<16xi32>, vector<16xi32>], vector<16xf32>,
        %add3A_257 = arith.addf %add3A_253, %gather3A_256 : vector<16xf32>
        %broadcast_in_dim3A_258 = arith.constant 12 : i32
        %broadcast_in_dim3A_259 = vector.broadcast %broadcast_in_dim3A_258 : i32 to vector<16xi32>
        %gather3A_260 = tpu.vector_load_idx %arg12[%iota3A, %broadcast_in_dim3A_259] : memref<16x17xf32, #tpu.memory_space<vmem>>[vector<16xi32>, vector<16xi32>], vector<16xf32>,
        %add3A_261 = arith.addf %add3A_257, %gather3A_260 : vector<16xf32>
        %broadcast_in_dim3A_262 = arith.constant 13 : i32
        %broadcast_in_dim3A_263 = vector.broadcast %broadcast_in_dim3A_262 : i32 to vector<16xi32>
        %gather3A_264 = tpu.vector_load_idx %arg12[%iota3A, %broadcast_in_dim3A_263] : memref<16x17xf32, #tpu.memory_space<vmem>>[vector<16xi32>, vector<16xi32>], vector<16xf32>,
        %add3A_265 = arith.addf %add3A_261, %gather3A_264 : vector<16xf32>
        %broadcast_in_dim3A_266 = arith.constant 14 : i32
        %broadcast_in_dim3A_267 = vector.broadcast %broadcast_in_dim3A_266 : i32 to vector<16xi32>
        %gather3A_268 = tpu.vector_load_idx %arg12[%iota3A, %broadcast_in_dim3A_267] : memref<16x17xf32, #tpu.memory_space<vmem>>[vector<16xi32>, vector<16xi32>], vector<16xf32>,
        %add3A_269 = arith.addf %add3A_265, %gather3A_268 : vector<16xf32>
        %broadcast_in_dim3A_270 = arith.constant 15 : i32
        %broadcast_in_dim3A_271 = vector.broadcast %broadcast_in_dim3A_270 : i32 to vector<16xi32>
        %gather3A_272 = tpu.vector_load_idx %arg12[%iota3A, %broadcast_in_dim3A_271] : memref<16x17xf32, #tpu.memory_space<vmem>>[vector<16xi32>, vector<16xi32>], vector<16xf32>,
        %add3A_273 = arith.addf %add3A_269, %gather3A_272 : vector<16xf32>
        %mul3A_274 = arith.constant 80 : i32
        %mul3A_275 = arith.muli %scan3A_21, %mul3A_274 : i32
        %add3A_276 = arith.constant 32 : i32
        %add3A_277 = arith.addi %mul3A_275, %add3A_276 : i32
        %swap3A_278 = arith.index_cast %add3A_277 : i32 to index
        %swap3A_279 = tpu.vector_load %arg13[%swap3A_278] {strides = array<i32>} : memref<10000xf32, #tpu.memory_space<vmem>>, vector<16xf32>,
        tpu.vector_store %arg13[%swap3A_278], %add3A_273 {strides = array<i32>} : memref<10000xf32, #tpu.memory_space<vmem>>, vector<16xf32>,
        %scan3A_280 = arith.constant 0 : i32
        %scan3A_281 = arith.constant 0 : i32
        %scan3A_282 = arith.constant 8 : i32
        %scan3A_283 = arith.addi %scan3A_281, %scan3A_282 : i32
        %scan3A_284 = arith.constant 1 : i32
        scf.for %scan3A_436 = %scan3A_281 to %scan3A_283 step %scan3A_284  : i32 {
          %mul3A_437 = arith.constant 2 : i32
          %mul3A_438 = arith.muli %scan3A_436, %mul3A_437 : i32
          %add3A_439 = arith.constant 48 : i32
          %add3A_440 = arith.addi %add3A_439, %mul3A_438 : i32
          %add3A_441 = arith.constant 0 : i32
          %add3A_442 = arith.addi %add3A_440, %add3A_441 : i32
          %get3A = arith.index_cast %add3A_442 : i32 to index
          %get3A_443 = arith.constant 0 : index
          %get3A_444 = tpu.vector_load %arg10[%get3A, %get3A_443] {strides = array<i32>} : memref<80x64xi32, #tpu.memory_space<vmem>>, vector<16xi32>,
          %bitcast3A = vector.bitcast %get3A_444 : vector<16xi32> to vector<32xbf16>
          %get3A_445 = arith.index_cast %add3A_442 : i32 to index
          %get3A_446 = arith.constant 0 : index
          %get3A_447 = tpu.vector_load %arg11[%get3A_445, %get3A_446] {strides = array<i32>} : memref<80x64xi32, #tpu.memory_space<vmem>>, vector<16xi32>,
          %bitcast3A_448 = vector.bitcast %get3A_447 : vector<16xi32> to vector<32xbf16>
          %mul3A_449 = arith.mulf %bitcast3A, %bitcast3A_448 : vector<32xbf16>
          %get3A_450 = arith.index_cast %add3A_442 : i32 to index
          %get3A_451 = arith.constant 16 : index
          %get3A_452 = tpu.vector_load %arg10[%get3A_450, %get3A_451] {strides = array<i32>} : memref<80x64xi32, #tpu.memory_space<vmem>>, vector<16xi32>,
          %bitcast3A_453 = vector.bitcast %get3A_452 : vector<16xi32> to vector<32xbf16>
          %get3A_454 = arith.index_cast %add3A_442 : i32 to index
          %get3A_455 = arith.constant 16 : index
          %get3A_456 = tpu.vector_load %arg11[%get3A_454, %get3A_455] {strides = array<i32>} : memref<80x64xi32, #tpu.memory_space<vmem>>, vector<16xi32>,
          %bitcast3A_457 = vector.bitcast %get3A_456 : vector<16xi32> to vector<32xbf16>
          %mul3A_458 = arith.mulf %bitcast3A_453, %bitcast3A_457 : vector<32xbf16>
          %add3A_459 = arith.addf %mul3A_449, %mul3A_458 : vector<32xbf16>
          %get3A_460 = arith.index_cast %add3A_442 : i32 to index
          %get3A_461 = arith.constant 32 : index
          %get3A_462 = tpu.vector_load %arg10[%get3A_460, %get3A_461] {strides = array<i32>} : memref<80x64xi32, #tpu.memory_space<vmem>>, vector<16xi32>,
          %bitcast3A_463 = vector.bitcast %get3A_462 : vector<16xi32> to vector<32xbf16>
          %get3A_464 = arith.index_cast %add3A_442 : i32 to index
          %get3A_465 = arith.constant 32 : index
          %get3A_466 = tpu.vector_load %arg11[%get3A_464, %get3A_465] {strides = array<i32>} : memref<80x64xi32, #tpu.memory_space<vmem>>, vector<16xi32>,
          %bitcast3A_467 = vector.bitcast %get3A_466 : vector<16xi32> to vector<32xbf16>
          %mul3A_468 = arith.mulf %bitcast3A_463, %bitcast3A_467 : vector<32xbf16>
          %add3A_469 = arith.addf %add3A_459, %mul3A_468 : vector<32xbf16>
          %get3A_470 = arith.index_cast %add3A_442 : i32 to index
          %get3A_471 = arith.constant 48 : index
          %get3A_472 = tpu.vector_load %arg10[%get3A_470, %get3A_471] {strides = array<i32>} : memref<80x64xi32, #tpu.memory_space<vmem>>, vector<16xi32>,
          %bitcast3A_473 = vector.bitcast %get3A_472 : vector<16xi32> to vector<32xbf16>
          %get3A_474 = arith.index_cast %add3A_442 : i32 to index
          %get3A_475 = arith.constant 48 : index
          %get3A_476 = tpu.vector_load %arg11[%get3A_474, %get3A_475] {strides = array<i32>} : memref<80x64xi32, #tpu.memory_space<vmem>>, vector<16xi32>,
          %bitcast3A_477 = vector.bitcast %get3A_476 : vector<16xi32> to vector<32xbf16>
          %mul3A_478 = arith.mulf %bitcast3A_473, %bitcast3A_477 : vector<32xbf16>
          %add3A_479 = arith.addf %add3A_469, %mul3A_478 : vector<32xbf16>
          %unpack3A = tpu.unpack_subelements %add3A_479, 0 {pack_format = #tpu.pack_format<interleaved>} : vector<32xbf16> -> vector<16xf32>
          %unpack3A_480 = tpu.unpack_subelements %add3A_479, 1 {pack_format = #tpu.pack_format<interleaved>} : vector<32xbf16> -> vector<16xf32>
          %add3A_481 = arith.addf %unpack3A, %unpack3A_480 : vector<16xf32>
          %mul3A_482 = arith.constant 2 : i32
          %mul3A_483 = arith.muli %scan3A_436, %mul3A_482 : i32
          %add3A_484 = arith.constant 0 : i32
          %add3A_485 = arith.addi %mul3A_483, %add3A_484 : i32
          %swap3A_486 = arith.index_cast %add3A_485 : i32 to index
          %swap3A_487 = arith.constant 0 : index
          %swap3A_488 = tpu.vector_load %arg12[%swap3A_486, %swap3A_487] {strides = array<i32>} : memref<16x17xf32, #tpu.memory_space<vmem>>, vector<16xf32>,
          tpu.vector_store %arg12[%swap3A_486, %swap3A_487], %add3A_481 {strides = array<i32>} : memref<16x17xf32, #tpu.memory_space<vmem>>, vector<16xf32>,
          %mul3A_489 = arith.constant 2 : i32
          %mul3A_490 = arith.muli %scan3A_436, %mul3A_489 : i32
          %add3A_491 = arith.constant 48 : i32
          %add3A_492 = arith.addi %add3A_491, %mul3A_490 : i32
          %add3A_493 = arith.constant 1 : i32
          %add3A_494 = arith.addi %add3A_492, %add3A_493 : i32
          %get3A_495 = arith.index_cast %add3A_494 : i32 to index
          %get3A_496 = arith.constant 0 : index
          %get3A_497 = tpu.vector_load %arg10[%get3A_495, %get3A_496] {strides = array<i32>} : memref<80x64xi32, #tpu.memory_space<vmem>>, vector<16xi32>,
          %bitcast3A_498 = vector.bitcast %get3A_497 : vector<16xi32> to vector<32xbf16>
          %get3A_499 = arith.index_cast %add3A_494 : i32 to index
          %get3A_500 = arith.constant 0 : index
          %get3A_501 = tpu.vector_load %arg11[%get3A_499, %get3A_500] {strides = array<i32>} : memref<80x64xi32, #tpu.memory_space<vmem>>, vector<16xi32>,
          %bitcast3A_502 = vector.bitcast %get3A_501 : vector<16xi32> to vector<32xbf16>
          %mul3A_503 = arith.mulf %bitcast3A_498, %bitcast3A_502 : vector<32xbf16>
          %get3A_504 = arith.index_cast %add3A_494 : i32 to index
          %get3A_505 = arith.constant 16 : index
          %get3A_506 = tpu.vector_load %arg10[%get3A_504, %get3A_505] {strides = array<i32>} : memref<80x64xi32, #tpu.memory_space<vmem>>, vector<16xi32>,
          %bitcast3A_507 = vector.bitcast %get3A_506 : vector<16xi32> to vector<32xbf16>
          %get3A_508 = arith.index_cast %add3A_494 : i32 to index
          %get3A_509 = arith.constant 16 : index
          %get3A_510 = tpu.vector_load %arg11[%get3A_508, %get3A_509] {strides = array<i32>} : memref<80x64xi32, #tpu.memory_space<vmem>>, vector<16xi32>,
          %bitcast3A_511 = vector.bitcast %get3A_510 : vector<16xi32> to vector<32xbf16>
          %mul3A_512 = arith.mulf %bitcast3A_507, %bitcast3A_511 : vector<32xbf16>
          %add3A_513 = arith.addf %mul3A_503, %mul3A_512 : vector<32xbf16>
          %get3A_514 = arith.index_cast %add3A_494 : i32 to index
          %get3A_515 = arith.constant 32 : index
          %get3A_516 = tpu.vector_load %arg10[%get3A_514, %get3A_515] {strides = array<i32>} : memref<80x64xi32, #tpu.memory_space<vmem>>, vector<16xi32>,
          %bitcast3A_517 = vector.bitcast %get3A_516 : vector<16xi32> to vector<32xbf16>
          %get3A_518 = arith.index_cast %add3A_494 : i32 to index
          %get3A_519 = arith.constant 32 : index
          %get3A_520 = tpu.vector_load %arg11[%get3A_518, %get3A_519] {strides = array<i32>} : memref<80x64xi32, #tpu.memory_space<vmem>>, vector<16xi32>,
          %bitcast3A_521 = vector.bitcast %get3A_520 : vector<16xi32> to vector<32xbf16>
          %mul3A_522 = arith.mulf %bitcast3A_517, %bitcast3A_521 : vector<32xbf16>
          %add3A_523 = arith.addf %add3A_513, %mul3A_522 : vector<32xbf16>
          %get3A_524 = arith.index_cast %add3A_494 : i32 to index
          %get3A_525 = arith.constant 48 : index
          %get3A_526 = tpu.vector_load %arg10[%get3A_524, %get3A_525] {strides = array<i32>} : memref<80x64xi32, #tpu.memory_space<vmem>>, vector<16xi32>,
          %bitcast3A_527 = vector.bitcast %get3A_526 : vector<16xi32> to vector<32xbf16>
          %get3A_528 = arith.index_cast %add3A_494 : i32 to index
          %get3A_529 = arith.constant 48 : index
          %get3A_530 = tpu.vector_load %arg11[%get3A_528, %get3A_529] {strides = array<i32>} : memref<80x64xi32, #tpu.memory_space<vmem>>, vector<16xi32>,
          %bitcast3A_531 = vector.bitcast %get3A_530 : vector<16xi32> to vector<32xbf16>
          %mul3A_532 = arith.mulf %bitcast3A_527, %bitcast3A_531 : vector<32xbf16>
          %add3A_533 = arith.addf %add3A_523, %mul3A_532 : vector<32xbf16>
          %unpack3A_534 = tpu.unpack_subelements %add3A_533, 0 {pack_format = #tpu.pack_format<interleaved>} : vector<32xbf16> -> vector<16xf32>
          %unpack3A_535 = tpu.unpack_subelements %add3A_533, 1 {pack_format = #tpu.pack_format<interleaved>} : vector<32xbf16> -> vector<16xf32>
          %add3A_536 = arith.addf %unpack3A_534, %unpack3A_535 : vector<16xf32>
          %mul3A_537 = arith.constant 2 : i32
          %mul3A_538 = arith.muli %scan3A_436, %mul3A_537 : i32
          %add3A_539 = arith.constant 1 : i32
          %add3A_540 = arith.addi %mul3A_538, %add3A_539 : i32
          %swap3A_541 = arith.index_cast %add3A_540 : i32 to index
          %swap3A_542 = arith.constant 0 : index
          %swap3A_543 = tpu.vector_load %arg12[%swap3A_541, %swap3A_542] {strides = array<i32>} : memref<16x17xf32, #tpu.memory_space<vmem>>, vector<16xf32>,
          tpu.vector_store %arg12[%swap3A_541, %swap3A_542], %add3A_536 {strides = array<i32>} : memref<16x17xf32, #tpu.memory_space<vmem>>, vector<16xf32>,
        }
        %scan3A_285 = arith.constant 8 : i32
        %broadcast_in_dim3A_286 = arith.constant 0.000000e+00 : f32
        %broadcast_in_dim3A_287 = vector.broadcast %broadcast_in_dim3A_286 : f32 to vector<16xf32>
        %broadcast_in_dim3A_288 = arith.constant 0 : i32
        %broadcast_in_dim3A_289 = vector.broadcast %broadcast_in_dim3A_288 : i32 to vector<16xi32>
        %gather3A_290 = tpu.vector_load_idx %arg12[%iota3A, %broadcast_in_dim3A_289] : memref<16x17xf32, #tpu.memory_space<vmem>>[vector<16xi32>, vector<16xi32>], vector<16xf32>,
        %add3A_291 = arith.addf %broadcast_in_dim3A_287, %gather3A_290 : vector<16xf32>
        %broadcast_in_dim3A_292 = arith.constant 1 : i32
        %broadcast_in_dim3A_293 = vector.broadcast %broadcast_in_dim3A_292 : i32 to vector<16xi32>
        %gather3A_294 = tpu.vector_load_idx %arg12[%iota3A, %broadcast_in_dim3A_293] : memref<16x17xf32, #tpu.memory_space<vmem>>[vector<16xi32>, vector<16xi32>], vector<16xf32>,
        %add3A_295 = arith.addf %add3A_291, %gather3A_294 : vector<16xf32>
        %broadcast_in_dim3A_296 = arith.constant 2 : i32
        %broadcast_in_dim3A_297 = vector.broadcast %broadcast_in_dim3A_296 : i32 to vector<16xi32>
        %gather3A_298 = tpu.vector_load_idx %arg12[%iota3A, %broadcast_in_dim3A_297] : memref<16x17xf32, #tpu.memory_space<vmem>>[vector<16xi32>, vector<16xi32>], vector<16xf32>,
        %add3A_299 = arith.addf %add3A_295, %gather3A_298 : vector<16xf32>
        %broadcast_in_dim3A_300 = arith.constant 3 : i32
        %broadcast_in_dim3A_301 = vector.broadcast %broadcast_in_dim3A_300 : i32 to vector<16xi32>
        %gather3A_302 = tpu.vector_load_idx %arg12[%iota3A, %broadcast_in_dim3A_301] : memref<16x17xf32, #tpu.memory_space<vmem>>[vector<16xi32>, vector<16xi32>], vector<16xf32>,
        %add3A_303 = arith.addf %add3A_299, %gather3A_302 : vector<16xf32>
        %broadcast_in_dim3A_304 = arith.constant 4 : i32
        %broadcast_in_dim3A_305 = vector.broadcast %broadcast_in_dim3A_304 : i32 to vector<16xi32>
        %gather3A_306 = tpu.vector_load_idx %arg12[%iota3A, %broadcast_in_dim3A_305] : memref<16x17xf32, #tpu.memory_space<vmem>>[vector<16xi32>, vector<16xi32>], vector<16xf32>,
        %add3A_307 = arith.addf %add3A_303, %gather3A_306 : vector<16xf32>
        %broadcast_in_dim3A_308 = arith.constant 5 : i32
        %broadcast_in_dim3A_309 = vector.broadcast %broadcast_in_dim3A_308 : i32 to vector<16xi32>
        %gather3A_310 = tpu.vector_load_idx %arg12[%iota3A, %broadcast_in_dim3A_309] : memref<16x17xf32, #tpu.memory_space<vmem>>[vector<16xi32>, vector<16xi32>], vector<16xf32>,
        %add3A_311 = arith.addf %add3A_307, %gather3A_310 : vector<16xf32>
        %broadcast_in_dim3A_312 = arith.constant 6 : i32
        %broadcast_in_dim3A_313 = vector.broadcast %broadcast_in_dim3A_312 : i32 to vector<16xi32>
        %gather3A_314 = tpu.vector_load_idx %arg12[%iota3A, %broadcast_in_dim3A_313] : memref<16x17xf32, #tpu.memory_space<vmem>>[vector<16xi32>, vector<16xi32>], vector<16xf32>,
        %add3A_315 = arith.addf %add3A_311, %gather3A_314 : vector<16xf32>
        %broadcast_in_dim3A_316 = arith.constant 7 : i32
        %broadcast_in_dim3A_317 = vector.broadcast %broadcast_in_dim3A_316 : i32 to vector<16xi32>
        %gather3A_318 = tpu.vector_load_idx %arg12[%iota3A, %broadcast_in_dim3A_317] : memref<16x17xf32, #tpu.memory_space<vmem>>[vector<16xi32>, vector<16xi32>], vector<16xf32>,
        %add3A_319 = arith.addf %add3A_315, %gather3A_318 : vector<16xf32>
        %broadcast_in_dim3A_320 = arith.constant 8 : i32
        %broadcast_in_dim3A_321 = vector.broadcast %broadcast_in_dim3A_320 : i32 to vector<16xi32>
        %gather3A_322 = tpu.vector_load_idx %arg12[%iota3A, %broadcast_in_dim3A_321] : memref<16x17xf32, #tpu.memory_space<vmem>>[vector<16xi32>, vector<16xi32>], vector<16xf32>,
        %add3A_323 = arith.addf %add3A_319, %gather3A_322 : vector<16xf32>
        %broadcast_in_dim3A_324 = arith.constant 9 : i32
        %broadcast_in_dim3A_325 = vector.broadcast %broadcast_in_dim3A_324 : i32 to vector<16xi32>
        %gather3A_326 = tpu.vector_load_idx %arg12[%iota3A, %broadcast_in_dim3A_325] : memref<16x17xf32, #tpu.memory_space<vmem>>[vector<16xi32>, vector<16xi32>], vector<16xf32>,
        %add3A_327 = arith.addf %add3A_323, %gather3A_326 : vector<16xf32>
        %broadcast_in_dim3A_328 = arith.constant 10 : i32
        %broadcast_in_dim3A_329 = vector.broadcast %broadcast_in_dim3A_328 : i32 to vector<16xi32>
        %gather3A_330 = tpu.vector_load_idx %arg12[%iota3A, %broadcast_in_dim3A_329] : memref<16x17xf32, #tpu.memory_space<vmem>>[vector<16xi32>, vector<16xi32>], vector<16xf32>,
        %add3A_331 = arith.addf %add3A_327, %gather3A_330 : vector<16xf32>
        %broadcast_in_dim3A_332 = arith.constant 11 : i32
        %broadcast_in_dim3A_333 = vector.broadcast %broadcast_in_dim3A_332 : i32 to vector<16xi32>
        %gather3A_334 = tpu.vector_load_idx %arg12[%iota3A, %broadcast_in_dim3A_333] : memref<16x17xf32, #tpu.memory_space<vmem>>[vector<16xi32>, vector<16xi32>], vector<16xf32>,
        %add3A_335 = arith.addf %add3A_331, %gather3A_334 : vector<16xf32>
        %broadcast_in_dim3A_336 = arith.constant 12 : i32
        %broadcast_in_dim3A_337 = vector.broadcast %broadcast_in_dim3A_336 : i32 to vector<16xi32>
        %gather3A_338 = tpu.vector_load_idx %arg12[%iota3A, %broadcast_in_dim3A_337] : memref<16x17xf32, #tpu.memory_space<vmem>>[vector<16xi32>, vector<16xi32>], vector<16xf32>,
        %add3A_339 = arith.addf %add3A_335, %gather3A_338 : vector<16xf32>
        %broadcast_in_dim3A_340 = arith.constant 13 : i32
        %broadcast_in_dim3A_341 = vector.broadcast %broadcast_in_dim3A_340 : i32 to vector<16xi32>
        %gather3A_342 = tpu.vector_load_idx %arg12[%iota3A, %broadcast_in_dim3A_341] : memref<16x17xf32, #tpu.memory_space<vmem>>[vector<16xi32>, vector<16xi32>], vector<16xf32>,
        %add3A_343 = arith.addf %add3A_339, %gather3A_342 : vector<16xf32>
        %broadcast_in_dim3A_344 = arith.constant 14 : i32
        %broadcast_in_dim3A_345 = vector.broadcast %broadcast_in_dim3A_344 : i32 to vector<16xi32>
        %gather3A_346 = tpu.vector_load_idx %arg12[%iota3A, %broadcast_in_dim3A_345] : memref<16x17xf32, #tpu.memory_space<vmem>>[vector<16xi32>, vector<16xi32>], vector<16xf32>,
        %add3A_347 = arith.addf %add3A_343, %gather3A_346 : vector<16xf32>
        %broadcast_in_dim3A_348 = arith.constant 15 : i32
        %broadcast_in_dim3A_349 = vector.broadcast %broadcast_in_dim3A_348 : i32 to vector<16xi32>
        %gather3A_350 = tpu.vector_load_idx %arg12[%iota3A, %broadcast_in_dim3A_349] : memref<16x17xf32, #tpu.memory_space<vmem>>[vector<16xi32>, vector<16xi32>], vector<16xf32>,
        %add3A_351 = arith.addf %add3A_347, %gather3A_350 : vector<16xf32>
        %mul3A_352 = arith.constant 80 : i32
        %mul3A_353 = arith.muli %scan3A_21, %mul3A_352 : i32
        %add3A_354 = arith.constant 48 : i32
        %add3A_355 = arith.addi %mul3A_353, %add3A_354 : i32
        %swap3A_356 = arith.index_cast %add3A_355 : i32 to index
        %swap3A_357 = tpu.vector_load %arg13[%swap3A_356] {strides = array<i32>} : memref<10000xf32, #tpu.memory_space<vmem>>, vector<16xf32>,
        tpu.vector_store %arg13[%swap3A_356], %add3A_351 {strides = array<i32>} : memref<10000xf32, #tpu.memory_space<vmem>>, vector<16xf32>,
        %scan3A_358 = arith.constant 0 : i32
        %scan3A_359 = arith.constant 0 : i32
        %scan3A_360 = arith.constant 8 : i32
        %scan3A_361 = arith.addi %scan3A_359, %scan3A_360 : i32
        %scan3A_362 = arith.constant 1 : i32
        scf.for %scan3A_436 = %scan3A_359 to %scan3A_361 step %scan3A_362  : i32 {
          %mul3A_437 = arith.constant 2 : i32
          %mul3A_438 = arith.muli %scan3A_436, %mul3A_437 : i32
          %add3A_439 = arith.constant 64 : i32
          %add3A_440 = arith.addi %add3A_439, %mul3A_438 : i32
          %add3A_441 = arith.constant 0 : i32
          %add3A_442 = arith.addi %add3A_440, %add3A_441 : i32
          %get3A = arith.index_cast %add3A_442 : i32 to index
          %get3A_443 = arith.constant 0 : index
          %get3A_444 = tpu.vector_load %arg10[%get3A, %get3A_443] {strides = array<i32>} : memref<80x64xi32, #tpu.memory_space<vmem>>, vector<16xi32>,
          %bitcast3A = vector.bitcast %get3A_444 : vector<16xi32> to vector<32xbf16>
          %get3A_445 = arith.index_cast %add3A_442 : i32 to index
          %get3A_446 = arith.constant 0 : index
          %get3A_447 = tpu.vector_load %arg11[%get3A_445, %get3A_446] {strides = array<i32>} : memref<80x64xi32, #tpu.memory_space<vmem>>, vector<16xi32>,
          %bitcast3A_448 = vector.bitcast %get3A_447 : vector<16xi32> to vector<32xbf16>
          %mul3A_449 = arith.mulf %bitcast3A, %bitcast3A_448 : vector<32xbf16>
          %get3A_450 = arith.index_cast %add3A_442 : i32 to index
          %get3A_451 = arith.constant 16 : index
          %get3A_452 = tpu.vector_load %arg10[%get3A_450, %get3A_451] {strides = array<i32>} : memref<80x64xi32, #tpu.memory_space<vmem>>, vector<16xi32>,
          %bitcast3A_453 = vector.bitcast %get3A_452 : vector<16xi32> to vector<32xbf16>
          %get3A_454 = arith.index_cast %add3A_442 : i32 to index
          %get3A_455 = arith.constant 16 : index
          %get3A_456 = tpu.vector_load %arg11[%get3A_454, %get3A_455] {strides = array<i32>} : memref<80x64xi32, #tpu.memory_space<vmem>>, vector<16xi32>,
          %bitcast3A_457 = vector.bitcast %get3A_456 : vector<16xi32> to vector<32xbf16>
          %mul3A_458 = arith.mulf %bitcast3A_453, %bitcast3A_457 : vector<32xbf16>
          %add3A_459 = arith.addf %mul3A_449, %mul3A_458 : vector<32xbf16>
          %get3A_460 = arith.index_cast %add3A_442 : i32 to index
          %get3A_461 = arith.constant 32 : index
          %get3A_462 = tpu.vector_load %arg10[%get3A_460, %get3A_461] {strides = array<i32>} : memref<80x64xi32, #tpu.memory_space<vmem>>, vector<16xi32>,
          %bitcast3A_463 = vector.bitcast %get3A_462 : vector<16xi32> to vector<32xbf16>
          %get3A_464 = arith.index_cast %add3A_442 : i32 to index
          %get3A_465 = arith.constant 32 : index
          %get3A_466 = tpu.vector_load %arg11[%get3A_464, %get3A_465] {strides = array<i32>} : memref<80x64xi32, #tpu.memory_space<vmem>>, vector<16xi32>,
          %bitcast3A_467 = vector.bitcast %get3A_466 : vector<16xi32> to vector<32xbf16>
          %mul3A_468 = arith.mulf %bitcast3A_463, %bitcast3A_467 : vector<32xbf16>
          %add3A_469 = arith.addf %add3A_459, %mul3A_468 : vector<32xbf16>
          %get3A_470 = arith.index_cast %add3A_442 : i32 to index
          %get3A_471 = arith.constant 48 : index
          %get3A_472 = tpu.vector_load %arg10[%get3A_470, %get3A_471] {strides = array<i32>} : memref<80x64xi32, #tpu.memory_space<vmem>>, vector<16xi32>,
          %bitcast3A_473 = vector.bitcast %get3A_472 : vector<16xi32> to vector<32xbf16>
          %get3A_474 = arith.index_cast %add3A_442 : i32 to index
          %get3A_475 = arith.constant 48 : index
          %get3A_476 = tpu.vector_load %arg11[%get3A_474, %get3A_475] {strides = array<i32>} : memref<80x64xi32, #tpu.memory_space<vmem>>, vector<16xi32>,
          %bitcast3A_477 = vector.bitcast %get3A_476 : vector<16xi32> to vector<32xbf16>
          %mul3A_478 = arith.mulf %bitcast3A_473, %bitcast3A_477 : vector<32xbf16>
          %add3A_479 = arith.addf %add3A_469, %mul3A_478 : vector<32xbf16>
          %unpack3A = tpu.unpack_subelements %add3A_479, 0 {pack_format = #tpu.pack_format<interleaved>} : vector<32xbf16> -> vector<16xf32>
          %unpack3A_480 = tpu.unpack_subelements %add3A_479, 1 {pack_format = #tpu.pack_format<interleaved>} : vector<32xbf16> -> vector<16xf32>
          %add3A_481 = arith.addf %unpack3A, %unpack3A_480 : vector<16xf32>
          %mul3A_482 = arith.constant 2 : i32
          %mul3A_483 = arith.muli %scan3A_436, %mul3A_482 : i32
          %add3A_484 = arith.constant 0 : i32
          %add3A_485 = arith.addi %mul3A_483, %add3A_484 : i32
          %swap3A_486 = arith.index_cast %add3A_485 : i32 to index
          %swap3A_487 = arith.constant 0 : index
          %swap3A_488 = tpu.vector_load %arg12[%swap3A_486, %swap3A_487] {strides = array<i32>} : memref<16x17xf32, #tpu.memory_space<vmem>>, vector<16xf32>,
          tpu.vector_store %arg12[%swap3A_486, %swap3A_487], %add3A_481 {strides = array<i32>} : memref<16x17xf32, #tpu.memory_space<vmem>>, vector<16xf32>,
          %mul3A_489 = arith.constant 2 : i32
          %mul3A_490 = arith.muli %scan3A_436, %mul3A_489 : i32
          %add3A_491 = arith.constant 64 : i32
          %add3A_492 = arith.addi %add3A_491, %mul3A_490 : i32
          %add3A_493 = arith.constant 1 : i32
          %add3A_494 = arith.addi %add3A_492, %add3A_493 : i32
          %get3A_495 = arith.index_cast %add3A_494 : i32 to index
          %get3A_496 = arith.constant 0 : index
          %get3A_497 = tpu.vector_load %arg10[%get3A_495, %get3A_496] {strides = array<i32>} : memref<80x64xi32, #tpu.memory_space<vmem>>, vector<16xi32>,
          %bitcast3A_498 = vector.bitcast %get3A_497 : vector<16xi32> to vector<32xbf16>
          %get3A_499 = arith.index_cast %add3A_494 : i32 to index
          %get3A_500 = arith.constant 0 : index
          %get3A_501 = tpu.vector_load %arg11[%get3A_499, %get3A_500] {strides = array<i32>} : memref<80x64xi32, #tpu.memory_space<vmem>>, vector<16xi32>,
          %bitcast3A_502 = vector.bitcast %get3A_501 : vector<16xi32> to vector<32xbf16>
          %mul3A_503 = arith.mulf %bitcast3A_498, %bitcast3A_502 : vector<32xbf16>
          %get3A_504 = arith.index_cast %add3A_494 : i32 to index
          %get3A_505 = arith.constant 16 : index
          %get3A_506 = tpu.vector_load %arg10[%get3A_504, %get3A_505] {strides = array<i32>} : memref<80x64xi32, #tpu.memory_space<vmem>>, vector<16xi32>,
          %bitcast3A_507 = vector.bitcast %get3A_506 : vector<16xi32> to vector<32xbf16>
          %get3A_508 = arith.index_cast %add3A_494 : i32 to index
          %get3A_509 = arith.constant 16 : index
          %get3A_510 = tpu.vector_load %arg11[%get3A_508, %get3A_509] {strides = array<i32>} : memref<80x64xi32, #tpu.memory_space<vmem>>, vector<16xi32>,
          %bitcast3A_511 = vector.bitcast %get3A_510 : vector<16xi32> to vector<32xbf16>
          %mul3A_512 = arith.mulf %bitcast3A_507, %bitcast3A_511 : vector<32xbf16>
          %add3A_513 = arith.addf %mul3A_503, %mul3A_512 : vector<32xbf16>
          %get3A_514 = arith.index_cast %add3A_494 : i32 to index
          %get3A_515 = arith.constant 32 : index
          %get3A_516 = tpu.vector_load %arg10[%get3A_514, %get3A_515] {strides = array<i32>} : memref<80x64xi32, #tpu.memory_space<vmem>>, vector<16xi32>,
          %bitcast3A_517 = vector.bitcast %get3A_516 : vector<16xi32> to vector<32xbf16>
          %get3A_518 = arith.index_cast %add3A_494 : i32 to index
          %get3A_519 = arith.constant 32 : index
          %get3A_520 = tpu.vector_load %arg11[%get3A_518, %get3A_519] {strides = array<i32>} : memref<80x64xi32, #tpu.memory_space<vmem>>, vector<16xi32>,
          %bitcast3A_521 = vector.bitcast %get3A_520 : vector<16xi32> to vector<32xbf16>
          %mul3A_522 = arith.mulf %bitcast3A_517, %bitcast3A_521 : vector<32xbf16>
          %add3A_523 = arith.addf %add3A_513, %mul3A_522 : vector<32xbf16>
          %get3A_524 = arith.index_cast %add3A_494 : i32 to index
          %get3A_525 = arith.constant 48 : index
          %get3A_526 = tpu.vector_load %arg10[%get3A_524, %get3A_525] {strides = array<i32>} : memref<80x64xi32, #tpu.memory_space<vmem>>, vector<16xi32>,
          %bitcast3A_527 = vector.bitcast %get3A_526 : vector<16xi32> to vector<32xbf16>
          %get3A_528 = arith.index_cast %add3A_494 : i32 to index
          %get3A_529 = arith.constant 48 : index
          %get3A_530 = tpu.vector_load %arg11[%get3A_528, %get3A_529] {strides = array<i32>} : memref<80x64xi32, #tpu.memory_space<vmem>>, vector<16xi32>,
          %bitcast3A_531 = vector.bitcast %get3A_530 : vector<16xi32> to vector<32xbf16>
          %mul3A_532 = arith.mulf %bitcast3A_527, %bitcast3A_531 : vector<32xbf16>
          %add3A_533 = arith.addf %add3A_523, %mul3A_532 : vector<32xbf16>
          %unpack3A_534 = tpu.unpack_subelements %add3A_533, 0 {pack_format = #tpu.pack_format<interleaved>} : vector<32xbf16> -> vector<16xf32>
          %unpack3A_535 = tpu.unpack_subelements %add3A_533, 1 {pack_format = #tpu.pack_format<interleaved>} : vector<32xbf16> -> vector<16xf32>
          %add3A_536 = arith.addf %unpack3A_534, %unpack3A_535 : vector<16xf32>
          %mul3A_537 = arith.constant 2 : i32
          %mul3A_538 = arith.muli %scan3A_436, %mul3A_537 : i32
          %add3A_539 = arith.constant 1 : i32
          %add3A_540 = arith.addi %mul3A_538, %add3A_539 : i32
          %swap3A_541 = arith.index_cast %add3A_540 : i32 to index
          %swap3A_542 = arith.constant 0 : index
          %swap3A_543 = tpu.vector_load %arg12[%swap3A_541, %swap3A_542] {strides = array<i32>} : memref<16x17xf32, #tpu.memory_space<vmem>>, vector<16xf32>,
          tpu.vector_store %arg12[%swap3A_541, %swap3A_542], %add3A_536 {strides = array<i32>} : memref<16x17xf32, #tpu.memory_space<vmem>>, vector<16xf32>,
        }
        %scan3A_363 = arith.constant 8 : i32
        %broadcast_in_dim3A_364 = arith.constant 0.000000e+00 : f32
        %broadcast_in_dim3A_365 = vector.broadcast %broadcast_in_dim3A_364 : f32 to vector<16xf32>
        %broadcast_in_dim3A_366 = arith.constant 0 : i32
        %broadcast_in_dim3A_367 = vector.broadcast %broadcast_in_dim3A_366 : i32 to vector<16xi32>
        %gather3A_368 = tpu.vector_load_idx %arg12[%iota3A, %broadcast_in_dim3A_367] : memref<16x17xf32, #tpu.memory_space<vmem>>[vector<16xi32>, vector<16xi32>], vector<16xf32>,
        %add3A_369 = arith.addf %broadcast_in_dim3A_365, %gather3A_368 : vector<16xf32>
        %broadcast_in_dim3A_370 = arith.constant 1 : i32
        %broadcast_in_dim3A_371 = vector.broadcast %broadcast_in_dim3A_370 : i32 to vector<16xi32>
        %gather3A_372 = tpu.vector_load_idx %arg12[%iota3A, %broadcast_in_dim3A_371] : memref<16x17xf32, #tpu.memory_space<vmem>>[vector<16xi32>, vector<16xi32>], vector<16xf32>,
        %add3A_373 = arith.addf %add3A_369, %gather3A_372 : vector<16xf32>
        %broadcast_in_dim3A_374 = arith.constant 2 : i32
        %broadcast_in_dim3A_375 = vector.broadcast %broadcast_in_dim3A_374 : i32 to vector<16xi32>
        %gather3A_376 = tpu.vector_load_idx %arg12[%iota3A, %broadcast_in_dim3A_375] : memref<16x17xf32, #tpu.memory_space<vmem>>[vector<16xi32>, vector<16xi32>], vector<16xf32>,
        %add3A_377 = arith.addf %add3A_373, %gather3A_376 : vector<16xf32>
        %broadcast_in_dim3A_378 = arith.constant 3 : i32
        %broadcast_in_dim3A_379 = vector.broadcast %broadcast_in_dim3A_378 : i32 to vector<16xi32>
        %gather3A_380 = tpu.vector_load_idx %arg12[%iota3A, %broadcast_in_dim3A_379] : memref<16x17xf32, #tpu.memory_space<vmem>>[vector<16xi32>, vector<16xi32>], vector<16xf32>,
        %add3A_381 = arith.addf %add3A_377, %gather3A_380 : vector<16xf32>
        %broadcast_in_dim3A_382 = arith.constant 4 : i32
        %broadcast_in_dim3A_383 = vector.broadcast %broadcast_in_dim3A_382 : i32 to vector<16xi32>
        %gather3A_384 = tpu.vector_load_idx %arg12[%iota3A, %broadcast_in_dim3A_383] : memref<16x17xf32, #tpu.memory_space<vmem>>[vector<16xi32>, vector<16xi32>], vector<16xf32>,
        %add3A_385 = arith.addf %add3A_381, %gather3A_384 : vector<16xf32>
        %broadcast_in_dim3A_386 = arith.constant 5 : i32
        %broadcast_in_dim3A_387 = vector.broadcast %broadcast_in_dim3A_386 : i32 to vector<16xi32>
        %gather3A_388 = tpu.vector_load_idx %arg12[%iota3A, %broadcast_in_dim3A_387] : memref<16x17xf32, #tpu.memory_space<vmem>>[vector<16xi32>, vector<16xi32>], vector<16xf32>,
        %add3A_389 = arith.addf %add3A_385, %gather3A_388 : vector<16xf32>
        %broadcast_in_dim3A_390 = arith.constant 6 : i32
        %broadcast_in_dim3A_391 = vector.broadcast %broadcast_in_dim3A_390 : i32 to vector<16xi32>
        %gather3A_392 = tpu.vector_load_idx %arg12[%iota3A, %broadcast_in_dim3A_391] : memref<16x17xf32, #tpu.memory_space<vmem>>[vector<16xi32>, vector<16xi32>], vector<16xf32>,
        %add3A_393 = arith.addf %add3A_389, %gather3A_392 : vector<16xf32>
        %broadcast_in_dim3A_394 = arith.constant 7 : i32
        %broadcast_in_dim3A_395 = vector.broadcast %broadcast_in_dim3A_394 : i32 to vector<16xi32>
        %gather3A_396 = tpu.vector_load_idx %arg12[%iota3A, %broadcast_in_dim3A_395] : memref<16x17xf32, #tpu.memory_space<vmem>>[vector<16xi32>, vector<16xi32>], vector<16xf32>,
        %add3A_397 = arith.addf %add3A_393, %gather3A_396 : vector<16xf32>
        %broadcast_in_dim3A_398 = arith.constant 8 : i32
        %broadcast_in_dim3A_399 = vector.broadcast %broadcast_in_dim3A_398 : i32 to vector<16xi32>
        %gather3A_400 = tpu.vector_load_idx %arg12[%iota3A, %broadcast_in_dim3A_399] : memref<16x17xf32, #tpu.memory_space<vmem>>[vector<16xi32>, vector<16xi32>], vector<16xf32>,
        %add3A_401 = arith.addf %add3A_397, %gather3A_400 : vector<16xf32>
        %broadcast_in_dim3A_402 = arith.constant 9 : i32
        %broadcast_in_dim3A_403 = vector.broadcast %broadcast_in_dim3A_402 : i32 to vector<16xi32>
        %gather3A_404 = tpu.vector_load_idx %arg12[%iota3A, %broadcast_in_dim3A_403] : memref<16x17xf32, #tpu.memory_space<vmem>>[vector<16xi32>, vector<16xi32>], vector<16xf32>,
        %add3A_405 = arith.addf %add3A_401, %gather3A_404 : vector<16xf32>
        %broadcast_in_dim3A_406 = arith.constant 10 : i32
        %broadcast_in_dim3A_407 = vector.broadcast %broadcast_in_dim3A_406 : i32 to vector<16xi32>
        %gather3A_408 = tpu.vector_load_idx %arg12[%iota3A, %broadcast_in_dim3A_407] : memref<16x17xf32, #tpu.memory_space<vmem>>[vector<16xi32>, vector<16xi32>], vector<16xf32>,
        %add3A_409 = arith.addf %add3A_405, %gather3A_408 : vector<16xf32>
        %broadcast_in_dim3A_410 = arith.constant 11 : i32
        %broadcast_in_dim3A_411 = vector.broadcast %broadcast_in_dim3A_410 : i32 to vector<16xi32>
        %gather3A_412 = tpu.vector_load_idx %arg12[%iota3A, %broadcast_in_dim3A_411] : memref<16x17xf32, #tpu.memory_space<vmem>>[vector<16xi32>, vector<16xi32>], vector<16xf32>,
        %add3A_413 = arith.addf %add3A_409, %gather3A_412 : vector<16xf32>
        %broadcast_in_dim3A_414 = arith.constant 12 : i32
        %broadcast_in_dim3A_415 = vector.broadcast %broadcast_in_dim3A_414 : i32 to vector<16xi32>
        %gather3A_416 = tpu.vector_load_idx %arg12[%iota3A, %broadcast_in_dim3A_415] : memref<16x17xf32, #tpu.memory_space<vmem>>[vector<16xi32>, vector<16xi32>], vector<16xf32>,
        %add3A_417 = arith.addf %add3A_413, %gather3A_416 : vector<16xf32>
        %broadcast_in_dim3A_418 = arith.constant 13 : i32
        %broadcast_in_dim3A_419 = vector.broadcast %broadcast_in_dim3A_418 : i32 to vector<16xi32>
        %gather3A_420 = tpu.vector_load_idx %arg12[%iota3A, %broadcast_in_dim3A_419] : memref<16x17xf32, #tpu.memory_space<vmem>>[vector<16xi32>, vector<16xi32>], vector<16xf32>,
        %add3A_421 = arith.addf %add3A_417, %gather3A_420 : vector<16xf32>
        %broadcast_in_dim3A_422 = arith.constant 14 : i32
        %broadcast_in_dim3A_423 = vector.broadcast %broadcast_in_dim3A_422 : i32 to vector<16xi32>
        %gather3A_424 = tpu.vector_load_idx %arg12[%iota3A, %broadcast_in_dim3A_423] : memref<16x17xf32, #tpu.memory_space<vmem>>[vector<16xi32>, vector<16xi32>], vector<16xf32>,
        %add3A_425 = arith.addf %add3A_421, %gather3A_424 : vector<16xf32>
        %broadcast_in_dim3A_426 = arith.constant 15 : i32
        %broadcast_in_dim3A_427 = vector.broadcast %broadcast_in_dim3A_426 : i32 to vector<16xi32>
        %gather3A_428 = tpu.vector_load_idx %arg12[%iota3A, %broadcast_in_dim3A_427] : memref<16x17xf32, #tpu.memory_space<vmem>>[vector<16xi32>, vector<16xi32>], vector<16xf32>,
        %add3A_429 = arith.addf %add3A_425, %gather3A_428 : vector<16xf32>
        %mul3A_430 = arith.constant 80 : i32
        %mul3A_431 = arith.muli %scan3A_21, %mul3A_430 : i32
        %add3A_432 = arith.constant 64 : i32
        %add3A_433 = arith.addi %mul3A_431, %add3A_432 : i32
        %swap3A_434 = arith.index_cast %add3A_433 : i32 to index
        %swap3A_435 = tpu.vector_load %arg13[%swap3A_434] {strides = array<i32>} : memref<10000xf32, #tpu.memory_space<vmem>>, vector<16xf32>,
        tpu.vector_store %arg13[%swap3A_434], %add3A_429 {strides = array<i32>} : memref<10000xf32, #tpu.memory_space<vmem>>, vector<16xf32>,
      } else {
      }
    }
    %scan3A_18 = arith.constant 125 : i32
    %mul3A_19 = arith.constant 10000 : i32
    %mul3A_20 = arith.muli %add3A, %mul3A_19 : i32
    "tpu.region"() ({
      %run_scoped3A = tpu.sem_alloc : memref<!tpu.dma_semaphore, #tpu.memory_space<semaphore_mem>>
      %dma_start3A_21 = tpu.memref_slice %arg5[%mul3A_20] : memref<320000xf32, #tpu.memory_space<hbm>> -> memref<10000xf32, #tpu.memory_space<hbm>>
      %dma_start3A_22 = tpu.memref_slice %arg5[%mul3A_20] : memref<320000xf32, #tpu.memory_space<hbm>> -> memref<10000xf32, #tpu.memory_space<hbm>>
      tpu.enqueue_dma source(%arg13 : memref<10000xf32, #tpu.memory_space<vmem>>) target(%dma_start3A_22 : memref<10000xf32, #tpu.memory_space<hbm>>) target_semaphore(%run_scoped3A : memref<!tpu.dma_semaphore, #tpu.memory_space<semaphore_mem>>)
      %dma_wait3A = tpu.memref_slice %arg5[%mul3A_20] : memref<320000xf32, #tpu.memory_space<hbm>> -> memref<10000xf32, #tpu.memory_space<hbm>>
      %dma_wait3A_23 = tpu.memref_slice %arg5[%mul3A_20] : memref<320000xf32, #tpu.memory_space<hbm>> -> memref<10000xf32, #tpu.memory_space<hbm>>
      tpu.wait_dma2 semaphore(%run_scoped3A : memref<!tpu.dma_semaphore, #tpu.memory_space<semaphore_mem>>) src(%arg13 : memref<10000xf32, #tpu.memory_space<vmem>>) dst(%dma_wait3A_23 : memref<10000xf32, #tpu.memory_space<hbm>>)
      tpu.yield
    }) : () -> ()
    return
  }
}

#map = affine_map<(d0, d1) -> (0, 0)>
#map1 = affine_map<(d0, d1) -> (0)>
#map2 = affine_map<(d0, d1) -> (0, 0, 0)>
module attributes {stable_mosaic.version = 14 : i64} {
  func.func @_phase1(%arg0: i32, %arg1: i32, %arg2: memref<10000x128xf32, #tpu.memory_space<hbm>>, %arg3: memref<320000xi32, #tpu.memory_space<hbm>>, %arg4: memref<32x125x80xi32, #tpu.memory_space<hbm>>, %arg5: memref<20000x128xf32, #tpu.memory_space<hbm>>, %arg6: memref<320000xf32, #tpu.memory_space<hbm>>, %arg7: memref<80xi32, #tpu.memory_space<vmem>>, %arg8: memref<80xi32, #tpu.memory_space<vmem>>, %arg9: memref<125x80xi32, #tpu.memory_space<vmem>>, %arg10: memref<80x128xf32, #tpu.memory_space<vmem>>, %arg11: memref<80x128xf32, #tpu.memory_space<vmem>>, %arg12: memref<10000xf32, #tpu.memory_space<vmem>>, %arg13: memref<16x128xf32, #tpu.memory_space<vmem>>, %arg14: memref<10000x128xf32, #tpu.memory_space<vmem_shared>>, %arg15: memref<!tpu.dma_semaphore, #tpu.memory_space<semaphore_mem>>, %arg16: memref<!tpu.dma_semaphore, #tpu.memory_space<semaphore_mem>>, %arg17: memref<!tpu.dma_semaphore, #tpu.memory_space<semaphore_mem>>, %arg18: memref<!tpu.dma_semaphore, #tpu.memory_space<semaphore_mem>>, %arg19: memref<!tpu.dma_semaphore, #tpu.memory_space<semaphore_mem>>, %arg20: memref<!tpu.dma_semaphore, #tpu.memory_space<semaphore_mem>>) attributes {dimension_semantics = [#tpu.dimension_semantics<core_parallel>, #tpu.dimension_semantics<subcore_parallel>], iteration_bounds = array<i64: 2, 16>, scalar_prefetch = 0 : i64, scratch_operands = 14 : i64, tpu.core_type = #tpu.core_type<sc_vector_subcore>, window_params = [{transform_indices = #map}, {transform_indices = #map1}, {transform_indices = #map2}, {transform_indices = #map}, {transform_indices = #map1}]} {
    %mul3A = arith.constant 2 : i32
    %mul3A_0 = arith.muli %arg1, %mul3A : i32
    %add3A = arith.addi %mul3A_0, %arg0 : i32
    %broadcast_in_dim3A = arith.constant 0.000000e+00 : f32
    %broadcast_in_dim3A_1 = vector.broadcast %broadcast_in_dim3A : f32 to vector<16xf32>
    %broadcast_in_dim3A_2 = arith.constant 1.000000e+00 : f32
    %broadcast_in_dim3A_3 = vector.broadcast %broadcast_in_dim3A_2 : f32 to vector<16xf32>
    "tpu.region"() ({
      %run_scoped3A = tpu.sem_alloc : memref<!tpu.dma_semaphore, #tpu.memory_space<semaphore_mem>>
      %dma_start3A_57 = arith.constant 0 : i32
      %dma_start3A_58 = arith.constant 0 : i32
      %dma_start3A_59 = tpu.memref_slice %arg4[%add3A, %dma_start3A_57, %dma_start3A_58] : memref<32x125x80xi32, #tpu.memory_space<hbm>> -> memref<1x125x80xi32, #tpu.memory_space<hbm>>
      %dma_start3A_60 = tpu.memref_squeeze %dma_start3A_59 : memref<1x125x80xi32, #tpu.memory_space<hbm>> -> memref<125x80xi32, #tpu.memory_space<hbm>>
      %dma_start3A_61 = arith.constant 0 : i32
      %dma_start3A_62 = arith.constant 0 : i32
      %dma_start3A_63 = tpu.memref_slice %arg4[%add3A, %dma_start3A_61, %dma_start3A_62] : memref<32x125x80xi32, #tpu.memory_space<hbm>> -> memref<1x125x80xi32, #tpu.memory_space<hbm>>
      %dma_start3A_64 = tpu.memref_squeeze %dma_start3A_63 : memref<1x125x80xi32, #tpu.memory_space<hbm>> -> memref<125x80xi32, #tpu.memory_space<hbm>>
      tpu.enqueue_dma source(%dma_start3A_64 : memref<125x80xi32, #tpu.memory_space<hbm>>) target(%arg9 : memref<125x80xi32, #tpu.memory_space<vmem>>) target_semaphore(%run_scoped3A : memref<!tpu.dma_semaphore, #tpu.memory_space<semaphore_mem>>)
      %dma_wait3A_65 = arith.constant 0 : i32
      %dma_wait3A_66 = arith.constant 0 : i32
      %dma_wait3A_67 = tpu.memref_slice %arg4[%add3A, %dma_wait3A_65, %dma_wait3A_66] : memref<32x125x80xi32, #tpu.memory_space<hbm>> -> memref<1x125x80xi32, #tpu.memory_space<hbm>>
      %dma_wait3A_68 = tpu.memref_squeeze %dma_wait3A_67 : memref<1x125x80xi32, #tpu.memory_space<hbm>> -> memref<125x80xi32, #tpu.memory_space<hbm>>
      %dma_wait3A_69 = arith.constant 0 : i32
      %dma_wait3A_70 = arith.constant 0 : i32
      %dma_wait3A_71 = tpu.memref_slice %arg4[%add3A, %dma_wait3A_69, %dma_wait3A_70] : memref<32x125x80xi32, #tpu.memory_space<hbm>> -> memref<1x125x80xi32, #tpu.memory_space<hbm>>
      %dma_wait3A_72 = tpu.memref_squeeze %dma_wait3A_71 : memref<1x125x80xi32, #tpu.memory_space<hbm>> -> memref<125x80xi32, #tpu.memory_space<hbm>>
      tpu.wait_dma2 semaphore(%run_scoped3A : memref<!tpu.dma_semaphore, #tpu.memory_space<semaphore_mem>>) src(%dma_wait3A_72 : memref<125x80xi32, #tpu.memory_space<hbm>>) dst(%arg9 : memref<125x80xi32, #tpu.memory_space<vmem>>)
      tpu.yield
    }) : () -> ()
    %scan3A = arith.constant 0 : i32
    %scan3A_4 = arith.constant 0 : i32
    %scan3A_5 = arith.constant 16 : i32
    %scan3A_6 = arith.addi %scan3A_4, %scan3A_5 : i32
    %scan3A_7 = arith.constant 1 : i32
    scf.for %scan3A_57 = %scan3A_4 to %scan3A_6 step %scan3A_7  : i32 {
      %swap3A = arith.index_cast %scan3A_57 : i32 to index
      %swap3A_58 = arith.constant 0 : index
      %swap3A_59 = tpu.vector_load %arg13[%swap3A, %swap3A_58] {strides = array<i32>} : memref<16x128xf32, #tpu.memory_space<vmem>>, vector<16xf32>,
      tpu.vector_store %arg13[%swap3A, %swap3A_58], %broadcast_in_dim3A_1 {strides = array<i32>} : memref<16x128xf32, #tpu.memory_space<vmem>>, vector<16xf32>,
      %swap3A_60 = arith.index_cast %scan3A_57 : i32 to index
      %swap3A_61 = arith.constant 16 : index
      %swap3A_62 = tpu.vector_load %arg13[%swap3A_60, %swap3A_61] {strides = array<i32>} : memref<16x128xf32, #tpu.memory_space<vmem>>, vector<16xf32>,
      tpu.vector_store %arg13[%swap3A_60, %swap3A_61], %broadcast_in_dim3A_1 {strides = array<i32>} : memref<16x128xf32, #tpu.memory_space<vmem>>, vector<16xf32>,
      %swap3A_63 = arith.index_cast %scan3A_57 : i32 to index
      %swap3A_64 = arith.constant 32 : index
      %swap3A_65 = tpu.vector_load %arg13[%swap3A_63, %swap3A_64] {strides = array<i32>} : memref<16x128xf32, #tpu.memory_space<vmem>>, vector<16xf32>,
      tpu.vector_store %arg13[%swap3A_63, %swap3A_64], %broadcast_in_dim3A_1 {strides = array<i32>} : memref<16x128xf32, #tpu.memory_space<vmem>>, vector<16xf32>,
      %swap3A_66 = arith.index_cast %scan3A_57 : i32 to index
      %swap3A_67 = arith.constant 48 : index
      %swap3A_68 = tpu.vector_load %arg13[%swap3A_66, %swap3A_67] {strides = array<i32>} : memref<16x128xf32, #tpu.memory_space<vmem>>, vector<16xf32>,
      tpu.vector_store %arg13[%swap3A_66, %swap3A_67], %broadcast_in_dim3A_1 {strides = array<i32>} : memref<16x128xf32, #tpu.memory_space<vmem>>, vector<16xf32>,
      %swap3A_69 = arith.index_cast %scan3A_57 : i32 to index
      %swap3A_70 = arith.constant 64 : index
      %swap3A_71 = tpu.vector_load %arg13[%swap3A_69, %swap3A_70] {strides = array<i32>} : memref<16x128xf32, #tpu.memory_space<vmem>>, vector<16xf32>,
      tpu.vector_store %arg13[%swap3A_69, %swap3A_70], %broadcast_in_dim3A_1 {strides = array<i32>} : memref<16x128xf32, #tpu.memory_space<vmem>>, vector<16xf32>,
      %swap3A_72 = arith.index_cast %scan3A_57 : i32 to index
      %swap3A_73 = arith.constant 80 : index
      %swap3A_74 = tpu.vector_load %arg13[%swap3A_72, %swap3A_73] {strides = array<i32>} : memref<16x128xf32, #tpu.memory_space<vmem>>, vector<16xf32>,
      tpu.vector_store %arg13[%swap3A_72, %swap3A_73], %broadcast_in_dim3A_1 {strides = array<i32>} : memref<16x128xf32, #tpu.memory_space<vmem>>, vector<16xf32>,
      %swap3A_75 = arith.index_cast %scan3A_57 : i32 to index
      %swap3A_76 = arith.constant 96 : index
      %swap3A_77 = tpu.vector_load %arg13[%swap3A_75, %swap3A_76] {strides = array<i32>} : memref<16x128xf32, #tpu.memory_space<vmem>>, vector<16xf32>,
      tpu.vector_store %arg13[%swap3A_75, %swap3A_76], %broadcast_in_dim3A_1 {strides = array<i32>} : memref<16x128xf32, #tpu.memory_space<vmem>>, vector<16xf32>,
      %swap3A_78 = arith.index_cast %scan3A_57 : i32 to index
      %swap3A_79 = arith.constant 112 : index
      %swap3A_80 = tpu.vector_load %arg13[%swap3A_78, %swap3A_79] {strides = array<i32>} : memref<16x128xf32, #tpu.memory_space<vmem>>, vector<16xf32>,
      tpu.vector_store %arg13[%swap3A_78, %swap3A_79], %broadcast_in_dim3A_1 {strides = array<i32>} : memref<16x128xf32, #tpu.memory_space<vmem>>, vector<16xf32>,
    }
    %scan3A_8 = arith.constant 16 : i32
    %scan3A_9 = arith.constant 0 : i32
    %scan3A_10 = arith.constant 0 : i32
    %scan3A_11 = arith.constant 625 : i32
    %scan3A_12 = arith.addi %scan3A_10, %scan3A_11 : i32
    %scan3A_13 = arith.constant 1 : i32
    scf.for %scan3A_57 = %scan3A_10 to %scan3A_12 step %scan3A_13  : i32 {
      %mul3A_58 = arith.constant 16 : i32
      %mul3A_59 = arith.muli %scan3A_57, %mul3A_58 : i32
      %swap3A = arith.index_cast %mul3A_59 : i32 to index
      %swap3A_60 = tpu.vector_load %arg12[%swap3A] {strides = array<i32>} : memref<10000xf32, #tpu.memory_space<vmem>>, vector<16xf32>,
      tpu.vector_store %arg12[%swap3A], %broadcast_in_dim3A_1 {strides = array<i32>} : memref<10000xf32, #tpu.memory_space<vmem>>, vector<16xf32>,
    }
    %scan3A_14 = arith.constant 625 : i32
    %scan3A_15 = arith.constant 0 : i32
    %scan3A_16 = arith.constant 0 : i32
    %scan3A_17 = arith.constant 40 : i32
    %scan3A_18 = arith.addi %scan3A_16, %scan3A_17 : i32
    %scan3A_19 = arith.constant 1 : i32
    scf.for %scan3A_57 = %scan3A_16 to %scan3A_18 step %scan3A_19  : i32 {
      %mul3A_58 = arith.constant 16 : i32
      %mul3A_59 = arith.muli %scan3A_57, %mul3A_58 : i32
      %add3A_60 = arith.addi %arg1, %mul3A_59 : i32
      %lt3A = arith.constant 625 : i32
      %lt3A_61 = arith.cmpi slt, %add3A_60, %lt3A : i32
      %convert_element_type3A = arith.extui %lt3A_61 : i1 to i32
      %cond3A = arith.constant 0 : i32
      %cond3A_62 = arith.cmpi ne, %convert_element_type3A, %cond3A : i32
      scf.if %cond3A_62 {
        %mul3A_63 = arith.constant 16 : i32
        %mul3A_64 = arith.muli %add3A_60, %mul3A_63 : i32
        "tpu.region"() ({
          %run_scoped3A = tpu.sem_alloc : memref<!tpu.dma_semaphore, #tpu.memory_space<semaphore_mem>>
          %dma_start3A_65 = arith.constant 0 : i32
          %dma_start3A_66 = tpu.memref_slice %arg14[%mul3A_64, %dma_start3A_65] : memref<10000x128xf32, #tpu.memory_space<vmem_shared>> -> memref<16x128xf32, #tpu.memory_space<vmem_shared>>
          %dma_start3A_67 = arith.constant 0 : i32
          %dma_start3A_68 = tpu.memref_slice %arg14[%mul3A_64, %dma_start3A_67] : memref<10000x128xf32, #tpu.memory_space<vmem_shared>> -> memref<16x128xf32, #tpu.memory_space<vmem_shared>>
          tpu.enqueue_dma source(%arg13 : memref<16x128xf32, #tpu.memory_space<vmem>>) target(%dma_start3A_68 : memref<16x128xf32, #tpu.memory_space<vmem_shared>>) target_semaphore(%run_scoped3A : memref<!tpu.dma_semaphore, #tpu.memory_space<semaphore_mem>>)
          %dma_wait3A_69 = arith.constant 0 : i32
          %dma_wait3A_70 = tpu.memref_slice %arg14[%mul3A_64, %dma_wait3A_69] : memref<10000x128xf32, #tpu.memory_space<vmem_shared>> -> memref<16x128xf32, #tpu.memory_space<vmem_shared>>
          %dma_wait3A_71 = arith.constant 0 : i32
          %dma_wait3A_72 = tpu.memref_slice %arg14[%mul3A_64, %dma_wait3A_71] : memref<10000x128xf32, #tpu.memory_space<vmem_shared>> -> memref<16x128xf32, #tpu.memory_space<vmem_shared>>
          tpu.wait_dma2 semaphore(%run_scoped3A : memref<!tpu.dma_semaphore, #tpu.memory_space<semaphore_mem>>) src(%arg13 : memref<16x128xf32, #tpu.memory_space<vmem>>) dst(%dma_wait3A_72 : memref<16x128xf32, #tpu.memory_space<vmem_shared>>)
          tpu.yield
        }) : () -> ()
      } else {
      }
    }
    %scan3A_20 = arith.constant 40 : i32
    %barrier3A = arith.constant 0 : index
    tpu.barrier barrier_id(%barrier3A)
    %mul3A_21 = arith.constant 10000 : i32
    %mul3A_22 = arith.muli %add3A, %mul3A_21 : i32
    "tpu.region"() ({
      %run_scoped3A = tpu.sem_alloc : memref<!tpu.dma_semaphore, #tpu.memory_space<semaphore_mem>>
      %dma_start3A_57 = tpu.memref_slice %arg3[%mul3A_22] : memref<320000xi32, #tpu.memory_space<hbm>> -> memref<80xi32, #tpu.memory_space<hbm>>
      %dma_start3A_58 = tpu.memref_slice %arg3[%mul3A_22] : memref<320000xi32, #tpu.memory_space<hbm>> -> memref<80xi32, #tpu.memory_space<hbm>>
      tpu.enqueue_dma source(%dma_start3A_58 : memref<80xi32, #tpu.memory_space<hbm>>) target(%arg7 : memref<80xi32, #tpu.memory_space<vmem>>) target_semaphore(%run_scoped3A : memref<!tpu.dma_semaphore, #tpu.memory_space<semaphore_mem>>)
      %dma_wait3A_59 = tpu.memref_slice %arg3[%mul3A_22] : memref<320000xi32, #tpu.memory_space<hbm>> -> memref<80xi32, #tpu.memory_space<hbm>>
      %dma_wait3A_60 = tpu.memref_slice %arg3[%mul3A_22] : memref<320000xi32, #tpu.memory_space<hbm>> -> memref<80xi32, #tpu.memory_space<hbm>>
      tpu.wait_dma2 semaphore(%run_scoped3A : memref<!tpu.dma_semaphore, #tpu.memory_space<semaphore_mem>>) src(%dma_wait3A_60 : memref<80xi32, #tpu.memory_space<hbm>>) dst(%arg7 : memref<80xi32, #tpu.memory_space<vmem>>)
      tpu.yield
    }) : () -> ()
    %dma_start3A = arith.constant 0 : i32
    %dma_start3A_23 = arith.constant 0 : i32
    %dma_start3A_24 = tpu.memref_slice %arg2[%dma_start3A, %dma_start3A_23] : memref<10000x128xf32, #tpu.memory_space<hbm>> -> memref<10000x128xf32, #tpu.memory_space<hbm>>
    tpu.enqueue_indirect_dma source(%dma_start3A_24 : memref<10000x128xf32, #tpu.memory_space<hbm>>) target(%arg10 : memref<80x128xf32, #tpu.memory_space<vmem>>) offsets(%arg7 : memref<80xi32, #tpu.memory_space<vmem>>) semaphore(%arg15 : memref<!tpu.dma_semaphore, #tpu.memory_space<semaphore_mem>>)
    %add3A_25 = arith.constant 80 : i32
    %add3A_26 = arith.addi %mul3A_22, %add3A_25 : i32
    %dma_start3A_27 = tpu.memref_slice %arg3[%add3A_26] : memref<320000xi32, #tpu.memory_space<hbm>> -> memref<80xi32, #tpu.memory_space<hbm>>
    %dma_start3A_28 = tpu.memref_slice %arg3[%add3A_26] : memref<320000xi32, #tpu.memory_space<hbm>> -> memref<80xi32, #tpu.memory_space<hbm>>
    tpu.enqueue_dma source(%dma_start3A_28 : memref<80xi32, #tpu.memory_space<hbm>>) target(%arg8 : memref<80xi32, #tpu.memory_space<vmem>>) target_semaphore(%arg18 : memref<!tpu.dma_semaphore, #tpu.memory_space<semaphore_mem>>)
    %scan3A_29 = arith.constant 0 : i32
    %scan3A_30 = arith.constant 0 : i32
    %scan3A_31 = arith.constant 125 : i32
    %scan3A_32 = arith.addi %scan3A_30, %scan3A_31 : i32
    %scan3A_33 = arith.constant 1 : i32
    scf.for %scan3A_57 = %scan3A_30 to %scan3A_32 step %scan3A_33  : i32 {
      %rem3A = arith.constant 2 : i32
      %rem3A_58 = arith.remsi %scan3A_57, %rem3A : i32
      %eq3A = arith.constant 0 : i32
      %eq3A_59 = arith.cmpi eq, %rem3A_58, %eq3A : i32
      %rem3A_60 = arith.constant 2 : i32
      %rem3A_61 = arith.remsi %scan3A_57, %rem3A_60 : i32
      %eq3A_62 = arith.constant 1 : i32
      %eq3A_63 = arith.cmpi eq, %rem3A_61, %eq3A_62 : i32
      %add3A_64 = arith.constant 1 : i32
      %add3A_65 = arith.addi %scan3A_57, %add3A_64 : i32
      %lt3A = arith.constant 125 : i32
      %lt3A_66 = arith.cmpi slt, %add3A_65, %lt3A : i32
      %convert_element_type3A = arith.extui %lt3A_66 : i1 to i32
      %cond3A = arith.constant 0 : i32
      %cond3A_67 = arith.cmpi ne, %convert_element_type3A, %cond3A : i32
      scf.if %cond3A_67 {
        %convert_element_type3A_101 = arith.extui %eq3A_59 : i1 to i32
        %cond3A_102 = arith.constant 0 : i32
        %cond3A_103 = arith.cmpi ne, %convert_element_type3A_101, %cond3A_102 : i32
        scf.if %cond3A_103 {
          %add3A_107 = arith.constant 1 : i32
          %add3A_108 = arith.addi %scan3A_57, %add3A_107 : i32
          %mul3A_109 = arith.constant 80 : i32
          %mul3A_110 = arith.muli %add3A_108, %mul3A_109 : i32
          %add3A_111 = arith.addi %mul3A_22, %mul3A_110 : i32
          %dma_wait3A_112 = tpu.memref_slice %arg3[%add3A_111] : memref<320000xi32, #tpu.memory_space<hbm>> -> memref<80xi32, #tpu.memory_space<hbm>>
          %dma_wait3A_113 = tpu.memref_slice %arg3[%add3A_111] : memref<320000xi32, #tpu.memory_space<hbm>> -> memref<80xi32, #tpu.memory_space<hbm>>
          tpu.wait_dma2 semaphore(%arg18 : memref<!tpu.dma_semaphore, #tpu.memory_space<semaphore_mem>>) src(%dma_wait3A_113 : memref<80xi32, #tpu.memory_space<hbm>>) dst(%arg8 : memref<80xi32, #tpu.memory_space<vmem>>)
          %ge3A = arith.constant 1 : i32
          %ge3A_114 = arith.cmpi sge, %scan3A_57, %ge3A : i32
          %convert_element_type3A_115 = arith.extui %ge3A_114 : i1 to i32
          %cond3A_116 = arith.constant 0 : i32
          %cond3A_117 = arith.cmpi ne, %convert_element_type3A_115, %cond3A_116 : i32
          scf.if %cond3A_117 {
            %sub3A = arith.constant 1 : i32
            %sub3A_121 = arith.subi %scan3A_57, %sub3A : i32
            %dma_wait3A_122 = arith.constant 0 : i32
            %dma_wait3A_123 = tpu.memref_slice %arg9[%sub3A_121, %dma_wait3A_122] : memref<125x80xi32, #tpu.memory_space<vmem>> -> memref<1x80xi32, #tpu.memory_space<vmem>>
            %dma_wait3A_124 = tpu.memref_squeeze %dma_wait3A_123 : memref<1x80xi32, #tpu.memory_space<vmem>> -> memref<80xi32, #tpu.memory_space<vmem>>
            %dma_wait3A_125 = arith.constant 0 : i32
            %dma_wait3A_126 = arith.constant 0 : i32
            %dma_wait3A_127 = tpu.memref_slice %arg14[%dma_wait3A_125, %dma_wait3A_126] : memref<10000x128xf32, #tpu.memory_space<vmem_shared>> -> memref<10000x128xf32, #tpu.memory_space<vmem_shared>>
            tpu.wait_indirect_dma semaphore(%arg20 : memref<!tpu.dma_semaphore, #tpu.memory_space<semaphore_mem>>) src(%arg11 : memref<80x128xf32, #tpu.memory_space<vmem>>) dst(%dma_wait3A_127 : memref<10000x128xf32, #tpu.memory_space<vmem_shared>>)
          } else {
          }
          %dma_start3A_118 = arith.constant 0 : i32
          %dma_start3A_119 = arith.constant 0 : i32
          %dma_start3A_120 = tpu.memref_slice %arg2[%dma_start3A_118, %dma_start3A_119] : memref<10000x128xf32, #tpu.memory_space<hbm>> -> memref<10000x128xf32, #tpu.memory_space<hbm>>
          tpu.enqueue_indirect_dma source(%dma_start3A_120 : memref<10000x128xf32, #tpu.memory_space<hbm>>) target(%arg11 : memref<80x128xf32, #tpu.memory_space<vmem>>) offsets(%arg8 : memref<80xi32, #tpu.memory_space<vmem>>) semaphore(%arg16 : memref<!tpu.dma_semaphore, #tpu.memory_space<semaphore_mem>>)
        } else {
        }
        %convert_element_type3A_104 = arith.extui %eq3A_63 : i1 to i32
        %cond3A_105 = arith.constant 0 : i32
        %cond3A_106 = arith.cmpi ne, %convert_element_type3A_104, %cond3A_105 : i32
        scf.if %cond3A_106 {
          %add3A_107 = arith.constant 1 : i32
          %add3A_108 = arith.addi %scan3A_57, %add3A_107 : i32
          %mul3A_109 = arith.constant 80 : i32
          %mul3A_110 = arith.muli %add3A_108, %mul3A_109 : i32
          %add3A_111 = arith.addi %mul3A_22, %mul3A_110 : i32
          %dma_wait3A_112 = tpu.memref_slice %arg3[%add3A_111] : memref<320000xi32, #tpu.memory_space<hbm>> -> memref<80xi32, #tpu.memory_space<hbm>>
          %dma_wait3A_113 = tpu.memref_slice %arg3[%add3A_111] : memref<320000xi32, #tpu.memory_space<hbm>> -> memref<80xi32, #tpu.memory_space<hbm>>
          tpu.wait_dma2 semaphore(%arg17 : memref<!tpu.dma_semaphore, #tpu.memory_space<semaphore_mem>>) src(%dma_wait3A_113 : memref<80xi32, #tpu.memory_space<hbm>>) dst(%arg7 : memref<80xi32, #tpu.memory_space<vmem>>)
          %sub3A = arith.constant 1 : i32
          %sub3A_114 = arith.subi %scan3A_57, %sub3A : i32
          %dma_wait3A_115 = arith.constant 0 : i32
          %dma_wait3A_116 = tpu.memref_slice %arg9[%sub3A_114, %dma_wait3A_115] : memref<125x80xi32, #tpu.memory_space<vmem>> -> memref<1x80xi32, #tpu.memory_space<vmem>>
          %dma_wait3A_117 = tpu.memref_squeeze %dma_wait3A_116 : memref<1x80xi32, #tpu.memory_space<vmem>> -> memref<80xi32, #tpu.memory_space<vmem>>
          %dma_wait3A_118 = arith.constant 0 : i32
          %dma_wait3A_119 = arith.constant 0 : i32
          %dma_wait3A_120 = tpu.memref_slice %arg14[%dma_wait3A_118, %dma_wait3A_119] : memref<10000x128xf32, #tpu.memory_space<vmem_shared>> -> memref<10000x128xf32, #tpu.memory_space<vmem_shared>>
          tpu.wait_indirect_dma semaphore(%arg19 : memref<!tpu.dma_semaphore, #tpu.memory_space<semaphore_mem>>) src(%arg10 : memref<80x128xf32, #tpu.memory_space<vmem>>) dst(%dma_wait3A_120 : memref<10000x128xf32, #tpu.memory_space<vmem_shared>>)
          %dma_start3A_121 = arith.constant 0 : i32
          %dma_start3A_122 = arith.constant 0 : i32
          %dma_start3A_123 = tpu.memref_slice %arg2[%dma_start3A_121, %dma_start3A_122] : memref<10000x128xf32, #tpu.memory_space<hbm>> -> memref<10000x128xf32, #tpu.memory_space<hbm>>
          tpu.enqueue_indirect_dma source(%dma_start3A_123 : memref<10000x128xf32, #tpu.memory_space<hbm>>) target(%arg10 : memref<80x128xf32, #tpu.memory_space<vmem>>) offsets(%arg7 : memref<80xi32, #tpu.memory_space<vmem>>) semaphore(%arg15 : memref<!tpu.dma_semaphore, #tpu.memory_space<semaphore_mem>>)
        } else {
        }
      } else {
      }
      %convert_element_type3A_68 = arith.extui %eq3A_59 : i1 to i32
      %cond3A_69 = arith.constant 0 : i32
      %cond3A_70 = arith.cmpi ne, %convert_element_type3A_68, %cond3A_69 : i32
      scf.if %cond3A_70 {
        %dma_wait3A_101 = arith.constant 0 : i32
        %dma_wait3A_102 = arith.constant 0 : i32
        %dma_wait3A_103 = tpu.memref_slice %arg2[%dma_wait3A_101, %dma_wait3A_102] : memref<10000x128xf32, #tpu.memory_space<hbm>> -> memref<10000x128xf32, #tpu.memory_space<hbm>>
        tpu.wait_indirect_dma semaphore(%arg15 : memref<!tpu.dma_semaphore, #tpu.memory_space<semaphore_mem>>) src(%dma_wait3A_103 : memref<10000x128xf32, #tpu.memory_space<hbm>>) dst(%arg10 : memref<80x128xf32, #tpu.memory_space<vmem>>)
      } else {
      }
      %convert_element_type3A_71 = arith.extui %eq3A_63 : i1 to i32
      %cond3A_72 = arith.constant 0 : i32
      %cond3A_73 = arith.cmpi ne, %convert_element_type3A_71, %cond3A_72 : i32
      scf.if %cond3A_73 {
        %dma_wait3A_101 = arith.constant 0 : i32
        %dma_wait3A_102 = arith.constant 0 : i32
        %dma_wait3A_103 = tpu.memref_slice %arg2[%dma_wait3A_101, %dma_wait3A_102] : memref<10000x128xf32, #tpu.memory_space<hbm>> -> memref<10000x128xf32, #tpu.memory_space<hbm>>
        tpu.wait_indirect_dma semaphore(%arg16 : memref<!tpu.dma_semaphore, #tpu.memory_space<semaphore_mem>>) src(%dma_wait3A_103 : memref<10000x128xf32, #tpu.memory_space<hbm>>) dst(%arg11 : memref<80x128xf32, #tpu.memory_space<vmem>>)
      } else {
      }
      %add3A_74 = arith.constant 2 : i32
      %add3A_75 = arith.addi %scan3A_57, %add3A_74 : i32
      %lt3A_76 = arith.constant 125 : i32
      %lt3A_77 = arith.cmpi slt, %add3A_75, %lt3A_76 : i32
      %convert_element_type3A_78 = arith.extui %lt3A_77 : i1 to i32
      %cond3A_79 = arith.constant 0 : i32
      %cond3A_80 = arith.cmpi ne, %convert_element_type3A_78, %cond3A_79 : i32
      scf.if %cond3A_80 {
        %convert_element_type3A_101 = arith.extui %eq3A_59 : i1 to i32
        %cond3A_102 = arith.constant 0 : i32
        %cond3A_103 = arith.cmpi ne, %convert_element_type3A_101, %cond3A_102 : i32
        scf.if %cond3A_103 {
          %add3A_107 = arith.constant 2 : i32
          %add3A_108 = arith.addi %scan3A_57, %add3A_107 : i32
          %mul3A_109 = arith.constant 80 : i32
          %mul3A_110 = arith.muli %add3A_108, %mul3A_109 : i32
          %add3A_111 = arith.addi %mul3A_22, %mul3A_110 : i32
          %dma_start3A_112 = tpu.memref_slice %arg3[%add3A_111] : memref<320000xi32, #tpu.memory_space<hbm>> -> memref<80xi32, #tpu.memory_space<hbm>>
          %dma_start3A_113 = tpu.memref_slice %arg3[%add3A_111] : memref<320000xi32, #tpu.memory_space<hbm>> -> memref<80xi32, #tpu.memory_space<hbm>>
          tpu.enqueue_dma source(%dma_start3A_113 : memref<80xi32, #tpu.memory_space<hbm>>) target(%arg7 : memref<80xi32, #tpu.memory_space<vmem>>) target_semaphore(%arg17 : memref<!tpu.dma_semaphore, #tpu.memory_space<semaphore_mem>>)
        } else {
        }
        %convert_element_type3A_104 = arith.extui %eq3A_63 : i1 to i32
        %cond3A_105 = arith.constant 0 : i32
        %cond3A_106 = arith.cmpi ne, %convert_element_type3A_104, %cond3A_105 : i32
        scf.if %cond3A_106 {
          %add3A_107 = arith.constant 2 : i32
          %add3A_108 = arith.addi %scan3A_57, %add3A_107 : i32
          %mul3A_109 = arith.constant 80 : i32
          %mul3A_110 = arith.muli %add3A_108, %mul3A_109 : i32
          %add3A_111 = arith.addi %mul3A_22, %mul3A_110 : i32
          %dma_start3A_112 = tpu.memref_slice %arg3[%add3A_111] : memref<320000xi32, #tpu.memory_space<hbm>> -> memref<80xi32, #tpu.memory_space<hbm>>
          %dma_start3A_113 = tpu.memref_slice %arg3[%add3A_111] : memref<320000xi32, #tpu.memory_space<hbm>> -> memref<80xi32, #tpu.memory_space<hbm>>
          tpu.enqueue_dma source(%dma_start3A_113 : memref<80xi32, #tpu.memory_space<hbm>>) target(%arg8 : memref<80xi32, #tpu.memory_space<vmem>>) target_semaphore(%arg18 : memref<!tpu.dma_semaphore, #tpu.memory_space<semaphore_mem>>)
        } else {
        }
      } else {
      }
      %convert_element_type3A_81 = arith.extui %eq3A_59 : i1 to i32
      %cond3A_82 = arith.constant 0 : i32
      %cond3A_83 = arith.cmpi ne, %convert_element_type3A_81, %cond3A_82 : i32
      scf.if %cond3A_83 {
        %dma_start3A_101 = arith.constant 0 : i32
        %dma_start3A_102 = tpu.memref_slice %arg9[%scan3A_57, %dma_start3A_101] : memref<125x80xi32, #tpu.memory_space<vmem>> -> memref<1x80xi32, #tpu.memory_space<vmem>>
        %dma_start3A_103 = tpu.memref_squeeze %dma_start3A_102 : memref<1x80xi32, #tpu.memory_space<vmem>> -> memref<80xi32, #tpu.memory_space<vmem>>
        %dma_start3A_104 = arith.constant 0 : i32
        %dma_start3A_105 = arith.constant 0 : i32
        %dma_start3A_106 = tpu.memref_slice %arg14[%dma_start3A_104, %dma_start3A_105] : memref<10000x128xf32, #tpu.memory_space<vmem_shared>> -> memref<10000x128xf32, #tpu.memory_space<vmem_shared>>
        tpu.enqueue_indirect_dma source(%arg10 : memref<80x128xf32, #tpu.memory_space<vmem>>) target(%dma_start3A_106 : memref<10000x128xf32, #tpu.memory_space<vmem_shared>>) offsets(%dma_start3A_103 : memref<80xi32, #tpu.memory_space<vmem>>) semaphore(%arg19 : memref<!tpu.dma_semaphore, #tpu.memory_space<semaphore_mem>>) {add = true}
      } else {
      }
      %convert_element_type3A_84 = arith.extui %eq3A_63 : i1 to i32
      %cond3A_85 = arith.constant 0 : i32
      %cond3A_86 = arith.cmpi ne, %convert_element_type3A_84, %cond3A_85 : i32
      scf.if %cond3A_86 {
        %dma_start3A_101 = arith.constant 0 : i32
        %dma_start3A_102 = tpu.memref_slice %arg9[%scan3A_57, %dma_start3A_101] : memref<125x80xi32, #tpu.memory_space<vmem>> -> memref<1x80xi32, #tpu.memory_space<vmem>>
        %dma_start3A_103 = tpu.memref_squeeze %dma_start3A_102 : memref<1x80xi32, #tpu.memory_space<vmem>> -> memref<80xi32, #tpu.memory_space<vmem>>
        %dma_start3A_104 = arith.constant 0 : i32
        %dma_start3A_105 = arith.constant 0 : i32
        %dma_start3A_106 = tpu.memref_slice %arg14[%dma_start3A_104, %dma_start3A_105] : memref<10000x128xf32, #tpu.memory_space<vmem_shared>> -> memref<10000x128xf32, #tpu.memory_space<vmem_shared>>
        tpu.enqueue_indirect_dma source(%arg11 : memref<80x128xf32, #tpu.memory_space<vmem>>) target(%dma_start3A_106 : memref<10000x128xf32, #tpu.memory_space<vmem_shared>>) offsets(%dma_start3A_103 : memref<80xi32, #tpu.memory_space<vmem>>) semaphore(%arg20 : memref<!tpu.dma_semaphore, #tpu.memory_space<semaphore_mem>>) {add = true}
      } else {
      }
      %get3A = arith.index_cast %scan3A_57 : i32 to index
      %get3A_87 = arith.constant 0 : index
      %get3A_88 = tpu.vector_load %arg9[%get3A, %get3A_87] {strides = array<i32>} : memref<125x80xi32, #tpu.memory_space<vmem>>, vector<16xi32>,
      tpu.vector_store_idx %arg12[%get3A_88], %broadcast_in_dim3A_3 {add = true} : memref<10000xf32, #tpu.memory_space<vmem>>[vector<16xi32>], vector<16xf32>,
      %get3A_89 = arith.index_cast %scan3A_57 : i32 to index
      %get3A_90 = arith.constant 16 : index
      %get3A_91 = tpu.vector_load %arg9[%get3A_89, %get3A_90] {strides = array<i32>} : memref<125x80xi32, #tpu.memory_space<vmem>>, vector<16xi32>,
      tpu.vector_store_idx %arg12[%get3A_91], %broadcast_in_dim3A_3 {add = true} : memref<10000xf32, #tpu.memory_space<vmem>>[vector<16xi32>], vector<16xf32>,
      %get3A_92 = arith.index_cast %scan3A_57 : i32 to index
      %get3A_93 = arith.constant 32 : index
      %get3A_94 = tpu.vector_load %arg9[%get3A_92, %get3A_93] {strides = array<i32>} : memref<125x80xi32, #tpu.memory_space<vmem>>, vector<16xi32>,
      tpu.vector_store_idx %arg12[%get3A_94], %broadcast_in_dim3A_3 {add = true} : memref<10000xf32, #tpu.memory_space<vmem>>[vector<16xi32>], vector<16xf32>,
      %get3A_95 = arith.index_cast %scan3A_57 : i32 to index
      %get3A_96 = arith.constant 48 : index
      %get3A_97 = tpu.vector_load %arg9[%get3A_95, %get3A_96] {strides = array<i32>} : memref<125x80xi32, #tpu.memory_space<vmem>>, vector<16xi32>,
      tpu.vector_store_idx %arg12[%get3A_97], %broadcast_in_dim3A_3 {add = true} : memref<10000xf32, #tpu.memory_space<vmem>>[vector<16xi32>], vector<16xf32>,
      %get3A_98 = arith.index_cast %scan3A_57 : i32 to index
      %get3A_99 = arith.constant 64 : index
      %get3A_100 = tpu.vector_load %arg9[%get3A_98, %get3A_99] {strides = array<i32>} : memref<125x80xi32, #tpu.memory_space<vmem>>, vector<16xi32>,
      tpu.vector_store_idx %arg12[%get3A_100], %broadcast_in_dim3A_3 {add = true} : memref<10000xf32, #tpu.memory_space<vmem>>[vector<16xi32>], vector<16xf32>,
    }
    %scan3A_34 = arith.constant 125 : i32
    %dma_wait3A = arith.constant 123 : i32
    %dma_wait3A_35 = arith.constant 0 : i32
    %dma_wait3A_36 = tpu.memref_slice %arg9[%dma_wait3A, %dma_wait3A_35] : memref<125x80xi32, #tpu.memory_space<vmem>> -> memref<1x80xi32, #tpu.memory_space<vmem>>
    %dma_wait3A_37 = tpu.memref_squeeze %dma_wait3A_36 : memref<1x80xi32, #tpu.memory_space<vmem>> -> memref<80xi32, #tpu.memory_space<vmem>>
    %dma_wait3A_38 = arith.constant 0 : i32
    %dma_wait3A_39 = arith.constant 0 : i32
    %dma_wait3A_40 = tpu.memref_slice %arg14[%dma_wait3A_38, %dma_wait3A_39] : memref<10000x128xf32, #tpu.memory_space<vmem_shared>> -> memref<10000x128xf32, #tpu.memory_space<vmem_shared>>
    tpu.wait_indirect_dma semaphore(%arg20 : memref<!tpu.dma_semaphore, #tpu.memory_space<semaphore_mem>>) src(%arg11 : memref<80x128xf32, #tpu.memory_space<vmem>>) dst(%dma_wait3A_40 : memref<10000x128xf32, #tpu.memory_space<vmem_shared>>)
    %dma_wait3A_41 = arith.constant 124 : i32
    %dma_wait3A_42 = arith.constant 0 : i32
    %dma_wait3A_43 = tpu.memref_slice %arg9[%dma_wait3A_41, %dma_wait3A_42] : memref<125x80xi32, #tpu.memory_space<vmem>> -> memref<1x80xi32, #tpu.memory_space<vmem>>
    %dma_wait3A_44 = tpu.memref_squeeze %dma_wait3A_43 : memref<1x80xi32, #tpu.memory_space<vmem>> -> memref<80xi32, #tpu.memory_space<vmem>>
    %dma_wait3A_45 = arith.constant 0 : i32
    %dma_wait3A_46 = arith.constant 0 : i32
    %dma_wait3A_47 = tpu.memref_slice %arg14[%dma_wait3A_45, %dma_wait3A_46] : memref<10000x128xf32, #tpu.memory_space<vmem_shared>> -> memref<10000x128xf32, #tpu.memory_space<vmem_shared>>
    tpu.wait_indirect_dma semaphore(%arg19 : memref<!tpu.dma_semaphore, #tpu.memory_space<semaphore_mem>>) src(%arg10 : memref<80x128xf32, #tpu.memory_space<vmem>>) dst(%dma_wait3A_47 : memref<10000x128xf32, #tpu.memory_space<vmem_shared>>)
    %barrier3A_48 = arith.constant 0 : index
    tpu.barrier barrier_id(%barrier3A_48)
    %scan3A_49 = arith.constant 0 : i32
    %scan3A_50 = arith.constant 0 : i32
    %scan3A_51 = arith.constant 8 : i32
    %scan3A_52 = arith.addi %scan3A_50, %scan3A_51 : i32
    %scan3A_53 = arith.constant 1 : i32
    scf.for %scan3A_57 = %scan3A_50 to %scan3A_52 step %scan3A_53  : i32 {
      %mul3A_58 = arith.constant 16 : i32
      %mul3A_59 = arith.muli %scan3A_57, %mul3A_58 : i32
      %add3A_60 = arith.addi %arg1, %mul3A_59 : i32
      %lt3A = arith.constant 125 : i32
      %lt3A_61 = arith.cmpi slt, %add3A_60, %lt3A : i32
      %convert_element_type3A = arith.extui %lt3A_61 : i1 to i32
      %cond3A = arith.constant 0 : i32
      %cond3A_62 = arith.cmpi ne, %convert_element_type3A, %cond3A : i32
      scf.if %cond3A_62 {
        %mul3A_63 = arith.constant 80 : i32
        %mul3A_64 = arith.muli %add3A_60, %mul3A_63 : i32
        %mul3A_65 = arith.constant 10000 : i32
        %mul3A_66 = arith.muli %arg0, %mul3A_65 : i32
        %mul3A_67 = arith.constant 80 : i32
        %mul3A_68 = arith.muli %add3A_60, %mul3A_67 : i32
        %add3A_69 = arith.addi %mul3A_66, %mul3A_68 : i32
        "tpu.region"() ({
          %run_scoped3A = tpu.sem_alloc : memref<!tpu.dma_semaphore, #tpu.memory_space<semaphore_mem>>
          %dma_start3A_70 = arith.constant 0 : i32
          %dma_start3A_71 = tpu.memref_slice %arg5[%add3A_69, %dma_start3A_70] : memref<20000x128xf32, #tpu.memory_space<hbm>> -> memref<80x128xf32, #tpu.memory_space<hbm>>
          %dma_start3A_72 = arith.constant 0 : i32
          %dma_start3A_73 = tpu.memref_slice %arg14[%mul3A_64, %dma_start3A_72] : memref<10000x128xf32, #tpu.memory_space<vmem_shared>> -> memref<80x128xf32, #tpu.memory_space<vmem_shared>>
          tpu.enqueue_dma source(%dma_start3A_73 : memref<80x128xf32, #tpu.memory_space<vmem_shared>>) target(%dma_start3A_71 : memref<80x128xf32, #tpu.memory_space<hbm>>) target_semaphore(%run_scoped3A : memref<!tpu.dma_semaphore, #tpu.memory_space<semaphore_mem>>)
          %dma_wait3A_74 = arith.constant 0 : i32
          %dma_wait3A_75 = tpu.memref_slice %arg5[%add3A_69, %dma_wait3A_74] : memref<20000x128xf32, #tpu.memory_space<hbm>> -> memref<80x128xf32, #tpu.memory_space<hbm>>
          %dma_wait3A_76 = arith.constant 0 : i32
          %dma_wait3A_77 = tpu.memref_slice %arg14[%mul3A_64, %dma_wait3A_76] : memref<10000x128xf32, #tpu.memory_space<vmem_shared>> -> memref<80x128xf32, #tpu.memory_space<vmem_shared>>
          tpu.wait_dma2 semaphore(%run_scoped3A : memref<!tpu.dma_semaphore, #tpu.memory_space<semaphore_mem>>) src(%dma_wait3A_77 : memref<80x128xf32, #tpu.memory_space<vmem_shared>>) dst(%dma_wait3A_75 : memref<80x128xf32, #tpu.memory_space<hbm>>)
          tpu.yield
        }) : () -> ()
      } else {
      }
    }
    %scan3A_54 = arith.constant 8 : i32
    %mul3A_55 = arith.constant 10000 : i32
    %mul3A_56 = arith.muli %add3A, %mul3A_55 : i32
    "tpu.region"() ({
      %run_scoped3A = tpu.sem_alloc : memref<!tpu.dma_semaphore, #tpu.memory_space<semaphore_mem>>
      %dma_start3A_57 = tpu.memref_slice %arg6[%mul3A_56] : memref<320000xf32, #tpu.memory_space<hbm>> -> memref<10000xf32, #tpu.memory_space<hbm>>
      %dma_start3A_58 = tpu.memref_slice %arg6[%mul3A_56] : memref<320000xf32, #tpu.memory_space<hbm>> -> memref<10000xf32, #tpu.memory_space<hbm>>
      tpu.enqueue_dma source(%arg12 : memref<10000xf32, #tpu.memory_space<vmem>>) target(%dma_start3A_58 : memref<10000xf32, #tpu.memory_space<hbm>>) target_semaphore(%run_scoped3A : memref<!tpu.dma_semaphore, #tpu.memory_space<semaphore_mem>>)
      %dma_wait3A_59 = tpu.memref_slice %arg6[%mul3A_56] : memref<320000xf32, #tpu.memory_space<hbm>> -> memref<10000xf32, #tpu.memory_space<hbm>>
      %dma_wait3A_60 = tpu.memref_slice %arg6[%mul3A_56] : memref<320000xf32, #tpu.memory_space<hbm>> -> memref<10000xf32, #tpu.memory_space<hbm>>
      tpu.wait_dma2 semaphore(%run_scoped3A : memref<!tpu.dma_semaphore, #tpu.memory_space<semaphore_mem>>) src(%arg12 : memref<10000xf32, #tpu.memory_space<vmem>>) dst(%dma_wait3A_60 : memref<10000xf32, #tpu.memory_space<hbm>>)
      tpu.yield
    }) : () -> ()
    return
  }
}

module attributes {stable_mosaic.version = 14 : i64} {
  func.func @_phase2_body(%arg0: memref<2x10000x128xf32, #tpu.memory_space<vmem>>, %arg1: memref<32x10000xf32, #tpu.memory_space<vmem>>, %arg2: memref<128x128xf32, #tpu.memory_space<vmem>>, %arg3: memref<1x128xf32, #tpu.memory_space<vmem>>, %arg4: memref<128x128xf32, #tpu.memory_space<vmem>>, %arg5: memref<1x128xf32, #tpu.memory_space<vmem>>, %arg6: memref<128x64xf32, #tpu.memory_space<vmem>>, %arg7: memref<128x64xf32, #tpu.memory_space<vmem>>, %arg8: memref<10000x64xi32, #tpu.memory_space<vmem>>) attributes {dimension_semantics = [], scalar_prefetch = 0 : i64, scratch_operands = 0 : i64, tpu.core_type = #tpu.core_type<tc>} {
    %get3A = arith.constant 0 : index
    %get3A_0 = arith.constant 0 : index
    %get3A_1 = arith.constant 0 : index
    %get3A_2 = vector.load %arg0[%get3A, %get3A_0, %get3A_1] : memref<2x10000x128xf32, #tpu.memory_space<vmem>>, vector<1x10000x128xf32>
    %get3A_3 = vector.shape_cast %get3A_2 : vector<1x10000x128xf32> to vector<10000x128xf32>
    %get3A_4 = arith.constant 1 : index
    %get3A_5 = arith.constant 0 : index
    %get3A_6 = arith.constant 0 : index
    %get3A_7 = vector.load %arg0[%get3A_4, %get3A_5, %get3A_6] : memref<2x10000x128xf32, #tpu.memory_space<vmem>>, vector<1x10000x128xf32>
    %get3A_8 = vector.shape_cast %get3A_7 : vector<1x10000x128xf32> to vector<10000x128xf32>
    %add3A = arith.addf %get3A_3, %get3A_8 : vector<10000x128xf32>
    %get3A_9 = arith.constant 0 : index
    %get3A_10 = arith.constant 0 : index
    %get3A_11 = vector.load %arg1[%get3A_9, %get3A_10] : memref<32x10000xf32, #tpu.memory_space<vmem>>, vector<32x10000xf32>
    %reduce_sum3A = arith.constant dense<0.000000e+00> : vector<10000xf32>
    %reduce_sum3A_12 = vector.multi_reduction <add>, %get3A_11, %reduce_sum3A [0] : vector<32x10000xf32> to vector<10000xf32>
    %max3A = arith.constant 1.000000e+00 : f32
    %max3A_13 = vector.broadcast %max3A : f32 to vector<10000xf32>
    %max3A_14 = arith.maximumf %reduce_sum3A_12, %max3A_13 : vector<10000xf32>
    %broadcast_in_dim3A = vector.shape_cast %max3A_14 : vector<10000xf32> to vector<10000x1xf32>
    %div3A = vector.broadcast %broadcast_in_dim3A : vector<10000x1xf32> to vector<10000x128xf32>
    %div3A_15 = arith.divf %add3A, %div3A : vector<10000x128xf32>
    %get3A_16 = arith.constant 0 : index
    %get3A_17 = arith.constant 0 : index
    %get3A_18 = vector.load %arg2[%get3A_16, %get3A_17] : memref<128x128xf32, #tpu.memory_space<vmem>>, vector<128x128xf32>
    %dot_general3A = arith.constant dense<0.000000e+00> : vector<10000x128xf32>
    %dot_general3A_19 = tpu.matmul %div3A_15, %get3A_18, %dot_general3A {dimension_numbers = #tpu.dot_dimension_numbers<[1], [0], [0], [1], [0, 0, 1, 1], [], []>, transpose_lhs_hint = false} : vector<10000x128xf32>, vector<128x128xf32>, vector<10000x128xf32> -> vector<10000x128xf32>
    %get3A_20 = arith.constant 0 : index
    %get3A_21 = arith.constant 0 : index
    %get3A_22 = vector.load %arg3[%get3A_20, %get3A_21] : memref<1x128xf32, #tpu.memory_space<vmem>>, vector<1x128xf32>
    %add3A_23 = vector.broadcast %get3A_22 : vector<1x128xf32> to vector<10000x128xf32>
    %add3A_24 = arith.addf %dot_general3A_19, %add3A_23 : vector<10000x128xf32>
    %max3A_25 = arith.constant 0.000000e+00 : f32
    %max3A_26 = vector.broadcast %max3A_25 : f32 to vector<10000x128xf32>
    %max3A_27 = arith.maximumf %add3A_24, %max3A_26 : vector<10000x128xf32>
    %get3A_28 = arith.constant 0 : index
    %get3A_29 = arith.constant 0 : index
    %get3A_30 = vector.load %arg4[%get3A_28, %get3A_29] : memref<128x128xf32, #tpu.memory_space<vmem>>, vector<128x128xf32>
    %dot_general3A_31 = arith.constant dense<0.000000e+00> : vector<10000x128xf32>
    %dot_general3A_32 = tpu.matmul %max3A_27, %get3A_30, %dot_general3A_31 {dimension_numbers = #tpu.dot_dimension_numbers<[1], [0], [0], [1], [0, 0, 1, 1], [], []>, transpose_lhs_hint = false} : vector<10000x128xf32>, vector<128x128xf32>, vector<10000x128xf32> -> vector<10000x128xf32>
    %get3A_33 = arith.constant 0 : index
    %get3A_34 = arith.constant 0 : index
    %get3A_35 = vector.load %arg5[%get3A_33, %get3A_34] : memref<1x128xf32, #tpu.memory_space<vmem>>, vector<1x128xf32>
    %add3A_36 = vector.broadcast %get3A_35 : vector<1x128xf32> to vector<10000x128xf32>
    %add3A_37 = arith.addf %dot_general3A_32, %add3A_36 : vector<10000x128xf32>
    %get3A_38 = arith.constant 0 : index
    %get3A_39 = arith.constant 0 : index
    %get3A_40 = vector.load %arg6[%get3A_38, %get3A_39] : memref<128x64xf32, #tpu.memory_space<vmem>>, vector<128x64xf32>
    %dot_general3A_41 = arith.constant dense<0.000000e+00> : vector<10000x64xf32>
    %dot_general3A_42 = tpu.matmul %add3A_37, %get3A_40, %dot_general3A_41 {dimension_numbers = #tpu.dot_dimension_numbers<[1], [0], [0], [1], [0, 0, 1, 1], [], []>, transpose_lhs_hint = false} : vector<10000x128xf32>, vector<128x64xf32>, vector<10000x64xf32> -> vector<10000x64xf32>
    %get3A_43 = arith.constant 0 : index
    %get3A_44 = arith.constant 0 : index
    %get3A_45 = vector.load %arg7[%get3A_43, %get3A_44] : memref<128x64xf32, #tpu.memory_space<vmem>>, vector<128x64xf32>
    %dot_general3A_46 = arith.constant dense<0.000000e+00> : vector<10000x64xf32>
    %dot_general3A_47 = tpu.matmul %add3A_37, %get3A_45, %dot_general3A_46 {dimension_numbers = #tpu.dot_dimension_numbers<[1], [0], [0], [1], [0, 0, 1, 1], [], []>, transpose_lhs_hint = false} : vector<10000x128xf32>, vector<128x64xf32>, vector<10000x64xf32> -> vector<10000x64xf32>
    %convert_element_type3A = arith.truncf %dot_general3A_42 : vector<10000x64xf32> to vector<10000x64xbf16>
    %bitcast_convert_type3A = tpu.bitcast %convert_element_type3A : vector<10000x64xbf16> -> vector<10000x64xi16>
    %convert_element_type3A_48 = arith.extui %bitcast_convert_type3A : vector<10000x64xi16> to vector<10000x64xi32>
    %convert_element_type3A_49 = arith.truncf %dot_general3A_47 : vector<10000x64xf32> to vector<10000x64xbf16>
    %bitcast_convert_type3A_50 = tpu.bitcast %convert_element_type3A_49 : vector<10000x64xbf16> -> vector<10000x64xi16>
    %convert_element_type3A_51 = arith.extui %bitcast_convert_type3A_50 : vector<10000x64xi16> to vector<10000x64xi32>
    %shift_left3A = arith.constant 16 : i32
    %shift_left3A_52 = vector.broadcast %shift_left3A : i32 to vector<10000x64xi32>
    %shift_left3A_53 = arith.shli %convert_element_type3A_51, %shift_left3A_52 : vector<10000x64xi32>
    %or3A = arith.ori %shift_left3A_53, %convert_element_type3A_48 : vector<10000x64xi32>
    %bitcast_convert_type3A_54 = tpu.bitcast %or3A : vector<10000x64xi32> -> vector<10000x64xi32>
    %swap3A = arith.constant 0 : index
    %swap3A_55 = arith.constant 0 : index
    %swap3A_56 = vector.load %arg8[%swap3A, %swap3A_55] : memref<10000x64xi32, #tpu.memory_space<vmem>>, vector<10000x64xi32>
    tpu.vector_store %arg8[%swap3A, %swap3A_55], %bitcast_convert_type3A_54 {strides = array<i32>} : memref<10000x64xi32, #tpu.memory_space<vmem>>, vector<10000x64xi32>,
    return
  }
}

module attributes {stable_mosaic.version = 14 : i64} {
  func.func @_phase4_body(%arg0: memref<2500x128xf32, #tpu.memory_space<vmem>>, %arg1: memref<2500x128xf32, #tpu.memory_space<vmem>>, %arg2: memref<1x1xf32, #tpu.memory_space<smem>>) attributes {dimension_semantics = [], scalar_prefetch = 0 : i64, scratch_operands = 0 : i64, tpu.core_type = #tpu.core_type<tc>} {
    %get3A = arith.constant 0 : index
    %get3A_0 = arith.constant 0 : index
    %get3A_1 = vector.load %arg0[%get3A, %get3A_0] : memref<2500x128xf32, #tpu.memory_space<vmem>>, vector<2500x128xf32>
    %get3A_2 = arith.constant 0 : index
    %get3A_3 = arith.constant 0 : index
    %get3A_4 = vector.load %arg1[%get3A_2, %get3A_3] : memref<2500x128xf32, #tpu.memory_space<vmem>>, vector<2500x128xf32>
    %max3A = arith.constant 0.000000e+00 : f32
    %max3A_5 = vector.broadcast %max3A : f32 to vector<2500x128xf32>
    %max3A_6 = arith.maximumf %get3A_1, %max3A_5 : vector<2500x128xf32>
    %mul3A = arith.mulf %get3A_1, %get3A_4 : vector<2500x128xf32>
    %sub3A = arith.subf %max3A_6, %mul3A : vector<2500x128xf32>
    %abs3A = math.absf %get3A_1 : vector<2500x128xf32>
    %neg3A = arith.constant 0.000000e+00 : f32
    %neg3A_7 = vector.broadcast %neg3A : f32 to vector<2500x128xf32>
    %neg3A_8 = arith.subf %neg3A_7, %abs3A : vector<2500x128xf32>
    %exp3A = math.exp %neg3A_8 : vector<2500x128xf32>
    %log1p3A = math.log1p %exp3A : vector<2500x128xf32>
    %add3A = arith.addf %sub3A, %log1p3A : vector<2500x128xf32>
    %reduce_sum3A = vector.shape_cast %add3A : vector<2500x128xf32> to vector<1x2500x128xf32>
    %reduce_sum3A_9 = arith.constant dense<0.000000e+00> : vector<1xf32>
    %reduce_sum3A_10 = vector.multi_reduction <add>, %reduce_sum3A, %reduce_sum3A_9 [1, 2] : vector<1x2500x128xf32> to vector<1xf32>
    %reduce_sum3A_11 = vector.shape_cast %reduce_sum3A_10 : vector<1xf32> to vector<1x1x1xf32>
    %reduce_sum3A_12 = vector.extract %reduce_sum3A_11[0, 0, 0] : f32 from vector<1x1x1xf32>
    %mul3A_13 = arith.constant 3.125000e-06 : f32
    %mul3A_14 = arith.mulf %reduce_sum3A_12, %mul3A_13 : f32
    %swap3A = arith.constant 0 : index
    %swap3A_15 = arith.constant 0 : index
    %swap3A_16 = memref.load %arg2[%swap3A, %swap3A_15] : memref<1x1xf32, #tpu.memory_space<smem>>
    memref.store %mul3A_14, %arg2[%swap3A, %swap3A_15] : memref<1x1xf32, #tpu.memory_space<smem>>
    return
  }
}

</mosaic_0001>

<sc_bundles>
// kernel: kernel.6.cloned.1.call-start
scs
__scs_entry_jumppad:
0x0: {  	(pc) =	sbr.rel $0x88, $3  }
0x1: {  	(tag) =	ssettag $0x0;
	lr =	simm.s32 $0x1  }
0x2: {  	[smem:$0x3F9A] =	sst lr;
	_ =	strace $0xD0000000  }
0x3: {  	_ = 	snop  }
0x4: {  	_ = 	snop  }
0x5: {  	_ = 	snop  }
0x6: {  	_ = 	snop  }
0x7: {  	_ = 	snop  }
__scs_overlays_trampoline_lowered:
0x8: {  	[smem:$0x3FA9] =	sst s0  }
0x9: {  	[smem:$0x3FAA] =	sst s1  }
0xa: {  	[smem:$0x3FAB] =	sst s2  }
0xb: {  	[smem:$0x3FAC] =	sst s3  }
0xc: {  	[smem:$0x3FAD] =	sst s4  }
0xd: {  	[smem:$0x3FAE] =	sst s5  }
0xe: {  	[smem:$0x3FAF] =	sst s6  }
0xf: {  	[smem:$0x3FB0] =	sst s7  }
0x10: {  	[smem:$0x3FB1] =	sst s8  }
0x11: {  	[smem:$0x3FB2] =	sst s9;
	s0 =	simm.s32 @!p0 $0x0  }
0x12: {  	s1 =	sld [smem:$0x3F98];
	s0 =	simm.s32 @p0 $0x1  }
0x13: {  	[smem:$0x3FB3] =	sst s0;
	s0 =	simm.s32 @!p1 $0x0  }
0x14: {  	s2 =	sld [smem:$0x3F97];
	s0 =	simm.s32 @p1 $0x1  }
0x15: {  	[smem:$0x3FB4] =	sst s0;
	s0 =	simm.s32 @!p2 $0x0  }
0x16: {  	s3 =	sld [smem:$0x3FDB];
	s0 =	simm.s32 @p2 $0x1  }
0x17: {  	s4 =	simm.s32 $0x1BF5;
	[smem:$0x3FB6] =	sst s0  }
0x18: {  	s0 =	sld [smem:$0x3F99];
	_ =	swait.ge [sflag:s4], $0x0  }
0x19: {  	s7 =	sld [smem:$0x3F9A]  }
0x1a: {  	s8 =	sadd.s32 $0xFFFFE003, lr  }
0x1b: {  	s9 =	sadd.s32 $0xFFFFFEF7, lr;
	s5 =	simm.s32 $0xFFFFFFFF;
	p2 =	slt.u32 s8, $0xFFFFF086  }
0x1c: {  	p1 =	slt.u32 s9, $0xF7A;
	s5 =	simm.s32 @!p2 $0x0  }
0x1d: {  	s5 =	simm.s32 @p1 $0x1;
	p0 =	seq.s32 s7, s2  }
0x1e: {  	s7 =	smul.u32 @!p0 $0xF7A, s2;
	p2 =	seq.s32 @!p0 s5, $0x0  }
0x1f: {  	s9 =	smul.u32 $0xF7A, s1;
	s8 =	simm.s32 @!p0 $0x1BF5;
	p2 =	por !p2, p0  }
0x20: {  	[sflag:s8] =	ssyncset.s32 @!p0 $0xFFFFF086;
	s6 =	sadd.s32 @!p0 s3, s7;
	s7 =	simm.s32 @!p0 $0x108  }
0x21: {  	s3 =	sadd.s32 s3, s9;
	s6 =	sadd.s32 @!p0 $0x88, s6;
	s7 =	simm.s32 @p2 $0x1082  }
0x22: {  	[simem:s7], [sflag:s8] =	dma.local @!p0 [hbm:s6], $0xF7A  }
0x23: {  	s9 =	sor.u32 $0xD0000000, s2;
	s6 =	simm.s32 $0x108;
	_ =	swait.ge @!p0 [sflag:s8], $0x0  }
0x24: {  	s3 =	sadd.s32 $0x88, s3;
	s6 =	simm.s32 @!p1 $0x1082;
	[sflag:s4] =	ssyncset.s32 $0xFFFFF086  }
0x25: {  	[simem:s6], [sflag:s4] =	dma.local [hbm:s3], $0xF7A  }
0x26: {  	[smem:$0x3F9A] =	sst s1;
	(tag) =	ssettag s2;
	_ =	strace s9  }
0x27: {  	s1 =	sld [smem:$0x3FAA]  }
0x28: {  	s2 =	sld [smem:$0x3FAB]  }
0x29: {  	s4 =	sld [smem:$0x3FAD]  }
0x2a: {  	p0 =	seq.s32 s5, $0x0;
	s5 =	sld [smem:$0x3FAE]  }
0x2b: {  	s6 =	sld [smem:$0x3FAF]  }
0x2c: {  	s7 =	sld [smem:$0x3FB0]  }
0x2d: {  	s3 =	simm.s32 $0x108;
	s8 =	sld [smem:$0x3FB1]  }
0x2e: {  	s3 =	simm.s32 @!p0 $0x1082;
	s9 =	sld [smem:$0x3FB2]  }
0x2f: {  	lr =	sadd.s32 s0, s3;
	s0 =	sld [smem:$0x3FA9]  }
0x30: {  	s3 =	sld [smem:$0x3FAC]  }
0x31: {  	[smem:$0x3FB5] =	sst s10  }
0x32: {  	s10 =	sld [smem:$0x3FB3];
	_ =	sdelay $0x3  }
0x33: {  	p0 =	seq.s32 s10, $0x1;
	s10 =	sld [smem:$0x3FB5];
	_ =	sdelay $0x3  }
0x34: {  	[smem:$0x3FB5] =	sst s10  }
0x35: {  	s10 =	sld [smem:$0x3FB4];
	_ =	sdelay $0x3  }
0x36: {  	p1 =	seq.s32 s10, $0x1;
	s10 =	sld [smem:$0x3FB5];
	_ =	sdelay $0x3  }
0x37: {  	[smem:$0x3FB5] =	sst s10  }
0x38: {  	s10 =	sld [smem:$0x3FB6]  }
0x39: {  	_ = 	snop;
	(pc) =	sbr.ind lr, $3  }
0x3a: {  	_ = 	snop  }
0x3b: {  	_ = 	snop  }
0x3c: {  	p2 =	seq.s32 s10, $0x1;
	s10 =	sld [smem:$0x3FB5]  }
0x3d: {  	_ =	shalt  }
0x3e: {  	_ =	shalt  }
0x3f: {  	_ =	shalt  }
0x40: {  	_ =	shalt  }
0x41: {  	_ =	shalt  }
0x42: {  	_ =	shalt  }
0x43: {  	_ =	shalt  }
0x44: {  	_ =	shalt  }
0x45: {  	_ =	shalt  }
0x46: {  	_ =	shalt  }
0x47: {  	_ =	shalt  }
0x48: {  	_ =	shalt  }
0x49: {  	_ =	shalt  }
0x4a: {  	_ =	shalt  }
0x4b: {  	_ =	shalt  }
0x4c: {  	_ =	shalt  }
0x4d: {  	_ =	shalt  }
0x4e: {  	_ =	shalt  }
0x4f: {  	_ =	shalt  }
0x50: {  	_ =	shalt  }
0x51: {  	_ =	shalt  }
0x52: {  	_ =	shalt  }
0x53: {  	_ =	shalt  }
0x54: {  	_ =	shalt  }
0x55: {  	_ =	shalt  }
0x56: {  	_ =	shalt  }
0x57: {  	_ =	shalt  }
0x58: {  	_ =	shalt  }
0x59: {  	_ =	shalt  }
0x5a: {  	_ =	shalt  }
0x5b: {  	_ =	shalt  }
0x5c: {  	_ =	shalt  }
0x5d: {  	_ =	shalt  }
0x5e: {  	_ =	shalt  }
0x5f: {  	_ =	shalt  }
0x60: {  	_ =	shalt  }
0x61: {  	_ =	shalt  }
0x62: {  	_ =	shalt  }
0x63: {  	_ =	shalt  }
0x64: {  	_ =	shalt  }
0x65: {  	_ =	shalt  }
0x66: {  	_ =	shalt  }
0x67: {  	_ =	shalt  }
0x68: {  	_ =	shalt  }
0x69: {  	_ =	shalt  }
0x6a: {  	_ =	shalt  }
0x6b: {  	_ =	shalt  }
0x6c: {  	_ =	shalt  }
0x6d: {  	_ =	shalt  }
0x6e: {  	_ =	shalt  }
0x6f: {  	_ =	shalt  }
0x70: {  	_ =	shalt  }
0x71: {  	_ =	shalt  }
0x72: {  	_ =	shalt  }
0x73: {  	_ =	shalt  }
0x74: {  	_ =	shalt  }
0x75: {  	_ =	shalt  }
0x76: {  	_ =	shalt  }
0x77: {  	_ =	shalt  }
0x78: {  	_ =	shalt  }
0x79: {  	_ =	shalt  }
0x7a: {  	_ =	shalt  }
0x7b: {  	_ =	shalt  }
0x7c: {  	_ =	shalt  }
0x7d: {  	_ =	shalt  }
0x7e: {  	_ =	shalt  }
0x7f: {  	_ =	shalt  }
0x80: {  	_ =	shalt  }
0x81: {  	_ =	shalt  }
0x82: {  	_ =	shalt  }
0x83: {  	_ =	shalt  }
0x84: {  	_ =	shalt  }
0x85: {  	_ =	shalt  }
0x86: {  	_ =	shalt  }
0x87: {  	_ =	shalt  }
.Lfunc_end0:
.L_simem_size_0:
called_computation_lowered:
.L_overlay_start_0:
0x88: {  	s2 =	sld [smem:$0x3FD9]  }
0x89: {  	s3 =	sld [smem:$0x3FFE];
	_ =	sdelay $0x1  }
0x8a: {  	s1 =	srdreg.scid  }
0x8b: {  	s0 =	sand.u32 $0x1, s1  }
0x8c: {  	s17 =	sshll.u32 s0, $0xA;
	s2 =	sadd.s32 s3, s2  }
0x8d: {  	s2 =	sadd.s32 s2, s17  }
0x8e: {  	[smem:$0x3FC1] =	sst s2  }
0x8f: {  	_ = 	snop  }
0x90: {  	s2 =	sld [smem:$0x3FC9];
	(tm) =	ssettm $0x1  }
0x91: {  	s18 =	sld [smem:$0x3FFB];
	_ =	sdelay $0x3  }
0x92: {  	_ =	strace s18  }
0x93: {  	s3 =	sld [smem:$0x3FFC];
	_ =	sdelay $0x3  }
0x94: {  	_ =	strace s3  }
0x95: {  	s3 =	sld [smem:$0x3FFD];
	_ =	sdelay $0x3  }
0x96: {  	_ =	strace s3  }
0x97: {  	_ =	strace $0x8FFFFFFF  }
0x98: {  	s19 =	sld [smem:$0x3FDB];
	_ =	sdelay $0x1  }
0x99: {  	s4 =	simm.s32 $_scs_section_size  }
0x9a: {  	s5 =	simm.s32 $_size__tile_overlayer_lowered;
	s6 =	simm.s32 $_tile_overlayer_lowered  }
0x9b: {  	s22 =	simm.s32 $0x1BFF;
	s21 =	sshll.u32 s6, $0x1;
	s3 =	sadd.s32 s4, s19  }
0x9c: {  	s7 =	simm.s32 $0x0;
	s20 =	sshll.u32 s5, $0x1;
	s5 =	sadd.s32 s21, s3  }
0x9d: {  	[timem:s7], [sflag:s22] =	dma.local [hbm:s5], s20  }
0x9e: {  	_ =	swait.ge [sflag:s22], s20  }
0x9f: {  	s4 =	ssub.s32 $0x0, s20;
	[sflag:s22] =	ssyncset.done $0x0  }
0xa0: {  	[sflag:s22] =	ssyncadd.s32 s4;
	_ =	sdelay $0x1  }
0xa1: {  	s23 =	simm.s32 $0x1B8B  }
0xa2: {  	_ =	swait.ge [sflag:s23], $0x1  }
0xa3: {  	[sflag:s23] =	ssyncset.done $0x0  }
0xa4: {  	s25 =	simm.s32 $0x1B8E;
	s24 =	sld [smem:$0x3FFE];
	[sflag:s23] =	ssyncadd.s32 $0xFFFFFFFF  }
0xa5: {  	s26 =	simm.s32 $execute0_lowered;
	[smem:$0x3FD2] =	sst s25  }
0xa6: {  	s5 =	sshll.u32 s26, $0x1;
	_ =	strace $0x80000046;
	[dreg:$0x1] =	wrdreg $0xFFFFFFFF  }
0xa7: {  	s28 =	simm.s32 $_size_execute0_lowered;
	s3 =	sadd.s32 s3, s5;
	[dreg:$0x0] =	wrdreg $0x0  }
0xa8: {  	s5 =	sshll.u32 s28, $0x1;
	[dreg:$0x2] =	wrdreg s3  }
0xa9: {  	[dreg:$0x3] =	wrdreg s5  }
0xaa: {  	[dreg:$0x4] =	wrdreg $0xC0  }
0xab: {  	_ =	task [dreg:s7], $0x5FFFF  }
0xac: {  	[dreg:$0x1] =	wrdreg $0xFFFFFFFF  }
0xad: {  	[dreg:$0x0] =	wrdreg $0x60  }
0xae: {  	[dreg:$0x2] =	wrdreg s2  }
0xaf: {  	[dreg:$0x3] =	wrdreg s24  }
0xb0: {  	[dreg:$0x4] =	wrdreg $0xC0800  }
0xb1: {  	[dreg:$0x5] =	wrdreg $0x9  }
0xb2: {  	_ =	task.clear_ibuf [dreg:s7], $0x6FFFF;
	_ =	strace $0x90000046  }
0xb3: {  	s29 =	simm.s32 $0x9;
	_ =	strace $0x80000048  }
0xb4: {  	_ =	swait.ge [sflag:s29], $0x1  }
0xb5: {  	[sflag:s29] =	ssyncadd.s32 $0xFFFFFFFF  }
0xb6: {  	_ =	strace $0x90000048  }
0xb7: {  	_ =	sfence  }
0xb8: {  	s30 =	sld [smem:$0x0];
	_ =	sdelay $0x2  }
0xb9: {  	s31 =	sshll.u32 s1, $0xD;
	s1 =	sshrl.u32 s1, $0x2  }
0xba: {  	s3 =	sand.u32 $0x4000, s31;
	s1 =	sadd.s32 s1, s30  }
0xbb: {  	s0 =	sor.u32 s3, s0;
	s1 =	sshll.u32 s1, $0x11  }
0xbc: {  	s0 =	sor.u32 s1, s0  }
0xbd: {  	s0 =	sadd.s32 $0x8F2B, s0  }
0xbe: {  	[sflag:s0] =	ssyncadd.remote.s32 $0x1  }
0xbf: {  	_ =	sfence.sel $0xFFFF  }
0xc0: {  	[dreg:$0x0] =	wrdreg $0xFFFFFFFF;
	(pc) =	sbr.abs _section_cstart, $3  }
0xc1: {  	[dreg:$0x1] =	wrdreg $0xFFFFFFFF  }
0xc2: {  	_ =	task.clear_ibuf [dreg:s7], $0x2FFFF;
	_ =	strace $0x9FFFFFFF  }
0xc3: {  	(tm) =	ssettm $0x7FFFFFFF  }
tec
execute0_lowered:
.L_overlay_start_1:
0x0: {  	(tag) =	ssettag $0x1  }
0x1: {  	s1 =	rddreg [dreg:$0x0];
	s3 =	srdreg.scid  }
0x2: {  	s0 =	rddreg [dreg:$0x1];
	s5 =	sand.u32 $0x1, s3  }
0x3: {  	s3 =	stileid.u32;
	s6 =	smul.u32 $0x27100, s5  }
0x4: {  	s2 =	rddreg [dreg:$0x2];
	s8 =	smul.u32 $0x500, s3  }
0x5: {  	s4 =	simm.s32 $0x0;
	s9 =	sor.u32 $0x10, s3;
	s26 =	smul.u32 $0x4E20, s3  }
0x6: {  	s30 =	simm.s32 $0x100;
	s11 =	sor.u32 $0x20, s3;
	s10 =	smul.u32 $0x500, s9  }
0x7: {  	s31 =	simm.s32 $0x7;
	s13 =	sor.u32 $0x30, s3;
	s12 =	smul.u32 $0x500, s11  }
0x8: {  	[smem:$0x7FF] =	sst s4;
	s16 =	sor.u32 $0x40, s3;
	s15 =	smul.u32 $0x500, s13  }
0x9: {  	s7 =	sshll.u32 s3, $0x1;
	s20 =	sor.u32 $0x60, s3;
	s18 =	smul.u32 $0x500, s16  }
0xa: {  	s14 =	ssub.s32 $0x2, s5;
	s19 =	sor.u32 $0x50, s3;
	s21 =	smul.u32 $0x500, s20  }
0xb: {  	s7 =	sor.u32 s5, s7;
	s17 =	sshrl.u32 s14, $0x1;
	s5 =	smul.u32 $0x2710, s5  }
0xc: {  	s22 =	sor.u32 $0x70, s3;
	s14 =	ssub.s32 s14, s17;
	s17 =	smul.u32 $0x500, s19  }
0xd: {  	p0 =	sgt.u32 s22, $0x7C;
	s6 =	sadd.s32 s6, s0;
	s19 =	smul.u32 $0xA000, s19  }
0xe: {  	s6 =	sadd.s32 $0x2EE00, s6;
	s5 =	sadd.s32 s5, s26;
	s26 =	smul.u32 $0xA000, s3  }
0xf: {  	s8 =	sadd.s32 s6, s8;
	s23 =	sadd.s32 s6, s10;
	s24 =	sadd.s32 s6, s12  }
0x10: {  	s25 =	sadd.s32 s6, s15;
	s15 =	sadd.s32 s6, s18;
	[dreg:$0x4] =	wrdreg s8  }
0x11: {  	s18 =	sadd.s32 s6, s17;
	s10 =	smul.u32 $0xA000, s9;
	[dreg:$0x5] =	wrdreg s23  }
0x12: {  	s12 =	smax.u32 s14, $0x1;
	s14 =	smul.u32 $0xA000, s11;
	[dreg:$0x6] =	wrdreg s24  }
0x13: {  	s5 =	sadd.s32 $0xF0, s5;
	s17 =	smul.u32 $0xA000, s13;
	[dreg:$0x7] =	wrdreg s25  }
0x14: {  	s9 =	sshrl.u32 s19, $0x2;
	s8 =	smul.u32 $0x500, s22;
	[dreg:$0x8] =	wrdreg s15  }
0x15: {  	[dreg:$0x9] =	wrdreg s18;
	s23 =	sadd.s32 s6, s21;
	s24 =	smul.u32 $0x2710, s7  }
0x16: {  	s25 =	sadd.s32 $0x1400, s0;
	s7 =	sshll.u32 s7, $0xB;
	s18 =	smul.u32 $0xA000, s16  }
0x17: {  	s5 =	sshrl.u32 s5, $0x3;
	s21 =	smul.u32 $0xA000, s20;
	s9 =	sadd.s32 s9, s2  }
0x18: {  	s16 =	simm.s32 $0x2;
	[dreg:$0xa] =	wrdreg s23;
	s7 =	sadd.s32 s7, s0  }
0x19: {  	s5 =	sadd.s32 s5, s25;
	s23 =	smul.u32 $0xA000, s22;
	s6 =	sadd.s32 s6, s8  }
0x1a: {  	s8 =	sadd.s32 $0x15000, s7;
	s7 =	sshrl.u32 s17, $0x2;
	[dreg:$0xb] =	wrdreg s6  }
0x1b: {  	s6 =	sshrl.u32 s24, $0x3;
	s7 =	sadd.s32 s7, s2;
	s11 =	sshrl.u32 s23, $0x2  }
0x1c: {  	s24 =	sshll.u32 s3, $0xB;
	_ =	strace $0x80000047;
	[dreg:$0xc] =	wrdreg s5  }
0x1d: {  	s0 =	sadd.s32 s6, s0;
	s15 =	sadd.s32 s25, s6;
	[dreg:$0xd] =	wrdreg s8  }
0x1e: {  	[dreg:$0xf] =	wrdreg s12;
	s5 =	sshrl.u32 s26, $0x2;
	s6 =	sshrl.u32 s14, $0x2  }
0x1f: {  	s8 =	sshrl.u32 s18, $0x2;
	s11 =	sadd.s32 s11, s2;
	s18 =	sadd.s32 s24, s2  }
0x20: {  	s26 =	sshrl.u32 s7, $0x3;
	s24 =	sshrl.u32 s9, $0x3;
	s7 =	simm.s32 $0x4  }
0x21: {  	s9 =	simm.s32 $0x9100;
	s12 =	simm.s32 $0x5;
	s14 =	simm.s32 $0x0  }
0x22: {  	s0 =	sadd.s32 $0x25000, s0;
	s5 =	sadd.s32 s5, s2;
	s6 =	sadd.s32 s6, s2  }
0x23: {  	s8 =	sadd.s32 s8, s2;
	[dreg:$0x13] =	wrdreg s26;
	s26 =	sshrl.u32 @!p0 s11, $0x3  }
0x24: {  	s28 =	sadd.s32 $0xA, s15;
	s22 =	smov.u32 s15;
	s29 =	sadd.s32 $0x14, s15  }
0x25: {  	s11 =	simm.s32 $0x1;
	s15 =	simm.s32 $0x3;
	[dreg:$0xe] =	wrdreg s0  }
0x26: {  	s0 =	sshrl.u32 s10, $0x2;
	s10 =	sshrl.u32 s21, $0x2;
	s5 =	sshrl.u32 s5, $0x3  }
.Ltmp0:
0x27: {  	s25 =	sshrl.u32 s6, $0x3;
	s23 =	sshrl.u32 s8, $0x3;
	(pc) =	sbr.rel .LBB2_1-.Ltmp0, $4  }
0x28: {  	s6 =	simm.s32 $0x80;
	s8 =	simm.s32 $0x6900;
	[dreg:$0x10] =	wrdreg s5  }
0x29: {  	s0 =	sadd.s32 s0, s2;
	s10 =	sadd.s32 s10, s2;
	[dreg:$0x12] =	wrdreg s25  }
0x2a: {  	s5 =	simm.s32 $0x4100;
	s0 =	sshrl.u32 s0, $0x3;
	s25 =	sshrl.u32 s10, $0x3  }
0x2b: {  	v0 =	vimm.f32 $0.0e+00;
	v1 =	vimm.f32 $1.000000000e+00;
	s10 =	simm.s32 $0x6;
	[dreg:$0x11] =	wrdreg s0;
	s0 =	simm.s32 $0x50  }
.LBB2_12:
0x2c: {  	_ =	swait.ge [sflag:s11], $0x2800  }
0x2d: {  	[sflag:s11] =	ssyncset.done $0x0  }
0x2e: {  	s13 =	simm.s32 $0x3F00;
	[sflag:s11] =	ssyncadd.s32 $0xFFFFD800  }
0x2f: {  	[spmem:s2] =	stream.indirect.scatter.add.f32 [tilespmem:s5], [sflag:$0x5], $0x80, s13, s0, $0xb8;
	[tilespmem:$0x1F900] =	vst v63  }
0x30: {  	v2 =	vld [tilespmem:$0x3F00];
	_ =	sdelay $0x7  }
0x31: {  	[tilespmem:v2+s9+$0x0] =	vst.idx.add.f32.msk $0xffff, v1  }
0x32: {  	v2 =	vld [tilespmem:$0x3F10];
	_ =	sdelay $0x7  }
0x33: {  	[tilespmem:v2+s9+$0x0] =	vst.idx.add.f32.msk $0xffff, v1  }
0x34: {  	v2 =	vld [tilespmem:$0x3F20];
	_ =	sdelay $0x7  }
0x35: {  	[tilespmem:v2+s9+$0x0] =	vst.idx.add.f32.msk $0xffff, v1  }
0x36: {  	v2 =	vld [tilespmem:$0x3F30];
	_ =	sdelay $0x7  }
0x37: {  	[tilespmem:v2+s9+$0x0] =	vst.idx.add.f32.msk $0xffff, v1  }
0x38: {  	v2 =	vld [tilespmem:$0x3F40];
	_ =	sdelay $0x7  }
0x39: {  	[tilespmem:v2+s9+$0x0] =	vst.idx.add.f32.msk $0xffff, v1  }
0x3a: {  	_ =	swait.ge [sflag:s10], $0x2800  }
0x3b: {  	[sflag:s10] =	ssyncset.done $0x0  }
0x3c: {  	[sflag:s10] =	ssyncadd.s32 $0xFFFFD800  }
0x3d: {  	_ =	swait.ge [sflag:s12], $0x2800  }
0x3e: {  	[sflag:s12] =	ssyncset.done $0x0  }
0x3f: {  	[sflag:s12] =	ssyncadd.s32 $0xFFFFD800  }
0x40: {  	[bflag:$0x0] =	sbarrier.arrive $0xFFFF  }
0x41: {  	s19 =	sshll.u32 s3, $0x6;
	s17 =	rddreg [dreg:$0x4]  }
0x42: {  	s13 =	sor.u32 $0x1C07, s19;
	s19 =	rddreg [dreg:$0x10]  }
0x43: {  	[hbm:s17], [sflag:s13] =	dma.local [spmem:s19], $0x500  }
0x44: {  	_ =	swait.ge [sflag:s31], $0x500  }
0x45: {  	[sflag:s31] =	ssyncset.done $0x0;
	s20 =	rddreg [dreg:$0x5]  }
0x46: {  	s21 =	rddreg [dreg:$0x11];
	[sflag:s31] =	ssyncadd.s32 $0xFFFFFB00  }
0x47: {  	[hbm:s20], [sflag:s13] =	dma.local [spmem:s21], $0x500  }
0x48: {  	_ =	swait.ge [sflag:s31], $0x500  }
0x49: {  	[sflag:s31] =	ssyncset.done $0x0;
	s20 =	rddreg [dreg:$0x6]  }
0x4a: {  	s21 =	rddreg [dreg:$0x12];
	[sflag:s31] =	ssyncadd.s32 $0xFFFFFB00  }
0x4b: {  	[hbm:s20], [sflag:s13] =	dma.local [spmem:s21], $0x500  }
0x4c: {  	_ =	swait.ge [sflag:s31], $0x500  }
0x4d: {  	[sflag:s31] =	ssyncset.done $0x0;
	s20 =	rddreg [dreg:$0x7]  }
0x4e: {  	s21 =	rddreg [dreg:$0x13];
	[sflag:s31] =	ssyncadd.s32 $0xFFFFFB00  }
0x4f: {  	[hbm:s20], [sflag:s13] =	dma.local [spmem:s21], $0x500  }
0x50: {  	_ =	swait.ge [sflag:s31], $0x500  }
0x51: {  	[sflag:s31] =	ssyncset.done $0x0  }
0x52: {  	s20 =	rddreg [dreg:$0x8];
	[sflag:s31] =	ssyncadd.s32 $0xFFFFFB00  }
0x53: {  	[hbm:s20], [sflag:s13] =	dma.local [spmem:s23], $0x500  }
0x54: {  	_ =	swait.ge [sflag:s31], $0x500  }
0x55: {  	[sflag:s31] =	ssyncset.done $0x0  }
0x56: {  	s21 =	rddreg [dreg:$0x9];
	[sflag:s31] =	ssyncadd.s32 $0xFFFFFB00  }
0x57: {  	[hbm:s21], [sflag:s13] =	dma.local [spmem:s24], $0x500  }
0x58: {  	_ =	swait.ge [sflag:s31], $0x500  }
0x59: {  	[sflag:s31] =	ssyncset.done $0x0  }
0x5a: {  	s19 =	rddreg [dreg:$0xa];
	[sflag:s31] =	ssyncadd.s32 $0xFFFFFB00  }
0x5b: {  	[hbm:s19], [sflag:s13] =	dma.local [spmem:s25], $0x500  }
0x5c: {  	_ =	swait.ge [sflag:s31], $0x500  }
0x5d: {  	[sflag:s31] =	ssyncset.done $0x0  }
0x5e: {  	s17 =	rddreg [dreg:$0xb];
	[sflag:s31] =	ssyncadd.s32 $0xFFFFFB00  }
0x5f: {  	[hbm:s17], [sflag:s13] =	dma.local @!p0 [spmem:s26], $0x500  }
0x60: {  	s13 =	simm.s32 @!p0 $0x7  }
0x61: {  	_ =	swait.ge @!p0 [sflag:s13], $0x500  }
0x62: {  	[sflag:s13] =	ssyncset.done @!p0 $0x0  }
0x63: {  	s20 =	rddreg [dreg:$0xe];
	[sflag:s13] =	ssyncadd.s32 @!p0 $0xFFFFFB00  }
0x64: {  	[hbm4b:s20+s4] =	stream.linear.scatter [tilespmem:s9], [sflag:$0x7], $0x2710, $0x38;
	[tilespmem:$0x1F900] =	vst v63  }
0x65: {  	_ =	swait.ge [sflag:s31], $0x2710  }
0x66: {  	s14 =	sadd.s32 $0x1, s14;
	s21 =	rddreg [dreg:$0xf]  }
0x67: {  	p1 =	sne.s32 s14, s21  }
.Ltmp1:
0x68: {  	_ = 	snop;
	(pc) =	sbr.rel @!p1 .LBB2_13-.Ltmp1, $3  }
0x69: {  	_ =	sdelay $0x1  }
0x6a: {  	[sflag:s31] =	ssyncset.done $0x0  }
0x6b: {  	[sflag:s31] =	ssyncadd.s32 $0xFFFFD8F0  }
.LBB2_1:
0x6c: {  	s13 =	rddreg [dreg:$0xd]  }
0x6d: {  	[tilespmem:s30], [sflag:$0x7] =	stream.linear.gather [hbm4b:s13+s4], $0x3E80, $0x38;
	[tilespmem:$0x1F900] =	vst v63  }
0x6e: {  	_ =	swait.ge [sflag:s31], $0x3E80  }
0x6f: {  	[sflag:s31] =	ssyncset.done $0x0  }
0x70: {  	s17 =	simm.s32 $0x200;
	s13 =	simm.s32 $0x0;
	[sflag:s31] =	ssyncadd.s32 $0xFFFFC180  }
.LBB2_2:
0x71: {  	p1 =	sne.s32 s17, $0x1E00;
	[tilespmem:s13+$0xB8F0] =	vst v0  }
0x72: {  	[tilespmem:s13+$0xB880] =	vst v0  }
0x73: {  	[tilespmem:s13+$0xB890] =	vst v0  }
.Ltmp2:
0x74: {  	[tilespmem:s13+$0xB8A0] =	vst v0;
	(pc) =	sbr.rel @p1 .LBB2_2-.Ltmp2, $4  }
0x75: {  	[tilespmem:s13+$0xB8B0] =	vst v0  }
0x76: {  	[tilespmem:s13+$0xB8C0] =	vst v0  }
0x77: {  	[tilespmem:s13+$0xB8D0] =	vst v0  }
0x78: {  	[tilespmem:s13+$0xB8E0] =	vst v0;
	s13 =	sshra.s32 s17, $0x2;
	s17 =	sadd.s32 $0x200, s17  }
0x79: {  	[tilespmem:s13+$0xB8F0] =	vst v0  }
0x7a: {  	[tilespmem:s13+$0xB880] =	vst v0  }
0x7b: {  	[tilespmem:s13+$0xB890] =	vst v0  }
0x7c: {  	[tilespmem:s13+$0xB8A0] =	vst v0  }
0x7d: {  	[tilespmem:s13+$0xB8B0] =	vst v0  }
0x7e: {  	[tilespmem:s13+$0xB8C0] =	vst v0  }
0x7f: {  	[tilespmem:s13+$0xB8D0] =	vst v0  }
0x80: {  	[tilespmem:s13+$0xB8E0] =	vst v0;
	s13 =	simm.s32 $0x40;
	s17 =	simm.s32 $0x0  }
.LBB2_4:
0x81: {  	p1 =	sne.s32 s13, $0x9C00;
	[tilespmem:s17+$0x9100] =	vst v0;
	s17 =	smov.u32 s13;
	s13 =	sadd.s32 $0x40, s13  }
.Ltmp3:
0x82: {  	(pc) =	sbr.rel @p1 .LBB2_4-.Ltmp3, $2  }
0x83: {  	_ =	sdelay $0x2  }
0x84: {  	s17 =	sshra.s32 s17, $0x2  }
0x85: {  	s13 =	sadd.s32 $0x0, s3  }
0x86: {  	p1 =	sgt.u32 s13, $0x270  }
0x87: {  	[tilespmem:s17+$0x9100] =	vst v0;
	s13 =	simm.s32 @!p1 $0xB880;
	s20 =	simm.s32 @!p1 $0x7  }
0x88: {  	[spmem:s18] =	stream.linear.scatter @!p1 [tilespmem:s13], [sflag:$0x7], $0x800, $0x38;
	[tilespmem:$0x1F900] =	vst v63  }
0x89: {  	s17 =	simm.s32 $0x10;
	_ =	swait.ge @!p1 [sflag:s20], $0x800  }
0x8a: {  	s19 =	simm.s32 $0x20;
	s13 =	sadd.s32 $0x8000, s18;
	[sflag:s20] =	ssyncset.done @!p1 $0x0  }
.LBB2_6:
0x8b: {  	s21 =	sadd.s32 s17, s3;
	s17 =	smov.u32 s19;
	s19 =	sadd.s32 $0x10, s19  }
0x8c: {  	[sflag:s20] =	ssyncadd.s32 @!p1 $0xFFFFF800;
	p2 =	sne.s32 s19, $0x280  }
.Ltmp4:
0x8d: {  	p1 =	sgt.u32 s21, $0x270;
	(pc) =	sbr.rel @p2 .LBB2_6-.Ltmp4, $4  }
0x8e: {  	s21 =	simm.s32 @!p1 $0xB880;
	s20 =	simm.s32 @!p1 $0x7  }
0x8f: {  	[spmem:s13] =	stream.linear.scatter @!p1 [tilespmem:s21], [sflag:$0x7], $0x800, $0x38;
	[tilespmem:$0x1F900] =	vst v63  }
0x90: {  	_ =	swait.ge @!p1 [sflag:s20], $0x800  }
0x91: {  	s13 =	sadd.s32 $0x8000, s13;
	[sflag:s20] =	ssyncset.done @!p1 $0x0  }
0x92: {  	s17 =	sadd.s32 s17, s3  }
0x93: {  	p2 =	sgt.u32 s17, $0x270  }
0x94: {  	[sflag:s20] =	ssyncadd.s32 @!p1 $0xFFFFF800;
	s17 =	simm.s32 @!p2 $0xB880;
	s19 =	simm.s32 @!p2 $0x7  }
0x95: {  	[spmem:s13] =	stream.linear.scatter @!p2 [tilespmem:s17], [sflag:$0x7], $0x800, $0x38;
	[tilespmem:$0x1F900] =	vst v63  }
0x96: {  	_ =	swait.ge @!p2 [sflag:s19], $0x800  }
0x97: {  	[sflag:s19] =	ssyncset.done @!p2 $0x0  }
0x98: {  	[sflag:s19] =	ssyncadd.s32 @!p2 $0xFFFFF800  }
0x99: {  	[bflag:$0x0] =	sbarrier.arrive $0xFFFF  }
0x9a: {  	[tilespmem:s4], [sflag:$0x7] =	stream.linear.gather [hbm4b:s22+s4], $0x50, $0x38;
	[tilespmem:$0x1F900] =	vst v63  }
0x9b: {  	_ =	swait.ge [sflag:s31], $0x50  }
0x9c: {  	[sflag:s31] =	ssyncset.done $0x0  }
0x9d: {  	[sflag:s31] =	ssyncadd.s32 $0xFFFFFFB0  }
0x9e: {  	[tilespmem:s5], [sflag:$0x1] =	stream.indirect.gather [hbm4b:s1+s0], $0x80, s4, s0, $0xb8;
	[tilespmem:$0x1F900] =	vst v63  }
0x9f: {  	_ = 	snop  }
0xa0: {  	[tilespmem:s6], [sflag:$0x4] =	stream.linear.gather [hbm4b:s28+s4], $0x50, $0x38;
	[tilespmem:$0x1F900] =	vst v63  }
0xa1: {  	_ =	swait.ge [sflag:s7], $0x50  }
0xa2: {  	[sflag:s7] =	ssyncset.done $0x0  }
0xa3: {  	s17 =	simm.s32 $0x1;
	[sflag:s7] =	ssyncadd.s32 $0xFFFFFFB0  }
0xa4: {  	[tilespmem:s8], [sflag:$0x2] =	stream.indirect.gather [hbm4b:s1+s0], $0x80, s6, s0, $0xb8;
	[tilespmem:$0x1F900] =	vst v63  }
0xa5: {  	_ =	swait.ge [sflag:s17], $0x2800  }
0xa6: {  	[sflag:s17] =	ssyncset.done $0x0  }
0xa7: {  	[sflag:s17] =	ssyncadd.s32 $0xFFFFD800  }
0xa8: {  	[tilespmem:s4], [sflag:$0x3] =	stream.linear.gather [hbm4b:s29+s4], $0x50, $0x38;
	[tilespmem:$0x1F900] =	vst v63  }
0xa9: {  	_ = 	snop  }
0xaa: {  	[spmem:s2] =	stream.indirect.scatter.add.f32 [tilespmem:s5], [sflag:$0x5], $0x80, s30, s0, $0xb8;
	[tilespmem:$0x1F900] =	vst v63  }
0xab: {  	v2 =	vld [tilespmem:$0x100];
	_ =	sdelay $0x7  }
0xac: {  	[tilespmem:v2+s9+$0x0] =	vst.idx.add.f32.msk $0xffff, v1  }
0xad: {  	v2 =	vld [tilespmem:$0x110];
	_ =	sdelay $0x7  }
0xae: {  	[tilespmem:v2+s9+$0x0] =	vst.idx.add.f32.msk $0xffff, v1  }
0xaf: {  	v2 =	vld [tilespmem:$0x120];
	_ =	sdelay $0x7  }
0xb0: {  	[tilespmem:v2+s9+$0x0] =	vst.idx.add.f32.msk $0xffff, v1  }
0xb1: {  	v2 =	vld [tilespmem:$0x130];
	_ =	sdelay $0x7  }
0xb2: {  	[tilespmem:v2+s9+$0x0] =	vst.idx.add.f32.msk $0xffff, v1  }
0xb3: {  	v2 =	vld [tilespmem:$0x140];
	_ =	sdelay $0x3  }
.Ltmp5:
0xb4: {  	_ = 	snop;
	(pc) =	sbr.rel .LBB2_8-.Ltmp5, $2  }
0xb5: {  	_ =	sdelay $0x2  }
0xb6: {  	s13 =	simm.s32 $0x180;
	s19 =	rddreg [dreg:$0xc];
	[tilespmem:v2+s9+$0x0] =	vst.idx.add.f32.msk $0xffff, v1  }
.LBB2_10:
0xb7: {  	_ =	swait.ge [sflag:s15], $0x50  }
0xb8: {  	[sflag:s15] =	ssyncset.done $0x0  }
0xb9: {  	[sflag:s15] =	ssyncadd.s32 $0xFFFFFFB0  }
0xba: {  	_ =	swait.ge [sflag:s12], $0x2800  }
0xbb: {  	[sflag:s12] =	ssyncset.done $0x0  }
0xbc: {  	[sflag:s12] =	ssyncadd.s32 $0xFFFFD800  }
0xbd: {  	[tilespmem:s5], [sflag:$0x1] =	stream.indirect.gather [hbm4b:s1+s0], $0x80, s4, s0, $0xb8;
	[tilespmem:$0x1F900] =	vst v63  }
0xbe: {  	_ =	swait.ge [sflag:s16], $0x2800  }
0xbf: {  	p1 =	slt.u32 s17, $0x7B;
	[sflag:s16] =	ssyncset.done $0x0  }
0xc0: {  	s20 =	simm.s32 @p1 $0x0;
	s21 =	simm.s32 @p1 $0x80;
	[sflag:s16] =	ssyncadd.s32 $0xFFFFD800  }
0xc1: {  	[tilespmem:s21], [sflag:$0x4] =	stream.linear.gather @p1 [hbm4b:s19+s20], $0x50, $0x38;
	[tilespmem:$0x1F900] =	vst v63  }
0xc2: {  	_ = 	snop  }
0xc3: {  	[spmem:s2] =	stream.indirect.scatter.add.f32 [tilespmem:s8], [sflag:$0x6], $0x80, s13, s0, $0xb8;
	[tilespmem:$0x1F900] =	vst v63  }
.LBB2_11:
0xc4: {  	v2 =	vld [tilespmem:s13+$0x0];
	_ =	sdelay $0x7  }
0xc5: {  	[tilespmem:v2+s9+$0x0] =	vst.idx.add.f32.msk $0xffff, v1  }
0xc6: {  	v2 =	vld [tilespmem:s13+$0x10];
	_ =	sdelay $0x7  }
0xc7: {  	[tilespmem:v2+s9+$0x0] =	vst.idx.add.f32.msk $0xffff, v1  }
0xc8: {  	v2 =	vld [tilespmem:s13+$0x20];
	_ =	sdelay $0x7  }
0xc9: {  	[tilespmem:v2+s9+$0x0] =	vst.idx.add.f32.msk $0xffff, v1  }
0xca: {  	v2 =	vld [tilespmem:s13+$0x30];
	_ =	sdelay $0x7  }
0xcb: {  	[tilespmem:v2+s9+$0x0] =	vst.idx.add.f32.msk $0xffff, v1  }
0xcc: {  	v2 =	vld [tilespmem:s13+$0x40];
	_ =	sdelay $0x1  }
0xcd: {  	s17 =	sadd.s32 $0x1, s17  }
0xce: {  	p1 =	sne.s32 s17, $0x7C  }
.Ltmp6:
0xcf: {  	_ = 	snop;
	(pc) =	sbr.rel @!p1 .LBB2_12-.Ltmp6, $2  }
0xd0: {  	_ =	sdelay $0x2  }
0xd1: {  	s19 =	sadd.s32 $0xA, s19;
	s13 =	sadd.s32 $0x80, s13;
	[tilespmem:v2+s9+$0x0] =	vst.idx.add.f32.msk $0xffff, v1  }
.LBB2_8:
0xd2: {  	s20 =	sand.u32 $0x1, s17  }
0xd3: {  	p1 =	seq.s32 s20, $0x1  }
.Ltmp7:
0xd4: {  	_ = 	snop;
	(pc) =	sbr.rel @p1 .LBB2_10-.Ltmp7, $1  }
0xd5: {  	_ =	sdelay $0x3  }
0xd6: {  	_ =	swait.ge [sflag:s7], $0x50  }
0xd7: {  	[sflag:s7] =	ssyncset.done $0x0  }
0xd8: {  	[sflag:s7] =	ssyncadd.s32 $0xFFFFFFB0  }
0xd9: {  	_ =	swait.ge [sflag:s10], $0x2800  }
0xda: {  	[sflag:s10] =	ssyncset.done $0x0  }
0xdb: {  	[sflag:s10] =	ssyncadd.s32 $0xFFFFD800  }
0xdc: {  	[tilespmem:s8], [sflag:$0x2] =	stream.indirect.gather [hbm4b:s1+s0], $0x80, s6, s0, $0xb8;
	[tilespmem:$0x1F900] =	vst v63  }
0xdd: {  	_ =	swait.ge [sflag:s11], $0x2800  }
.Ltmp8:
0xde: {  	p1 =	slt.u32 s17, $0x7B;
	[sflag:s11] =	ssyncset.done $0x0;
	(pc) =	sbr.rel .LBB2_11-.Ltmp8, $4  }
0xdf: {  	s20 =	simm.s32 @p1 $0x0;
	[sflag:s11] =	ssyncadd.s32 $0xFFFFD800  }
0xe0: {  	[tilespmem:s20], [sflag:$0x3] =	stream.linear.gather @p1 [hbm4b:s19+s20], $0x50, $0x38;
	[tilespmem:$0x1F900] =	vst v63  }
0xe1: {  	_ = 	snop  }
0xe2: {  	[spmem:s2] =	stream.indirect.scatter.add.f32 [tilespmem:s5], [sflag:$0x5], $0x80, s13, s0, $0xb8;
	[tilespmem:$0x1F900] =	vst v63  }
.LBB2_13:
0xe3: {  	_ =	sfence.sel $0x180000  }
0xe4: {  	[bflag:$0x0] =	sbarrier.arrive $0xFFFF  }
0xe5: {  	_ =	strace $0x90000047  }
0xe6: {  	[bflag:$0x2] =	sbarrier.arrive $0xFFFF  }
0xe7: {  	p0 =	sne.s32 s3, $0x0;
	s0 =	rddreg [dreg:$0x3]  }
0xe8: {  	s0 =	sadd.s32 @!p0 $0x100000, s0  }
0xe9: {  	[sflag:s0] =	ssyncadd.tile.s32 @!p0 $0x1;
	_ =	shalt  }
.Lfunc_end2:
_tile_overlayer_lowered:
.L_overlay_start_2:
0xea: {  	(tag) =	ssettag $0x2  }
0xeb: {  	s0 =	rddreg [dreg:$0x0];
	s2 =	stileid.u32  }
0xec: {  	s1 =	rddreg [dreg:$0x1];
	p0 =	sne.s32 s2, $0x0  }
0xed: {  	s3 =	rddreg [dreg:$0x2];
	[bflag:$0x3] =	sbarrier.arrive $0xFFFF;
	s2 =	simm.s32 @!p0 $0x1C07  }
0xee: {  	[timem:s3], [sflag:s2] =	dma.local @!p0 [hbm:s0], s1  }
0xef: {  	s0 =	simm.s32 @!p0 $0x7  }
0xf0: {  	_ =	swait.ge @!p0 [sflag:s0], s1  }
0xf1: {  	s1 =	ssub.s32 @!p0 $0x0, s1;
	[sflag:s0] =	ssyncset.done @!p0 $0x0  }
0xf2: {  	[sflag:s0] =	ssyncadd.s32 @!p0 s1  }
0xf3: {  	[bflag:$0x3] =	sbarrier.arrive $0xFFFF  }
0xf4: {  	_ =	shalt  }

// kernel: kernel.9.cloned.1.call-start
scs
__scs_entry_jumppad:
0x0: {  	(pc) =	sbr.rel $0x88, $3  }
0x1: {  	(tag) =	ssettag $0x0;
	lr =	simm.s32 $0x1  }
0x2: {  	[smem:$0x3F9A] =	sst lr;
	_ =	strace $0xD0000000  }
0x3: {  	_ = 	snop  }
0x4: {  	_ = 	snop  }
0x5: {  	_ = 	snop  }
0x6: {  	_ = 	snop  }
0x7: {  	_ = 	snop  }
__scs_overlays_trampoline_lowered:
0x8: {  	[smem:$0x3FA9] =	sst s0  }
0x9: {  	[smem:$0x3FAA] =	sst s1  }
0xa: {  	[smem:$0x3FAB] =	sst s2  }
0xb: {  	[smem:$0x3FAC] =	sst s3  }
0xc: {  	[smem:$0x3FAD] =	sst s4  }
0xd: {  	[smem:$0x3FAE] =	sst s5  }
0xe: {  	[smem:$0x3FAF] =	sst s6  }
0xf: {  	[smem:$0x3FB0] =	sst s7  }
0x10: {  	[smem:$0x3FB1] =	sst s8  }
0x11: {  	[smem:$0x3FB2] =	sst s9;
	s0 =	simm.s32 @!p0 $0x0  }
0x12: {  	s1 =	sld [smem:$0x3F98];
	s0 =	simm.s32 @p0 $0x1  }
0x13: {  	[smem:$0x3FB3] =	sst s0;
	s0 =	simm.s32 @!p1 $0x0  }
0x14: {  	s2 =	sld [smem:$0x3F97];
	s0 =	simm.s32 @p1 $0x1  }
0x15: {  	[smem:$0x3FB4] =	sst s0;
	s0 =	simm.s32 @!p2 $0x0  }
0x16: {  	s3 =	sld [smem:$0x3FDB];
	s0 =	simm.s32 @p2 $0x1  }
0x17: {  	s4 =	simm.s32 $0x1BF5;
	[smem:$0x3FB6] =	sst s0  }
0x18: {  	s0 =	sld [smem:$0x3F99];
	_ =	swait.ge [sflag:s4], $0x0  }
0x19: {  	s7 =	sld [smem:$0x3F9A]  }
0x1a: {  	s8 =	sadd.s32 $0xFFFFE003, lr  }
0x1b: {  	s9 =	sadd.s32 $0xFFFFFEF7, lr;
	s5 =	simm.s32 $0xFFFFFFFF;
	p2 =	slt.u32 s8, $0xFFFFF086  }
0x1c: {  	p1 =	slt.u32 s9, $0xF7A;
	s5 =	simm.s32 @!p2 $0x0  }
0x1d: {  	s5 =	simm.s32 @p1 $0x1;
	p0 =	seq.s32 s7, s2  }
0x1e: {  	s7 =	smul.u32 @!p0 $0xF7A, s2;
	p2 =	seq.s32 @!p0 s5, $0x0  }
0x1f: {  	s9 =	smul.u32 $0xF7A, s1;
	s8 =	simm.s32 @!p0 $0x1BF5;
	p2 =	por !p2, p0  }
0x20: {  	[sflag:s8] =	ssyncset.s32 @!p0 $0xFFFFF086;
	s6 =	sadd.s32 @!p0 s3, s7;
	s7 =	simm.s32 @!p0 $0x108  }
0x21: {  	s3 =	sadd.s32 s3, s9;
	s6 =	sadd.s32 @!p0 $0x88, s6;
	s7 =	simm.s32 @p2 $0x1082  }
0x22: {  	[simem:s7], [sflag:s8] =	dma.local @!p0 [hbm:s6], $0xF7A  }
0x23: {  	s9 =	sor.u32 $0xD0000000, s2;
	s6 =	simm.s32 $0x108;
	_ =	swait.ge @!p0 [sflag:s8], $0x0  }
0x24: {  	s3 =	sadd.s32 $0x88, s3;
	s6 =	simm.s32 @!p1 $0x1082;
	[sflag:s4] =	ssyncset.s32 $0xFFFFF086  }
0x25: {  	[simem:s6], [sflag:s4] =	dma.local [hbm:s3], $0xF7A  }
0x26: {  	[smem:$0x3F9A] =	sst s1;
	(tag) =	ssettag s2;
	_ =	strace s9  }
0x27: {  	s1 =	sld [smem:$0x3FAA]  }
0x28: {  	s2 =	sld [smem:$0x3FAB]  }
0x29: {  	s4 =	sld [smem:$0x3FAD]  }
0x2a: {  	p0 =	seq.s32 s5, $0x0;
	s5 =	sld [smem:$0x3FAE]  }
0x2b: {  	s6 =	sld [smem:$0x3FAF]  }
0x2c: {  	s7 =	sld [smem:$0x3FB0]  }
0x2d: {  	s3 =	simm.s32 $0x108;
	s8 =	sld [smem:$0x3FB1]  }
0x2e: {  	s3 =	simm.s32 @!p0 $0x1082;
	s9 =	sld [smem:$0x3FB2]  }
0x2f: {  	lr =	sadd.s32 s0, s3;
	s0 =	sld [smem:$0x3FA9]  }
0x30: {  	s3 =	sld [smem:$0x3FAC]  }
0x31: {  	[smem:$0x3FB5] =	sst s10  }
0x32: {  	s10 =	sld [smem:$0x3FB3];
	_ =	sdelay $0x3  }
0x33: {  	p0 =	seq.s32 s10, $0x1;
	s10 =	sld [smem:$0x3FB5];
	_ =	sdelay $0x3  }
0x34: {  	[smem:$0x3FB5] =	sst s10  }
0x35: {  	s10 =	sld [smem:$0x3FB4];
	_ =	sdelay $0x3  }
0x36: {  	p1 =	seq.s32 s10, $0x1;
	s10 =	sld [smem:$0x3FB5];
	_ =	sdelay $0x3  }
0x37: {  	[smem:$0x3FB5] =	sst s10  }
0x38: {  	s10 =	sld [smem:$0x3FB6]  }
0x39: {  	_ = 	snop;
	(pc) =	sbr.ind lr, $3  }
0x3a: {  	_ = 	snop  }
0x3b: {  	_ = 	snop  }
0x3c: {  	p2 =	seq.s32 s10, $0x1;
	s10 =	sld [smem:$0x3FB5]  }
0x3d: {  	_ =	shalt  }
0x3e: {  	_ =	shalt  }
0x3f: {  	_ =	shalt  }
0x40: {  	_ =	shalt  }
0x41: {  	_ =	shalt  }
0x42: {  	_ =	shalt  }
0x43: {  	_ =	shalt  }
0x44: {  	_ =	shalt  }
0x45: {  	_ =	shalt  }
0x46: {  	_ =	shalt  }
0x47: {  	_ =	shalt  }
0x48: {  	_ =	shalt  }
0x49: {  	_ =	shalt  }
0x4a: {  	_ =	shalt  }
0x4b: {  	_ =	shalt  }
0x4c: {  	_ =	shalt  }
0x4d: {  	_ =	shalt  }
0x4e: {  	_ =	shalt  }
0x4f: {  	_ =	shalt  }
0x50: {  	_ =	shalt  }
0x51: {  	_ =	shalt  }
0x52: {  	_ =	shalt  }
0x53: {  	_ =	shalt  }
0x54: {  	_ =	shalt  }
0x55: {  	_ =	shalt  }
0x56: {  	_ =	shalt  }
0x57: {  	_ =	shalt  }
0x58: {  	_ =	shalt  }
0x59: {  	_ =	shalt  }
0x5a: {  	_ =	shalt  }
0x5b: {  	_ =	shalt  }
0x5c: {  	_ =	shalt  }
0x5d: {  	_ =	shalt  }
0x5e: {  	_ =	shalt  }
0x5f: {  	_ =	shalt  }
0x60: {  	_ =	shalt  }
0x61: {  	_ =	shalt  }
0x62: {  	_ =	shalt  }
0x63: {  	_ =	shalt  }
0x64: {  	_ =	shalt  }
0x65: {  	_ =	shalt  }
0x66: {  	_ =	shalt  }
0x67: {  	_ =	shalt  }
0x68: {  	_ =	shalt  }
0x69: {  	_ =	shalt  }
0x6a: {  	_ =	shalt  }
0x6b: {  	_ =	shalt  }
0x6c: {  	_ =	shalt  }
0x6d: {  	_ =	shalt  }
0x6e: {  	_ =	shalt  }
0x6f: {  	_ =	shalt  }
0x70: {  	_ =	shalt  }
0x71: {  	_ =	shalt  }
0x72: {  	_ =	shalt  }
0x73: {  	_ =	shalt  }
0x74: {  	_ =	shalt  }
0x75: {  	_ =	shalt  }
0x76: {  	_ =	shalt  }
0x77: {  	_ =	shalt  }
0x78: {  	_ =	shalt  }
0x79: {  	_ =	shalt  }
0x7a: {  	_ =	shalt  }
0x7b: {  	_ =	shalt  }
0x7c: {  	_ =	shalt  }
0x7d: {  	_ =	shalt  }
0x7e: {  	_ =	shalt  }
0x7f: {  	_ =	shalt  }
0x80: {  	_ =	shalt  }
0x81: {  	_ =	shalt  }
0x82: {  	_ =	shalt  }
0x83: {  	_ =	shalt  }
0x84: {  	_ =	shalt  }
0x85: {  	_ =	shalt  }
0x86: {  	_ =	shalt  }
0x87: {  	_ =	shalt  }
.Lfunc_end0:
.L_simem_size_0:
called_computation.1_lowered:
.L_overlay_start_0:
0x88: {  	s2 =	sld [smem:$0x3FD9]  }
0x89: {  	s3 =	sld [smem:$0x3FFE];
	_ =	sdelay $0x1  }
0x8a: {  	s1 =	srdreg.scid  }
0x8b: {  	s0 =	sand.u32 $0x1, s1  }
0x8c: {  	s16 =	sshll.u32 s0, $0xA;
	s2 =	sadd.s32 s3, s2  }
0x8d: {  	s2 =	sadd.s32 s2, s16  }
0x8e: {  	[smem:$0x3FC1] =	sst s2  }
0x8f: {  	_ = 	snop  }
0x90: {  	(tm) =	ssettm $0x1  }
0x91: {  	s17 =	sld [smem:$0x3FFB];
	_ =	sdelay $0x3  }
0x92: {  	_ =	strace s17  }
0x93: {  	s2 =	sld [smem:$0x3FFC];
	_ =	sdelay $0x3  }
0x94: {  	_ =	strace s2  }
0x95: {  	s2 =	sld [smem:$0x3FFD];
	_ =	sdelay $0x3  }
0x96: {  	_ =	strace s2  }
0x97: {  	_ =	strace $0x8FFFFFFF  }
0x98: {  	s18 =	sld [smem:$0x3FDB];
	_ =	sdelay $0x1  }
0x99: {  	s19 =	simm.s32 $_scs_section_size  }
0x9a: {  	s4 =	simm.s32 $_size__tile_overlayer_lowered;
	s5 =	simm.s32 $_tile_overlayer_lowered  }
0x9b: {  	s22 =	simm.s32 $0x1BFF;
	s21 =	sshll.u32 s5, $0x1;
	s2 =	sadd.s32 s19, s18  }
0x9c: {  	s6 =	simm.s32 $0x0;
	s20 =	sshll.u32 s4, $0x1;
	s4 =	sadd.s32 s21, s2  }
0x9d: {  	[timem:s6], [sflag:s22] =	dma.local [hbm:s4], s20  }
0x9e: {  	_ =	swait.ge [sflag:s22], s20  }
0x9f: {  	s3 =	ssub.s32 $0x0, s20;
	[sflag:s22] =	ssyncset.done $0x0  }
0xa0: {  	[sflag:s22] =	ssyncadd.s32 s3;
	_ =	sdelay $0x1  }
0xa1: {  	s23 =	simm.s32 $0x1B8B  }
0xa2: {  	_ =	swait.ge [sflag:s23], $0x1  }
0xa3: {  	[sflag:s23] =	ssyncset.done $0x0  }
0xa4: {  	s25 =	simm.s32 $0x1B8E;
	s24 =	sld [smem:$0x3FFE];
	[sflag:s23] =	ssyncadd.s32 $0xFFFFFFFF  }
0xa5: {  	s26 =	simm.s32 $execute0_lowered;
	[smem:$0x3FD2] =	sst s25  }
0xa6: {  	s4 =	sshll.u32 s26, $0x1;
	_ =	strace $0x80000049;
	[dreg:$0x1] =	wrdreg $0xFFFFFFFF  }
0xa7: {  	s28 =	simm.s32 $_size_execute0_lowered;
	s2 =	sadd.s32 s2, s4;
	[dreg:$0x0] =	wrdreg $0x0  }
0xa8: {  	s4 =	sshll.u32 s28, $0x1;
	[dreg:$0x2] =	wrdreg s2  }
0xa9: {  	[dreg:$0x3] =	wrdreg s4  }
0xaa: {  	[dreg:$0x4] =	wrdreg $0xC0  }
0xab: {  	_ =	task [dreg:s6], $0x5FFFF  }
0xac: {  	[dreg:$0x1] =	wrdreg $0xFFFFFFFF  }
0xad: {  	[dreg:$0x0] =	wrdreg $0x60  }
0xae: {  	[dreg:$0x2] =	wrdreg s24  }
0xaf: {  	[dreg:$0x3] =	wrdreg $0x9  }
0xb0: {  	_ =	task.clear_ibuf [dreg:s6], $0x4FFFF;
	_ =	strace $0x90000049  }
0xb1: {  	s29 =	simm.s32 $0x9;
	_ =	strace $0x8000004B  }
0xb2: {  	_ =	swait.ge [sflag:s29], $0x1  }
0xb3: {  	[sflag:s29] =	ssyncadd.s32 $0xFFFFFFFF  }
0xb4: {  	_ =	strace $0x9000004B  }
0xb5: {  	_ =	sfence  }
0xb6: {  	s30 =	sld [smem:$0x0];
	_ =	sdelay $0x2  }
0xb7: {  	s31 =	sshll.u32 s1, $0xD;
	s1 =	sshrl.u32 s1, $0x2  }
0xb8: {  	s3 =	sand.u32 $0x4000, s31;
	s1 =	sadd.s32 s1, s30  }
0xb9: {  	s0 =	sor.u32 s3, s0;
	s1 =	sshll.u32 s1, $0x11  }
0xba: {  	s0 =	sor.u32 s1, s0  }
0xbb: {  	s0 =	sadd.s32 $0x8F2B, s0  }
0xbc: {  	[sflag:s0] =	ssyncadd.remote.s32 $0x1  }
0xbd: {  	_ =	sfence.sel $0xFFFF  }
0xbe: {  	[dreg:$0x0] =	wrdreg $0xFFFFFFFF;
	(pc) =	sbr.abs _section_cstart, $3  }
0xbf: {  	[dreg:$0x1] =	wrdreg $0xFFFFFFFF  }
0xc0: {  	_ =	task.clear_ibuf [dreg:s6], $0x2FFFF;
	_ =	strace $0x9FFFFFFF  }
0xc1: {  	(tm) =	ssettm $0x7FFFFFFF  }
tec
execute0_lowered:
.L_overlay_start_1:
0x0: {  	(tag) =	ssettag $0x1  }
0x1: {  	s1 =	srdreg.scid;
	s0 =	stileid.u32  }
0x2: {  	s4 =	rddreg [dreg:$0x0];
	s2 =	simm.s32 $0x0;
	s9 =	simm.s32 $0x2710  }
0x3: {  	s10 =	simm.s32 $0x50;
	s11 =	simm.s32 $0x4E20;
	s12 =	simm.s32 $0x6220  }
0x4: {  	s13 =	simm.s32 $0x1;
	s14 =	simm.s32 $0x2;
	s15 =	simm.s32 $0x9E20  }
0x5: {  	v0 =	vlaneseq.u32;
	s16 =	simm.s32 $0x9FA0;
	s3 =	sand.u32 $0x1, s1;
	s5 =	sshll.u32 s0, $0x1  }
0x6: {  	s17 =	simm.s32 $0x7620;
	s18 =	simm.s32 $0x8A20;
	v0 =	vmul.u32 $0x18, v0;
	s5 =	sor.u32 s3, s5  }
0x7: {  	s19 =	simm.s32 $0x3;
	s20 =	simm.s32 $0x4;
	s5 =	smul.u32 $0x4E2, s5  }
.Ltmp0:
0x8: {  	s1 =	rddreg [dreg:$0x1];
	s6 =	ssub.s32 $0x2, s3;
	v1 =	vor.u32 $0x1, v0;
	v2 =	vor.u32 $0x2, v0;
	v3 =	vor.u32 $0x3, v0;
	(pc) =	sbr.rel .LBB2_1-.Ltmp0, $4  }
0x9: {  	s21 =	simm.s32 $0x0;
	[smem:$0x7FF] =	sst s2;
	s7 =	sshrl.u32 s6, $0x1;
	v4 =	vor.u32 $0x4, v0;
	v5 =	vor.u32 $0x5, v0;
	v6 =	vor.u32 $0x6, v0  }
0xa: {  	_ =	strace $0x8000004A;
	v7 =	vor.u32 $0x7, v0;
	v8 =	vadd.s32 $0x8, v0;
	v9 =	vadd.s32 $0x9, v0;
	s7 =	ssub.s32 s6, s7;
	s8 =	sadd.s32 s5, s4  }
0xb: {  	s3 =	sadd.s32 $0x15000, s4;
	v10 =	vadd.s32 $0xA, v0;
	v11 =	vadd.s32 $0xB, v0;
	v12 =	vadd.s32 $0xC, v0;
	s7 =	smax.u32 s7, $0x1;
	s4 =	sadd.s32 $0x1400, s8  }
0xc: {  	v13 =	vadd.s32 $0xD, v0;
	v14 =	vadd.s32 $0xE, v0;
	v15 =	vadd.s32 $0xF, v0;
	s5 =	sadd.s32 $0xB200, s8;
	s6 =	sadd.s32 $0x28A00, s8;
	s8 =	simm.s32 $0x5  }
.LBB2_28:
0xd: {  	s21 =	sadd.s32 $0x1, s21  }
0xe: {  	p0 =	sne.s32 s21, s7  }
.Ltmp1:
0xf: {  	_ = 	snop;
	(pc) =	sbr.rel @!p0 .LBB2_29-.Ltmp1, $4  }
0x10: {  	[hbm4b:s6+s2] =	stream.linear.scatter [tilespmem:s16], [sflag:$0x5], $0x2710, $0x38;
	[tilespmem:$0xC6B0] =	vst v63  }
0x11: {  	_ =	swait.ge [sflag:s8], $0x2710  }
0x12: {  	[sflag:s8] =	ssyncset.done $0x0  }
0x13: {  	[sflag:s8] =	ssyncadd.s32 $0xFFFFD8F0  }
.LBB2_1:
0x14: {  	[tilespmem:s2], [sflag:$0x5] =	stream.linear.gather [hbm4b:s4+s2], $0x2710, $0x38;
	[tilespmem:$0xC6B0] =	vst v63  }
0x15: {  	_ =	swait.ge [sflag:s8], $0x2710  }
0x16: {  	[sflag:s8] =	ssyncset.done $0x0  }
0x17: {  	[sflag:s8] =	ssyncadd.s32 $0xFFFFD8F0  }
0x18: {  	[tilespmem:s9], [sflag:$0x5] =	stream.linear.gather [hbm4b:s5+s2], $0x2710, $0x38;
	[tilespmem:$0xC6B0] =	vst v63  }
0x19: {  	_ =	swait.ge [sflag:s8], $0x2710  }
.Ltmp2:
0x1a: {  	[sflag:s8] =	ssyncset.done $0x0;
	(pc) =	sbr.rel .LBB2_2-.Ltmp2, $4  }
0x1b: {  	[sflag:s8] =	ssyncadd.s32 $0xFFFFD8F0  }
0x1c: {  	[tilespmem:s11], [sflag:$0x1] =	stream.indirect.gather [hbm4b:s3+s10], $0x40, s2, s10, $0xb8;
	[tilespmem:$0xC6B0] =	vst v63  }
0x1d: {  	s23 =	simm.s32 $0x0  }
0x1e: {  	[tilespmem:s12], [sflag:$0x2] =	stream.indirect.gather [hbm4b:s3+s10], $0x40, s9, s10, $0xb8;
	[tilespmem:$0xC6B0] =	vst v63  }
.LBB2_26:
0x1f: {  	v18 =	vadd.bf16 v19, v18;
	v16 =	vmul.bf16 v17, v16;
	_ =	sdelay $0x1  }
0x20: {  	v16 =	vadd.bf16 v16, v18;
	_ =	sdelay $0x1  }
0x21: {  	v17 =	vunpack.i.u.bf16.f32 v16;
	v16 =	vunpack.i.l.bf16.f32 v16  }
0x22: {  	v16 =	vadd.f32 v16, v17;
	_ =	sdelay $0x1  }
0x23: {  	[tilespmem:s24+$0x18] =	vst v16  }
.LBB2_27:
0x24: {  	_ =	sdelay $0x3  }
0x25: {  	v16 =	vld.idx.msk [tilespmem:v0+s15+$0x0], $0xffff;
	_ =	sdelay $0x1  }
0x26: {  	v17 =	vld.idx.msk [tilespmem:v1+s15+$0x0], $0xffff;
	_ =	sdelay $0x1  }
0x27: {  	v18 =	vld.idx.msk [tilespmem:v2+s15+$0x0], $0xffff  }
0x28: {  	v16 =	vadd.f32 $0.0e+00, v16  }
0x29: {  	v19 =	vld.idx.msk [tilespmem:v3+s15+$0x0], $0xffff  }
0x2a: {  	v16 =	vadd.f32 v17, v16  }
0x2b: {  	v17 =	vld.idx.msk [tilespmem:v4+s15+$0x0], $0xffff  }
0x2c: {  	v16 =	vadd.f32 v18, v16  }
0x2d: {  	v56 =	vld.idx.msk [tilespmem:v5+s15+$0x0], $0xffff  }
0x2e: {  	v16 =	vadd.f32 v19, v16  }
0x2f: {  	v57 =	vld.idx.msk [tilespmem:v6+s15+$0x0], $0xffff  }
0x30: {  	v16 =	vadd.f32 v17, v16  }
0x31: {  	v17 =	vld.idx.msk [tilespmem:v7+s15+$0x0], $0xffff  }
0x32: {  	v16 =	vadd.f32 v56, v16  }
0x33: {  	v58 =	vld.idx.msk [tilespmem:v8+s15+$0x0], $0xffff  }
0x34: {  	v16 =	vadd.f32 v57, v16  }
0x35: {  	v59 =	vld.idx.msk [tilespmem:v9+s15+$0x0], $0xffff  }
0x36: {  	v16 =	vadd.f32 v17, v16  }
0x37: {  	v17 =	vld.idx.msk [tilespmem:v10+s15+$0x0], $0xffff  }
0x38: {  	v16 =	vadd.f32 v58, v16  }
0x39: {  	v60 =	vld.idx.msk [tilespmem:v11+s15+$0x0], $0xffff  }
0x3a: {  	v16 =	vadd.f32 v59, v16  }
0x3b: {  	v61 =	vld.idx.msk [tilespmem:v12+s15+$0x0], $0xffff  }
0x3c: {  	v16 =	vadd.f32 v17, v16  }
0x3d: {  	v17 =	vld.idx.msk [tilespmem:v13+s15+$0x0], $0xffff  }
0x3e: {  	v16 =	vadd.f32 v60, v16  }
0x3f: {  	v62 =	vld.idx.msk [tilespmem:v14+s15+$0x0], $0xffff  }
0x40: {  	v16 =	vadd.f32 v61, v16  }
0x41: {  	v63 =	vld.idx.msk [tilespmem:v15+s15+$0x0], $0xffff  }
0x42: {  	v16 =	vadd.f32 v17, v16  }
0x43: {  	p0 =	sne.s32 s22, $0x7D  }
.Ltmp3:
0x44: {  	v16 =	vadd.f32 v62, v16;
	(pc) =	sbr.rel @!p0 .LBB2_28-.Ltmp3, $4  }
0x45: {  	_ = 	snop  }
0x46: {  	v16 =	vadd.f32 v63, v16  }
0x47: {  	s23 =	sshra.s32 s23, $0x2  }
0x48: {  	[tilespmem:s23+$0x9FE0] =	vst v16;
	s23 =	smov.u32 s22  }
.LBB2_2:
0x49: {  	p0 =	seq.s32 s23, $0x7C  }
.Ltmp4:
0x4a: {  	_ = 	snop;
	(pc) =	sbr.rel @p0 .LBB2_5-.Ltmp4, $2  }
0x4b: {  	_ =	sdelay $0x2  }
0x4c: {  	s22 =	sadd.s32 $0x1, s23  }
0x4d: {  	s25 =	sand.u32 $0x1, s23  }
0x4e: {  	p0 =	seq.s32 s25, $0x1  }
.Ltmp5:
0x4f: {  	_ = 	snop;
	(pc) =	sbr.rel @p0 .LBB2_16-.Ltmp5, $3  }
0x50: {  	_ = 	snop  }
0x51: {  	s24 =	smul.u32 $0x50, s22;
	_ =	sdelay $0x1  }
0x52: {  	s25 =	sadd.s32 $0x2710, s24  }
0x53: {  	[tilespmem:s17], [sflag:$0x3] =	stream.indirect.gather [hbm4b:s3+s10], $0x40, s24, s10, $0xb8;
	[tilespmem:$0xC6B0] =	vst v63  }
0x54: {  	_ = 	snop  }
0x55: {  	[tilespmem:s18], [sflag:$0x4] =	stream.indirect.gather [hbm4b:s3+s10], $0x40, s25, s10, $0xb8;
	[tilespmem:$0xC6B0] =	vst v63  }
.LBB2_5:
0x56: {  	_ =	swait.ge [sflag:s13], $0x1400  }
0x57: {  	[sflag:s13] =	ssyncset.done $0x0  }
0x58: {  	[sflag:s13] =	ssyncadd.s32 $0xFFFFEC00  }
0x59: {  	_ =	swait.ge [sflag:s14], $0x1400  }
0x5a: {  	[sflag:s14] =	ssyncset.done $0x0  }
0x5b: {  	s25 =	simm.s32 $0x0;
	[sflag:s14] =	ssyncadd.s32 $0xFFFFEC00  }
0x5c: {  	v16 =	vld [tilespmem:s25+$0x6230]  }
0x5d: {  	v17 =	vld [tilespmem:s25+$0x6220]  }
0x5e: {  	v18 =	vld [tilespmem:s25+$0x4E20]  }
0x5f: {  	v19 =	vld [tilespmem:s25+$0x4E30]  }
0x60: {  	v20 =	vld [tilespmem:s25+$0x4E40]  }
0x61: {  	v21 =	vld [tilespmem:s25+$0x6240]  }
0x62: {  	v22 =	vld [tilespmem:s25+$0x6250]  }
0x63: {  	v23 =	vld [tilespmem:s25+$0x4E50]  }
0x64: {  	v17 =	vmul.bf16 v17, v18;
	v16 =	vmul.bf16 v16, v19;
	_ =	sdelay $0x1  }
0x65: {  	v16 =	vadd.bf16 v16, v17;
	v17 =	vmul.bf16 v21, v20;
	_ =	sdelay $0x1  }
0x66: {  	v16 =	vadd.bf16 v17, v16;
	v17 =	vmul.bf16 v22, v23;
	_ =	sdelay $0x1  }
0x67: {  	v16 =	vadd.bf16 v17, v16;
	_ =	sdelay $0x1  }
0x68: {  	v17 =	vunpack.i.u.bf16.f32 v16;
	v16 =	vunpack.i.l.bf16.f32 v16  }
0x69: {  	v16 =	vadd.f32 v16, v17  }
0x6a: {  	s24 =	simm.s32 $0x9E38  }
0x6b: {  	[tilespmem:s24+$0xFFFFFFE8] =	vst v16  }
0x6c: {  	v16 =	vld [tilespmem:s25+$0x6270]  }
0x6d: {  	v17 =	vld [tilespmem:s25+$0x4E60]  }
0x6e: {  	v18 =	vld [tilespmem:s25+$0x4E70]  }
0x6f: {  	v19 =	vld [tilespmem:s25+$0x6260];
	_ =	sdelay $0x1  }
0x70: {  	v20 =	vld [tilespmem:s25+$0x4E80]  }
0x71: {  	v63 =	vld [tilespmem:s25+$0x6280]  }
0x72: {  	v18 =	vmul.bf16 v16, v18;
	v16 =	vld [tilespmem:s25+$0x4E90]  }
0x73: {  	v19 =	vmul.bf16 v19, v17;
	v17 =	vld [tilespmem:s25+$0x6290];
	_ =	sdelay $0x2  }
0x74: {  	s26 =	simm.s32 $0x200;
	s25 =	simm.s32 $0x9E38;
	v18 =	vadd.bf16 v18, v19;
	v19 =	vmul.bf16 v63, v20  }
.LBB2_6:
0x75: {  	p0 =	sne.s32 s26, $0xE00  }
0x76: {  	s24 =	sadd.s32 $0x30, s24;
	s28 =	smov.u32 s26;
	s26 =	sadd.s32 $0x200, s26;
	v18 =	vadd.bf16 v19, v18;
	v16 =	vmul.bf16 v17, v16  }
0x77: {  	_ = 	snop  }
0x78: {  	v16 =	vadd.bf16 v16, v18;
	_ =	sdelay $0x1  }
0x79: {  	v17 =	vunpack.i.u.bf16.f32 v16;
	v16 =	vunpack.i.l.bf16.f32 v16  }
0x7a: {  	v16 =	vadd.f32 v16, v17  }
0x7b: {  	s28 =	sshra.s32 s28, $0x2  }
0x7c: {  	[tilespmem:s25+$0x0] =	vst v16;
	s25 =	smov.u32 s24  }
0x7d: {  	v16 =	vld [tilespmem:s28+$0x6230]  }
0x7e: {  	v17 =	vld [tilespmem:s28+$0x6220]  }
0x7f: {  	v18 =	vld [tilespmem:s28+$0x4E20]  }
0x80: {  	v19 =	vld [tilespmem:s28+$0x4E30]  }
0x81: {  	v20 =	vld [tilespmem:s28+$0x4E40]  }
0x82: {  	v21 =	vld [tilespmem:s28+$0x6240]  }
0x83: {  	v22 =	vld [tilespmem:s28+$0x6250]  }
0x84: {  	v23 =	vld [tilespmem:s28+$0x4E50]  }
0x85: {  	v17 =	vmul.bf16 v17, v18;
	v16 =	vmul.bf16 v16, v19;
	_ =	sdelay $0x1  }
0x86: {  	v16 =	vadd.bf16 v16, v17;
	v17 =	vmul.bf16 v21, v20;
	_ =	sdelay $0x1  }
0x87: {  	v16 =	vadd.bf16 v17, v16;
	v17 =	vmul.bf16 v22, v23;
	_ =	sdelay $0x1  }
0x88: {  	v16 =	vadd.bf16 v17, v16;
	_ =	sdelay $0x1  }
0x89: {  	v17 =	vunpack.i.u.bf16.f32 v16;
	v16 =	vunpack.i.l.bf16.f32 v16  }
0x8a: {  	v16 =	vadd.f32 v16, v17;
	_ =	sdelay $0x1  }
0x8b: {  	[tilespmem:s24+$0xFFFFFFE8] =	vst v16  }
0x8c: {  	v17 =	vld [tilespmem:s28+$0x6270]  }
0x8d: {  	v18 =	vld [tilespmem:s28+$0x4E60]  }
0x8e: {  	v19 =	vld [tilespmem:s28+$0x4E70]  }
0x8f: {  	v20 =	vld [tilespmem:s28+$0x6260]  }
0x90: {  	v21 =	vld [tilespmem:s28+$0x4E80]  }
0x91: {  	v22 =	vld [tilespmem:s28+$0x6280]  }
.Ltmp6:
0x92: {  	v16 =	vld [tilespmem:s28+$0x4E90];
	(pc) =	sbr.rel @p0 .LBB2_6-.Ltmp6, $3  }
0x93: {  	v19 =	vmul.bf16 v17, v19;
	v17 =	vld [tilespmem:s28+$0x6290]  }
0x94: {  	v18 =	vmul.bf16 v20, v18;
	_ =	sdelay $0x1  }
0x95: {  	v18 =	vadd.bf16 v19, v18;
	v19 =	vmul.bf16 v22, v21  }
0x96: {  	_ = 	snop  }
0x97: {  	v18 =	vadd.bf16 v19, v18;
	v16 =	vmul.bf16 v17, v16;
	_ =	sdelay $0x1  }
0x98: {  	v16 =	vadd.bf16 v16, v18;
	_ =	sdelay $0x1  }
0x99: {  	v17 =	vunpack.i.u.bf16.f32 v16;
	v16 =	vunpack.i.l.bf16.f32 v16  }
0x9a: {  	v16 =	vadd.f32 v16, v17;
	_ =	sdelay $0x1  }
0x9b: {  	[tilespmem:s25+$0x0] =	vst v16;
	s25 =	simm.s32 $0x9E20  }
0x9c: {  	v16 =	vld.idx.msk [tilespmem:v0+s25+$0x0], $0xffff;
	_ =	sdelay $0x1  }
0x9d: {  	v17 =	vld.idx.msk [tilespmem:v1+s25+$0x0], $0xffff;
	_ =	sdelay $0x1  }
0x9e: {  	v18 =	vld.idx.msk [tilespmem:v2+s25+$0x0], $0xffff  }
0x9f: {  	v16 =	vadd.f32 $0.0e+00, v16  }
0xa0: {  	v19 =	vld.idx.msk [tilespmem:v3+s25+$0x0], $0xffff  }
0xa1: {  	v16 =	vadd.f32 v17, v16  }
0xa2: {  	v17 =	vld.idx.msk [tilespmem:v4+s25+$0x0], $0xffff  }
0xa3: {  	v16 =	vadd.f32 v18, v16  }
0xa4: {  	v18 =	vld.idx.msk [tilespmem:v5+s25+$0x0], $0xffff  }
0xa5: {  	v16 =	vadd.f32 v19, v16  }
0xa6: {  	v19 =	vld.idx.msk [tilespmem:v6+s25+$0x0], $0xffff  }
0xa7: {  	v16 =	vadd.f32 v17, v16  }
0xa8: {  	v17 =	vld.idx.msk [tilespmem:v7+s25+$0x0], $0xffff  }
0xa9: {  	v16 =	vadd.f32 v18, v16  }
0xaa: {  	v18 =	vld.idx.msk [tilespmem:v8+s25+$0x0], $0xffff  }
0xab: {  	v16 =	vadd.f32 v19, v16  }
0xac: {  	v19 =	vld.idx.msk [tilespmem:v9+s25+$0x0], $0xffff  }
0xad: {  	v16 =	vadd.f32 v17, v16  }
0xae: {  	v17 =	vld.idx.msk [tilespmem:v10+s25+$0x0], $0xffff  }
0xaf: {  	v16 =	vadd.f32 v18, v16  }
0xb0: {  	v18 =	vld.idx.msk [tilespmem:v11+s25+$0x0], $0xffff  }
0xb1: {  	v16 =	vadd.f32 v19, v16  }
0xb2: {  	v19 =	vld.idx.msk [tilespmem:v12+s25+$0x0], $0xffff  }
0xb3: {  	v16 =	vadd.f32 v17, v16  }
0xb4: {  	v17 =	vld.idx.msk [tilespmem:v13+s25+$0x0], $0xffff  }
0xb5: {  	v16 =	vadd.f32 v18, v16  }
0xb6: {  	v18 =	vld.idx.msk [tilespmem:v14+s25+$0x0], $0xffff  }
0xb7: {  	v16 =	vadd.f32 v19, v16  }
0xb8: {  	v19 =	vld.idx.msk [tilespmem:v15+s25+$0x0], $0xffff  }
0xb9: {  	v16 =	vadd.f32 v17, v16;
	_ =	sdelay $0x1  }
0xba: {  	v16 =	vadd.f32 v18, v16  }
0xbb: {  	s23 =	smul.u32 $0x140, s23  }
0xbc: {  	v16 =	vadd.f32 v19, v16  }
0xbd: {  	s24 =	sshra.s32 s23, $0x2  }
0xbe: {  	s26 =	simm.s32 $0x0;
	[tilespmem:s24+$0x9FA0] =	vst v16  }
0xbf: {  	v16 =	vld [tilespmem:s26+$0x6630]  }
0xc0: {  	v17 =	vld [tilespmem:s26+$0x6620]  }
0xc1: {  	v18 =	vld [tilespmem:s26+$0x5220]  }
0xc2: {  	v19 =	vld [tilespmem:s26+$0x5230]  }
0xc3: {  	v20 =	vld [tilespmem:s26+$0x5240]  }
0xc4: {  	v21 =	vld [tilespmem:s26+$0x6640]  }
0xc5: {  	v22 =	vld [tilespmem:s26+$0x6650]  }
0xc6: {  	v23 =	vld [tilespmem:s26+$0x5250]  }
0xc7: {  	v17 =	vmul.bf16 v17, v18;
	v16 =	vmul.bf16 v16, v19;
	_ =	sdelay $0x1  }
0xc8: {  	v16 =	vadd.bf16 v16, v17;
	v17 =	vmul.bf16 v21, v20;
	_ =	sdelay $0x1  }
0xc9: {  	v16 =	vadd.bf16 v17, v16;
	v17 =	vmul.bf16 v22, v23;
	_ =	sdelay $0x1  }
0xca: {  	v16 =	vadd.bf16 v17, v16;
	_ =	sdelay $0x1  }
0xcb: {  	v17 =	vunpack.i.u.bf16.f32 v16;
	v16 =	vunpack.i.l.bf16.f32 v16  }
0xcc: {  	v16 =	vadd.f32 v16, v17;
	_ =	sdelay $0x1  }
0xcd: {  	[tilespmem:s25+$0x0] =	vst v16  }
0xce: {  	v16 =	vld [tilespmem:s26+$0x6670]  }
0xcf: {  	v17 =	vld [tilespmem:s26+$0x5260]  }
0xd0: {  	v18 =	vld [tilespmem:s26+$0x5270]  }
0xd1: {  	v19 =	vld [tilespmem:s26+$0x6660];
	_ =	sdelay $0x1  }
0xd2: {  	v20 =	vld [tilespmem:s26+$0x5280]  }
0xd3: {  	v63 =	vld [tilespmem:s26+$0x6680]  }
0xd4: {  	v18 =	vmul.bf16 v16, v18;
	v16 =	vld [tilespmem:s26+$0x5290]  }
0xd5: {  	v19 =	vmul.bf16 v19, v17;
	v17 =	vld [tilespmem:s26+$0x6690];
	_ =	sdelay $0x2  }
0xd6: {  	s28 =	simm.s32 $0x200;
	s26 =	simm.s32 $0x9E20;
	v18 =	vadd.bf16 v18, v19;
	v19 =	vmul.bf16 v63, v20  }
.LBB2_8:
0xd7: {  	p0 =	sne.s32 s28, $0xE00  }
0xd8: {  	s25 =	sadd.s32 $0x30, s25;
	s29 =	smov.u32 s28;
	s28 =	sadd.s32 $0x200, s28;
	v18 =	vadd.bf16 v19, v18;
	v16 =	vmul.bf16 v17, v16  }
0xd9: {  	_ = 	snop  }
0xda: {  	v16 =	vadd.bf16 v16, v18;
	_ =	sdelay $0x1  }
0xdb: {  	v17 =	vunpack.i.u.bf16.f32 v16;
	v16 =	vunpack.i.l.bf16.f32 v16  }
0xdc: {  	v16 =	vadd.f32 v16, v17  }
0xdd: {  	s29 =	sshra.s32 s29, $0x2  }
0xde: {  	[tilespmem:s26+$0x18] =	vst v16;
	s26 =	smov.u32 s25  }
0xdf: {  	v16 =	vld [tilespmem:s29+$0x6630]  }
0xe0: {  	v17 =	vld [tilespmem:s29+$0x6620]  }
0xe1: {  	v18 =	vld [tilespmem:s29+$0x5220]  }
0xe2: {  	v19 =	vld [tilespmem:s29+$0x5230]  }
0xe3: {  	v20 =	vld [tilespmem:s29+$0x5240]  }
0xe4: {  	v21 =	vld [tilespmem:s29+$0x6640]  }
0xe5: {  	v22 =	vld [tilespmem:s29+$0x6650]  }
0xe6: {  	v23 =	vld [tilespmem:s29+$0x5250]  }
0xe7: {  	v17 =	vmul.bf16 v17, v18;
	v16 =	vmul.bf16 v16, v19;
	_ =	sdelay $0x1  }
0xe8: {  	v16 =	vadd.bf16 v16, v17;
	v17 =	vmul.bf16 v21, v20;
	_ =	sdelay $0x1  }
0xe9: {  	v16 =	vadd.bf16 v17, v16;
	v17 =	vmul.bf16 v22, v23;
	_ =	sdelay $0x1  }
0xea: {  	v16 =	vadd.bf16 v17, v16;
	_ =	sdelay $0x1  }
0xeb: {  	v17 =	vunpack.i.u.bf16.f32 v16;
	v16 =	vunpack.i.l.bf16.f32 v16  }
0xec: {  	v16 =	vadd.f32 v16, v17;
	_ =	sdelay $0x1  }
0xed: {  	[tilespmem:s25+$0x0] =	vst v16  }
0xee: {  	v17 =	vld [tilespmem:s29+$0x6670]  }
0xef: {  	v18 =	vld [tilespmem:s29+$0x5260]  }
0xf0: {  	v19 =	vld [tilespmem:s29+$0x5270]  }
0xf1: {  	v20 =	vld [tilespmem:s29+$0x6660]  }
0xf2: {  	v21 =	vld [tilespmem:s29+$0x5280]  }
0xf3: {  	v22 =	vld [tilespmem:s29+$0x6680]  }
.Ltmp7:
0xf4: {  	v16 =	vld [tilespmem:s29+$0x5290];
	(pc) =	sbr.rel @p0 .LBB2_8-.Ltmp7, $3  }
0xf5: {  	v19 =	vmul.bf16 v17, v19;
	v17 =	vld [tilespmem:s29+$0x6690]  }
0xf6: {  	v18 =	vmul.bf16 v20, v18;
	_ =	sdelay $0x1  }
0xf7: {  	v18 =	vadd.bf16 v19, v18;
	v19 =	vmul.bf16 v22, v21  }
0xf8: {  	_ = 	snop  }
0xf9: {  	v18 =	vadd.bf16 v19, v18;
	v16 =	vmul.bf16 v17, v16;
	_ =	sdelay $0x1  }
0xfa: {  	v16 =	vadd.bf16 v16, v18;
	_ =	sdelay $0x1  }
0xfb: {  	v17 =	vunpack.i.u.bf16.f32 v16;
	v16 =	vunpack.i.l.bf16.f32 v16  }
0xfc: {  	v16 =	vadd.f32 v16, v17;
	_ =	sdelay $0x1  }
0xfd: {  	s25 =	simm.s32 $0x9E20;
	[tilespmem:s26+$0x18] =	vst v16  }
0xfe: {  	v16 =	vld.idx.msk [tilespmem:v0+s25+$0x0], $0xffff;
	_ =	sdelay $0x1  }
0xff: {  	v17 =	vld.idx.msk [tilespmem:v1+s25+$0x0], $0xffff;
	_ =	sdelay $0x1  }
0x100: {  	v18 =	vld.idx.msk [tilespmem:v2+s25+$0x0], $0xffff  }
0x101: {  	v16 =	vadd.f32 $0.0e+00, v16  }
0x102: {  	v19 =	vld.idx.msk [tilespmem:v3+s25+$0x0], $0xffff  }
0x103: {  	v16 =	vadd.f32 v17, v16  }
0x104: {  	v17 =	vld.idx.msk [tilespmem:v4+s25+$0x0], $0xffff  }
0x105: {  	v16 =	vadd.f32 v18, v16  }
0x106: {  	v18 =	vld.idx.msk [tilespmem:v5+s25+$0x0], $0xffff  }
0x107: {  	v16 =	vadd.f32 v19, v16  }
0x108: {  	v19 =	vld.idx.msk [tilespmem:v6+s25+$0x0], $0xffff  }
0x109: {  	v16 =	vadd.f32 v17, v16  }
0x10a: {  	v17 =	vld.idx.msk [tilespmem:v7+s25+$0x0], $0xffff  }
0x10b: {  	v16 =	vadd.f32 v18, v16  }
0x10c: {  	v18 =	vld.idx.msk [tilespmem:v8+s25+$0x0], $0xffff  }
0x10d: {  	v16 =	vadd.f32 v19, v16  }
0x10e: {  	v19 =	vld.idx.msk [tilespmem:v9+s25+$0x0], $0xffff  }
0x10f: {  	v16 =	vadd.f32 v17, v16  }
0x110: {  	v17 =	vld.idx.msk [tilespmem:v10+s25+$0x0], $0xffff  }
0x111: {  	v16 =	vadd.f32 v18, v16  }
0x112: {  	v18 =	vld.idx.msk [tilespmem:v11+s25+$0x0], $0xffff  }
0x113: {  	v16 =	vadd.f32 v19, v16  }
0x114: {  	v19 =	vld.idx.msk [tilespmem:v12+s25+$0x0], $0xffff  }
0x115: {  	v16 =	vadd.f32 v17, v16  }
0x116: {  	v17 =	vld.idx.msk [tilespmem:v13+s25+$0x0], $0xffff  }
0x117: {  	v16 =	vadd.f32 v18, v16  }
0x118: {  	v18 =	vld.idx.msk [tilespmem:v14+s25+$0x0], $0xffff  }
0x119: {  	v16 =	vadd.f32 v19, v16  }
0x11a: {  	v19 =	vld.idx.msk [tilespmem:v15+s25+$0x0], $0xffff  }
0x11b: {  	v16 =	vadd.f32 v17, v16;
	_ =	sdelay $0x1  }
0x11c: {  	v16 =	vadd.f32 v18, v16;
	_ =	sdelay $0x1  }
0x11d: {  	v16 =	vadd.f32 v19, v16;
	_ =	sdelay $0x1  }
0x11e: {  	s31 =	simm.s32 $0x0;
	[tilespmem:s24+$0x9FB0] =	vst v16  }
0x11f: {  	v16 =	vld [tilespmem:s31+$0x6A30]  }
0x120: {  	v17 =	vld [tilespmem:s31+$0x6A20]  }
0x121: {  	v18 =	vld [tilespmem:s31+$0x5620]  }
0x122: {  	v19 =	vld [tilespmem:s31+$0x5630]  }
0x123: {  	v20 =	vld [tilespmem:s31+$0x5640]  }
0x124: {  	v21 =	vld [tilespmem:s31+$0x6A40]  }
0x125: {  	v22 =	vld [tilespmem:s31+$0x6A50]  }
0x126: {  	v23 =	vld [tilespmem:s31+$0x5650]  }
0x127: {  	v17 =	vmul.bf16 v17, v18;
	v16 =	vmul.bf16 v16, v19;
	_ =	sdelay $0x1  }
0x128: {  	v16 =	vadd.bf16 v16, v17;
	v17 =	vmul.bf16 v21, v20;
	_ =	sdelay $0x1  }
0x129: {  	v16 =	vadd.bf16 v17, v16;
	v17 =	vmul.bf16 v22, v23;
	_ =	sdelay $0x1  }
0x12a: {  	v16 =	vadd.bf16 v17, v16;
	_ =	sdelay $0x1  }
0x12b: {  	v17 =	vunpack.i.u.bf16.f32 v16;
	v16 =	vunpack.i.l.bf16.f32 v16  }
0x12c: {  	v16 =	vadd.f32 v16, v17;
	_ =	sdelay $0x1  }
0x12d: {  	[tilespmem:s25+$0x0] =	vst v16  }
0x12e: {  	v16 =	vld [tilespmem:s31+$0x6A70]  }
0x12f: {  	v17 =	vld [tilespmem:s31+$0x5660]  }
0x130: {  	v18 =	vld [tilespmem:s31+$0x5670]  }
0x131: {  	v19 =	vld [tilespmem:s31+$0x6A60];
	_ =	sdelay $0x1  }
0x132: {  	v20 =	vld [tilespmem:s31+$0x5680]  }
0x133: {  	v63 =	vld [tilespmem:s31+$0x6A80]  }
0x134: {  	v18 =	vmul.bf16 v16, v18;
	v16 =	vld [tilespmem:s31+$0x5690]  }
0x135: {  	v19 =	vmul.bf16 v19, v17;
	v17 =	vld [tilespmem:s31+$0x6A90];
	_ =	sdelay $0x2  }
0x136: {  	s28 =	simm.s32 $0x200;
	s26 =	simm.s32 $0x9E20;
	v18 =	vadd.bf16 v18, v19;
	v19 =	vmul.bf16 v63, v20  }
.LBB2_10:
0x137: {  	p0 =	sne.s32 s28, $0xE00  }
0x138: {  	s25 =	sadd.s32 $0x30, s25;
	s29 =	smov.u32 s28;
	s28 =	sadd.s32 $0x200, s28;
	v18 =	vadd.bf16 v19, v18;
	v16 =	vmul.bf16 v17, v16  }
0x139: {  	_ = 	snop  }
0x13a: {  	v16 =	vadd.bf16 v16, v18;
	_ =	sdelay $0x1  }
0x13b: {  	v17 =	vunpack.i.u.bf16.f32 v16;
	v16 =	vunpack.i.l.bf16.f32 v16  }
0x13c: {  	v16 =	vadd.f32 v16, v17  }
0x13d: {  	s29 =	sshra.s32 s29, $0x2  }
0x13e: {  	[tilespmem:s26+$0x18] =	vst v16;
	s26 =	smov.u32 s25  }
0x13f: {  	v16 =	vld [tilespmem:s29+$0x6A30]  }
0x140: {  	v17 =	vld [tilespmem:s29+$0x6A20]  }
0x141: {  	v18 =	vld [tilespmem:s29+$0x5620]  }
0x142: {  	v19 =	vld [tilespmem:s29+$0x5630]  }
0x143: {  	v20 =	vld [tilespmem:s29+$0x5640]  }
0x144: {  	v21 =	vld [tilespmem:s29+$0x6A40]  }
0x145: {  	v22 =	vld [tilespmem:s29+$0x6A50]  }
0x146: {  	v23 =	vld [tilespmem:s29+$0x5650]  }
0x147: {  	v17 =	vmul.bf16 v17, v18;
	v16 =	vmul.bf16 v16, v19;
	_ =	sdelay $0x1  }
0x148: {  	v16 =	vadd.bf16 v16, v17;
	v17 =	vmul.bf16 v21, v20;
	_ =	sdelay $0x1  }
0x149: {  	v16 =	vadd.bf16 v17, v16;
	v17 =	vmul.bf16 v22, v23;
	_ =	sdelay $0x1  }
0x14a: {  	v16 =	vadd.bf16 v17, v16;
	_ =	sdelay $0x1  }
0x14b: {  	v17 =	vunpack.i.u.bf16.f32 v16;
	v16 =	vunpack.i.l.bf16.f32 v16  }
0x14c: {  	v16 =	vadd.f32 v16, v17;
	_ =	sdelay $0x1  }
0x14d: {  	[tilespmem:s25+$0x0] =	vst v16  }
0x14e: {  	v17 =	vld [tilespmem:s29+$0x6A70]  }
0x14f: {  	v18 =	vld [tilespmem:s29+$0x5660]  }
0x150: {  	v19 =	vld [tilespmem:s29+$0x5670]  }
0x151: {  	v20 =	vld [tilespmem:s29+$0x6A60]  }
0x152: {  	v21 =	vld [tilespmem:s29+$0x5680]  }
0x153: {  	v22 =	vld [tilespmem:s29+$0x6A80]  }
.Ltmp8:
0x154: {  	v16 =	vld [tilespmem:s29+$0x5690];
	(pc) =	sbr.rel @p0 .LBB2_10-.Ltmp8, $3  }
0x155: {  	v19 =	vmul.bf16 v17, v19;
	v17 =	vld [tilespmem:s29+$0x6A90]  }
0x156: {  	v18 =	vmul.bf16 v20, v18;
	_ =	sdelay $0x1  }
0x157: {  	v18 =	vadd.bf16 v19, v18;
	v19 =	vmul.bf16 v22, v21  }
0x158: {  	_ = 	snop  }
0x159: {  	v18 =	vadd.bf16 v19, v18;
	v16 =	vmul.bf16 v17, v16;
	_ =	sdelay $0x1  }
0x15a: {  	v16 =	vadd.bf16 v16, v18;
	_ =	sdelay $0x1  }
0x15b: {  	v17 =	vunpack.i.u.bf16.f32 v16;
	v16 =	vunpack.i.l.bf16.f32 v16  }
0x15c: {  	v16 =	vadd.f32 v16, v17;
	_ =	sdelay $0x1  }
0x15d: {  	s25 =	simm.s32 $0x9E20;
	[tilespmem:s26+$0x18] =	vst v16  }
0x15e: {  	v16 =	vld.idx.msk [tilespmem:v0+s25+$0x0], $0xffff;
	_ =	sdelay $0x1  }
0x15f: {  	v17 =	vld.idx.msk [tilespmem:v1+s25+$0x0], $0xffff;
	_ =	sdelay $0x1  }
0x160: {  	v18 =	vld.idx.msk [tilespmem:v2+s25+$0x0], $0xffff  }
0x161: {  	v16 =	vadd.f32 $0.0e+00, v16  }
0x162: {  	v19 =	vld.idx.msk [tilespmem:v3+s25+$0x0], $0xffff  }
0x163: {  	v16 =	vadd.f32 v17, v16  }
0x164: {  	v17 =	vld.idx.msk [tilespmem:v4+s25+$0x0], $0xffff  }
0x165: {  	v16 =	vadd.f32 v18, v16  }
0x166: {  	v18 =	vld.idx.msk [tilespmem:v5+s25+$0x0], $0xffff  }
0x167: {  	v16 =	vadd.f32 v19, v16  }
0x168: {  	v19 =	vld.idx.msk [tilespmem:v6+s25+$0x0], $0xffff  }
0x169: {  	v16 =	vadd.f32 v17, v16  }
0x16a: {  	v17 =	vld.idx.msk [tilespmem:v7+s25+$0x0], $0xffff  }
0x16b: {  	v16 =	vadd.f32 v18, v16  }
0x16c: {  	v18 =	vld.idx.msk [tilespmem:v8+s25+$0x0], $0xffff  }
0x16d: {  	v16 =	vadd.f32 v19, v16  }
0x16e: {  	v19 =	vld.idx.msk [tilespmem:v9+s25+$0x0], $0xffff  }
0x16f: {  	v16 =	vadd.f32 v17, v16  }
0x170: {  	v17 =	vld.idx.msk [tilespmem:v10+s25+$0x0], $0xffff  }
0x171: {  	v16 =	vadd.f32 v18, v16  }
0x172: {  	v18 =	vld.idx.msk [tilespmem:v11+s25+$0x0], $0xffff  }
0x173: {  	v16 =	vadd.f32 v19, v16  }
0x174: {  	v19 =	vld.idx.msk [tilespmem:v12+s25+$0x0], $0xffff  }
0x175: {  	v16 =	vadd.f32 v17, v16  }
0x176: {  	v17 =	vld.idx.msk [tilespmem:v13+s25+$0x0], $0xffff  }
0x177: {  	v16 =	vadd.f32 v18, v16  }
0x178: {  	v18 =	vld.idx.msk [tilespmem:v14+s25+$0x0], $0xffff  }
0x179: {  	v16 =	vadd.f32 v19, v16  }
0x17a: {  	v19 =	vld.idx.msk [tilespmem:v15+s25+$0x0], $0xffff  }
0x17b: {  	v16 =	vadd.f32 v17, v16;
	_ =	sdelay $0x1  }
0x17c: {  	v16 =	vadd.f32 v18, v16;
	_ =	sdelay $0x1  }
0x17d: {  	v16 =	vadd.f32 v19, v16;
	_ =	sdelay $0x1  }
0x17e: {  	s31 =	simm.s32 $0x0;
	[tilespmem:s24+$0x9FC0] =	vst v16  }
0x17f: {  	v16 =	vld [tilespmem:s31+$0x6E30]  }
0x180: {  	v17 =	vld [tilespmem:s31+$0x6E20]  }
0x181: {  	v18 =	vld [tilespmem:s31+$0x5A20]  }
0x182: {  	v19 =	vld [tilespmem:s31+$0x5A30]  }
0x183: {  	v20 =	vld [tilespmem:s31+$0x5A40]  }
0x184: {  	v21 =	vld [tilespmem:s31+$0x6E40]  }
0x185: {  	v22 =	vld [tilespmem:s31+$0x6E50]  }
0x186: {  	v23 =	vld [tilespmem:s31+$0x5A50]  }
0x187: {  	v17 =	vmul.bf16 v17, v18;
	v16 =	vmul.bf16 v16, v19;
	_ =	sdelay $0x1  }
0x188: {  	v16 =	vadd.bf16 v16, v17;
	v17 =	vmul.bf16 v21, v20;
	_ =	sdelay $0x1  }
0x189: {  	v16 =	vadd.bf16 v17, v16;
	v17 =	vmul.bf16 v22, v23;
	_ =	sdelay $0x1  }
0x18a: {  	v16 =	vadd.bf16 v17, v16;
	_ =	sdelay $0x1  }
0x18b: {  	v17 =	vunpack.i.u.bf16.f32 v16;
	v16 =	vunpack.i.l.bf16.f32 v16  }
0x18c: {  	v16 =	vadd.f32 v16, v17;
	_ =	sdelay $0x1  }
0x18d: {  	[tilespmem:s25+$0x0] =	vst v16  }
0x18e: {  	v16 =	vld [tilespmem:s31+$0x6E70]  }
0x18f: {  	v17 =	vld [tilespmem:s31+$0x5A60]  }
0x190: {  	v18 =	vld [tilespmem:s31+$0x5A70]  }
0x191: {  	v19 =	vld [tilespmem:s31+$0x6E60];
	_ =	sdelay $0x1  }
0x192: {  	v20 =	vld [tilespmem:s31+$0x5A80]  }
0x193: {  	v63 =	vld [tilespmem:s31+$0x6E80]  }
0x194: {  	v18 =	vmul.bf16 v16, v18;
	v16 =	vld [tilespmem:s31+$0x5A90]  }
0x195: {  	v19 =	vmul.bf16 v19, v17;
	v17 =	vld [tilespmem:s31+$0x6E90];
	_ =	sdelay $0x2  }
0x196: {  	s28 =	simm.s32 $0x200;
	s26 =	simm.s32 $0x9E20;
	v18 =	vadd.bf16 v18, v19;
	v19 =	vmul.bf16 v63, v20  }
.LBB2_12:
0x197: {  	p0 =	sne.s32 s28, $0xE00  }
0x198: {  	s25 =	sadd.s32 $0x30, s25;
	s29 =	smov.u32 s28;
	s28 =	sadd.s32 $0x200, s28;
	v18 =	vadd.bf16 v19, v18;
	v16 =	vmul.bf16 v17, v16  }
0x199: {  	_ = 	snop  }
0x19a: {  	v16 =	vadd.bf16 v16, v18;
	_ =	sdelay $0x1  }
0x19b: {  	v17 =	vunpack.i.u.bf16.f32 v16;
	v16 =	vunpack.i.l.bf16.f32 v16  }
0x19c: {  	v16 =	vadd.f32 v16, v17  }
0x19d: {  	s29 =	sshra.s32 s29, $0x2  }
0x19e: {  	[tilespmem:s26+$0x18] =	vst v16;
	s26 =	smov.u32 s25  }
0x19f: {  	v16 =	vld [tilespmem:s29+$0x6E30]  }
0x1a0: {  	v17 =	vld [tilespmem:s29+$0x6E20]  }
0x1a1: {  	v18 =	vld [tilespmem:s29+$0x5A20]  }
0x1a2: {  	v19 =	vld [tilespmem:s29+$0x5A30]  }
0x1a3: {  	v20 =	vld [tilespmem:s29+$0x5A40]  }
0x1a4: {  	v21 =	vld [tilespmem:s29+$0x6E40]  }
0x1a5: {  	v22 =	vld [tilespmem:s29+$0x6E50]  }
0x1a6: {  	v23 =	vld [tilespmem:s29+$0x5A50]  }
0x1a7: {  	v17 =	vmul.bf16 v17, v18;
	v16 =	vmul.bf16 v16, v19;
	_ =	sdelay $0x1  }
0x1a8: {  	v16 =	vadd.bf16 v16, v17;
	v17 =	vmul.bf16 v21, v20;
	_ =	sdelay $0x1  }
0x1a9: {  	v16 =	vadd.bf16 v17, v16;
	v17 =	vmul.bf16 v22, v23;
	_ =	sdelay $0x1  }
0x1aa: {  	v16 =	vadd.bf16 v17, v16;
	_ =	sdelay $0x1  }
0x1ab: {  	v17 =	vunpack.i.u.bf16.f32 v16;
	v16 =	vunpack.i.l.bf16.f32 v16  }
0x1ac: {  	v16 =	vadd.f32 v16, v17;
	_ =	sdelay $0x1  }
0x1ad: {  	[tilespmem:s25+$0x0] =	vst v16  }
0x1ae: {  	v17 =	vld [tilespmem:s29+$0x6E70]  }
0x1af: {  	v18 =	vld [tilespmem:s29+$0x5A60]  }
0x1b0: {  	v19 =	vld [tilespmem:s29+$0x5A70]  }
0x1b1: {  	v20 =	vld [tilespmem:s29+$0x6E60]  }
0x1b2: {  	v21 =	vld [tilespmem:s29+$0x5A80]  }
0x1b3: {  	v22 =	vld [tilespmem:s29+$0x6E80]  }
.Ltmp9:
0x1b4: {  	v16 =	vld [tilespmem:s29+$0x5A90];
	(pc) =	sbr.rel @p0 .LBB2_12-.Ltmp9, $3  }
0x1b5: {  	v19 =	vmul.bf16 v17, v19;
	v17 =	vld [tilespmem:s29+$0x6E90]  }
0x1b6: {  	v18 =	vmul.bf16 v20, v18;
	_ =	sdelay $0x1  }
0x1b7: {  	v18 =	vadd.bf16 v19, v18;
	v19 =	vmul.bf16 v22, v21  }
0x1b8: {  	_ = 	snop  }
0x1b9: {  	v18 =	vadd.bf16 v19, v18;
	v16 =	vmul.bf16 v17, v16;
	_ =	sdelay $0x1  }
0x1ba: {  	v16 =	vadd.bf16 v16, v18;
	_ =	sdelay $0x1  }
0x1bb: {  	v17 =	vunpack.i.u.bf16.f32 v16;
	v16 =	vunpack.i.l.bf16.f32 v16  }
0x1bc: {  	v16 =	vadd.f32 v16, v17;
	_ =	sdelay $0x1  }
0x1bd: {  	s25 =	simm.s32 $0x9E20;
	[tilespmem:s26+$0x18] =	vst v16  }
0x1be: {  	v16 =	vld.idx.msk [tilespmem:v0+s25+$0x0], $0xffff;
	_ =	sdelay $0x1  }
0x1bf: {  	v17 =	vld.idx.msk [tilespmem:v1+s25+$0x0], $0xffff;
	_ =	sdelay $0x1  }
0x1c0: {  	v18 =	vld.idx.msk [tilespmem:v2+s25+$0x0], $0xffff  }
0x1c1: {  	v16 =	vadd.f32 $0.0e+00, v16  }
0x1c2: {  	v19 =	vld.idx.msk [tilespmem:v3+s25+$0x0], $0xffff  }
0x1c3: {  	v16 =	vadd.f32 v17, v16  }
0x1c4: {  	v17 =	vld.idx.msk [tilespmem:v4+s25+$0x0], $0xffff  }
0x1c5: {  	v16 =	vadd.f32 v18, v16  }
0x1c6: {  	v18 =	vld.idx.msk [tilespmem:v5+s25+$0x0], $0xffff  }
0x1c7: {  	v16 =	vadd.f32 v19, v16  }
0x1c8: {  	v19 =	vld.idx.msk [tilespmem:v6+s25+$0x0], $0xffff  }
0x1c9: {  	v16 =	vadd.f32 v17, v16  }
0x1ca: {  	v17 =	vld.idx.msk [tilespmem:v7+s25+$0x0], $0xffff  }
0x1cb: {  	v16 =	vadd.f32 v18, v16  }
0x1cc: {  	v18 =	vld.idx.msk [tilespmem:v8+s25+$0x0], $0xffff  }
0x1cd: {  	v16 =	vadd.f32 v19, v16  }
0x1ce: {  	v19 =	vld.idx.msk [tilespmem:v9+s25+$0x0], $0xffff  }
0x1cf: {  	v16 =	vadd.f32 v17, v16  }
0x1d0: {  	v17 =	vld.idx.msk [tilespmem:v10+s25+$0x0], $0xffff  }
0x1d1: {  	v16 =	vadd.f32 v18, v16  }
0x1d2: {  	v18 =	vld.idx.msk [tilespmem:v11+s25+$0x0], $0xffff  }
0x1d3: {  	v16 =	vadd.f32 v19, v16  }
0x1d4: {  	v19 =	vld.idx.msk [tilespmem:v12+s25+$0x0], $0xffff  }
0x1d5: {  	v16 =	vadd.f32 v17, v16  }
0x1d6: {  	v17 =	vld.idx.msk [tilespmem:v13+s25+$0x0], $0xffff  }
0x1d7: {  	v16 =	vadd.f32 v18, v16  }
0x1d8: {  	v18 =	vld.idx.msk [tilespmem:v14+s25+$0x0], $0xffff  }
0x1d9: {  	v16 =	vadd.f32 v19, v16  }
0x1da: {  	v19 =	vld.idx.msk [tilespmem:v15+s25+$0x0], $0xffff  }
0x1db: {  	v16 =	vadd.f32 v17, v16;
	_ =	sdelay $0x1  }
0x1dc: {  	v16 =	vadd.f32 v18, v16;
	_ =	sdelay $0x1  }
0x1dd: {  	v16 =	vadd.f32 v19, v16;
	_ =	sdelay $0x1  }
0x1de: {  	s31 =	simm.s32 $0x0;
	[tilespmem:s24+$0x9FD0] =	vst v16  }
0x1df: {  	v16 =	vld [tilespmem:s31+$0x7230]  }
0x1e0: {  	v17 =	vld [tilespmem:s31+$0x7220]  }
0x1e1: {  	v18 =	vld [tilespmem:s31+$0x5E20]  }
0x1e2: {  	v19 =	vld [tilespmem:s31+$0x5E30]  }
0x1e3: {  	v20 =	vld [tilespmem:s31+$0x5E40]  }
0x1e4: {  	v21 =	vld [tilespmem:s31+$0x7240]  }
0x1e5: {  	v22 =	vld [tilespmem:s31+$0x7250]  }
0x1e6: {  	v23 =	vld [tilespmem:s31+$0x5E50]  }
0x1e7: {  	v17 =	vmul.bf16 v17, v18;
	v16 =	vmul.bf16 v16, v19;
	_ =	sdelay $0x1  }
0x1e8: {  	v16 =	vadd.bf16 v16, v17;
	v17 =	vmul.bf16 v21, v20;
	_ =	sdelay $0x1  }
0x1e9: {  	v16 =	vadd.bf16 v17, v16;
	v17 =	vmul.bf16 v22, v23;
	_ =	sdelay $0x1  }
0x1ea: {  	v16 =	vadd.bf16 v17, v16;
	_ =	sdelay $0x1  }
0x1eb: {  	v17 =	vunpack.i.u.bf16.f32 v16;
	v16 =	vunpack.i.l.bf16.f32 v16  }
0x1ec: {  	v16 =	vadd.f32 v16, v17;
	_ =	sdelay $0x1  }
0x1ed: {  	[tilespmem:s25+$0x0] =	vst v16  }
0x1ee: {  	v16 =	vld [tilespmem:s31+$0x7270]  }
0x1ef: {  	v17 =	vld [tilespmem:s31+$0x5E60]  }
0x1f0: {  	v18 =	vld [tilespmem:s31+$0x5E70]  }
0x1f1: {  	v19 =	vld [tilespmem:s31+$0x7260];
	_ =	sdelay $0x1  }
0x1f2: {  	v20 =	vld [tilespmem:s31+$0x5E80]  }
0x1f3: {  	v63 =	vld [tilespmem:s31+$0x7280]  }
0x1f4: {  	v18 =	vmul.bf16 v16, v18;
	v16 =	vld [tilespmem:s31+$0x5E90]  }
0x1f5: {  	v19 =	vmul.bf16 v19, v17;
	v17 =	vld [tilespmem:s31+$0x7290];
	_ =	sdelay $0x2  }
0x1f6: {  	s26 =	simm.s32 $0x200;
	s24 =	simm.s32 $0x9E20;
	v18 =	vadd.bf16 v18, v19;
	v19 =	vmul.bf16 v63, v20  }
.LBB2_14:
0x1f7: {  	p0 =	seq.s32 s26, $0xE00  }
0x1f8: {  	s25 =	sadd.s32 $0x30, s25;
	s28 =	smov.u32 s26;
	s26 =	sadd.s32 $0x200, s26;
	v18 =	vadd.bf16 v19, v18;
	v16 =	vmul.bf16 v17, v16  }
0x1f9: {  	_ = 	snop  }
0x1fa: {  	v16 =	vadd.bf16 v16, v18;
	_ =	sdelay $0x1  }
0x1fb: {  	v17 =	vunpack.i.u.bf16.f32 v16;
	v16 =	vunpack.i.l.bf16.f32 v16  }
0x1fc: {  	v16 =	vadd.f32 v16, v17  }
0x1fd: {  	s28 =	sshra.s32 s28, $0x2  }
0x1fe: {  	[tilespmem:s24+$0x18] =	vst v16;
	s24 =	smov.u32 s25  }
0x1ff: {  	v16 =	vld [tilespmem:s28+$0x7230]  }
0x200: {  	v17 =	vld [tilespmem:s28+$0x7220]  }
0x201: {  	v18 =	vld [tilespmem:s28+$0x5E20]  }
0x202: {  	v19 =	vld [tilespmem:s28+$0x5E30]  }
0x203: {  	v20 =	vld [tilespmem:s28+$0x5E40]  }
0x204: {  	v21 =	vld [tilespmem:s28+$0x7240]  }
0x205: {  	v22 =	vld [tilespmem:s28+$0x7250]  }
0x206: {  	v23 =	vld [tilespmem:s28+$0x5E50]  }
0x207: {  	v17 =	vmul.bf16 v17, v18;
	v16 =	vmul.bf16 v16, v19;
	_ =	sdelay $0x1  }
0x208: {  	v16 =	vadd.bf16 v16, v17;
	v17 =	vmul.bf16 v21, v20;
	_ =	sdelay $0x1  }
0x209: {  	v16 =	vadd.bf16 v17, v16;
	v17 =	vmul.bf16 v22, v23;
	_ =	sdelay $0x1  }
0x20a: {  	v16 =	vadd.bf16 v17, v16;
	_ =	sdelay $0x1  }
0x20b: {  	v17 =	vunpack.i.u.bf16.f32 v16;
	v16 =	vunpack.i.l.bf16.f32 v16  }
0x20c: {  	v16 =	vadd.f32 v16, v17;
	_ =	sdelay $0x1  }
0x20d: {  	[tilespmem:s25+$0x0] =	vst v16  }
0x20e: {  	v17 =	vld [tilespmem:s28+$0x7270]  }
0x20f: {  	v18 =	vld [tilespmem:s28+$0x5E60]  }
0x210: {  	v19 =	vld [tilespmem:s28+$0x5E70]  }
0x211: {  	v20 =	vld [tilespmem:s28+$0x7260]  }
0x212: {  	v21 =	vld [tilespmem:s28+$0x5E80]  }
0x213: {  	v22 =	vld [tilespmem:s28+$0x7280]  }
.Ltmp10:
0x214: {  	v16 =	vld [tilespmem:s28+$0x5E90];
	(pc) =	sbr.rel @!p0 .LBB2_14-.Ltmp10, $3  }
0x215: {  	v19 =	vmul.bf16 v17, v19;
	v17 =	vld [tilespmem:s28+$0x7290]  }
0x216: {  	v18 =	vmul.bf16 v20, v18;
	_ =	sdelay $0x1  }
0x217: {  	v18 =	vadd.bf16 v19, v18;
	v19 =	vmul.bf16 v22, v21  }
0x218: {  	_ = 	snop  }
0x219: {  	v18 =	vadd.bf16 v19, v18;
	v16 =	vmul.bf16 v17, v16;
	_ =	sdelay $0x1  }
0x21a: {  	v16 =	vadd.bf16 v16, v18  }
.Ltmp11:
0x21b: {  	_ = 	snop;
	(pc) =	sbr.rel .LBB2_27-.Ltmp11, $3  }
0x21c: {  	v17 =	vunpack.i.u.bf16.f32 v16;
	v16 =	vunpack.i.l.bf16.f32 v16  }
0x21d: {  	v16 =	vadd.f32 v16, v17;
	_ =	sdelay $0x1  }
0x21e: {  	[tilespmem:s24+$0x18] =	vst v16  }
.LBB2_16:
0x21f: {  	[tilespmem:s11], [sflag:$0x1] =	stream.indirect.gather [hbm4b:s3+s10], $0x40, s24, s10, $0xb8;
	[tilespmem:$0xC6B0] =	vst v63  }
0x220: {  	_ = 	snop  }
0x221: {  	[tilespmem:s12], [sflag:$0x2] =	stream.indirect.gather [hbm4b:s3+s10], $0x40, s25, s10, $0xb8;
	[tilespmem:$0xC6B0] =	vst v63  }
0x222: {  	_ =	swait.ge [sflag:s19], $0x1400  }
0x223: {  	[sflag:s19] =	ssyncset.done $0x0  }
0x224: {  	[sflag:s19] =	ssyncadd.s32 $0xFFFFEC00  }
0x225: {  	_ =	swait.ge [sflag:s20], $0x1400  }
0x226: {  	[sflag:s20] =	ssyncset.done $0x0  }
0x227: {  	s31 =	simm.s32 $0x0;
	[sflag:s20] =	ssyncadd.s32 $0xFFFFEC00  }
0x228: {  	v16 =	vld [tilespmem:s31+$0x8A30]  }
0x229: {  	v17 =	vld [tilespmem:s31+$0x8A20]  }
0x22a: {  	v18 =	vld [tilespmem:s31+$0x7620]  }
0x22b: {  	v19 =	vld [tilespmem:s31+$0x7630]  }
0x22c: {  	v20 =	vld [tilespmem:s31+$0x7640]  }
0x22d: {  	v21 =	vld [tilespmem:s31+$0x8A40]  }
0x22e: {  	v22 =	vld [tilespmem:s31+$0x8A50]  }
0x22f: {  	v23 =	vld [tilespmem:s31+$0x7650]  }
0x230: {  	v17 =	vmul.bf16 v17, v18;
	v16 =	vmul.bf16 v16, v19;
	_ =	sdelay $0x1  }
0x231: {  	v16 =	vadd.bf16 v16, v17;
	v17 =	vmul.bf16 v21, v20;
	_ =	sdelay $0x1  }
0x232: {  	v16 =	vadd.bf16 v17, v16;
	v17 =	vmul.bf16 v22, v23;
	_ =	sdelay $0x1  }
0x233: {  	v16 =	vadd.bf16 v17, v16;
	_ =	sdelay $0x1  }
0x234: {  	v17 =	vunpack.i.u.bf16.f32 v16;
	v16 =	vunpack.i.l.bf16.f32 v16  }
0x235: {  	v16 =	vadd.f32 v16, v17  }
0x236: {  	s24 =	simm.s32 $0x9E38  }
0x237: {  	[tilespmem:s24+$0xFFFFFFE8] =	vst v16  }
0x238: {  	v16 =	vld [tilespmem:s31+$0x8A70]  }
0x239: {  	v17 =	vld [tilespmem:s31+$0x7660]  }
0x23a: {  	v18 =	vld [tilespmem:s31+$0x7670]  }
0x23b: {  	v19 =	vld [tilespmem:s31+$0x8A60];
	_ =	sdelay $0x1  }
0x23c: {  	v20 =	vld [tilespmem:s31+$0x7680]  }
0x23d: {  	v63 =	vld [tilespmem:s31+$0x8A80]  }
0x23e: {  	v18 =	vmul.bf16 v16, v18;
	v16 =	vld [tilespmem:s31+$0x7690]  }
0x23f: {  	v19 =	vmul.bf16 v19, v17;
	v17 =	vld [tilespmem:s31+$0x8A90];
	_ =	sdelay $0x2  }
0x240: {  	s26 =	simm.s32 $0x200;
	s25 =	simm.s32 $0x9E38;
	v18 =	vadd.bf16 v18, v19;
	v19 =	vmul.bf16 v63, v20  }
.LBB2_17:
0x241: {  	p0 =	sne.s32 s26, $0xE00  }
0x242: {  	s24 =	sadd.s32 $0x30, s24;
	s28 =	smov.u32 s26;
	s26 =	sadd.s32 $0x200, s26;
	v18 =	vadd.bf16 v19, v18;
	v16 =	vmul.bf16 v17, v16  }
0x243: {  	_ = 	snop  }
0x244: {  	v16 =	vadd.bf16 v16, v18;
	_ =	sdelay $0x1  }
0x245: {  	v17 =	vunpack.i.u.bf16.f32 v16;
	v16 =	vunpack.i.l.bf16.f32 v16  }
0x246: {  	v16 =	vadd.f32 v16, v17  }
0x247: {  	s28 =	sshra.s32 s28, $0x2  }
0x248: {  	[tilespmem:s25+$0x0] =	vst v16;
	s25 =	smov.u32 s24  }
0x249: {  	v16 =	vld [tilespmem:s28+$0x8A30]  }
0x24a: {  	v17 =	vld [tilespmem:s28+$0x8A20]  }
0x24b: {  	v18 =	vld [tilespmem:s28+$0x7620]  }
0x24c: {  	v19 =	vld [tilespmem:s28+$0x7630]  }
0x24d: {  	v20 =	vld [tilespmem:s28+$0x7640]  }
0x24e: {  	v21 =	vld [tilespmem:s28+$0x8A40]  }
0x24f: {  	v22 =	vld [tilespmem:s28+$0x8A50]  }
0x250: {  	v23 =	vld [tilespmem:s28+$0x7650]  }
0x251: {  	v17 =	vmul.bf16 v17, v18;
	v16 =	vmul.bf16 v16, v19;
	_ =	sdelay $0x1  }
0x252: {  	v16 =	vadd.bf16 v16, v17;
	v17 =	vmul.bf16 v21, v20;
	_ =	sdelay $0x1  }
0x253: {  	v16 =	vadd.bf16 v17, v16;
	v17 =	vmul.bf16 v22, v23;
	_ =	sdelay $0x1  }
0x254: {  	v16 =	vadd.bf16 v17, v16;
	_ =	sdelay $0x1  }
0x255: {  	v17 =	vunpack.i.u.bf16.f32 v16;
	v16 =	vunpack.i.l.bf16.f32 v16  }
0x256: {  	v16 =	vadd.f32 v16, v17;
	_ =	sdelay $0x1  }
0x257: {  	[tilespmem:s24+$0xFFFFFFE8] =	vst v16  }
0x258: {  	v17 =	vld [tilespmem:s28+$0x8A70]  }
0x259: {  	v18 =	vld [tilespmem:s28+$0x7660]  }
0x25a: {  	v19 =	vld [tilespmem:s28+$0x7670]  }
0x25b: {  	v20 =	vld [tilespmem:s28+$0x8A60]  }
0x25c: {  	v21 =	vld [tilespmem:s28+$0x7680]  }
0x25d: {  	v22 =	vld [tilespmem:s28+$0x8A80]  }
.Ltmp12:
0x25e: {  	v16 =	vld [tilespmem:s28+$0x7690];
	(pc) =	sbr.rel @p0 .LBB2_17-.Ltmp12, $3  }
0x25f: {  	v19 =	vmul.bf16 v17, v19;
	v17 =	vld [tilespmem:s28+$0x8A90]  }
0x260: {  	v18 =	vmul.bf16 v20, v18;
	_ =	sdelay $0x1  }
0x261: {  	v18 =	vadd.bf16 v19, v18;
	v19 =	vmul.bf16 v22, v21  }
0x262: {  	_ = 	snop  }
0x263: {  	v18 =	vadd.bf16 v19, v18;
	v16 =	vmul.bf16 v17, v16;
	_ =	sdelay $0x1  }
0x264: {  	v16 =	vadd.bf16 v16, v18;
	_ =	sdelay $0x1  }
0x265: {  	v17 =	vunpack.i.u.bf16.f32 v16;
	v16 =	vunpack.i.l.bf16.f32 v16  }
0x266: {  	v16 =	vadd.f32 v16, v17;
	_ =	sdelay $0x1  }
0x267: {  	[tilespmem:s25+$0x0] =	vst v16;
	s25 =	simm.s32 $0x9E20  }
0x268: {  	v16 =	vld.idx.msk [tilespmem:v0+s25+$0x0], $0xffff;
	_ =	sdelay $0x1  }
0x269: {  	v17 =	vld.idx.msk [tilespmem:v1+s25+$0x0], $0xffff;
	_ =	sdelay $0x1  }
0x26a: {  	v18 =	vld.idx.msk [tilespmem:v2+s25+$0x0], $0xffff  }
0x26b: {  	v16 =	vadd.f32 $0.0e+00, v16  }
0x26c: {  	v19 =	vld.idx.msk [tilespmem:v3+s25+$0x0], $0xffff  }
0x26d: {  	v16 =	vadd.f32 v17, v16  }
0x26e: {  	v17 =	vld.idx.msk [tilespmem:v4+s25+$0x0], $0xffff  }
0x26f: {  	v16 =	vadd.f32 v18, v16  }
0x270: {  	v18 =	vld.idx.msk [tilespmem:v5+s25+$0x0], $0xffff  }
0x271: {  	v16 =	vadd.f32 v19, v16  }
0x272: {  	v19 =	vld.idx.msk [tilespmem:v6+s25+$0x0], $0xffff  }
0x273: {  	v16 =	vadd.f32 v17, v16  }
0x274: {  	v17 =	vld.idx.msk [tilespmem:v7+s25+$0x0], $0xffff  }
0x275: {  	v16 =	vadd.f32 v18, v16  }
0x276: {  	v18 =	vld.idx.msk [tilespmem:v8+s25+$0x0], $0xffff  }
0x277: {  	v16 =	vadd.f32 v19, v16  }
0x278: {  	v19 =	vld.idx.msk [tilespmem:v9+s25+$0x0], $0xffff  }
0x279: {  	v16 =	vadd.f32 v17, v16  }
0x27a: {  	v17 =	vld.idx.msk [tilespmem:v10+s25+$0x0], $0xffff  }
0x27b: {  	v16 =	vadd.f32 v18, v16  }
0x27c: {  	v18 =	vld.idx.msk [tilespmem:v11+s25+$0x0], $0xffff  }
0x27d: {  	v16 =	vadd.f32 v19, v16  }
0x27e: {  	v19 =	vld.idx.msk [tilespmem:v12+s25+$0x0], $0xffff  }
0x27f: {  	v16 =	vadd.f32 v17, v16  }
0x280: {  	v17 =	vld.idx.msk [tilespmem:v13+s25+$0x0], $0xffff  }
0x281: {  	v16 =	vadd.f32 v18, v16  }
0x282: {  	v18 =	vld.idx.msk [tilespmem:v14+s25+$0x0], $0xffff  }
0x283: {  	v16 =	vadd.f32 v19, v16  }
0x284: {  	v19 =	vld.idx.msk [tilespmem:v15+s25+$0x0], $0xffff  }
0x285: {  	v16 =	vadd.f32 v17, v16;
	_ =	sdelay $0x1  }
0x286: {  	v16 =	vadd.f32 v18, v16  }
0x287: {  	s23 =	smul.u32 $0x140, s23  }
0x288: {  	v16 =	vadd.f32 v19, v16  }
0x289: {  	s24 =	sshra.s32 s23, $0x2  }
0x28a: {  	s26 =	simm.s32 $0x0;
	[tilespmem:s24+$0x9FA0] =	vst v16  }
0x28b: {  	v16 =	vld [tilespmem:s26+$0x8E30]  }
0x28c: {  	v17 =	vld [tilespmem:s26+$0x8E20]  }
0x28d: {  	v18 =	vld [tilespmem:s26+$0x7A20]  }
0x28e: {  	v19 =	vld [tilespmem:s26+$0x7A30]  }
0x28f: {  	v20 =	vld [tilespmem:s26+$0x7A40]  }
0x290: {  	v21 =	vld [tilespmem:s26+$0x8E40]  }
0x291: {  	v22 =	vld [tilespmem:s26+$0x8E50]  }
0x292: {  	v23 =	vld [tilespmem:s26+$0x7A50]  }
0x293: {  	v17 =	vmul.bf16 v17, v18;
	v16 =	vmul.bf16 v16, v19;
	_ =	sdelay $0x1  }
0x294: {  	v16 =	vadd.bf16 v16, v17;
	v17 =	vmul.bf16 v21, v20;
	_ =	sdelay $0x1  }
0x295: {  	v16 =	vadd.bf16 v17, v16;
	v17 =	vmul.bf16 v22, v23;
	_ =	sdelay $0x1  }
0x296: {  	v16 =	vadd.bf16 v17, v16;
	_ =	sdelay $0x1  }
0x297: {  	v17 =	vunpack.i.u.bf16.f32 v16;
	v16 =	vunpack.i.l.bf16.f32 v16  }
0x298: {  	v16 =	vadd.f32 v16, v17;
	_ =	sdelay $0x1  }
0x299: {  	[tilespmem:s25+$0x0] =	vst v16  }
0x29a: {  	v16 =	vld [tilespmem:s26+$0x8E70]  }
0x29b: {  	v17 =	vld [tilespmem:s26+$0x7A60]  }
0x29c: {  	v18 =	vld [tilespmem:s26+$0x7A70]  }
0x29d: {  	v19 =	vld [tilespmem:s26+$0x8E60];
	_ =	sdelay $0x1  }
0x29e: {  	v20 =	vld [tilespmem:s26+$0x7A80]  }
0x29f: {  	v63 =	vld [tilespmem:s26+$0x8E80]  }
0x2a0: {  	v18 =	vmul.bf16 v16, v18;
	v16 =	vld [tilespmem:s26+$0x7A90]  }
0x2a1: {  	v19 =	vmul.bf16 v19, v17;
	v17 =	vld [tilespmem:s26+$0x8E90];
	_ =	sdelay $0x2  }
0x2a2: {  	s28 =	simm.s32 $0x200;
	s26 =	simm.s32 $0x9E20;
	v18 =	vadd.bf16 v18, v19;
	v19 =	vmul.bf16 v63, v20  }
.LBB2_19:
0x2a3: {  	p0 =	sne.s32 s28, $0xE00  }
0x2a4: {  	s25 =	sadd.s32 $0x30, s25;
	s29 =	smov.u32 s28;
	s28 =	sadd.s32 $0x200, s28;
	v18 =	vadd.bf16 v19, v18;
	v16 =	vmul.bf16 v17, v16  }
0x2a5: {  	_ = 	snop  }
0x2a6: {  	v16 =	vadd.bf16 v16, v18;
	_ =	sdelay $0x1  }
0x2a7: {  	v17 =	vunpack.i.u.bf16.f32 v16;
	v16 =	vunpack.i.l.bf16.f32 v16  }
0x2a8: {  	v16 =	vadd.f32 v16, v17  }
0x2a9: {  	s29 =	sshra.s32 s29, $0x2  }
0x2aa: {  	[tilespmem:s26+$0x18] =	vst v16;
	s26 =	smov.u32 s25  }
0x2ab: {  	v16 =	vld [tilespmem:s29+$0x8E30]  }
0x2ac: {  	v17 =	vld [tilespmem:s29+$0x8E20]  }
0x2ad: {  	v18 =	vld [tilespmem:s29+$0x7A20]  }
0x2ae: {  	v19 =	vld [tilespmem:s29+$0x7A30]  }
0x2af: {  	v20 =	vld [tilespmem:s29+$0x7A40]  }
0x2b0: {  	v21 =	vld [tilespmem:s29+$0x8E40]  }
0x2b1: {  	v22 =	vld [tilespmem:s29+$0x8E50]  }
0x2b2: {  	v23 =	vld [tilespmem:s29+$0x7A50]  }
0x2b3: {  	v17 =	vmul.bf16 v17, v18;
	v16 =	vmul.bf16 v16, v19;
	_ =	sdelay $0x1  }
0x2b4: {  	v16 =	vadd.bf16 v16, v17;
	v17 =	vmul.bf16 v21, v20;
	_ =	sdelay $0x1  }
0x2b5: {  	v16 =	vadd.bf16 v17, v16;
	v17 =	vmul.bf16 v22, v23;
	_ =	sdelay $0x1  }
0x2b6: {  	v16 =	vadd.bf16 v17, v16;
	_ =	sdelay $0x1  }
0x2b7: {  	v17 =	vunpack.i.u.bf16.f32 v16;
	v16 =	vunpack.i.l.bf16.f32 v16  }
0x2b8: {  	v16 =	vadd.f32 v16, v17;
	_ =	sdelay $0x1  }
0x2b9: {  	[tilespmem:s25+$0x0] =	vst v16  }
0x2ba: {  	v17 =	vld [tilespmem:s29+$0x8E70]  }
0x2bb: {  	v18 =	vld [tilespmem:s29+$0x7A60]  }
0x2bc: {  	v19 =	vld [tilespmem:s29+$0x7A70]  }
0x2bd: {  	v20 =	vld [tilespmem:s29+$0x8E60]  }
0x2be: {  	v21 =	vld [tilespmem:s29+$0x7A80]  }
0x2bf: {  	v22 =	vld [tilespmem:s29+$0x8E80]  }
.Ltmp13:
0x2c0: {  	v16 =	vld [tilespmem:s29+$0x7A90];
	(pc) =	sbr.rel @p0 .LBB2_19-.Ltmp13, $3  }
0x2c1: {  	v19 =	vmul.bf16 v17, v19;
	v17 =	vld [tilespmem:s29+$0x8E90]  }
0x2c2: {  	v18 =	vmul.bf16 v20, v18;
	_ =	sdelay $0x1  }
0x2c3: {  	v18 =	vadd.bf16 v19, v18;
	v19 =	vmul.bf16 v22, v21  }
0x2c4: {  	_ = 	snop  }
0x2c5: {  	v18 =	vadd.bf16 v19, v18;
	v16 =	vmul.bf16 v17, v16;
	_ =	sdelay $0x1  }
0x2c6: {  	v16 =	vadd.bf16 v16, v18;
	_ =	sdelay $0x1  }
0x2c7: {  	v17 =	vunpack.i.u.bf16.f32 v16;
	v16 =	vunpack.i.l.bf16.f32 v16  }
0x2c8: {  	v16 =	vadd.f32 v16, v17;
	_ =	sdelay $0x1  }
0x2c9: {  	s25 =	simm.s32 $0x9E20;
	[tilespmem:s26+$0x18] =	vst v16  }
0x2ca: {  	v16 =	vld.idx.msk [tilespmem:v0+s25+$0x0], $0xffff;
	_ =	sdelay $0x1  }
0x2cb: {  	v17 =	vld.idx.msk [tilespmem:v1+s25+$0x0], $0xffff;
	_ =	sdelay $0x1  }
0x2cc: {  	v18 =	vld.idx.msk [tilespmem:v2+s25+$0x0], $0xffff  }
0x2cd: {  	v16 =	vadd.f32 $0.0e+00, v16  }
0x2ce: {  	v19 =	vld.idx.msk [tilespmem:v3+s25+$0x0], $0xffff  }
0x2cf: {  	v16 =	vadd.f32 v17, v16  }
0x2d0: {  	v17 =	vld.idx.msk [tilespmem:v4+s25+$0x0], $0xffff  }
0x2d1: {  	v16 =	vadd.f32 v18, v16  }
0x2d2: {  	v18 =	vld.idx.msk [tilespmem:v5+s25+$0x0], $0xffff  }
0x2d3: {  	v16 =	vadd.f32 v19, v16  }
0x2d4: {  	v19 =	vld.idx.msk [tilespmem:v6+s25+$0x0], $0xffff  }
0x2d5: {  	v16 =	vadd.f32 v17, v16  }
0x2d6: {  	v17 =	vld.idx.msk [tilespmem:v7+s25+$0x0], $0xffff  }
0x2d7: {  	v16 =	vadd.f32 v18, v16  }
0x2d8: {  	v18 =	vld.idx.msk [tilespmem:v8+s25+$0x0], $0xffff  }
0x2d9: {  	v16 =	vadd.f32 v19, v16  }
0x2da: {  	v19 =	vld.idx.msk [tilespmem:v9+s25+$0x0], $0xffff  }
0x2db: {  	v16 =	vadd.f32 v17, v16  }
0x2dc: {  	v17 =	vld.idx.msk [tilespmem:v10+s25+$0x0], $0xffff  }
0x2dd: {  	v16 =	vadd.f32 v18, v16  }
0x2de: {  	v18 =	vld.idx.msk [tilespmem:v11+s25+$0x0], $0xffff  }
0x2df: {  	v16 =	vadd.f32 v19, v16  }
0x2e0: {  	v19 =	vld.idx.msk [tilespmem:v12+s25+$0x0], $0xffff  }
0x2e1: {  	v16 =	vadd.f32 v17, v16  }
0x2e2: {  	v17 =	vld.idx.msk [tilespmem:v13+s25+$0x0], $0xffff  }
0x2e3: {  	v16 =	vadd.f32 v18, v16  }
0x2e4: {  	v18 =	vld.idx.msk [tilespmem:v14+s25+$0x0], $0xffff  }
0x2e5: {  	v16 =	vadd.f32 v19, v16  }
0x2e6: {  	v19 =	vld.idx.msk [tilespmem:v15+s25+$0x0], $0xffff  }
0x2e7: {  	v16 =	vadd.f32 v17, v16;
	_ =	sdelay $0x1  }
0x2e8: {  	v16 =	vadd.f32 v18, v16;
	_ =	sdelay $0x1  }
0x2e9: {  	v16 =	vadd.f32 v19, v16;
	_ =	sdelay $0x1  }
0x2ea: {  	s31 =	simm.s32 $0x0;
	[tilespmem:s24+$0x9FB0] =	vst v16  }
0x2eb: {  	v16 =	vld [tilespmem:s31+$0x9230]  }
0x2ec: {  	v17 =	vld [tilespmem:s31+$0x9220]  }
0x2ed: {  	v18 =	vld [tilespmem:s31+$0x7E20]  }
0x2ee: {  	v19 =	vld [tilespmem:s31+$0x7E30]  }
0x2ef: {  	v20 =	vld [tilespmem:s31+$0x7E40]  }
0x2f0: {  	v21 =	vld [tilespmem:s31+$0x9240]  }
0x2f1: {  	v22 =	vld [tilespmem:s31+$0x9250]  }
0x2f2: {  	v23 =	vld [tilespmem:s31+$0x7E50]  }
0x2f3: {  	v17 =	vmul.bf16 v17, v18;
	v16 =	vmul.bf16 v16, v19;
	_ =	sdelay $0x1  }
0x2f4: {  	v16 =	vadd.bf16 v16, v17;
	v17 =	vmul.bf16 v21, v20;
	_ =	sdelay $0x1  }
0x2f5: {  	v16 =	vadd.bf16 v17, v16;
	v17 =	vmul.bf16 v22, v23;
	_ =	sdelay $0x1  }
0x2f6: {  	v16 =	vadd.bf16 v17, v16;
	_ =	sdelay $0x1  }
0x2f7: {  	v17 =	vunpack.i.u.bf16.f32 v16;
	v16 =	vunpack.i.l.bf16.f32 v16  }
0x2f8: {  	v16 =	vadd.f32 v16, v17;
	_ =	sdelay $0x1  }
0x2f9: {  	[tilespmem:s25+$0x0] =	vst v16  }
0x2fa: {  	v16 =	vld [tilespmem:s31+$0x9270]  }
0x2fb: {  	v17 =	vld [tilespmem:s31+$0x7E60]  }
0x2fc: {  	v18 =	vld [tilespmem:s31+$0x7E70]  }
0x2fd: {  	v19 =	vld [tilespmem:s31+$0x9260];
	_ =	sdelay $0x1  }
0x2fe: {  	v20 =	vld [tilespmem:s31+$0x7E80]  }
0x2ff: {  	v63 =	vld [tilespmem:s31+$0x9280]  }
0x300: {  	v18 =	vmul.bf16 v16, v18;
	v16 =	vld [tilespmem:s31+$0x7E90]  }
0x301: {  	v19 =	vmul.bf16 v19, v17;
	v17 =	vld [tilespmem:s31+$0x9290];
	_ =	sdelay $0x2  }
0x302: {  	s28 =	simm.s32 $0x200;
	s26 =	simm.s32 $0x9E20;
	v18 =	vadd.bf16 v18, v19;
	v19 =	vmul.bf16 v63, v20  }
.LBB2_21:
0x303: {  	p0 =	sne.s32 s28, $0xE00  }
0x304: {  	s25 =	sadd.s32 $0x30, s25;
	s29 =	smov.u32 s28;
	s28 =	sadd.s32 $0x200, s28;
	v18 =	vadd.bf16 v19, v18;
	v16 =	vmul.bf16 v17, v16  }
0x305: {  	_ = 	snop  }
0x306: {  	v16 =	vadd.bf16 v16, v18;
	_ =	sdelay $0x1  }
0x307: {  	v17 =	vunpack.i.u.bf16.f32 v16;
	v16 =	vunpack.i.l.bf16.f32 v16  }
0x308: {  	v16 =	vadd.f32 v16, v17  }
0x309: {  	s29 =	sshra.s32 s29, $0x2  }
0x30a: {  	[tilespmem:s26+$0x18] =	vst v16;
	s26 =	smov.u32 s25  }
0x30b: {  	v16 =	vld [tilespmem:s29+$0x9230]  }
0x30c: {  	v17 =	vld [tilespmem:s29+$0x9220]  }
0x30d: {  	v18 =	vld [tilespmem:s29+$0x7E20]  }
0x30e: {  	v19 =	vld [tilespmem:s29+$0x7E30]  }
0x30f: {  	v20 =	vld [tilespmem:s29+$0x7E40]  }
0x310: {  	v21 =	vld [tilespmem:s29+$0x9240]  }
0x311: {  	v22 =	vld [tilespmem:s29+$0x9250]  }
0x312: {  	v23 =	vld [tilespmem:s29+$0x7E50]  }
0x313: {  	v17 =	vmul.bf16 v17, v18;
	v16 =	vmul.bf16 v16, v19;
	_ =	sdelay $0x1  }
0x314: {  	v16 =	vadd.bf16 v16, v17;
	v17 =	vmul.bf16 v21, v20;
	_ =	sdelay $0x1  }
0x315: {  	v16 =	vadd.bf16 v17, v16;
	v17 =	vmul.bf16 v22, v23;
	_ =	sdelay $0x1  }
0x316: {  	v16 =	vadd.bf16 v17, v16;
	_ =	sdelay $0x1  }
0x317: {  	v17 =	vunpack.i.u.bf16.f32 v16;
	v16 =	vunpack.i.l.bf16.f32 v16  }
0x318: {  	v16 =	vadd.f32 v16, v17;
	_ =	sdelay $0x1  }
0x319: {  	[tilespmem:s25+$0x0] =	vst v16  }
0x31a: {  	v17 =	vld [tilespmem:s29+$0x9270]  }
0x31b: {  	v18 =	vld [tilespmem:s29+$0x7E60]  }
0x31c: {  	v19 =	vld [tilespmem:s29+$0x7E70]  }
0x31d: {  	v20 =	vld [tilespmem:s29+$0x9260]  }
0x31e: {  	v21 =	vld [tilespmem:s29+$0x7E80]  }
0x31f: {  	v22 =	vld [tilespmem:s29+$0x9280]  }
.Ltmp14:
0x320: {  	v16 =	vld [tilespmem:s29+$0x7E90];
	(pc) =	sbr.rel @p0 .LBB2_21-.Ltmp14, $3  }
0x321: {  	v19 =	vmul.bf16 v17, v19;
	v17 =	vld [tilespmem:s29+$0x9290]  }
0x322: {  	v18 =	vmul.bf16 v20, v18;
	_ =	sdelay $0x1  }
0x323: {  	v18 =	vadd.bf16 v19, v18;
	v19 =	vmul.bf16 v22, v21  }
0x324: {  	_ = 	snop  }
0x325: {  	v18 =	vadd.bf16 v19, v18;
	v16 =	vmul.bf16 v17, v16;
	_ =	sdelay $0x1  }
0x326: {  	v16 =	vadd.bf16 v16, v18;
	_ =	sdelay $0x1  }
0x327: {  	v17 =	vunpack.i.u.bf16.f32 v16;
	v16 =	vunpack.i.l.bf16.f32 v16  }
0x328: {  	v16 =	vadd.f32 v16, v17;
	_ =	sdelay $0x1  }
0x329: {  	s25 =	simm.s32 $0x9E20;
	[tilespmem:s26+$0x18] =	vst v16  }
0x32a: {  	v16 =	vld.idx.msk [tilespmem:v0+s25+$0x0], $0xffff;
	_ =	sdelay $0x1  }
0x32b: {  	v17 =	vld.idx.msk [tilespmem:v1+s25+$0x0], $0xffff;
	_ =	sdelay $0x1  }
0x32c: {  	v18 =	vld.idx.msk [tilespmem:v2+s25+$0x0], $0xffff  }
0x32d: {  	v16 =	vadd.f32 $0.0e+00, v16  }
0x32e: {  	v19 =	vld.idx.msk [tilespmem:v3+s25+$0x0], $0xffff  }
0x32f: {  	v16 =	vadd.f32 v17, v16  }
0x330: {  	v17 =	vld.idx.msk [tilespmem:v4+s25+$0x0], $0xffff  }
0x331: {  	v16 =	vadd.f32 v18, v16  }
0x332: {  	v18 =	vld.idx.msk [tilespmem:v5+s25+$0x0], $0xffff  }
0x333: {  	v16 =	vadd.f32 v19, v16  }
0x334: {  	v19 =	vld.idx.msk [tilespmem:v6+s25+$0x0], $0xffff  }
0x335: {  	v16 =	vadd.f32 v17, v16  }
0x336: {  	v17 =	vld.idx.msk [tilespmem:v7+s25+$0x0], $0xffff  }
0x337: {  	v16 =	vadd.f32 v18, v16  }
0x338: {  	v18 =	vld.idx.msk [tilespmem:v8+s25+$0x0], $0xffff  }
0x339: {  	v16 =	vadd.f32 v19, v16  }
0x33a: {  	v19 =	vld.idx.msk [tilespmem:v9+s25+$0x0], $0xffff  }
0x33b: {  	v16 =	vadd.f32 v17, v16  }
0x33c: {  	v17 =	vld.idx.msk [tilespmem:v10+s25+$0x0], $0xffff  }
0x33d: {  	v16 =	vadd.f32 v18, v16  }
0x33e: {  	v18 =	vld.idx.msk [tilespmem:v11+s25+$0x0], $0xffff  }
0x33f: {  	v16 =	vadd.f32 v19, v16  }
0x340: {  	v19 =	vld.idx.msk [tilespmem:v12+s25+$0x0], $0xffff  }
0x341: {  	v16 =	vadd.f32 v17, v16  }
0x342: {  	v17 =	vld.idx.msk [tilespmem:v13+s25+$0x0], $0xffff  }
0x343: {  	v16 =	vadd.f32 v18, v16  }
0x344: {  	v18 =	vld.idx.msk [tilespmem:v14+s25+$0x0], $0xffff  }
0x345: {  	v16 =	vadd.f32 v19, v16  }
0x346: {  	v19 =	vld.idx.msk [tilespmem:v15+s25+$0x0], $0xffff  }
0x347: {  	v16 =	vadd.f32 v17, v16;
	_ =	sdelay $0x1  }
0x348: {  	v16 =	vadd.f32 v18, v16;
	_ =	sdelay $0x1  }
0x349: {  	v16 =	vadd.f32 v19, v16;
	_ =	sdelay $0x1  }
0x34a: {  	s31 =	simm.s32 $0x0;
	[tilespmem:s24+$0x9FC0] =	vst v16  }
0x34b: {  	v16 =	vld [tilespmem:s31+$0x9630]  }
0x34c: {  	v17 =	vld [tilespmem:s31+$0x9620]  }
0x34d: {  	v18 =	vld [tilespmem:s31+$0x8220]  }
0x34e: {  	v19 =	vld [tilespmem:s31+$0x8230]  }
0x34f: {  	v20 =	vld [tilespmem:s31+$0x8240]  }
0x350: {  	v21 =	vld [tilespmem:s31+$0x9640]  }
0x351: {  	v22 =	vld [tilespmem:s31+$0x9650]  }
0x352: {  	v23 =	vld [tilespmem:s31+$0x8250]  }
0x353: {  	v17 =	vmul.bf16 v17, v18;
	v16 =	vmul.bf16 v16, v19;
	_ =	sdelay $0x1  }
0x354: {  	v16 =	vadd.bf16 v16, v17;
	v17 =	vmul.bf16 v21, v20;
	_ =	sdelay $0x1  }
0x355: {  	v16 =	vadd.bf16 v17, v16;
	v17 =	vmul.bf16 v22, v23;
	_ =	sdelay $0x1  }
0x356: {  	v16 =	vadd.bf16 v17, v16;
	_ =	sdelay $0x1  }
0x357: {  	v17 =	vunpack.i.u.bf16.f32 v16;
	v16 =	vunpack.i.l.bf16.f32 v16  }
0x358: {  	v16 =	vadd.f32 v16, v17;
	_ =	sdelay $0x1  }
0x359: {  	[tilespmem:s25+$0x0] =	vst v16  }
0x35a: {  	v16 =	vld [tilespmem:s31+$0x9670]  }
0x35b: {  	v17 =	vld [tilespmem:s31+$0x8260]  }
0x35c: {  	v18 =	vld [tilespmem:s31+$0x8270]  }
0x35d: {  	v19 =	vld [tilespmem:s31+$0x9660];
	_ =	sdelay $0x1  }
0x35e: {  	v20 =	vld [tilespmem:s31+$0x8280]  }
0x35f: {  	v63 =	vld [tilespmem:s31+$0x9680]  }
0x360: {  	v18 =	vmul.bf16 v16, v18;
	v16 =	vld [tilespmem:s31+$0x8290]  }
0x361: {  	v19 =	vmul.bf16 v19, v17;
	v17 =	vld [tilespmem:s31+$0x9690];
	_ =	sdelay $0x2  }
0x362: {  	s28 =	simm.s32 $0x200;
	s26 =	simm.s32 $0x9E20;
	v18 =	vadd.bf16 v18, v19;
	v19 =	vmul.bf16 v63, v20  }
.LBB2_23:
0x363: {  	p0 =	sne.s32 s28, $0xE00  }
0x364: {  	s25 =	sadd.s32 $0x30, s25;
	s29 =	smov.u32 s28;
	s28 =	sadd.s32 $0x200, s28;
	v18 =	vadd.bf16 v19, v18;
	v16 =	vmul.bf16 v17, v16  }
0x365: {  	_ = 	snop  }
0x366: {  	v16 =	vadd.bf16 v16, v18;
	_ =	sdelay $0x1  }
0x367: {  	v17 =	vunpack.i.u.bf16.f32 v16;
	v16 =	vunpack.i.l.bf16.f32 v16  }
0x368: {  	v16 =	vadd.f32 v16, v17  }
0x369: {  	s29 =	sshra.s32 s29, $0x2  }
0x36a: {  	[tilespmem:s26+$0x18] =	vst v16;
	s26 =	smov.u32 s25  }
0x36b: {  	v16 =	vld [tilespmem:s29+$0x9630]  }
0x36c: {  	v17 =	vld [tilespmem:s29+$0x9620]  }
0x36d: {  	v18 =	vld [tilespmem:s29+$0x8220]  }
0x36e: {  	v19 =	vld [tilespmem:s29+$0x8230]  }
0x36f: {  	v20 =	vld [tilespmem:s29+$0x8240]  }
0x370: {  	v21 =	vld [tilespmem:s29+$0x9640]  }
0x371: {  	v22 =	vld [tilespmem:s29+$0x9650]  }
0x372: {  	v23 =	vld [tilespmem:s29+$0x8250]  }
0x373: {  	v17 =	vmul.bf16 v17, v18;
	v16 =	vmul.bf16 v16, v19;
	_ =	sdelay $0x1  }
0x374: {  	v16 =	vadd.bf16 v16, v17;
	v17 =	vmul.bf16 v21, v20;
	_ =	sdelay $0x1  }
0x375: {  	v16 =	vadd.bf16 v17, v16;
	v17 =	vmul.bf16 v22, v23;
	_ =	sdelay $0x1  }
0x376: {  	v16 =	vadd.bf16 v17, v16;
	_ =	sdelay $0x1  }
0x377: {  	v17 =	vunpack.i.u.bf16.f32 v16;
	v16 =	vunpack.i.l.bf16.f32 v16  }
0x378: {  	v16 =	vadd.f32 v16, v17;
	_ =	sdelay $0x1  }
0x379: {  	[tilespmem:s25+$0x0] =	vst v16  }
0x37a: {  	v17 =	vld [tilespmem:s29+$0x9670]  }
0x37b: {  	v18 =	vld [tilespmem:s29+$0x8260]  }
0x37c: {  	v19 =	vld [tilespmem:s29+$0x8270]  }
0x37d: {  	v20 =	vld [tilespmem:s29+$0x9660]  }
0x37e: {  	v21 =	vld [tilespmem:s29+$0x8280]  }
0x37f: {  	v22 =	vld [tilespmem:s29+$0x9680]  }
.Ltmp15:
0x380: {  	v16 =	vld [tilespmem:s29+$0x8290];
	(pc) =	sbr.rel @p0 .LBB2_23-.Ltmp15, $3  }
0x381: {  	v19 =	vmul.bf16 v17, v19;
	v17 =	vld [tilespmem:s29+$0x9690]  }
0x382: {  	v18 =	vmul.bf16 v20, v18;
	_ =	sdelay $0x1  }
0x383: {  	v18 =	vadd.bf16 v19, v18;
	v19 =	vmul.bf16 v22, v21  }
0x384: {  	_ = 	snop  }
0x385: {  	v18 =	vadd.bf16 v19, v18;
	v16 =	vmul.bf16 v17, v16;
	_ =	sdelay $0x1  }
0x386: {  	v16 =	vadd.bf16 v16, v18;
	_ =	sdelay $0x1  }
0x387: {  	v17 =	vunpack.i.u.bf16.f32 v16;
	v16 =	vunpack.i.l.bf16.f32 v16  }
0x388: {  	v16 =	vadd.f32 v16, v17;
	_ =	sdelay $0x1  }
0x389: {  	s25 =	simm.s32 $0x9E20;
	[tilespmem:s26+$0x18] =	vst v16  }
0x38a: {  	v16 =	vld.idx.msk [tilespmem:v0+s25+$0x0], $0xffff;
	_ =	sdelay $0x1  }
0x38b: {  	v17 =	vld.idx.msk [tilespmem:v1+s25+$0x0], $0xffff;
	_ =	sdelay $0x1  }
0x38c: {  	v18 =	vld.idx.msk [tilespmem:v2+s25+$0x0], $0xffff  }
0x38d: {  	v16 =	vadd.f32 $0.0e+00, v16  }
0x38e: {  	v19 =	vld.idx.msk [tilespmem:v3+s25+$0x0], $0xffff  }
0x38f: {  	v16 =	vadd.f32 v17, v16  }
0x390: {  	v17 =	vld.idx.msk [tilespmem:v4+s25+$0x0], $0xffff  }
0x391: {  	v16 =	vadd.f32 v18, v16  }
0x392: {  	v18 =	vld.idx.msk [tilespmem:v5+s25+$0x0], $0xffff  }
0x393: {  	v16 =	vadd.f32 v19, v16  }
0x394: {  	v19 =	vld.idx.msk [tilespmem:v6+s25+$0x0], $0xffff  }
0x395: {  	v16 =	vadd.f32 v17, v16  }
0x396: {  	v17 =	vld.idx.msk [tilespmem:v7+s25+$0x0], $0xffff  }
0x397: {  	v16 =	vadd.f32 v18, v16  }
0x398: {  	v18 =	vld.idx.msk [tilespmem:v8+s25+$0x0], $0xffff  }
0x399: {  	v16 =	vadd.f32 v19, v16  }
0x39a: {  	v19 =	vld.idx.msk [tilespmem:v9+s25+$0x0], $0xffff  }
0x39b: {  	v16 =	vadd.f32 v17, v16  }
0x39c: {  	v17 =	vld.idx.msk [tilespmem:v10+s25+$0x0], $0xffff  }
0x39d: {  	v16 =	vadd.f32 v18, v16  }
0x39e: {  	v18 =	vld.idx.msk [tilespmem:v11+s25+$0x0], $0xffff  }
0x39f: {  	v16 =	vadd.f32 v19, v16  }
0x3a0: {  	v19 =	vld.idx.msk [tilespmem:v12+s25+$0x0], $0xffff  }
0x3a1: {  	v16 =	vadd.f32 v17, v16  }
0x3a2: {  	v17 =	vld.idx.msk [tilespmem:v13+s25+$0x0], $0xffff  }
0x3a3: {  	v16 =	vadd.f32 v18, v16  }
0x3a4: {  	v18 =	vld.idx.msk [tilespmem:v14+s25+$0x0], $0xffff  }
0x3a5: {  	v16 =	vadd.f32 v19, v16  }
0x3a6: {  	v19 =	vld.idx.msk [tilespmem:v15+s25+$0x0], $0xffff  }
0x3a7: {  	v16 =	vadd.f32 v17, v16;
	_ =	sdelay $0x1  }
0x3a8: {  	v16 =	vadd.f32 v18, v16;
	_ =	sdelay $0x1  }
0x3a9: {  	v16 =	vadd.f32 v19, v16;
	_ =	sdelay $0x1  }
0x3aa: {  	s31 =	simm.s32 $0x0;
	[tilespmem:s24+$0x9FD0] =	vst v16  }
0x3ab: {  	v16 =	vld [tilespmem:s31+$0x9A30]  }
0x3ac: {  	v17 =	vld [tilespmem:s31+$0x9A20]  }
0x3ad: {  	v18 =	vld [tilespmem:s31+$0x8620]  }
0x3ae: {  	v19 =	vld [tilespmem:s31+$0x8630]  }
0x3af: {  	v20 =	vld [tilespmem:s31+$0x8640]  }
0x3b0: {  	v21 =	vld [tilespmem:s31+$0x9A40]  }
0x3b1: {  	v22 =	vld [tilespmem:s31+$0x9A50]  }
0x3b2: {  	v23 =	vld [tilespmem:s31+$0x8650]  }
0x3b3: {  	v17 =	vmul.bf16 v17, v18;
	v16 =	vmul.bf16 v16, v19;
	_ =	sdelay $0x1  }
0x3b4: {  	v16 =	vadd.bf16 v16, v17;
	v17 =	vmul.bf16 v21, v20;
	_ =	sdelay $0x1  }
0x3b5: {  	v16 =	vadd.bf16 v17, v16;
	v17 =	vmul.bf16 v22, v23;
	_ =	sdelay $0x1  }
0x3b6: {  	v16 =	vadd.bf16 v17, v16;
	_ =	sdelay $0x1  }
0x3b7: {  	v17 =	vunpack.i.u.bf16.f32 v16;
	v16 =	vunpack.i.l.bf16.f32 v16  }
0x3b8: {  	v16 =	vadd.f32 v16, v17;
	_ =	sdelay $0x1  }
0x3b9: {  	[tilespmem:s25+$0x0] =	vst v16  }
0x3ba: {  	v16 =	vld [tilespmem:s31+$0x9A70]  }
0x3bb: {  	v17 =	vld [tilespmem:s31+$0x8660]  }
0x3bc: {  	v18 =	vld [tilespmem:s31+$0x8670]  }
0x3bd: {  	v19 =	vld [tilespmem:s31+$0x9A60];
	_ =	sdelay $0x1  }
0x3be: {  	v20 =	vld [tilespmem:s31+$0x8680]  }
0x3bf: {  	v63 =	vld [tilespmem:s31+$0x9A80]  }
0x3c0: {  	v18 =	vmul.bf16 v16, v18;
	v16 =	vld [tilespmem:s31+$0x8690]  }
0x3c1: {  	v19 =	vmul.bf16 v19, v17;
	v17 =	vld [tilespmem:s31+$0x9A90];
	_ =	sdelay $0x2  }
0x3c2: {  	s26 =	simm.s32 $0x200;
	s24 =	simm.s32 $0x9E20;
	v18 =	vadd.bf16 v18, v19;
	v19 =	vmul.bf16 v63, v20  }
.LBB2_25:
0x3c3: {  	p0 =	sne.s32 s26, $0xE00  }
0x3c4: {  	v18 =	vadd.bf16 v19, v18;
	v16 =	vmul.bf16 v17, v16;
	s25 =	sadd.s32 $0x30, s25;
	s28 =	smov.u32 s26;
	s26 =	sadd.s32 $0x200, s26  }
0x3c5: {  	_ = 	snop  }
0x3c6: {  	v16 =	vadd.bf16 v16, v18;
	_ =	sdelay $0x1  }
0x3c7: {  	v17 =	vunpack.i.u.bf16.f32 v16;
	v16 =	vunpack.i.l.bf16.f32 v16  }
0x3c8: {  	v16 =	vadd.f32 v16, v17  }
0x3c9: {  	s28 =	sshra.s32 s28, $0x2  }
0x3ca: {  	[tilespmem:s24+$0x18] =	vst v16;
	s24 =	smov.u32 s25  }
0x3cb: {  	v16 =	vld [tilespmem:s28+$0x9A30]  }
0x3cc: {  	v17 =	vld [tilespmem:s28+$0x9A20]  }
0x3cd: {  	v18 =	vld [tilespmem:s28+$0x8620]  }
0x3ce: {  	v19 =	vld [tilespmem:s28+$0x8630]  }
0x3cf: {  	v20 =	vld [tilespmem:s28+$0x8640]  }
0x3d0: {  	v21 =	vld [tilespmem:s28+$0x9A40]  }
0x3d1: {  	v22 =	vld [tilespmem:s28+$0x9A50]  }
0x3d2: {  	v23 =	vld [tilespmem:s28+$0x8650]  }
0x3d3: {  	v17 =	vmul.bf16 v17, v18;
	v16 =	vmul.bf16 v16, v19;
	_ =	sdelay $0x1  }
0x3d4: {  	v16 =	vadd.bf16 v16, v17;
	v17 =	vmul.bf16 v21, v20;
	_ =	sdelay $0x1  }
0x3d5: {  	v16 =	vadd.bf16 v17, v16;
	v17 =	vmul.bf16 v22, v23;
	_ =	sdelay $0x1  }
0x3d6: {  	v16 =	vadd.bf16 v17, v16;
	_ =	sdelay $0x1  }
0x3d7: {  	v17 =	vunpack.i.u.bf16.f32 v16;
	v16 =	vunpack.i.l.bf16.f32 v16  }
0x3d8: {  	v16 =	vadd.f32 v16, v17;
	_ =	sdelay $0x1  }
0x3d9: {  	[tilespmem:s25+$0x0] =	vst v16  }
0x3da: {  	v17 =	vld [tilespmem:s28+$0x9A70]  }
0x3db: {  	v18 =	vld [tilespmem:s28+$0x8660]  }
0x3dc: {  	v19 =	vld [tilespmem:s28+$0x8670]  }
0x3dd: {  	v20 =	vld [tilespmem:s28+$0x9A60]  }
0x3de: {  	v21 =	vld [tilespmem:s28+$0x8680]  }
0x3df: {  	v22 =	vld [tilespmem:s28+$0x9A80]  }
.Ltmp16:
0x3e0: {  	v16 =	vld [tilespmem:s28+$0x8690];
	(pc) =	sbr.rel @p0 .LBB2_25-.Ltmp16, $3  }
0x3e1: {  	v19 =	vmul.bf16 v17, v19;
	v17 =	vld [tilespmem:s28+$0x9A90]  }
0x3e2: {  	v18 =	vmul.bf16 v20, v18;
	_ =	sdelay $0x1  }
0x3e3: {  	v18 =	vadd.bf16 v19, v18;
	v19 =	vmul.bf16 v22, v21  }
.Ltmp17:
0x3e4: {  	_ = 	snop;
	(pc) =	sbr.rel .LBB2_26-.Ltmp17, $1  }
0x3e5: {  	_ =	sdelay $0x3  }
.LBB2_29:
0x3e6: {  	_ =	sfence.sel $0x180000  }
0x3e7: {  	[bflag:$0x0] =	sbarrier.arrive $0xFFFF  }
0x3e8: {  	p0 =	sne.s32 s0, $0x0;
	_ =	strace $0x9000004A  }
0x3e9: {  	s0 =	sadd.s32 @!p0 $0x100000, s1;
	[bflag:$0x2] =	sbarrier.arrive $0xFFFF  }
0x3ea: {  	[sflag:s0] =	ssyncadd.tile.s32 @!p0 $0x1;
	_ =	shalt  }
.Lfunc_end2:
_tile_overlayer_lowered:
.L_overlay_start_2:
0x3eb: {  	(tag) =	ssettag $0x2  }
0x3ec: {  	s0 =	rddreg [dreg:$0x0];
	s2 =	stileid.u32  }
0x3ed: {  	s1 =	rddreg [dreg:$0x1];
	p0 =	sne.s32 s2, $0x0  }
0x3ee: {  	s3 =	rddreg [dreg:$0x2];
	[bflag:$0x3] =	sbarrier.arrive $0xFFFF;
	s2 =	simm.s32 @!p0 $0x1C05  }
0x3ef: {  	[timem:s3], [sflag:s2] =	dma.local @!p0 [hbm:s0], s1  }
0x3f0: {  	s0 =	simm.s32 @!p0 $0x5  }
0x3f1: {  	_ =	swait.ge @!p0 [sflag:s0], s1  }
0x3f2: {  	s1 =	ssub.s32 @!p0 $0x0, s1;
	[sflag:s0] =	ssyncset.done @!p0 $0x0  }
0x3f3: {  	[sflag:s0] =	ssyncadd.s32 @!p0 s1  }
0x3f4: {  	[bflag:$0x3] =	sbarrier.arrive $0xFFFF  }
0x3f5: {  	_ =	shalt  }

</sc_bundles>
